<compile_context>
chip_gen: v7x
topology: tpu7x:2x2x1
jax: 0.10.2.dev20260603
libtpu: 0.0.44.dev20260713+nightly
codegen_flags: <defaults>
</compile_context>

<pallas_src>
import functools

import jax
import jax.numpy as jnp
from jax import lax
from jax.experimental import pallas as pl
from jax.experimental.pallas import tpu as pltpu
from jax.experimental.pallas import tpu_sc as plsc

S_MIN = 0.5
S_MAX = 2.0
K = 16
KRAW = 32
EPS = 1e-6
EPS2 = 1e-12

NC = 2
NS = 16
NW = NC * NS
L = 16

_MAGIC = 0x5F3759DF
_BIG = 3.0e38

_C = 14
_CR = _C * L
_CB = _C * L * K
_CB2 = _C * L * KRAW


def _sqrt16(x):
    i = plsc.bitcast(x, jnp.int32)
    i = _MAGIC - jnp.right_shift(i, 1)
    y = plsc.bitcast(i, jnp.float32)
    hx = 0.5 * x
    y = y * (1.5 - hx * y * y)
    y = y * (1.5 - hx * y * y)
    return x * y


def _phase_a_body(n, wpr, ngroups,
                  px_hbm, py_hbm, pz_hbm, nb_hbm,
                  means_hbm, part_hbm,
                  xtab_sh, ytab_sh, ztab_sh,
                  own_x, own_y, own_z, means_v, part_v,
                  raw0, raw1, idx0, idx1,
                  gx0, gx1, gy0, gy1, gz0, gz1, sem0, sem1):
    wid = lax.axis_index("s") * NC + lax.axis_index("c")
    base = jnp.minimum(wid * wpr, n - wpr)
    nc = ngroups // _C

    raws = (raw0, raw1)
    idxs = (idx0, idx1)
    gxs = (gx0, gx1)
    gys = (gy0, gy1)
    gzs = (gz0, gz1)
    sems = (sem0, sem1)

    pltpu.sync_copy(px_hbm.at[pl.ds(base, wpr)], own_x)
    pltpu.sync_copy(py_hbm.at[pl.ds(base, wpr)], own_y)
    pltpu.sync_copy(pz_hbm.at[pl.ds(base, wpr)], own_z)

    @pl.when(lax.axis_index("s") == 0)
    def _():
        pltpu.sync_copy(px_hbm, xtab_sh)
        pltpu.sync_copy(py_hbm, ytab_sh)
        pltpu.sync_copy(pz_hbm, ztab_sh)

    plsc.subcore_barrier()

    zero = jnp.zeros((L,), jnp.float32)
    lane = lax.iota(jnp.int32, L)

    def fire(ci, b):
        pltpu.sync_copy(nb_hbm.at[pl.ds(base + ci * _CR, _CR), :], raws[b])

        def cbody(g, carry):
            rows = lane + g * L
            for j in range(K):
                iv = plsc.load_gather(raws[b], [rows, jnp.full((L,), j, jnp.int32)])
                idxs[b][pl.ds(g * (L * K) + j * L, L)] = iv
            return carry

        lax.fori_loop(0, _C, cbody, 0)
        pltpu.async_copy(xtab_sh.at[idxs[b]], gxs[b], sems[b])
        pltpu.async_copy(ytab_sh.at[idxs[b]], gys[b], sems[b])
        pltpu.async_copy(ztab_sh.at[idxs[b]], gzs[b], sems[b])

    fire(0, 0)
    fire(1, 1)

    def pair_body(i, carry):
        for b in range(2):
            ci = 2 * i + b
            pltpu.make_async_copy(px_hbm.at[pl.ds(0, _CB)], gxs[b], sems[b]).wait()
            pltpu.make_async_copy(py_hbm.at[pl.ds(0, _CB)], gys[b], sems[b]).wait()
            pltpu.make_async_copy(pz_hbm.at[pl.ds(0, _CB)], gzs[b], sems[b]).wait()

            def gbody(g, car):
                asum, acnt, amin, amax = car
                rb = (ci * _C + g) * L
                o = g * (L * K)
                px = own_x[pl.ds(rb, L)]
                py = own_y[pl.ds(rb, L)]
                pz = own_z[pl.ds(rb, L)]
                dsum = zero
                dcnt = zero
                for j in range(K):
                    dx = gxs[b][pl.ds(o + j * L, L)] - px
                    dy = gys[b][pl.ds(o + j * L, L)] - py
                    dz = gzs[b][pl.ds(o + j * L, L)] - pz
                    d2 = dx * dx + dy * dy + dz * dz
                    dist = _sqrt16(d2)
                    m = d2 > EPS2
                    dsum = dsum + jnp.where(m, dist, 0.0)
                    dcnt = dcnt + jnp.where(m, 1.0, 0.0)
                mean = dsum / jnp.maximum(dcnt, 1.0)
                means_v[pl.ds(rb, L)] = mean
                valid = base + rb >= wid * wpr
                has = jnp.logical_and(dcnt > 0.0, valid)
                asum = asum + jnp.where(has, mean, 0.0)
                acnt = acnt + jnp.where(has, 1.0, 0.0)
                amin = jnp.minimum(amin, jnp.where(has, mean, _BIG))
                amax = jnp.maximum(amax, jnp.where(has, mean, -_BIG))
                return asum, acnt, amin, amax

            carry = lax.fori_loop(0, _C, gbody, carry)
            nci = ci + 2

            @pl.when(nci < nc)
            def _():
                fire(nci, b)
        return carry

    init = (zero, zero, jnp.full((L,), _BIG, jnp.float32),
            jnp.full((L,), -_BIG, jnp.float32))
    asum, acnt, amin, amax = lax.fori_loop(0, nc // 2, pair_body, init)

    part_v[pl.ds(0, L)] = asum
    part_v[pl.ds(L, L)] = acnt
    part_v[pl.ds(2 * L, L)] = amin
    part_v[pl.ds(3 * L, L)] = amax
    pltpu.sync_copy(part_v, part_hbm.at[pl.ds(wid * 4 * L, 4 * L)])
    pltpu.sync_copy(means_v, means_hbm.at[pl.ds(base, wpr)])


def _phase_b_body(n, wpr, ngroups,
                  means_hbm, part_hbm, out_hbm,
                  means_v, out_v, part_v):
    wid = lax.axis_index("s") * NC + lax.axis_index("c")
    base = jnp.minimum(wid * wpr, n - wpr)

    pltpu.sync_copy(part_hbm, part_v)

    s = jnp.zeros((L,), jnp.float32)
    cnt = jnp.zeros((L,), jnp.float32)
    mn = jnp.full((L,), _BIG, jnp.float32)
    mx = jnp.full((L,), -_BIG, jnp.float32)
    for w in range(NW):
        o = w * 4 * L
        s = s + part_v[pl.ds(o, L)]
        cnt = cnt + part_v[pl.ds(o + L, L)]
        mn = jnp.minimum(mn, part_v[pl.ds(o + 2 * L, L)])
        mx = jnp.maximum(mx, part_v[pl.ds(o + 3 * L, L)])
    ssum = jnp.full((L,), jnp.sum(s), jnp.float32)
    nhas = jnp.full((L,), jnp.sum(cnt), jnp.float32)
    mmin = jnp.full((L,), jnp.min(mn), jnp.float32)
    mmax = jnp.full((L,), jnp.max(mx), jnp.float32)
    hasany = nhas > 0.0
    fb = jnp.where(hasany, ssum / jnp.maximum(nhas, 1.0), 1.0)
    mmin = jnp.where(hasany, mmin, 1.0)
    mmax = jnp.where(hasany, mmax, 1.0)
    rho_min = 1.0 / (mmax + EPS)
    rho_max = 1.0 / (mmin + EPS)
    inv_den = 1.0 / (rho_max - rho_min + EPS)

    pltpu.sync_copy(means_hbm.at[pl.ds(base, wpr)], means_v)

    def gbody(g, carry):
        rb = g * L
        mean = means_v[pl.ds(rb, L)]
        meanp = jnp.where(mean > 0.0, mean, fb)
        rho = 1.0 / (meanp + EPS)
        rn = (rho - rho_min) * inv_den
        sc = S_MIN + (S_MAX - S_MIN) * (1.0 - rn)
        sc = jnp.maximum(jnp.minimum(sc, S_MAX), S_MIN)
        out_v[pl.ds(rb, L)] = sc
        return carry

    lax.fori_loop(0, ngroups, gbody, 0)

    pltpu.sync_copy(out_v, out_hbm.at[pl.ds(base, wpr)])


@jax.jit
def kernel(points, neighbors):
    n = points.shape[0]
    wpr = -(-n // (NW * L)) * L
    ngroups = wpr // L

    p32 = points.astype(jnp.float32)
    px_h = p32[:, 0]
    py_h = p32[:, 1]
    pz_h = p32[:, 2]
    nbf = neighbors.astype(jnp.int32)

    mesh = plsc.VectorSubcoreMesh(core_axis_name="c", subcore_axis_name="s")

    phase_a = pl.kernel(
        functools.partial(_phase_a_body, n, wpr, ngroups),
        out_type=(
            jax.ShapeDtypeStruct((n,), jnp.float32),
            jax.ShapeDtypeStruct((NW * 4 * L,), jnp.float32),
        ),
        mesh=mesh,
        scratch_types=[
            pltpu.VMEM_SHARED((n,), jnp.float32),
            pltpu.VMEM_SHARED((n,), jnp.float32),
            pltpu.VMEM_SHARED((n,), jnp.float32),
            pltpu.VMEM((wpr,), jnp.float32),
            pltpu.VMEM((wpr,), jnp.float32),
            pltpu.VMEM((wpr,), jnp.float32),
            pltpu.VMEM((wpr,), jnp.float32),
            pltpu.VMEM((4 * L,), jnp.float32),
            pltpu.VMEM((_CR, KRAW), jnp.int32),
            pltpu.VMEM((_CR, KRAW), jnp.int32),
            pltpu.VMEM((_CB,), jnp.int32),
            pltpu.VMEM((_CB,), jnp.int32),
            pltpu.VMEM((_CB,), jnp.float32),
            pltpu.VMEM((_CB,), jnp.float32),
            pltpu.VMEM((_CB,), jnp.float32),
            pltpu.VMEM((_CB,), jnp.float32),
            pltpu.VMEM((_CB,), jnp.float32),
            pltpu.VMEM((_CB,), jnp.float32),
            pltpu.SemaphoreType.DMA,
            pltpu.SemaphoreType.DMA,
        ],
        compiler_params=pltpu.CompilerParams(needs_layout_passes=False),
    )
    means, part = phase_a(px_h, py_h, pz_h, nbf)

    phase_b = pl.kernel(
        functools.partial(_phase_b_body, n, wpr, ngroups),
        out_type=jax.ShapeDtypeStruct((n,), jnp.float32),
        mesh=mesh,
        scratch_types=[
            pltpu.VMEM((wpr,), jnp.float32),
            pltpu.VMEM((wpr,), jnp.float32),
            pltpu.VMEM((NW * 4 * L,), jnp.float32),
        ],
        compiler_params=pltpu.CompilerParams(needs_layout_passes=False),
    )
    out = phase_b(means, part)
    return out.reshape(n, 1)

# --- scband reference (transcript-rebuilt; emitter-appended) ---
"""Pipeline reference for scband-density-adaptive-scale-16157666968114 (READ-ONLY COPY).

The authoritative reference and input builder live on the scoring server;
editing this copy changes nothing except your own understanding.
"""

import jax, jax.numpy as jnp
import numpy as np

S_MIN = 0.5
S_MAX = 2.0
DENSITY_K = 16
EPS = 1e-06


def setup_inputs(seed: int = 0) -> dict:
    key = jax.random.key(seed)
    k1, k2 = jax.random.split(key)
    points = jax.random.normal(k1, (100000, 3), dtype=jnp.float32)
    # int32 indices in jax (int64 requires x64 mode); values are in-range for N=100000
    neighbors = jax.random.randint(k2, (100000, 32), 0, 100000, dtype=jnp.int32)
    return {"points": points, "neighbors": neighbors}


def reference(points, neighbors):
    # truncate neighbor candidates to density_k
    neighbors = neighbors[:, :DENSITY_K]
    num_points = points.shape[0]
    # sanitize neighbors
    valid = ((neighbors >= 0) & (neighbors < num_points)).astype(jnp.float32)
    safe_neighbors = jnp.clip(neighbors, 0, max(num_points - 1, 0))
    # gather neighbor coordinates: [N, K, 3]
    neigh_points = points[safe_neighbors]
    dist = jnp.linalg.norm(neigh_points - points[:, None, :], axis=-1)  # [N, K]
    self_mask = dist <= EPS
    valid = valid * (1.0 - self_mask.astype(jnp.float32))
    valid_count = jnp.sum(valid, axis=1, keepdims=True)  # [N, 1]
    mean_dist = jnp.sum(dist * valid, axis=1, keepdims=True) / jnp.clip(valid_count, 1.0, None)
    # fallback for rows with no valid neighbors
    no_neighbor = valid_count <= 0.0
    has = (~no_neighbor).astype(jnp.float32)
    n_has = jnp.sum(has)
    fallback_dist = jnp.where(n_has > 0.0, jnp.sum(mean_dist * has) / jnp.maximum(n_has, 1.0), jnp.float32(1.0))
    mean_dist = jnp.where(no_neighbor, fallback_dist, mean_dist)
    rho = 1.0 / (mean_dist + EPS)
    # global normalization (lengths is None)
    rho_min = jnp.min(rho)
    rho_max = jnp.max(rho)
    rho_norm = (rho - rho_min) / (rho_max - rho_min + EPS)
    scale = S_MIN + (S_MAX - S_MIN) * (1.0 - rho_norm)
    return jnp.clip(scale, S_MIN, S_MAX)

if __name__ == "__main__":
    import jax
    _d = setup_inputs()
    print(jax.jit(kernel)(*tuple(_d.values())))

</pallas_src>

<mosaic_0001>
#map = affine_map<(d0, d1) -> (0)>
#map1 = affine_map<(d0, d1) -> (0, 0)>
module attributes {stable_mosaic.version = 14 : i64} {
  func.func @_phase_a_body(%arg0: i32, %arg1: i32, %arg2: memref<100000xf32, #tpu.memory_space<hbm>>, %arg3: memref<100000xf32, #tpu.memory_space<hbm>>, %arg4: memref<100000xf32, #tpu.memory_space<hbm>>, %arg5: memref<100000x32xi32, #tpu.memory_space<hbm>>, %arg6: memref<100000xf32, #tpu.memory_space<hbm>>, %arg7: memref<2048xf32, #tpu.memory_space<hbm>>, %arg8: memref<100000xf32, #tpu.memory_space<vmem_shared>>, %arg9: memref<100000xf32, #tpu.memory_space<vmem_shared>>, %arg10: memref<100000xf32, #tpu.memory_space<vmem_shared>>, %arg11: memref<3136xf32, #tpu.memory_space<vmem>>, %arg12: memref<3136xf32, #tpu.memory_space<vmem>>, %arg13: memref<3136xf32, #tpu.memory_space<vmem>>, %arg14: memref<3136xf32, #tpu.memory_space<vmem>>, %arg15: memref<64xf32, #tpu.memory_space<vmem>>, %arg16: memref<224x32xi32, #tpu.memory_space<vmem>>, %arg17: memref<224x32xi32, #tpu.memory_space<vmem>>, %arg18: memref<3584xi32, #tpu.memory_space<vmem>>, %arg19: memref<3584xi32, #tpu.memory_space<vmem>>, %arg20: memref<3584xf32, #tpu.memory_space<vmem>>, %arg21: memref<3584xf32, #tpu.memory_space<vmem>>, %arg22: memref<3584xf32, #tpu.memory_space<vmem>>, %arg23: memref<3584xf32, #tpu.memory_space<vmem>>, %arg24: memref<3584xf32, #tpu.memory_space<vmem>>, %arg25: memref<3584xf32, #tpu.memory_space<vmem>>, %arg26: memref<!tpu.dma_semaphore, #tpu.memory_space<semaphore_mem>>, %arg27: memref<!tpu.dma_semaphore, #tpu.memory_space<semaphore_mem>>) attributes {dimension_semantics = [#tpu.dimension_semantics<core_parallel>, #tpu.dimension_semantics<subcore_parallel>], iteration_bounds = array<i64: 2, 16>, scalar_prefetch = 0 : i64, scratch_operands = 20 : i64, tpu.core_type = #tpu.core_type<sc_vector_subcore>, window_params = [{transform_indices = #map}, {transform_indices = #map}, {transform_indices = #map}, {transform_indices = #map1}, {transform_indices = #map}, {transform_indices = #map}]} {
    %mul3A = arith.constant 2 : i32
    %mul3A_0 = arith.muli %arg1, %mul3A : i32
    %add3A = arith.addi %mul3A_0, %arg0 : i32
    %mul3A_1 = arith.constant 3136 : i32
    %mul3A_2 = arith.muli %add3A, %mul3A_1 : i32
    %min3A = arith.constant 96864 : i32
    %min3A_3 = arith.minsi %mul3A_2, %min3A : i32
    "tpu.region"() ({
      %run_scoped3A = tpu.sem_alloc : memref<!tpu.dma_semaphore, #tpu.memory_space<semaphore_mem>>
      %dma_start3A_54 = tpu.memref_slice %arg2[%min3A_3] : memref<100000xf32, #tpu.memory_space<hbm>> -> memref<3136xf32, #tpu.memory_space<hbm>>
      %dma_start3A_55 = tpu.memref_slice %arg2[%min3A_3] : memref<100000xf32, #tpu.memory_space<hbm>> -> memref<3136xf32, #tpu.memory_space<hbm>>
      tpu.enqueue_dma source(%dma_start3A_55 : memref<3136xf32, #tpu.memory_space<hbm>>) target(%arg11 : memref<3136xf32, #tpu.memory_space<vmem>>) target_semaphore(%run_scoped3A : memref<!tpu.dma_semaphore, #tpu.memory_space<semaphore_mem>>)
      %dma_wait3A = tpu.memref_slice %arg2[%min3A_3] : memref<100000xf32, #tpu.memory_space<hbm>> -> memref<3136xf32, #tpu.memory_space<hbm>>
      %dma_wait3A_56 = tpu.memref_slice %arg2[%min3A_3] : memref<100000xf32, #tpu.memory_space<hbm>> -> memref<3136xf32, #tpu.memory_space<hbm>>
      tpu.wait_dma2 semaphore(%run_scoped3A : memref<!tpu.dma_semaphore, #tpu.memory_space<semaphore_mem>>) src(%dma_wait3A_56 : memref<3136xf32, #tpu.memory_space<hbm>>) dst(%arg11 : memref<3136xf32, #tpu.memory_space<vmem>>)
      tpu.yield
    }) : () -> ()
    "tpu.region"() ({
      %run_scoped3A = tpu.sem_alloc : memref<!tpu.dma_semaphore, #tpu.memory_space<semaphore_mem>>
      %dma_start3A_54 = tpu.memref_slice %arg3[%min3A_3] : memref<100000xf32, #tpu.memory_space<hbm>> -> memref<3136xf32, #tpu.memory_space<hbm>>
      %dma_start3A_55 = tpu.memref_slice %arg3[%min3A_3] : memref<100000xf32, #tpu.memory_space<hbm>> -> memref<3136xf32, #tpu.memory_space<hbm>>
      tpu.enqueue_dma source(%dma_start3A_55 : memref<3136xf32, #tpu.memory_space<hbm>>) target(%arg12 : memref<3136xf32, #tpu.memory_space<vmem>>) target_semaphore(%run_scoped3A : memref<!tpu.dma_semaphore, #tpu.memory_space<semaphore_mem>>)
      %dma_wait3A = tpu.memref_slice %arg3[%min3A_3] : memref<100000xf32, #tpu.memory_space<hbm>> -> memref<3136xf32, #tpu.memory_space<hbm>>
      %dma_wait3A_56 = tpu.memref_slice %arg3[%min3A_3] : memref<100000xf32, #tpu.memory_space<hbm>> -> memref<3136xf32, #tpu.memory_space<hbm>>
      tpu.wait_dma2 semaphore(%run_scoped3A : memref<!tpu.dma_semaphore, #tpu.memory_space<semaphore_mem>>) src(%dma_wait3A_56 : memref<3136xf32, #tpu.memory_space<hbm>>) dst(%arg12 : memref<3136xf32, #tpu.memory_space<vmem>>)
      tpu.yield
    }) : () -> ()
    "tpu.region"() ({
      %run_scoped3A = tpu.sem_alloc : memref<!tpu.dma_semaphore, #tpu.memory_space<semaphore_mem>>
      %dma_start3A_54 = tpu.memref_slice %arg4[%min3A_3] : memref<100000xf32, #tpu.memory_space<hbm>> -> memref<3136xf32, #tpu.memory_space<hbm>>
      %dma_start3A_55 = tpu.memref_slice %arg4[%min3A_3] : memref<100000xf32, #tpu.memory_space<hbm>> -> memref<3136xf32, #tpu.memory_space<hbm>>
      tpu.enqueue_dma source(%dma_start3A_55 : memref<3136xf32, #tpu.memory_space<hbm>>) target(%arg13 : memref<3136xf32, #tpu.memory_space<vmem>>) target_semaphore(%run_scoped3A : memref<!tpu.dma_semaphore, #tpu.memory_space<semaphore_mem>>)
      %dma_wait3A = tpu.memref_slice %arg4[%min3A_3] : memref<100000xf32, #tpu.memory_space<hbm>> -> memref<3136xf32, #tpu.memory_space<hbm>>
      %dma_wait3A_56 = tpu.memref_slice %arg4[%min3A_3] : memref<100000xf32, #tpu.memory_space<hbm>> -> memref<3136xf32, #tpu.memory_space<hbm>>
      tpu.wait_dma2 semaphore(%run_scoped3A : memref<!tpu.dma_semaphore, #tpu.memory_space<semaphore_mem>>) src(%dma_wait3A_56 : memref<3136xf32, #tpu.memory_space<hbm>>) dst(%arg13 : memref<3136xf32, #tpu.memory_space<vmem>>)
      tpu.yield
    }) : () -> ()
    %eq3A = arith.constant 0 : i32
    %eq3A_4 = arith.cmpi eq, %arg1, %eq3A : i32
    %convert_element_type3A = arith.extui %eq3A_4 : i1 to i32
    %cond3A = arith.constant 0 : i32
    %cond3A_5 = arith.cmpi ne, %convert_element_type3A, %cond3A : i32
    scf.if %cond3A_5 {
      "tpu.region"() ({
        %run_scoped3A = tpu.sem_alloc : memref<!tpu.dma_semaphore, #tpu.memory_space<semaphore_mem>>
        tpu.enqueue_dma source(%arg2 : memref<100000xf32, #tpu.memory_space<hbm>>) target(%arg8 : memref<100000xf32, #tpu.memory_space<vmem_shared>>) target_semaphore(%run_scoped3A : memref<!tpu.dma_semaphore, #tpu.memory_space<semaphore_mem>>)
        tpu.wait_dma2 semaphore(%run_scoped3A : memref<!tpu.dma_semaphore, #tpu.memory_space<semaphore_mem>>) src(%arg2 : memref<100000xf32, #tpu.memory_space<hbm>>) dst(%arg8 : memref<100000xf32, #tpu.memory_space<vmem_shared>>)
        tpu.yield
      }) : () -> ()
      "tpu.region"() ({
        %run_scoped3A = tpu.sem_alloc : memref<!tpu.dma_semaphore, #tpu.memory_space<semaphore_mem>>
        tpu.enqueue_dma source(%arg3 : memref<100000xf32, #tpu.memory_space<hbm>>) target(%arg9 : memref<100000xf32, #tpu.memory_space<vmem_shared>>) target_semaphore(%run_scoped3A : memref<!tpu.dma_semaphore, #tpu.memory_space<semaphore_mem>>)
        tpu.wait_dma2 semaphore(%run_scoped3A : memref<!tpu.dma_semaphore, #tpu.memory_space<semaphore_mem>>) src(%arg3 : memref<100000xf32, #tpu.memory_space<hbm>>) dst(%arg9 : memref<100000xf32, #tpu.memory_space<vmem_shared>>)
        tpu.yield
      }) : () -> ()
      "tpu.region"() ({
        %run_scoped3A = tpu.sem_alloc : memref<!tpu.dma_semaphore, #tpu.memory_space<semaphore_mem>>
        tpu.enqueue_dma source(%arg4 : memref<100000xf32, #tpu.memory_space<hbm>>) target(%arg10 : memref<100000xf32, #tpu.memory_space<vmem_shared>>) target_semaphore(%run_scoped3A : memref<!tpu.dma_semaphore, #tpu.memory_space<semaphore_mem>>)
        tpu.wait_dma2 semaphore(%run_scoped3A : memref<!tpu.dma_semaphore, #tpu.memory_space<semaphore_mem>>) src(%arg4 : memref<100000xf32, #tpu.memory_space<hbm>>) dst(%arg10 : memref<100000xf32, #tpu.memory_space<vmem_shared>>)
        tpu.yield
      }) : () -> ()
    } else {
    }
    %barrier3A = arith.constant 0 : index
    tpu.barrier barrier_id(%barrier3A)
    %broadcast_in_dim3A = arith.constant 0.000000e+00 : f32
    %broadcast_in_dim3A_6 = vector.broadcast %broadcast_in_dim3A : f32 to vector<16xf32>
    %iota3A = tpu.iota {dimensions = array<i32: 0>} : vector<16xi32>
    %add3A_7 = arith.constant 0 : i32
    %add3A_8 = arith.addi %min3A_3, %add3A_7 : i32
    "tpu.region"() ({
      %run_scoped3A = tpu.sem_alloc : memref<!tpu.dma_semaphore, #tpu.memory_space<semaphore_mem>>
      %dma_start3A_54 = arith.constant 0 : i32
      %dma_start3A_55 = tpu.memref_slice %arg5[%add3A_8, %dma_start3A_54] : memref<100000x32xi32, #tpu.memory_space<hbm>> -> memref<224x32xi32, #tpu.memory_space<hbm>>
      %dma_start3A_56 = arith.constant 0 : i32
      %dma_start3A_57 = tpu.memref_slice %arg5[%add3A_8, %dma_start3A_56] : memref<100000x32xi32, #tpu.memory_space<hbm>> -> memref<224x32xi32, #tpu.memory_space<hbm>>
      tpu.enqueue_dma source(%dma_start3A_57 : memref<224x32xi32, #tpu.memory_space<hbm>>) target(%arg16 : memref<224x32xi32, #tpu.memory_space<vmem>>) target_semaphore(%run_scoped3A : memref<!tpu.dma_semaphore, #tpu.memory_space<semaphore_mem>>)
      %dma_wait3A = arith.constant 0 : i32
      %dma_wait3A_58 = tpu.memref_slice %arg5[%add3A_8, %dma_wait3A] : memref<100000x32xi32, #tpu.memory_space<hbm>> -> memref<224x32xi32, #tpu.memory_space<hbm>>
      %dma_wait3A_59 = arith.constant 0 : i32
      %dma_wait3A_60 = tpu.memref_slice %arg5[%add3A_8, %dma_wait3A_59] : memref<100000x32xi32, #tpu.memory_space<hbm>> -> memref<224x32xi32, #tpu.memory_space<hbm>>
      tpu.wait_dma2 semaphore(%run_scoped3A : memref<!tpu.dma_semaphore, #tpu.memory_space<semaphore_mem>>) src(%dma_wait3A_60 : memref<224x32xi32, #tpu.memory_space<hbm>>) dst(%arg16 : memref<224x32xi32, #tpu.memory_space<vmem>>)
      tpu.yield
    }) : () -> ()
    %scan3A = arith.constant 0 : i32
    %scan3A_9 = arith.constant 0 : i32
    %scan3A_10 = arith.constant 14 : i32
    %scan3A_11 = arith.addi %scan3A_9, %scan3A_10 : i32
    %scan3A_12 = arith.constant 1 : i32
    scf.for %scan3A_54 = %scan3A_9 to %scan3A_11 step %scan3A_12  : i32 {
      %mul3A_55 = arith.constant 16 : i32
      %mul3A_56 = arith.muli %scan3A_54, %mul3A_55 : i32
      %add3A_57 = vector.broadcast %mul3A_56 : i32 to vector<16xi32>
      %add3A_58 = arith.addi %iota3A, %add3A_57 : vector<16xi32>
      %broadcast_in_dim3A_59 = arith.constant 0 : i32
      %broadcast_in_dim3A_60 = vector.broadcast %broadcast_in_dim3A_59 : i32 to vector<16xi32>
      %gather3A = tpu.vector_load_idx %arg16[%add3A_58, %broadcast_in_dim3A_60] : memref<224x32xi32, #tpu.memory_space<vmem>>[vector<16xi32>, vector<16xi32>], vector<16xi32>,
      %mul3A_61 = arith.constant 256 : i32
      %mul3A_62 = arith.muli %scan3A_54, %mul3A_61 : i32
      %add3A_63 = arith.constant 0 : i32
      %add3A_64 = arith.addi %mul3A_62, %add3A_63 : i32
      %swap3A_65 = arith.index_cast %add3A_64 : i32 to index
      %swap3A_66 = tpu.vector_load %arg18[%swap3A_65] {strides = array<i32>} : memref<3584xi32, #tpu.memory_space<vmem>>, vector<16xi32>,
      tpu.vector_store %arg18[%swap3A_65], %gather3A {strides = array<i32>} : memref<3584xi32, #tpu.memory_space<vmem>>, vector<16xi32>,
      %broadcast_in_dim3A_67 = arith.constant 1 : i32
      %broadcast_in_dim3A_68 = vector.broadcast %broadcast_in_dim3A_67 : i32 to vector<16xi32>
      %gather3A_69 = tpu.vector_load_idx %arg16[%add3A_58, %broadcast_in_dim3A_68] : memref<224x32xi32, #tpu.memory_space<vmem>>[vector<16xi32>, vector<16xi32>], vector<16xi32>,
      %mul3A_70 = arith.constant 256 : i32
      %mul3A_71 = arith.muli %scan3A_54, %mul3A_70 : i32
      %add3A_72 = arith.constant 16 : i32
      %add3A_73 = arith.addi %mul3A_71, %add3A_72 : i32
      %swap3A_74 = arith.index_cast %add3A_73 : i32 to index
      %swap3A_75 = tpu.vector_load %arg18[%swap3A_74] {strides = array<i32>} : memref<3584xi32, #tpu.memory_space<vmem>>, vector<16xi32>,
      tpu.vector_store %arg18[%swap3A_74], %gather3A_69 {strides = array<i32>} : memref<3584xi32, #tpu.memory_space<vmem>>, vector<16xi32>,
      %broadcast_in_dim3A_76 = arith.constant 2 : i32
      %broadcast_in_dim3A_77 = vector.broadcast %broadcast_in_dim3A_76 : i32 to vector<16xi32>
      %gather3A_78 = tpu.vector_load_idx %arg16[%add3A_58, %broadcast_in_dim3A_77] : memref<224x32xi32, #tpu.memory_space<vmem>>[vector<16xi32>, vector<16xi32>], vector<16xi32>,
      %mul3A_79 = arith.constant 256 : i32
      %mul3A_80 = arith.muli %scan3A_54, %mul3A_79 : i32
      %add3A_81 = arith.constant 32 : i32
      %add3A_82 = arith.addi %mul3A_80, %add3A_81 : i32
      %swap3A_83 = arith.index_cast %add3A_82 : i32 to index
      %swap3A_84 = tpu.vector_load %arg18[%swap3A_83] {strides = array<i32>} : memref<3584xi32, #tpu.memory_space<vmem>>, vector<16xi32>,
      tpu.vector_store %arg18[%swap3A_83], %gather3A_78 {strides = array<i32>} : memref<3584xi32, #tpu.memory_space<vmem>>, vector<16xi32>,
      %broadcast_in_dim3A_85 = arith.constant 3 : i32
      %broadcast_in_dim3A_86 = vector.broadcast %broadcast_in_dim3A_85 : i32 to vector<16xi32>
      %gather3A_87 = tpu.vector_load_idx %arg16[%add3A_58, %broadcast_in_dim3A_86] : memref<224x32xi32, #tpu.memory_space<vmem>>[vector<16xi32>, vector<16xi32>], vector<16xi32>,
      %mul3A_88 = arith.constant 256 : i32
      %mul3A_89 = arith.muli %scan3A_54, %mul3A_88 : i32
      %add3A_90 = arith.constant 48 : i32
      %add3A_91 = arith.addi %mul3A_89, %add3A_90 : i32
      %swap3A_92 = arith.index_cast %add3A_91 : i32 to index
      %swap3A_93 = tpu.vector_load %arg18[%swap3A_92] {strides = array<i32>} : memref<3584xi32, #tpu.memory_space<vmem>>, vector<16xi32>,
      tpu.vector_store %arg18[%swap3A_92], %gather3A_87 {strides = array<i32>} : memref<3584xi32, #tpu.memory_space<vmem>>, vector<16xi32>,
      %broadcast_in_dim3A_94 = arith.constant 4 : i32
      %broadcast_in_dim3A_95 = vector.broadcast %broadcast_in_dim3A_94 : i32 to vector<16xi32>
      %gather3A_96 = tpu.vector_load_idx %arg16[%add3A_58, %broadcast_in_dim3A_95] : memref<224x32xi32, #tpu.memory_space<vmem>>[vector<16xi32>, vector<16xi32>], vector<16xi32>,
      %mul3A_97 = arith.constant 256 : i32
      %mul3A_98 = arith.muli %scan3A_54, %mul3A_97 : i32
      %add3A_99 = arith.constant 64 : i32
      %add3A_100 = arith.addi %mul3A_98, %add3A_99 : i32
      %swap3A_101 = arith.index_cast %add3A_100 : i32 to index
      %swap3A_102 = tpu.vector_load %arg18[%swap3A_101] {strides = array<i32>} : memref<3584xi32, #tpu.memory_space<vmem>>, vector<16xi32>,
      tpu.vector_store %arg18[%swap3A_101], %gather3A_96 {strides = array<i32>} : memref<3584xi32, #tpu.memory_space<vmem>>, vector<16xi32>,
      %broadcast_in_dim3A_103 = arith.constant 5 : i32
      %broadcast_in_dim3A_104 = vector.broadcast %broadcast_in_dim3A_103 : i32 to vector<16xi32>
      %gather3A_105 = tpu.vector_load_idx %arg16[%add3A_58, %broadcast_in_dim3A_104] : memref<224x32xi32, #tpu.memory_space<vmem>>[vector<16xi32>, vector<16xi32>], vector<16xi32>,
      %mul3A_106 = arith.constant 256 : i32
      %mul3A_107 = arith.muli %scan3A_54, %mul3A_106 : i32
      %add3A_108 = arith.constant 80 : i32
      %add3A_109 = arith.addi %mul3A_107, %add3A_108 : i32
      %swap3A_110 = arith.index_cast %add3A_109 : i32 to index
      %swap3A_111 = tpu.vector_load %arg18[%swap3A_110] {strides = array<i32>} : memref<3584xi32, #tpu.memory_space<vmem>>, vector<16xi32>,
      tpu.vector_store %arg18[%swap3A_110], %gather3A_105 {strides = array<i32>} : memref<3584xi32, #tpu.memory_space<vmem>>, vector<16xi32>,
      %broadcast_in_dim3A_112 = arith.constant 6 : i32
      %broadcast_in_dim3A_113 = vector.broadcast %broadcast_in_dim3A_112 : i32 to vector<16xi32>
      %gather3A_114 = tpu.vector_load_idx %arg16[%add3A_58, %broadcast_in_dim3A_113] : memref<224x32xi32, #tpu.memory_space<vmem>>[vector<16xi32>, vector<16xi32>], vector<16xi32>,
      %mul3A_115 = arith.constant 256 : i32
      %mul3A_116 = arith.muli %scan3A_54, %mul3A_115 : i32
      %add3A_117 = arith.constant 96 : i32
      %add3A_118 = arith.addi %mul3A_116, %add3A_117 : i32
      %swap3A_119 = arith.index_cast %add3A_118 : i32 to index
      %swap3A_120 = tpu.vector_load %arg18[%swap3A_119] {strides = array<i32>} : memref<3584xi32, #tpu.memory_space<vmem>>, vector<16xi32>,
      tpu.vector_store %arg18[%swap3A_119], %gather3A_114 {strides = array<i32>} : memref<3584xi32, #tpu.memory_space<vmem>>, vector<16xi32>,
      %broadcast_in_dim3A_121 = arith.constant 7 : i32
      %broadcast_in_dim3A_122 = vector.broadcast %broadcast_in_dim3A_121 : i32 to vector<16xi32>
      %gather3A_123 = tpu.vector_load_idx %arg16[%add3A_58, %broadcast_in_dim3A_122] : memref<224x32xi32, #tpu.memory_space<vmem>>[vector<16xi32>, vector<16xi32>], vector<16xi32>,
      %mul3A_124 = arith.constant 256 : i32
      %mul3A_125 = arith.muli %scan3A_54, %mul3A_124 : i32
      %add3A_126 = arith.constant 112 : i32
      %add3A_127 = arith.addi %mul3A_125, %add3A_126 : i32
      %swap3A_128 = arith.index_cast %add3A_127 : i32 to index
      %swap3A_129 = tpu.vector_load %arg18[%swap3A_128] {strides = array<i32>} : memref<3584xi32, #tpu.memory_space<vmem>>, vector<16xi32>,
      tpu.vector_store %arg18[%swap3A_128], %gather3A_123 {strides = array<i32>} : memref<3584xi32, #tpu.memory_space<vmem>>, vector<16xi32>,
      %broadcast_in_dim3A_130 = arith.constant 8 : i32
      %broadcast_in_dim3A_131 = vector.broadcast %broadcast_in_dim3A_130 : i32 to vector<16xi32>
      %gather3A_132 = tpu.vector_load_idx %arg16[%add3A_58, %broadcast_in_dim3A_131] : memref<224x32xi32, #tpu.memory_space<vmem>>[vector<16xi32>, vector<16xi32>], vector<16xi32>,
      %mul3A_133 = arith.constant 256 : i32
      %mul3A_134 = arith.muli %scan3A_54, %mul3A_133 : i32
      %add3A_135 = arith.constant 128 : i32
      %add3A_136 = arith.addi %mul3A_134, %add3A_135 : i32
      %swap3A_137 = arith.index_cast %add3A_136 : i32 to index
      %swap3A_138 = tpu.vector_load %arg18[%swap3A_137] {strides = array<i32>} : memref<3584xi32, #tpu.memory_space<vmem>>, vector<16xi32>,
      tpu.vector_store %arg18[%swap3A_137], %gather3A_132 {strides = array<i32>} : memref<3584xi32, #tpu.memory_space<vmem>>, vector<16xi32>,
      %broadcast_in_dim3A_139 = arith.constant 9 : i32
      %broadcast_in_dim3A_140 = vector.broadcast %broadcast_in_dim3A_139 : i32 to vector<16xi32>
      %gather3A_141 = tpu.vector_load_idx %arg16[%add3A_58, %broadcast_in_dim3A_140] : memref<224x32xi32, #tpu.memory_space<vmem>>[vector<16xi32>, vector<16xi32>], vector<16xi32>,
      %mul3A_142 = arith.constant 256 : i32
      %mul3A_143 = arith.muli %scan3A_54, %mul3A_142 : i32
      %add3A_144 = arith.constant 144 : i32
      %add3A_145 = arith.addi %mul3A_143, %add3A_144 : i32
      %swap3A_146 = arith.index_cast %add3A_145 : i32 to index
      %swap3A_147 = tpu.vector_load %arg18[%swap3A_146] {strides = array<i32>} : memref<3584xi32, #tpu.memory_space<vmem>>, vector<16xi32>,
      tpu.vector_store %arg18[%swap3A_146], %gather3A_141 {strides = array<i32>} : memref<3584xi32, #tpu.memory_space<vmem>>, vector<16xi32>,
      %broadcast_in_dim3A_148 = arith.constant 10 : i32
      %broadcast_in_dim3A_149 = vector.broadcast %broadcast_in_dim3A_148 : i32 to vector<16xi32>
      %gather3A_150 = tpu.vector_load_idx %arg16[%add3A_58, %broadcast_in_dim3A_149] : memref<224x32xi32, #tpu.memory_space<vmem>>[vector<16xi32>, vector<16xi32>], vector<16xi32>,
      %mul3A_151 = arith.constant 256 : i32
      %mul3A_152 = arith.muli %scan3A_54, %mul3A_151 : i32
      %add3A_153 = arith.constant 160 : i32
      %add3A_154 = arith.addi %mul3A_152, %add3A_153 : i32
      %swap3A_155 = arith.index_cast %add3A_154 : i32 to index
      %swap3A_156 = tpu.vector_load %arg18[%swap3A_155] {strides = array<i32>} : memref<3584xi32, #tpu.memory_space<vmem>>, vector<16xi32>,
      tpu.vector_store %arg18[%swap3A_155], %gather3A_150 {strides = array<i32>} : memref<3584xi32, #tpu.memory_space<vmem>>, vector<16xi32>,
      %broadcast_in_dim3A_157 = arith.constant 11 : i32
      %broadcast_in_dim3A_158 = vector.broadcast %broadcast_in_dim3A_157 : i32 to vector<16xi32>
      %gather3A_159 = tpu.vector_load_idx %arg16[%add3A_58, %broadcast_in_dim3A_158] : memref<224x32xi32, #tpu.memory_space<vmem>>[vector<16xi32>, vector<16xi32>], vector<16xi32>,
      %mul3A_160 = arith.constant 256 : i32
      %mul3A_161 = arith.muli %scan3A_54, %mul3A_160 : i32
      %add3A_162 = arith.constant 176 : i32
      %add3A_163 = arith.addi %mul3A_161, %add3A_162 : i32
      %swap3A_164 = arith.index_cast %add3A_163 : i32 to index
      %swap3A_165 = tpu.vector_load %arg18[%swap3A_164] {strides = array<i32>} : memref<3584xi32, #tpu.memory_space<vmem>>, vector<16xi32>,
      tpu.vector_store %arg18[%swap3A_164], %gather3A_159 {strides = array<i32>} : memref<3584xi32, #tpu.memory_space<vmem>>, vector<16xi32>,
      %broadcast_in_dim3A_166 = arith.constant 12 : i32
      %broadcast_in_dim3A_167 = vector.broadcast %broadcast_in_dim3A_166 : i32 to vector<16xi32>
      %gather3A_168 = tpu.vector_load_idx %arg16[%add3A_58, %broadcast_in_dim3A_167] : memref<224x32xi32, #tpu.memory_space<vmem>>[vector<16xi32>, vector<16xi32>], vector<16xi32>,
      %mul3A_169 = arith.constant 256 : i32
      %mul3A_170 = arith.muli %scan3A_54, %mul3A_169 : i32
      %add3A_171 = arith.constant 192 : i32
      %add3A_172 = arith.addi %mul3A_170, %add3A_171 : i32
      %swap3A_173 = arith.index_cast %add3A_172 : i32 to index
      %swap3A_174 = tpu.vector_load %arg18[%swap3A_173] {strides = array<i32>} : memref<3584xi32, #tpu.memory_space<vmem>>, vector<16xi32>,
      tpu.vector_store %arg18[%swap3A_173], %gather3A_168 {strides = array<i32>} : memref<3584xi32, #tpu.memory_space<vmem>>, vector<16xi32>,
      %broadcast_in_dim3A_175 = arith.constant 13 : i32
      %broadcast_in_dim3A_176 = vector.broadcast %broadcast_in_dim3A_175 : i32 to vector<16xi32>
      %gather3A_177 = tpu.vector_load_idx %arg16[%add3A_58, %broadcast_in_dim3A_176] : memref<224x32xi32, #tpu.memory_space<vmem>>[vector<16xi32>, vector<16xi32>], vector<16xi32>,
      %mul3A_178 = arith.constant 256 : i32
      %mul3A_179 = arith.muli %scan3A_54, %mul3A_178 : i32
      %add3A_180 = arith.constant 208 : i32
      %add3A_181 = arith.addi %mul3A_179, %add3A_180 : i32
      %swap3A_182 = arith.index_cast %add3A_181 : i32 to index
      %swap3A_183 = tpu.vector_load %arg18[%swap3A_182] {strides = array<i32>} : memref<3584xi32, #tpu.memory_space<vmem>>, vector<16xi32>,
      tpu.vector_store %arg18[%swap3A_182], %gather3A_177 {strides = array<i32>} : memref<3584xi32, #tpu.memory_space<vmem>>, vector<16xi32>,
      %broadcast_in_dim3A_184 = arith.constant 14 : i32
      %broadcast_in_dim3A_185 = vector.broadcast %broadcast_in_dim3A_184 : i32 to vector<16xi32>
      %gather3A_186 = tpu.vector_load_idx %arg16[%add3A_58, %broadcast_in_dim3A_185] : memref<224x32xi32, #tpu.memory_space<vmem>>[vector<16xi32>, vector<16xi32>], vector<16xi32>,
      %mul3A_187 = arith.constant 256 : i32
      %mul3A_188 = arith.muli %scan3A_54, %mul3A_187 : i32
      %add3A_189 = arith.constant 224 : i32
      %add3A_190 = arith.addi %mul3A_188, %add3A_189 : i32
      %swap3A_191 = arith.index_cast %add3A_190 : i32 to index
      %swap3A_192 = tpu.vector_load %arg18[%swap3A_191] {strides = array<i32>} : memref<3584xi32, #tpu.memory_space<vmem>>, vector<16xi32>,
      tpu.vector_store %arg18[%swap3A_191], %gather3A_186 {strides = array<i32>} : memref<3584xi32, #tpu.memory_space<vmem>>, vector<16xi32>,
      %broadcast_in_dim3A_193 = arith.constant 15 : i32
      %broadcast_in_dim3A_194 = vector.broadcast %broadcast_in_dim3A_193 : i32 to vector<16xi32>
      %gather3A_195 = tpu.vector_load_idx %arg16[%add3A_58, %broadcast_in_dim3A_194] : memref<224x32xi32, #tpu.memory_space<vmem>>[vector<16xi32>, vector<16xi32>], vector<16xi32>,
      %mul3A_196 = arith.constant 256 : i32
      %mul3A_197 = arith.muli %scan3A_54, %mul3A_196 : i32
      %add3A_198 = arith.constant 240 : i32
      %add3A_199 = arith.addi %mul3A_197, %add3A_198 : i32
      %swap3A_200 = arith.index_cast %add3A_199 : i32 to index
      %swap3A_201 = tpu.vector_load %arg18[%swap3A_200] {strides = array<i32>} : memref<3584xi32, #tpu.memory_space<vmem>>, vector<16xi32>,
      tpu.vector_store %arg18[%swap3A_200], %gather3A_195 {strides = array<i32>} : memref<3584xi32, #tpu.memory_space<vmem>>, vector<16xi32>,
    }
    %scan3A_13 = arith.constant 14 : i32
    %dma_start3A = arith.constant 0 : i32
    %dma_start3A_14 = tpu.memref_slice %arg8[%dma_start3A] : memref<100000xf32, #tpu.memory_space<vmem_shared>> -> memref<100000xf32, #tpu.memory_space<vmem_shared>>
    tpu.enqueue_indirect_dma source(%dma_start3A_14 : memref<100000xf32, #tpu.memory_space<vmem_shared>>) target(%arg20 : memref<3584xf32, #tpu.memory_space<vmem>>) offsets(%arg18 : memref<3584xi32, #tpu.memory_space<vmem>>) semaphore(%arg26 : memref<!tpu.dma_semaphore, #tpu.memory_space<semaphore_mem>>)
    %dma_start3A_15 = arith.constant 0 : i32
    %dma_start3A_16 = tpu.memref_slice %arg9[%dma_start3A_15] : memref<100000xf32, #tpu.memory_space<vmem_shared>> -> memref<100000xf32, #tpu.memory_space<vmem_shared>>
    tpu.enqueue_indirect_dma source(%dma_start3A_16 : memref<100000xf32, #tpu.memory_space<vmem_shared>>) target(%arg22 : memref<3584xf32, #tpu.memory_space<vmem>>) offsets(%arg18 : memref<3584xi32, #tpu.memory_space<vmem>>) semaphore(%arg26 : memref<!tpu.dma_semaphore, #tpu.memory_space<semaphore_mem>>)
    %dma_start3A_17 = arith.constant 0 : i32
    %dma_start3A_18 = tpu.memref_slice %arg10[%dma_start3A_17] : memref<100000xf32, #tpu.memory_space<vmem_shared>> -> memref<100000xf32, #tpu.memory_space<vmem_shared>>
    tpu.enqueue_indirect_dma source(%dma_start3A_18 : memref<100000xf32, #tpu.memory_space<vmem_shared>>) target(%arg24 : memref<3584xf32, #tpu.memory_space<vmem>>) offsets(%arg18 : memref<3584xi32, #tpu.memory_space<vmem>>) semaphore(%arg26 : memref<!tpu.dma_semaphore, #tpu.memory_space<semaphore_mem>>)
    %add3A_19 = arith.constant 224 : i32
    %add3A_20 = arith.addi %min3A_3, %add3A_19 : i32
    "tpu.region"() ({
      %run_scoped3A = tpu.sem_alloc : memref<!tpu.dma_semaphore, #tpu.memory_space<semaphore_mem>>
      %dma_start3A_54 = arith.constant 0 : i32
      %dma_start3A_55 = tpu.memref_slice %arg5[%add3A_20, %dma_start3A_54] : memref<100000x32xi32, #tpu.memory_space<hbm>> -> memref<224x32xi32, #tpu.memory_space<hbm>>
      %dma_start3A_56 = arith.constant 0 : i32
      %dma_start3A_57 = tpu.memref_slice %arg5[%add3A_20, %dma_start3A_56] : memref<100000x32xi32, #tpu.memory_space<hbm>> -> memref<224x32xi32, #tpu.memory_space<hbm>>
      tpu.enqueue_dma source(%dma_start3A_57 : memref<224x32xi32, #tpu.memory_space<hbm>>) target(%arg17 : memref<224x32xi32, #tpu.memory_space<vmem>>) target_semaphore(%run_scoped3A : memref<!tpu.dma_semaphore, #tpu.memory_space<semaphore_mem>>)
      %dma_wait3A = arith.constant 0 : i32
      %dma_wait3A_58 = tpu.memref_slice %arg5[%add3A_20, %dma_wait3A] : memref<100000x32xi32, #tpu.memory_space<hbm>> -> memref<224x32xi32, #tpu.memory_space<hbm>>
      %dma_wait3A_59 = arith.constant 0 : i32
      %dma_wait3A_60 = tpu.memref_slice %arg5[%add3A_20, %dma_wait3A_59] : memref<100000x32xi32, #tpu.memory_space<hbm>> -> memref<224x32xi32, #tpu.memory_space<hbm>>
      tpu.wait_dma2 semaphore(%run_scoped3A : memref<!tpu.dma_semaphore, #tpu.memory_space<semaphore_mem>>) src(%dma_wait3A_60 : memref<224x32xi32, #tpu.memory_space<hbm>>) dst(%arg17 : memref<224x32xi32, #tpu.memory_space<vmem>>)
      tpu.yield
    }) : () -> ()
    %scan3A_21 = arith.constant 0 : i32
    %scan3A_22 = arith.constant 0 : i32
    %scan3A_23 = arith.constant 14 : i32
    %scan3A_24 = arith.addi %scan3A_22, %scan3A_23 : i32
    %scan3A_25 = arith.constant 1 : i32
    scf.for %scan3A_54 = %scan3A_22 to %scan3A_24 step %scan3A_25  : i32 {
      %mul3A_55 = arith.constant 16 : i32
      %mul3A_56 = arith.muli %scan3A_54, %mul3A_55 : i32
      %add3A_57 = vector.broadcast %mul3A_56 : i32 to vector<16xi32>
      %add3A_58 = arith.addi %iota3A, %add3A_57 : vector<16xi32>
      %broadcast_in_dim3A_59 = arith.constant 0 : i32
      %broadcast_in_dim3A_60 = vector.broadcast %broadcast_in_dim3A_59 : i32 to vector<16xi32>
      %gather3A = tpu.vector_load_idx %arg17[%add3A_58, %broadcast_in_dim3A_60] : memref<224x32xi32, #tpu.memory_space<vmem>>[vector<16xi32>, vector<16xi32>], vector<16xi32>,
      %mul3A_61 = arith.constant 256 : i32
      %mul3A_62 = arith.muli %scan3A_54, %mul3A_61 : i32
      %add3A_63 = arith.constant 0 : i32
      %add3A_64 = arith.addi %mul3A_62, %add3A_63 : i32
      %swap3A_65 = arith.index_cast %add3A_64 : i32 to index
      %swap3A_66 = tpu.vector_load %arg19[%swap3A_65] {strides = array<i32>} : memref<3584xi32, #tpu.memory_space<vmem>>, vector<16xi32>,
      tpu.vector_store %arg19[%swap3A_65], %gather3A {strides = array<i32>} : memref<3584xi32, #tpu.memory_space<vmem>>, vector<16xi32>,
      %broadcast_in_dim3A_67 = arith.constant 1 : i32
      %broadcast_in_dim3A_68 = vector.broadcast %broadcast_in_dim3A_67 : i32 to vector<16xi32>
      %gather3A_69 = tpu.vector_load_idx %arg17[%add3A_58, %broadcast_in_dim3A_68] : memref<224x32xi32, #tpu.memory_space<vmem>>[vector<16xi32>, vector<16xi32>], vector<16xi32>,
      %mul3A_70 = arith.constant 256 : i32
      %mul3A_71 = arith.muli %scan3A_54, %mul3A_70 : i32
      %add3A_72 = arith.constant 16 : i32
      %add3A_73 = arith.addi %mul3A_71, %add3A_72 : i32
      %swap3A_74 = arith.index_cast %add3A_73 : i32 to index
      %swap3A_75 = tpu.vector_load %arg19[%swap3A_74] {strides = array<i32>} : memref<3584xi32, #tpu.memory_space<vmem>>, vector<16xi32>,
      tpu.vector_store %arg19[%swap3A_74], %gather3A_69 {strides = array<i32>} : memref<3584xi32, #tpu.memory_space<vmem>>, vector<16xi32>,
      %broadcast_in_dim3A_76 = arith.constant 2 : i32
      %broadcast_in_dim3A_77 = vector.broadcast %broadcast_in_dim3A_76 : i32 to vector<16xi32>
      %gather3A_78 = tpu.vector_load_idx %arg17[%add3A_58, %broadcast_in_dim3A_77] : memref<224x32xi32, #tpu.memory_space<vmem>>[vector<16xi32>, vector<16xi32>], vector<16xi32>,
      %mul3A_79 = arith.constant 256 : i32
      %mul3A_80 = arith.muli %scan3A_54, %mul3A_79 : i32
      %add3A_81 = arith.constant 32 : i32
      %add3A_82 = arith.addi %mul3A_80, %add3A_81 : i32
      %swap3A_83 = arith.index_cast %add3A_82 : i32 to index
      %swap3A_84 = tpu.vector_load %arg19[%swap3A_83] {strides = array<i32>} : memref<3584xi32, #tpu.memory_space<vmem>>, vector<16xi32>,
      tpu.vector_store %arg19[%swap3A_83], %gather3A_78 {strides = array<i32>} : memref<3584xi32, #tpu.memory_space<vmem>>, vector<16xi32>,
      %broadcast_in_dim3A_85 = arith.constant 3 : i32
      %broadcast_in_dim3A_86 = vector.broadcast %broadcast_in_dim3A_85 : i32 to vector<16xi32>
      %gather3A_87 = tpu.vector_load_idx %arg17[%add3A_58, %broadcast_in_dim3A_86] : memref<224x32xi32, #tpu.memory_space<vmem>>[vector<16xi32>, vector<16xi32>], vector<16xi32>,
      %mul3A_88 = arith.constant 256 : i32
      %mul3A_89 = arith.muli %scan3A_54, %mul3A_88 : i32
      %add3A_90 = arith.constant 48 : i32
      %add3A_91 = arith.addi %mul3A_89, %add3A_90 : i32
      %swap3A_92 = arith.index_cast %add3A_91 : i32 to index
      %swap3A_93 = tpu.vector_load %arg19[%swap3A_92] {strides = array<i32>} : memref<3584xi32, #tpu.memory_space<vmem>>, vector<16xi32>,
      tpu.vector_store %arg19[%swap3A_92], %gather3A_87 {strides = array<i32>} : memref<3584xi32, #tpu.memory_space<vmem>>, vector<16xi32>,
      %broadcast_in_dim3A_94 = arith.constant 4 : i32
      %broadcast_in_dim3A_95 = vector.broadcast %broadcast_in_dim3A_94 : i32 to vector<16xi32>
      %gather3A_96 = tpu.vector_load_idx %arg17[%add3A_58, %broadcast_in_dim3A_95] : memref<224x32xi32, #tpu.memory_space<vmem>>[vector<16xi32>, vector<16xi32>], vector<16xi32>,
      %mul3A_97 = arith.constant 256 : i32
      %mul3A_98 = arith.muli %scan3A_54, %mul3A_97 : i32
      %add3A_99 = arith.constant 64 : i32
      %add3A_100 = arith.addi %mul3A_98, %add3A_99 : i32
      %swap3A_101 = arith.index_cast %add3A_100 : i32 to index
      %swap3A_102 = tpu.vector_load %arg19[%swap3A_101] {strides = array<i32>} : memref<3584xi32, #tpu.memory_space<vmem>>, vector<16xi32>,
      tpu.vector_store %arg19[%swap3A_101], %gather3A_96 {strides = array<i32>} : memref<3584xi32, #tpu.memory_space<vmem>>, vector<16xi32>,
      %broadcast_in_dim3A_103 = arith.constant 5 : i32
      %broadcast_in_dim3A_104 = vector.broadcast %broadcast_in_dim3A_103 : i32 to vector<16xi32>
      %gather3A_105 = tpu.vector_load_idx %arg17[%add3A_58, %broadcast_in_dim3A_104] : memref<224x32xi32, #tpu.memory_space<vmem>>[vector<16xi32>, vector<16xi32>], vector<16xi32>,
      %mul3A_106 = arith.constant 256 : i32
      %mul3A_107 = arith.muli %scan3A_54, %mul3A_106 : i32
      %add3A_108 = arith.constant 80 : i32
      %add3A_109 = arith.addi %mul3A_107, %add3A_108 : i32
      %swap3A_110 = arith.index_cast %add3A_109 : i32 to index
      %swap3A_111 = tpu.vector_load %arg19[%swap3A_110] {strides = array<i32>} : memref<3584xi32, #tpu.memory_space<vmem>>, vector<16xi32>,
      tpu.vector_store %arg19[%swap3A_110], %gather3A_105 {strides = array<i32>} : memref<3584xi32, #tpu.memory_space<vmem>>, vector<16xi32>,
      %broadcast_in_dim3A_112 = arith.constant 6 : i32
      %broadcast_in_dim3A_113 = vector.broadcast %broadcast_in_dim3A_112 : i32 to vector<16xi32>
      %gather3A_114 = tpu.vector_load_idx %arg17[%add3A_58, %broadcast_in_dim3A_113] : memref<224x32xi32, #tpu.memory_space<vmem>>[vector<16xi32>, vector<16xi32>], vector<16xi32>,
      %mul3A_115 = arith.constant 256 : i32
      %mul3A_116 = arith.muli %scan3A_54, %mul3A_115 : i32
      %add3A_117 = arith.constant 96 : i32
      %add3A_118 = arith.addi %mul3A_116, %add3A_117 : i32
      %swap3A_119 = arith.index_cast %add3A_118 : i32 to index
      %swap3A_120 = tpu.vector_load %arg19[%swap3A_119] {strides = array<i32>} : memref<3584xi32, #tpu.memory_space<vmem>>, vector<16xi32>,
      tpu.vector_store %arg19[%swap3A_119], %gather3A_114 {strides = array<i32>} : memref<3584xi32, #tpu.memory_space<vmem>>, vector<16xi32>,
      %broadcast_in_dim3A_121 = arith.constant 7 : i32
      %broadcast_in_dim3A_122 = vector.broadcast %broadcast_in_dim3A_121 : i32 to vector<16xi32>
      %gather3A_123 = tpu.vector_load_idx %arg17[%add3A_58, %broadcast_in_dim3A_122] : memref<224x32xi32, #tpu.memory_space<vmem>>[vector<16xi32>, vector<16xi32>], vector<16xi32>,
      %mul3A_124 = arith.constant 256 : i32
      %mul3A_125 = arith.muli %scan3A_54, %mul3A_124 : i32
      %add3A_126 = arith.constant 112 : i32
      %add3A_127 = arith.addi %mul3A_125, %add3A_126 : i32
      %swap3A_128 = arith.index_cast %add3A_127 : i32 to index
      %swap3A_129 = tpu.vector_load %arg19[%swap3A_128] {strides = array<i32>} : memref<3584xi32, #tpu.memory_space<vmem>>, vector<16xi32>,
      tpu.vector_store %arg19[%swap3A_128], %gather3A_123 {strides = array<i32>} : memref<3584xi32, #tpu.memory_space<vmem>>, vector<16xi32>,
      %broadcast_in_dim3A_130 = arith.constant 8 : i32
      %broadcast_in_dim3A_131 = vector.broadcast %broadcast_in_dim3A_130 : i32 to vector<16xi32>
      %gather3A_132 = tpu.vector_load_idx %arg17[%add3A_58, %broadcast_in_dim3A_131] : memref<224x32xi32, #tpu.memory_space<vmem>>[vector<16xi32>, vector<16xi32>], vector<16xi32>,
      %mul3A_133 = arith.constant 256 : i32
      %mul3A_134 = arith.muli %scan3A_54, %mul3A_133 : i32
      %add3A_135 = arith.constant 128 : i32
      %add3A_136 = arith.addi %mul3A_134, %add3A_135 : i32
      %swap3A_137 = arith.index_cast %add3A_136 : i32 to index
      %swap3A_138 = tpu.vector_load %arg19[%swap3A_137] {strides = array<i32>} : memref<3584xi32, #tpu.memory_space<vmem>>, vector<16xi32>,
      tpu.vector_store %arg19[%swap3A_137], %gather3A_132 {strides = array<i32>} : memref<3584xi32, #tpu.memory_space<vmem>>, vector<16xi32>,
      %broadcast_in_dim3A_139 = arith.constant 9 : i32
      %broadcast_in_dim3A_140 = vector.broadcast %broadcast_in_dim3A_139 : i32 to vector<16xi32>
      %gather3A_141 = tpu.vector_load_idx %arg17[%add3A_58, %broadcast_in_dim3A_140] : memref<224x32xi32, #tpu.memory_space<vmem>>[vector<16xi32>, vector<16xi32>], vector<16xi32>,
      %mul3A_142 = arith.constant 256 : i32
      %mul3A_143 = arith.muli %scan3A_54, %mul3A_142 : i32
      %add3A_144 = arith.constant 144 : i32
      %add3A_145 = arith.addi %mul3A_143, %add3A_144 : i32
      %swap3A_146 = arith.index_cast %add3A_145 : i32 to index
      %swap3A_147 = tpu.vector_load %arg19[%swap3A_146] {strides = array<i32>} : memref<3584xi32, #tpu.memory_space<vmem>>, vector<16xi32>,
      tpu.vector_store %arg19[%swap3A_146], %gather3A_141 {strides = array<i32>} : memref<3584xi32, #tpu.memory_space<vmem>>, vector<16xi32>,
      %broadcast_in_dim3A_148 = arith.constant 10 : i32
      %broadcast_in_dim3A_149 = vector.broadcast %broadcast_in_dim3A_148 : i32 to vector<16xi32>
      %gather3A_150 = tpu.vector_load_idx %arg17[%add3A_58, %broadcast_in_dim3A_149] : memref<224x32xi32, #tpu.memory_space<vmem>>[vector<16xi32>, vector<16xi32>], vector<16xi32>,
      %mul3A_151 = arith.constant 256 : i32
      %mul3A_152 = arith.muli %scan3A_54, %mul3A_151 : i32
      %add3A_153 = arith.constant 160 : i32
      %add3A_154 = arith.addi %mul3A_152, %add3A_153 : i32
      %swap3A_155 = arith.index_cast %add3A_154 : i32 to index
      %swap3A_156 = tpu.vector_load %arg19[%swap3A_155] {strides = array<i32>} : memref<3584xi32, #tpu.memory_space<vmem>>, vector<16xi32>,
      tpu.vector_store %arg19[%swap3A_155], %gather3A_150 {strides = array<i32>} : memref<3584xi32, #tpu.memory_space<vmem>>, vector<16xi32>,
      %broadcast_in_dim3A_157 = arith.constant 11 : i32
      %broadcast_in_dim3A_158 = vector.broadcast %broadcast_in_dim3A_157 : i32 to vector<16xi32>
      %gather3A_159 = tpu.vector_load_idx %arg17[%add3A_58, %broadcast_in_dim3A_158] : memref<224x32xi32, #tpu.memory_space<vmem>>[vector<16xi32>, vector<16xi32>], vector<16xi32>,
      %mul3A_160 = arith.constant 256 : i32
      %mul3A_161 = arith.muli %scan3A_54, %mul3A_160 : i32
      %add3A_162 = arith.constant 176 : i32
      %add3A_163 = arith.addi %mul3A_161, %add3A_162 : i32
      %swap3A_164 = arith.index_cast %add3A_163 : i32 to index
      %swap3A_165 = tpu.vector_load %arg19[%swap3A_164] {strides = array<i32>} : memref<3584xi32, #tpu.memory_space<vmem>>, vector<16xi32>,
      tpu.vector_store %arg19[%swap3A_164], %gather3A_159 {strides = array<i32>} : memref<3584xi32, #tpu.memory_space<vmem>>, vector<16xi32>,
      %broadcast_in_dim3A_166 = arith.constant 12 : i32
      %broadcast_in_dim3A_167 = vector.broadcast %broadcast_in_dim3A_166 : i32 to vector<16xi32>
      %gather3A_168 = tpu.vector_load_idx %arg17[%add3A_58, %broadcast_in_dim3A_167] : memref<224x32xi32, #tpu.memory_space<vmem>>[vector<16xi32>, vector<16xi32>], vector<16xi32>,
      %mul3A_169 = arith.constant 256 : i32
      %mul3A_170 = arith.muli %scan3A_54, %mul3A_169 : i32
      %add3A_171 = arith.constant 192 : i32
      %add3A_172 = arith.addi %mul3A_170, %add3A_171 : i32
      %swap3A_173 = arith.index_cast %add3A_172 : i32 to index
      %swap3A_174 = tpu.vector_load %arg19[%swap3A_173] {strides = array<i32>} : memref<3584xi32, #tpu.memory_space<vmem>>, vector<16xi32>,
      tpu.vector_store %arg19[%swap3A_173], %gather3A_168 {strides = array<i32>} : memref<3584xi32, #tpu.memory_space<vmem>>, vector<16xi32>,
      %broadcast_in_dim3A_175 = arith.constant 13 : i32
      %broadcast_in_dim3A_176 = vector.broadcast %broadcast_in_dim3A_175 : i32 to vector<16xi32>
      %gather3A_177 = tpu.vector_load_idx %arg17[%add3A_58, %broadcast_in_dim3A_176] : memref<224x32xi32, #tpu.memory_space<vmem>>[vector<16xi32>, vector<16xi32>], vector<16xi32>,
      %mul3A_178 = arith.constant 256 : i32
      %mul3A_179 = arith.muli %scan3A_54, %mul3A_178 : i32
      %add3A_180 = arith.constant 208 : i32
      %add3A_181 = arith.addi %mul3A_179, %add3A_180 : i32
      %swap3A_182 = arith.index_cast %add3A_181 : i32 to index
      %swap3A_183 = tpu.vector_load %arg19[%swap3A_182] {strides = array<i32>} : memref<3584xi32, #tpu.memory_space<vmem>>, vector<16xi32>,
      tpu.vector_store %arg19[%swap3A_182], %gather3A_177 {strides = array<i32>} : memref<3584xi32, #tpu.memory_space<vmem>>, vector<16xi32>,
      %broadcast_in_dim3A_184 = arith.constant 14 : i32
      %broadcast_in_dim3A_185 = vector.broadcast %broadcast_in_dim3A_184 : i32 to vector<16xi32>
      %gather3A_186 = tpu.vector_load_idx %arg17[%add3A_58, %broadcast_in_dim3A_185] : memref<224x32xi32, #tpu.memory_space<vmem>>[vector<16xi32>, vector<16xi32>], vector<16xi32>,
      %mul3A_187 = arith.constant 256 : i32
      %mul3A_188 = arith.muli %scan3A_54, %mul3A_187 : i32
      %add3A_189 = arith.constant 224 : i32
      %add3A_190 = arith.addi %mul3A_188, %add3A_189 : i32
      %swap3A_191 = arith.index_cast %add3A_190 : i32 to index
      %swap3A_192 = tpu.vector_load %arg19[%swap3A_191] {strides = array<i32>} : memref<3584xi32, #tpu.memory_space<vmem>>, vector<16xi32>,
      tpu.vector_store %arg19[%swap3A_191], %gather3A_186 {strides = array<i32>} : memref<3584xi32, #tpu.memory_space<vmem>>, vector<16xi32>,
      %broadcast_in_dim3A_193 = arith.constant 15 : i32
      %broadcast_in_dim3A_194 = vector.broadcast %broadcast_in_dim3A_193 : i32 to vector<16xi32>
      %gather3A_195 = tpu.vector_load_idx %arg17[%add3A_58, %broadcast_in_dim3A_194] : memref<224x32xi32, #tpu.memory_space<vmem>>[vector<16xi32>, vector<16xi32>], vector<16xi32>,
      %mul3A_196 = arith.constant 256 : i32
      %mul3A_197 = arith.muli %scan3A_54, %mul3A_196 : i32
      %add3A_198 = arith.constant 240 : i32
      %add3A_199 = arith.addi %mul3A_197, %add3A_198 : i32
      %swap3A_200 = arith.index_cast %add3A_199 : i32 to index
      %swap3A_201 = tpu.vector_load %arg19[%swap3A_200] {strides = array<i32>} : memref<3584xi32, #tpu.memory_space<vmem>>, vector<16xi32>,
      tpu.vector_store %arg19[%swap3A_200], %gather3A_195 {strides = array<i32>} : memref<3584xi32, #tpu.memory_space<vmem>>, vector<16xi32>,
    }
    %scan3A_26 = arith.constant 14 : i32
    %dma_start3A_27 = arith.constant 0 : i32
    %dma_start3A_28 = tpu.memref_slice %arg8[%dma_start3A_27] : memref<100000xf32, #tpu.memory_space<vmem_shared>> -> memref<100000xf32, #tpu.memory_space<vmem_shared>>
    tpu.enqueue_indirect_dma source(%dma_start3A_28 : memref<100000xf32, #tpu.memory_space<vmem_shared>>) target(%arg21 : memref<3584xf32, #tpu.memory_space<vmem>>) offsets(%arg19 : memref<3584xi32, #tpu.memory_space<vmem>>) semaphore(%arg27 : memref<!tpu.dma_semaphore, #tpu.memory_space<semaphore_mem>>)
    %dma_start3A_29 = arith.constant 0 : i32
    %dma_start3A_30 = tpu.memref_slice %arg9[%dma_start3A_29] : memref<100000xf32, #tpu.memory_space<vmem_shared>> -> memref<100000xf32, #tpu.memory_space<vmem_shared>>
    tpu.enqueue_indirect_dma source(%dma_start3A_30 : memref<100000xf32, #tpu.memory_space<vmem_shared>>) target(%arg23 : memref<3584xf32, #tpu.memory_space<vmem>>) offsets(%arg19 : memref<3584xi32, #tpu.memory_space<vmem>>) semaphore(%arg27 : memref<!tpu.dma_semaphore, #tpu.memory_space<semaphore_mem>>)
    %dma_start3A_31 = arith.constant 0 : i32
    %dma_start3A_32 = tpu.memref_slice %arg10[%dma_start3A_31] : memref<100000xf32, #tpu.memory_space<vmem_shared>> -> memref<100000xf32, #tpu.memory_space<vmem_shared>>
    tpu.enqueue_indirect_dma source(%dma_start3A_32 : memref<100000xf32, #tpu.memory_space<vmem_shared>>) target(%arg25 : memref<3584xf32, #tpu.memory_space<vmem>>) offsets(%arg19 : memref<3584xi32, #tpu.memory_space<vmem>>) semaphore(%arg27 : memref<!tpu.dma_semaphore, #tpu.memory_space<semaphore_mem>>)
    %broadcast_in_dim3A_33 = arith.constant 3.000000e+38 : f32
    %broadcast_in_dim3A_34 = vector.broadcast %broadcast_in_dim3A_33 : f32 to vector<16xf32>
    %broadcast_in_dim3A_35 = arith.constant -3.000000e+38 : f32
    %broadcast_in_dim3A_36 = vector.broadcast %broadcast_in_dim3A_35 : f32 to vector<16xf32>
    %scan3A_37 = arith.constant 0 : i32
    %scan3A_38 = arith.constant 7 : i32
    %scan3A_39 = arith.addi %scan3A_37, %scan3A_38 : i32
    %scan3A_40 = arith.constant 1 : i32
    %scan3A_41:4 = scf.for %scan3A_54 = %scan3A_37 to %scan3A_39 step %scan3A_40 iter_args(%scan3A_55 = %broadcast_in_dim3A_6, %scan3A_56 = %broadcast_in_dim3A_6, %scan3A_57 = %broadcast_in_dim3A_34, %scan3A_58 = %broadcast_in_dim3A_36) -> (vector<16xf32>, vector<16xf32>, vector<16xf32>, vector<16xf32>)  : i32 {
      %mul3A_59 = arith.constant 2 : i32
      %mul3A_60 = arith.muli %mul3A_59, %scan3A_54 : i32
      %add3A_61 = arith.constant 0 : i32
      %add3A_62 = arith.addi %mul3A_60, %add3A_61 : i32
      %dma_wait3A = arith.constant 0 : i32
      %dma_wait3A_63 = tpu.memref_slice %arg2[%dma_wait3A] : memref<100000xf32, #tpu.memory_space<hbm>> -> memref<3584xf32, #tpu.memory_space<hbm>>
      %dma_wait3A_64 = arith.constant 0 : i32
      %dma_wait3A_65 = tpu.memref_slice %arg2[%dma_wait3A_64] : memref<100000xf32, #tpu.memory_space<hbm>> -> memref<3584xf32, #tpu.memory_space<hbm>>
      tpu.wait_dma2 semaphore(%arg26 : memref<!tpu.dma_semaphore, #tpu.memory_space<semaphore_mem>>) src(%dma_wait3A_65 : memref<3584xf32, #tpu.memory_space<hbm>>) dst(%arg20 : memref<3584xf32, #tpu.memory_space<vmem>>)
      %dma_wait3A_66 = arith.constant 0 : i32
      %dma_wait3A_67 = tpu.memref_slice %arg3[%dma_wait3A_66] : memref<100000xf32, #tpu.memory_space<hbm>> -> memref<3584xf32, #tpu.memory_space<hbm>>
      %dma_wait3A_68 = arith.constant 0 : i32
      %dma_wait3A_69 = tpu.memref_slice %arg3[%dma_wait3A_68] : memref<100000xf32, #tpu.memory_space<hbm>> -> memref<3584xf32, #tpu.memory_space<hbm>>
      tpu.wait_dma2 semaphore(%arg26 : memref<!tpu.dma_semaphore, #tpu.memory_space<semaphore_mem>>) src(%dma_wait3A_69 : memref<3584xf32, #tpu.memory_space<hbm>>) dst(%arg22 : memref<3584xf32, #tpu.memory_space<vmem>>)
      %dma_wait3A_70 = arith.constant 0 : i32
      %dma_wait3A_71 = tpu.memref_slice %arg4[%dma_wait3A_70] : memref<100000xf32, #tpu.memory_space<hbm>> -> memref<3584xf32, #tpu.memory_space<hbm>>
      %dma_wait3A_72 = arith.constant 0 : i32
      %dma_wait3A_73 = tpu.memref_slice %arg4[%dma_wait3A_72] : memref<100000xf32, #tpu.memory_space<hbm>> -> memref<3584xf32, #tpu.memory_space<hbm>>
      tpu.wait_dma2 semaphore(%arg26 : memref<!tpu.dma_semaphore, #tpu.memory_space<semaphore_mem>>) src(%dma_wait3A_73 : memref<3584xf32, #tpu.memory_space<hbm>>) dst(%arg24 : memref<3584xf32, #tpu.memory_space<vmem>>)
      %scan3A_74 = arith.constant 0 : i32
      %scan3A_75 = arith.constant 14 : i32
      %scan3A_76 = arith.addi %scan3A_74, %scan3A_75 : i32
      %scan3A_77 = arith.constant 1 : i32
      %scan3A_78:4 = scf.for %scan3A_115 = %scan3A_74 to %scan3A_76 step %scan3A_77 iter_args(%scan3A_116 = %scan3A_55, %scan3A_117 = %scan3A_56, %scan3A_118 = %scan3A_57, %scan3A_119 = %scan3A_58) -> (vector<16xf32>, vector<16xf32>, vector<16xf32>, vector<16xf32>)  : i32 {
        %mul3A_120 = arith.constant 14 : i32
        %mul3A_121 = arith.muli %add3A_62, %mul3A_120 : i32
        %add3A_122 = arith.addi %mul3A_121, %scan3A_115 : i32
        %mul3A_123 = arith.constant 16 : i32
        %mul3A_124 = arith.muli %add3A_122, %mul3A_123 : i32
        %mul3A_125 = arith.constant 256 : i32
        %mul3A_126 = arith.muli %scan3A_115, %mul3A_125 : i32
        %get3A = arith.index_cast %mul3A_124 : i32 to index
        %get3A_127 = tpu.vector_load %arg11[%get3A] {strides = array<i32>} : memref<3136xf32, #tpu.memory_space<vmem>>, vector<16xf32>,
        %get3A_128 = arith.index_cast %mul3A_124 : i32 to index
        %get3A_129 = tpu.vector_load %arg12[%get3A_128] {strides = array<i32>} : memref<3136xf32, #tpu.memory_space<vmem>>, vector<16xf32>,
        %get3A_130 = arith.index_cast %mul3A_124 : i32 to index
        %get3A_131 = tpu.vector_load %arg13[%get3A_130] {strides = array<i32>} : memref<3136xf32, #tpu.memory_space<vmem>>, vector<16xf32>,
        %add3A_132 = arith.constant 0 : i32
        %add3A_133 = arith.addi %mul3A_126, %add3A_132 : i32
        %get3A_134 = arith.index_cast %add3A_133 : i32 to index
        %get3A_135 = tpu.vector_load %arg20[%get3A_134] {strides = array<i32>} : memref<3584xf32, #tpu.memory_space<vmem>>, vector<16xf32>,
        %sub3A = arith.subf %get3A_135, %get3A_127 : vector<16xf32>
        %add3A_136 = arith.constant 0 : i32
        %add3A_137 = arith.addi %mul3A_126, %add3A_136 : i32
        %get3A_138 = arith.index_cast %add3A_137 : i32 to index
        %get3A_139 = tpu.vector_load %arg22[%get3A_138] {strides = array<i32>} : memref<3584xf32, #tpu.memory_space<vmem>>, vector<16xf32>,
        %sub3A_140 = arith.subf %get3A_139, %get3A_129 : vector<16xf32>
        %add3A_141 = arith.constant 0 : i32
        %add3A_142 = arith.addi %mul3A_126, %add3A_141 : i32
        %get3A_143 = arith.index_cast %add3A_142 : i32 to index
        %get3A_144 = tpu.vector_load %arg24[%get3A_143] {strides = array<i32>} : memref<3584xf32, #tpu.memory_space<vmem>>, vector<16xf32>,
        %sub3A_145 = arith.subf %get3A_144, %get3A_131 : vector<16xf32>
        %mul3A_146 = arith.mulf %sub3A, %sub3A : vector<16xf32>
        %mul3A_147 = arith.mulf %sub3A_140, %sub3A_140 : vector<16xf32>
        %add3A_148 = arith.addf %mul3A_146, %mul3A_147 : vector<16xf32>
        %mul3A_149 = arith.mulf %sub3A_145, %sub3A_145 : vector<16xf32>
        %add3A_150 = arith.addf %add3A_148, %mul3A_149 : vector<16xf32>
        %bitcast3A = vector.bitcast %add3A_150 : vector<16xf32> to vector<16xi32>
        %shift_right_arithmetic3A = arith.constant 1 : i32
        %shift_right_arithmetic3A_151 = vector.broadcast %shift_right_arithmetic3A : i32 to vector<16xi32>
        %shift_right_arithmetic3A_152 = arith.shrsi %bitcast3A, %shift_right_arithmetic3A_151 : vector<16xi32>
        %sub3A_153 = arith.constant 1597463007 : i32
        %sub3A_154 = vector.broadcast %sub3A_153 : i32 to vector<16xi32>
        %sub3A_155 = arith.subi %sub3A_154, %shift_right_arithmetic3A_152 : vector<16xi32>
        %bitcast3A_156 = vector.bitcast %sub3A_155 : vector<16xi32> to vector<16xf32>
        %mul3A_157 = arith.constant 5.000000e-01 : f32
        %mul3A_158 = vector.broadcast %mul3A_157 : f32 to vector<16xf32>
        %mul3A_159 = arith.mulf %mul3A_158, %add3A_150 : vector<16xf32>
        %mul3A_160 = arith.mulf %mul3A_159, %bitcast3A_156 : vector<16xf32>
        %mul3A_161 = arith.mulf %mul3A_160, %bitcast3A_156 : vector<16xf32>
        %sub3A_162 = arith.constant 1.500000e+00 : f32
        %sub3A_163 = vector.broadcast %sub3A_162 : f32 to vector<16xf32>
        %sub3A_164 = arith.subf %sub3A_163, %mul3A_161 : vector<16xf32>
        %mul3A_165 = arith.mulf %bitcast3A_156, %sub3A_164 : vector<16xf32>
        %mul3A_166 = arith.mulf %mul3A_159, %mul3A_165 : vector<16xf32>
        %mul3A_167 = arith.mulf %mul3A_166, %mul3A_165 : vector<16xf32>
        %sub3A_168 = arith.constant 1.500000e+00 : f32
        %sub3A_169 = vector.broadcast %sub3A_168 : f32 to vector<16xf32>
        %sub3A_170 = arith.subf %sub3A_169, %mul3A_167 : vector<16xf32>
        %mul3A_171 = arith.mulf %mul3A_165, %sub3A_170 : vector<16xf32>
        %mul3A_172 = arith.mulf %add3A_150, %mul3A_171 : vector<16xf32>
        %gt3A = arith.constant 9.99999996E-13 : f32
        %gt3A_173 = vector.broadcast %gt3A : f32 to vector<16xf32>
        %gt3A_174 = arith.cmpf ogt, %add3A_150, %gt3A_173 : vector<16xf32>
        %jit3A = arith.constant 0.000000e+00 : f32
        %broadcast_in_dim3A_175 = vector.broadcast %jit3A : f32 to vector<16xf32>
        %select_n3A = arith.select %gt3A_174, %mul3A_172, %broadcast_in_dim3A_175 : vector<16xi1>, vector<16xf32>
        %add3A_176 = arith.addf %broadcast_in_dim3A_6, %select_n3A : vector<16xf32>
        %jit3A_177 = arith.constant 1.000000e+00 : f32
        %jit3A_178 = arith.constant 0.000000e+00 : f32
        %broadcast_in_dim3A_179 = vector.broadcast %jit3A_177 : f32 to vector<16xf32>
        %broadcast_in_dim3A_180 = vector.broadcast %jit3A_178 : f32 to vector<16xf32>
        %select_n3A_181 = arith.select %gt3A_174, %broadcast_in_dim3A_179, %broadcast_in_dim3A_180 : vector<16xi1>, vector<16xf32>
        %add3A_182 = arith.addf %broadcast_in_dim3A_6, %select_n3A_181 : vector<16xf32>
        %add3A_183 = arith.constant 16 : i32
        %add3A_184 = arith.addi %mul3A_126, %add3A_183 : i32
        %get3A_185 = arith.index_cast %add3A_184 : i32 to index
        %get3A_186 = tpu.vector_load %arg20[%get3A_185] {strides = array<i32>} : memref<3584xf32, #tpu.memory_space<vmem>>, vector<16xf32>,
        %sub3A_187 = arith.subf %get3A_186, %get3A_127 : vector<16xf32>
        %add3A_188 = arith.constant 16 : i32
        %add3A_189 = arith.addi %mul3A_126, %add3A_188 : i32
        %get3A_190 = arith.index_cast %add3A_189 : i32 to index
        %get3A_191 = tpu.vector_load %arg22[%get3A_190] {strides = array<i32>} : memref<3584xf32, #tpu.memory_space<vmem>>, vector<16xf32>,
        %sub3A_192 = arith.subf %get3A_191, %get3A_129 : vector<16xf32>
        %add3A_193 = arith.constant 16 : i32
        %add3A_194 = arith.addi %mul3A_126, %add3A_193 : i32
        %get3A_195 = arith.index_cast %add3A_194 : i32 to index
        %get3A_196 = tpu.vector_load %arg24[%get3A_195] {strides = array<i32>} : memref<3584xf32, #tpu.memory_space<vmem>>, vector<16xf32>,
        %sub3A_197 = arith.subf %get3A_196, %get3A_131 : vector<16xf32>
        %mul3A_198 = arith.mulf %sub3A_187, %sub3A_187 : vector<16xf32>
        %mul3A_199 = arith.mulf %sub3A_192, %sub3A_192 : vector<16xf32>
        %add3A_200 = arith.addf %mul3A_198, %mul3A_199 : vector<16xf32>
        %mul3A_201 = arith.mulf %sub3A_197, %sub3A_197 : vector<16xf32>
        %add3A_202 = arith.addf %add3A_200, %mul3A_201 : vector<16xf32>
        %bitcast3A_203 = vector.bitcast %add3A_202 : vector<16xf32> to vector<16xi32>
        %shift_right_arithmetic3A_204 = arith.constant 1 : i32
        %shift_right_arithmetic3A_205 = vector.broadcast %shift_right_arithmetic3A_204 : i32 to vector<16xi32>
        %shift_right_arithmetic3A_206 = arith.shrsi %bitcast3A_203, %shift_right_arithmetic3A_205 : vector<16xi32>
        %sub3A_207 = arith.constant 1597463007 : i32
        %sub3A_208 = vector.broadcast %sub3A_207 : i32 to vector<16xi32>
        %sub3A_209 = arith.subi %sub3A_208, %shift_right_arithmetic3A_206 : vector<16xi32>
        %bitcast3A_210 = vector.bitcast %sub3A_209 : vector<16xi32> to vector<16xf32>
        %mul3A_211 = arith.constant 5.000000e-01 : f32
        %mul3A_212 = vector.broadcast %mul3A_211 : f32 to vector<16xf32>
        %mul3A_213 = arith.mulf %mul3A_212, %add3A_202 : vector<16xf32>
        %mul3A_214 = arith.mulf %mul3A_213, %bitcast3A_210 : vector<16xf32>
        %mul3A_215 = arith.mulf %mul3A_214, %bitcast3A_210 : vector<16xf32>
        %sub3A_216 = arith.constant 1.500000e+00 : f32
        %sub3A_217 = vector.broadcast %sub3A_216 : f32 to vector<16xf32>
        %sub3A_218 = arith.subf %sub3A_217, %mul3A_215 : vector<16xf32>
        %mul3A_219 = arith.mulf %bitcast3A_210, %sub3A_218 : vector<16xf32>
        %mul3A_220 = arith.mulf %mul3A_213, %mul3A_219 : vector<16xf32>
        %mul3A_221 = arith.mulf %mul3A_220, %mul3A_219 : vector<16xf32>
        %sub3A_222 = arith.constant 1.500000e+00 : f32
        %sub3A_223 = vector.broadcast %sub3A_222 : f32 to vector<16xf32>
        %sub3A_224 = arith.subf %sub3A_223, %mul3A_221 : vector<16xf32>
        %mul3A_225 = arith.mulf %mul3A_219, %sub3A_224 : vector<16xf32>
        %mul3A_226 = arith.mulf %add3A_202, %mul3A_225 : vector<16xf32>
        %gt3A_227 = arith.constant 9.99999996E-13 : f32
        %gt3A_228 = vector.broadcast %gt3A_227 : f32 to vector<16xf32>
        %gt3A_229 = arith.cmpf ogt, %add3A_202, %gt3A_228 : vector<16xf32>
        %jit3A_230 = arith.constant 0.000000e+00 : f32
        %broadcast_in_dim3A_231 = vector.broadcast %jit3A_230 : f32 to vector<16xf32>
        %select_n3A_232 = arith.select %gt3A_229, %mul3A_226, %broadcast_in_dim3A_231 : vector<16xi1>, vector<16xf32>
        %add3A_233 = arith.addf %add3A_176, %select_n3A_232 : vector<16xf32>
        %jit3A_234 = arith.constant 1.000000e+00 : f32
        %jit3A_235 = arith.constant 0.000000e+00 : f32
        %broadcast_in_dim3A_236 = vector.broadcast %jit3A_234 : f32 to vector<16xf32>
        %broadcast_in_dim3A_237 = vector.broadcast %jit3A_235 : f32 to vector<16xf32>
        %select_n3A_238 = arith.select %gt3A_229, %broadcast_in_dim3A_236, %broadcast_in_dim3A_237 : vector<16xi1>, vector<16xf32>
        %add3A_239 = arith.addf %add3A_182, %select_n3A_238 : vector<16xf32>
        %add3A_240 = arith.constant 32 : i32
        %add3A_241 = arith.addi %mul3A_126, %add3A_240 : i32
        %get3A_242 = arith.index_cast %add3A_241 : i32 to index
        %get3A_243 = tpu.vector_load %arg20[%get3A_242] {strides = array<i32>} : memref<3584xf32, #tpu.memory_space<vmem>>, vector<16xf32>,
        %sub3A_244 = arith.subf %get3A_243, %get3A_127 : vector<16xf32>
        %add3A_245 = arith.constant 32 : i32
        %add3A_246 = arith.addi %mul3A_126, %add3A_245 : i32
        %get3A_247 = arith.index_cast %add3A_246 : i32 to index
        %get3A_248 = tpu.vector_load %arg22[%get3A_247] {strides = array<i32>} : memref<3584xf32, #tpu.memory_space<vmem>>, vector<16xf32>,
        %sub3A_249 = arith.subf %get3A_248, %get3A_129 : vector<16xf32>
        %add3A_250 = arith.constant 32 : i32
        %add3A_251 = arith.addi %mul3A_126, %add3A_250 : i32
        %get3A_252 = arith.index_cast %add3A_251 : i32 to index
        %get3A_253 = tpu.vector_load %arg24[%get3A_252] {strides = array<i32>} : memref<3584xf32, #tpu.memory_space<vmem>>, vector<16xf32>,
        %sub3A_254 = arith.subf %get3A_253, %get3A_131 : vector<16xf32>
        %mul3A_255 = arith.mulf %sub3A_244, %sub3A_244 : vector<16xf32>
        %mul3A_256 = arith.mulf %sub3A_249, %sub3A_249 : vector<16xf32>
        %add3A_257 = arith.addf %mul3A_255, %mul3A_256 : vector<16xf32>
        %mul3A_258 = arith.mulf %sub3A_254, %sub3A_254 : vector<16xf32>
        %add3A_259 = arith.addf %add3A_257, %mul3A_258 : vector<16xf32>
        %bitcast3A_260 = vector.bitcast %add3A_259 : vector<16xf32> to vector<16xi32>
        %shift_right_arithmetic3A_261 = arith.constant 1 : i32
        %shift_right_arithmetic3A_262 = vector.broadcast %shift_right_arithmetic3A_261 : i32 to vector<16xi32>
        %shift_right_arithmetic3A_263 = arith.shrsi %bitcast3A_260, %shift_right_arithmetic3A_262 : vector<16xi32>
        %sub3A_264 = arith.constant 1597463007 : i32
        %sub3A_265 = vector.broadcast %sub3A_264 : i32 to vector<16xi32>
        %sub3A_266 = arith.subi %sub3A_265, %shift_right_arithmetic3A_263 : vector<16xi32>
        %bitcast3A_267 = vector.bitcast %sub3A_266 : vector<16xi32> to vector<16xf32>
        %mul3A_268 = arith.constant 5.000000e-01 : f32
        %mul3A_269 = vector.broadcast %mul3A_268 : f32 to vector<16xf32>
        %mul3A_270 = arith.mulf %mul3A_269, %add3A_259 : vector<16xf32>
        %mul3A_271 = arith.mulf %mul3A_270, %bitcast3A_267 : vector<16xf32>
        %mul3A_272 = arith.mulf %mul3A_271, %bitcast3A_267 : vector<16xf32>
        %sub3A_273 = arith.constant 1.500000e+00 : f32
        %sub3A_274 = vector.broadcast %sub3A_273 : f32 to vector<16xf32>
        %sub3A_275 = arith.subf %sub3A_274, %mul3A_272 : vector<16xf32>
        %mul3A_276 = arith.mulf %bitcast3A_267, %sub3A_275 : vector<16xf32>
        %mul3A_277 = arith.mulf %mul3A_270, %mul3A_276 : vector<16xf32>
        %mul3A_278 = arith.mulf %mul3A_277, %mul3A_276 : vector<16xf32>
        %sub3A_279 = arith.constant 1.500000e+00 : f32
        %sub3A_280 = vector.broadcast %sub3A_279 : f32 to vector<16xf32>
        %sub3A_281 = arith.subf %sub3A_280, %mul3A_278 : vector<16xf32>
        %mul3A_282 = arith.mulf %mul3A_276, %sub3A_281 : vector<16xf32>
        %mul3A_283 = arith.mulf %add3A_259, %mul3A_282 : vector<16xf32>
        %gt3A_284 = arith.constant 9.99999996E-13 : f32
        %gt3A_285 = vector.broadcast %gt3A_284 : f32 to vector<16xf32>
        %gt3A_286 = arith.cmpf ogt, %add3A_259, %gt3A_285 : vector<16xf32>
        %jit3A_287 = arith.constant 0.000000e+00 : f32
        %broadcast_in_dim3A_288 = vector.broadcast %jit3A_287 : f32 to vector<16xf32>
        %select_n3A_289 = arith.select %gt3A_286, %mul3A_283, %broadcast_in_dim3A_288 : vector<16xi1>, vector<16xf32>
        %add3A_290 = arith.addf %add3A_233, %select_n3A_289 : vector<16xf32>
        %jit3A_291 = arith.constant 1.000000e+00 : f32
        %jit3A_292 = arith.constant 0.000000e+00 : f32
        %broadcast_in_dim3A_293 = vector.broadcast %jit3A_291 : f32 to vector<16xf32>
        %broadcast_in_dim3A_294 = vector.broadcast %jit3A_292 : f32 to vector<16xf32>
        %select_n3A_295 = arith.select %gt3A_286, %broadcast_in_dim3A_293, %broadcast_in_dim3A_294 : vector<16xi1>, vector<16xf32>
        %add3A_296 = arith.addf %add3A_239, %select_n3A_295 : vector<16xf32>
        %add3A_297 = arith.constant 48 : i32
        %add3A_298 = arith.addi %mul3A_126, %add3A_297 : i32
        %get3A_299 = arith.index_cast %add3A_298 : i32 to index
        %get3A_300 = tpu.vector_load %arg20[%get3A_299] {strides = array<i32>} : memref<3584xf32, #tpu.memory_space<vmem>>, vector<16xf32>,
        %sub3A_301 = arith.subf %get3A_300, %get3A_127 : vector<16xf32>
        %add3A_302 = arith.constant 48 : i32
        %add3A_303 = arith.addi %mul3A_126, %add3A_302 : i32
        %get3A_304 = arith.index_cast %add3A_303 : i32 to index
        %get3A_305 = tpu.vector_load %arg22[%get3A_304] {strides = array<i32>} : memref<3584xf32, #tpu.memory_space<vmem>>, vector<16xf32>,
        %sub3A_306 = arith.subf %get3A_305, %get3A_129 : vector<16xf32>
        %add3A_307 = arith.constant 48 : i32
        %add3A_308 = arith.addi %mul3A_126, %add3A_307 : i32
        %get3A_309 = arith.index_cast %add3A_308 : i32 to index
        %get3A_310 = tpu.vector_load %arg24[%get3A_309] {strides = array<i32>} : memref<3584xf32, #tpu.memory_space<vmem>>, vector<16xf32>,
        %sub3A_311 = arith.subf %get3A_310, %get3A_131 : vector<16xf32>
        %mul3A_312 = arith.mulf %sub3A_301, %sub3A_301 : vector<16xf32>
        %mul3A_313 = arith.mulf %sub3A_306, %sub3A_306 : vector<16xf32>
        %add3A_314 = arith.addf %mul3A_312, %mul3A_313 : vector<16xf32>
        %mul3A_315 = arith.mulf %sub3A_311, %sub3A_311 : vector<16xf32>
        %add3A_316 = arith.addf %add3A_314, %mul3A_315 : vector<16xf32>
        %bitcast3A_317 = vector.bitcast %add3A_316 : vector<16xf32> to vector<16xi32>
        %shift_right_arithmetic3A_318 = arith.constant 1 : i32
        %shift_right_arithmetic3A_319 = vector.broadcast %shift_right_arithmetic3A_318 : i32 to vector<16xi32>
        %shift_right_arithmetic3A_320 = arith.shrsi %bitcast3A_317, %shift_right_arithmetic3A_319 : vector<16xi32>
        %sub3A_321 = arith.constant 1597463007 : i32
        %sub3A_322 = vector.broadcast %sub3A_321 : i32 to vector<16xi32>
        %sub3A_323 = arith.subi %sub3A_322, %shift_right_arithmetic3A_320 : vector<16xi32>
        %bitcast3A_324 = vector.bitcast %sub3A_323 : vector<16xi32> to vector<16xf32>
        %mul3A_325 = arith.constant 5.000000e-01 : f32
        %mul3A_326 = vector.broadcast %mul3A_325 : f32 to vector<16xf32>
        %mul3A_327 = arith.mulf %mul3A_326, %add3A_316 : vector<16xf32>
        %mul3A_328 = arith.mulf %mul3A_327, %bitcast3A_324 : vector<16xf32>
        %mul3A_329 = arith.mulf %mul3A_328, %bitcast3A_324 : vector<16xf32>
        %sub3A_330 = arith.constant 1.500000e+00 : f32
        %sub3A_331 = vector.broadcast %sub3A_330 : f32 to vector<16xf32>
        %sub3A_332 = arith.subf %sub3A_331, %mul3A_329 : vector<16xf32>
        %mul3A_333 = arith.mulf %bitcast3A_324, %sub3A_332 : vector<16xf32>
        %mul3A_334 = arith.mulf %mul3A_327, %mul3A_333 : vector<16xf32>
        %mul3A_335 = arith.mulf %mul3A_334, %mul3A_333 : vector<16xf32>
        %sub3A_336 = arith.constant 1.500000e+00 : f32
        %sub3A_337 = vector.broadcast %sub3A_336 : f32 to vector<16xf32>
        %sub3A_338 = arith.subf %sub3A_337, %mul3A_335 : vector<16xf32>
        %mul3A_339 = arith.mulf %mul3A_333, %sub3A_338 : vector<16xf32>
        %mul3A_340 = arith.mulf %add3A_316, %mul3A_339 : vector<16xf32>
        %gt3A_341 = arith.constant 9.99999996E-13 : f32
        %gt3A_342 = vector.broadcast %gt3A_341 : f32 to vector<16xf32>
        %gt3A_343 = arith.cmpf ogt, %add3A_316, %gt3A_342 : vector<16xf32>
        %jit3A_344 = arith.constant 0.000000e+00 : f32
        %broadcast_in_dim3A_345 = vector.broadcast %jit3A_344 : f32 to vector<16xf32>
        %select_n3A_346 = arith.select %gt3A_343, %mul3A_340, %broadcast_in_dim3A_345 : vector<16xi1>, vector<16xf32>
        %add3A_347 = arith.addf %add3A_290, %select_n3A_346 : vector<16xf32>
        %jit3A_348 = arith.constant 1.000000e+00 : f32
        %jit3A_349 = arith.constant 0.000000e+00 : f32
        %broadcast_in_dim3A_350 = vector.broadcast %jit3A_348 : f32 to vector<16xf32>
        %broadcast_in_dim3A_351 = vector.broadcast %jit3A_349 : f32 to vector<16xf32>
        %select_n3A_352 = arith.select %gt3A_343, %broadcast_in_dim3A_350, %broadcast_in_dim3A_351 : vector<16xi1>, vector<16xf32>
        %add3A_353 = arith.addf %add3A_296, %select_n3A_352 : vector<16xf32>
        %add3A_354 = arith.constant 64 : i32
        %add3A_355 = arith.addi %mul3A_126, %add3A_354 : i32
        %get3A_356 = arith.index_cast %add3A_355 : i32 to index
        %get3A_357 = tpu.vector_load %arg20[%get3A_356] {strides = array<i32>} : memref<3584xf32, #tpu.memory_space<vmem>>, vector<16xf32>,
        %sub3A_358 = arith.subf %get3A_357, %get3A_127 : vector<16xf32>
        %add3A_359 = arith.constant 64 : i32
        %add3A_360 = arith.addi %mul3A_126, %add3A_359 : i32
        %get3A_361 = arith.index_cast %add3A_360 : i32 to index
        %get3A_362 = tpu.vector_load %arg22[%get3A_361] {strides = array<i32>} : memref<3584xf32, #tpu.memory_space<vmem>>, vector<16xf32>,
        %sub3A_363 = arith.subf %get3A_362, %get3A_129 : vector<16xf32>
        %add3A_364 = arith.constant 64 : i32
        %add3A_365 = arith.addi %mul3A_126, %add3A_364 : i32
        %get3A_366 = arith.index_cast %add3A_365 : i32 to index
        %get3A_367 = tpu.vector_load %arg24[%get3A_366] {strides = array<i32>} : memref<3584xf32, #tpu.memory_space<vmem>>, vector<16xf32>,
        %sub3A_368 = arith.subf %get3A_367, %get3A_131 : vector<16xf32>
        %mul3A_369 = arith.mulf %sub3A_358, %sub3A_358 : vector<16xf32>
        %mul3A_370 = arith.mulf %sub3A_363, %sub3A_363 : vector<16xf32>
        %add3A_371 = arith.addf %mul3A_369, %mul3A_370 : vector<16xf32>
        %mul3A_372 = arith.mulf %sub3A_368, %sub3A_368 : vector<16xf32>
        %add3A_373 = arith.addf %add3A_371, %mul3A_372 : vector<16xf32>
        %bitcast3A_374 = vector.bitcast %add3A_373 : vector<16xf32> to vector<16xi32>
        %shift_right_arithmetic3A_375 = arith.constant 1 : i32
        %shift_right_arithmetic3A_376 = vector.broadcast %shift_right_arithmetic3A_375 : i32 to vector<16xi32>
        %shift_right_arithmetic3A_377 = arith.shrsi %bitcast3A_374, %shift_right_arithmetic3A_376 : vector<16xi32>
        %sub3A_378 = arith.constant 1597463007 : i32
        %sub3A_379 = vector.broadcast %sub3A_378 : i32 to vector<16xi32>
        %sub3A_380 = arith.subi %sub3A_379, %shift_right_arithmetic3A_377 : vector<16xi32>
        %bitcast3A_381 = vector.bitcast %sub3A_380 : vector<16xi32> to vector<16xf32>
        %mul3A_382 = arith.constant 5.000000e-01 : f32
        %mul3A_383 = vector.broadcast %mul3A_382 : f32 to vector<16xf32>
        %mul3A_384 = arith.mulf %mul3A_383, %add3A_373 : vector<16xf32>
        %mul3A_385 = arith.mulf %mul3A_384, %bitcast3A_381 : vector<16xf32>
        %mul3A_386 = arith.mulf %mul3A_385, %bitcast3A_381 : vector<16xf32>
        %sub3A_387 = arith.constant 1.500000e+00 : f32
        %sub3A_388 = vector.broadcast %sub3A_387 : f32 to vector<16xf32>
        %sub3A_389 = arith.subf %sub3A_388, %mul3A_386 : vector<16xf32>
        %mul3A_390 = arith.mulf %bitcast3A_381, %sub3A_389 : vector<16xf32>
        %mul3A_391 = arith.mulf %mul3A_384, %mul3A_390 : vector<16xf32>
        %mul3A_392 = arith.mulf %mul3A_391, %mul3A_390 : vector<16xf32>
        %sub3A_393 = arith.constant 1.500000e+00 : f32
        %sub3A_394 = vector.broadcast %sub3A_393 : f32 to vector<16xf32>
        %sub3A_395 = arith.subf %sub3A_394, %mul3A_392 : vector<16xf32>
        %mul3A_396 = arith.mulf %mul3A_390, %sub3A_395 : vector<16xf32>
        %mul3A_397 = arith.mulf %add3A_373, %mul3A_396 : vector<16xf32>
        %gt3A_398 = arith.constant 9.99999996E-13 : f32
        %gt3A_399 = vector.broadcast %gt3A_398 : f32 to vector<16xf32>
        %gt3A_400 = arith.cmpf ogt, %add3A_373, %gt3A_399 : vector<16xf32>
        %jit3A_401 = arith.constant 0.000000e+00 : f32
        %broadcast_in_dim3A_402 = vector.broadcast %jit3A_401 : f32 to vector<16xf32>
        %select_n3A_403 = arith.select %gt3A_400, %mul3A_397, %broadcast_in_dim3A_402 : vector<16xi1>, vector<16xf32>
        %add3A_404 = arith.addf %add3A_347, %select_n3A_403 : vector<16xf32>
        %jit3A_405 = arith.constant 1.000000e+00 : f32
        %jit3A_406 = arith.constant 0.000000e+00 : f32
        %broadcast_in_dim3A_407 = vector.broadcast %jit3A_405 : f32 to vector<16xf32>
        %broadcast_in_dim3A_408 = vector.broadcast %jit3A_406 : f32 to vector<16xf32>
        %select_n3A_409 = arith.select %gt3A_400, %broadcast_in_dim3A_407, %broadcast_in_dim3A_408 : vector<16xi1>, vector<16xf32>
        %add3A_410 = arith.addf %add3A_353, %select_n3A_409 : vector<16xf32>
        %add3A_411 = arith.constant 80 : i32
        %add3A_412 = arith.addi %mul3A_126, %add3A_411 : i32
        %get3A_413 = arith.index_cast %add3A_412 : i32 to index
        %get3A_414 = tpu.vector_load %arg20[%get3A_413] {strides = array<i32>} : memref<3584xf32, #tpu.memory_space<vmem>>, vector<16xf32>,
        %sub3A_415 = arith.subf %get3A_414, %get3A_127 : vector<16xf32>
        %add3A_416 = arith.constant 80 : i32
        %add3A_417 = arith.addi %mul3A_126, %add3A_416 : i32
        %get3A_418 = arith.index_cast %add3A_417 : i32 to index
        %get3A_419 = tpu.vector_load %arg22[%get3A_418] {strides = array<i32>} : memref<3584xf32, #tpu.memory_space<vmem>>, vector<16xf32>,
        %sub3A_420 = arith.subf %get3A_419, %get3A_129 : vector<16xf32>
        %add3A_421 = arith.constant 80 : i32
        %add3A_422 = arith.addi %mul3A_126, %add3A_421 : i32
        %get3A_423 = arith.index_cast %add3A_422 : i32 to index
        %get3A_424 = tpu.vector_load %arg24[%get3A_423] {strides = array<i32>} : memref<3584xf32, #tpu.memory_space<vmem>>, vector<16xf32>,
        %sub3A_425 = arith.subf %get3A_424, %get3A_131 : vector<16xf32>
        %mul3A_426 = arith.mulf %sub3A_415, %sub3A_415 : vector<16xf32>
        %mul3A_427 = arith.mulf %sub3A_420, %sub3A_420 : vector<16xf32>
        %add3A_428 = arith.addf %mul3A_426, %mul3A_427 : vector<16xf32>
        %mul3A_429 = arith.mulf %sub3A_425, %sub3A_425 : vector<16xf32>
        %add3A_430 = arith.addf %add3A_428, %mul3A_429 : vector<16xf32>
        %bitcast3A_431 = vector.bitcast %add3A_430 : vector<16xf32> to vector<16xi32>
        %shift_right_arithmetic3A_432 = arith.constant 1 : i32
        %shift_right_arithmetic3A_433 = vector.broadcast %shift_right_arithmetic3A_432 : i32 to vector<16xi32>
        %shift_right_arithmetic3A_434 = arith.shrsi %bitcast3A_431, %shift_right_arithmetic3A_433 : vector<16xi32>
        %sub3A_435 = arith.constant 1597463007 : i32
        %sub3A_436 = vector.broadcast %sub3A_435 : i32 to vector<16xi32>
        %sub3A_437 = arith.subi %sub3A_436, %shift_right_arithmetic3A_434 : vector<16xi32>
        %bitcast3A_438 = vector.bitcast %sub3A_437 : vector<16xi32> to vector<16xf32>
        %mul3A_439 = arith.constant 5.000000e-01 : f32
        %mul3A_440 = vector.broadcast %mul3A_439 : f32 to vector<16xf32>
        %mul3A_441 = arith.mulf %mul3A_440, %add3A_430 : vector<16xf32>
        %mul3A_442 = arith.mulf %mul3A_441, %bitcast3A_438 : vector<16xf32>
        %mul3A_443 = arith.mulf %mul3A_442, %bitcast3A_438 : vector<16xf32>
        %sub3A_444 = arith.constant 1.500000e+00 : f32
        %sub3A_445 = vector.broadcast %sub3A_444 : f32 to vector<16xf32>
        %sub3A_446 = arith.subf %sub3A_445, %mul3A_443 : vector<16xf32>
        %mul3A_447 = arith.mulf %bitcast3A_438, %sub3A_446 : vector<16xf32>
        %mul3A_448 = arith.mulf %mul3A_441, %mul3A_447 : vector<16xf32>
        %mul3A_449 = arith.mulf %mul3A_448, %mul3A_447 : vector<16xf32>
        %sub3A_450 = arith.constant 1.500000e+00 : f32
        %sub3A_451 = vector.broadcast %sub3A_450 : f32 to vector<16xf32>
        %sub3A_452 = arith.subf %sub3A_451, %mul3A_449 : vector<16xf32>
        %mul3A_453 = arith.mulf %mul3A_447, %sub3A_452 : vector<16xf32>
        %mul3A_454 = arith.mulf %add3A_430, %mul3A_453 : vector<16xf32>
        %gt3A_455 = arith.constant 9.99999996E-13 : f32
        %gt3A_456 = vector.broadcast %gt3A_455 : f32 to vector<16xf32>
        %gt3A_457 = arith.cmpf ogt, %add3A_430, %gt3A_456 : vector<16xf32>
        %jit3A_458 = arith.constant 0.000000e+00 : f32
        %broadcast_in_dim3A_459 = vector.broadcast %jit3A_458 : f32 to vector<16xf32>
        %select_n3A_460 = arith.select %gt3A_457, %mul3A_454, %broadcast_in_dim3A_459 : vector<16xi1>, vector<16xf32>
        %add3A_461 = arith.addf %add3A_404, %select_n3A_460 : vector<16xf32>
        %jit3A_462 = arith.constant 1.000000e+00 : f32
        %jit3A_463 = arith.constant 0.000000e+00 : f32
        %broadcast_in_dim3A_464 = vector.broadcast %jit3A_462 : f32 to vector<16xf32>
        %broadcast_in_dim3A_465 = vector.broadcast %jit3A_463 : f32 to vector<16xf32>
        %select_n3A_466 = arith.select %gt3A_457, %broadcast_in_dim3A_464, %broadcast_in_dim3A_465 : vector<16xi1>, vector<16xf32>
        %add3A_467 = arith.addf %add3A_410, %select_n3A_466 : vector<16xf32>
        %add3A_468 = arith.constant 96 : i32
        %add3A_469 = arith.addi %mul3A_126, %add3A_468 : i32
        %get3A_470 = arith.index_cast %add3A_469 : i32 to index
        %get3A_471 = tpu.vector_load %arg20[%get3A_470] {strides = array<i32>} : memref<3584xf32, #tpu.memory_space<vmem>>, vector<16xf32>,
        %sub3A_472 = arith.subf %get3A_471, %get3A_127 : vector<16xf32>
        %add3A_473 = arith.constant 96 : i32
        %add3A_474 = arith.addi %mul3A_126, %add3A_473 : i32
        %get3A_475 = arith.index_cast %add3A_474 : i32 to index
        %get3A_476 = tpu.vector_load %arg22[%get3A_475] {strides = array<i32>} : memref<3584xf32, #tpu.memory_space<vmem>>, vector<16xf32>,
        %sub3A_477 = arith.subf %get3A_476, %get3A_129 : vector<16xf32>
        %add3A_478 = arith.constant 96 : i32
        %add3A_479 = arith.addi %mul3A_126, %add3A_478 : i32
        %get3A_480 = arith.index_cast %add3A_479 : i32 to index
        %get3A_481 = tpu.vector_load %arg24[%get3A_480] {strides = array<i32>} : memref<3584xf32, #tpu.memory_space<vmem>>, vector<16xf32>,
        %sub3A_482 = arith.subf %get3A_481, %get3A_131 : vector<16xf32>
        %mul3A_483 = arith.mulf %sub3A_472, %sub3A_472 : vector<16xf32>
        %mul3A_484 = arith.mulf %sub3A_477, %sub3A_477 : vector<16xf32>
        %add3A_485 = arith.addf %mul3A_483, %mul3A_484 : vector<16xf32>
        %mul3A_486 = arith.mulf %sub3A_482, %sub3A_482 : vector<16xf32>
        %add3A_487 = arith.addf %add3A_485, %mul3A_486 : vector<16xf32>
        %bitcast3A_488 = vector.bitcast %add3A_487 : vector<16xf32> to vector<16xi32>
        %shift_right_arithmetic3A_489 = arith.constant 1 : i32
        %shift_right_arithmetic3A_490 = vector.broadcast %shift_right_arithmetic3A_489 : i32 to vector<16xi32>
        %shift_right_arithmetic3A_491 = arith.shrsi %bitcast3A_488, %shift_right_arithmetic3A_490 : vector<16xi32>
        %sub3A_492 = arith.constant 1597463007 : i32
        %sub3A_493 = vector.broadcast %sub3A_492 : i32 to vector<16xi32>
        %sub3A_494 = arith.subi %sub3A_493, %shift_right_arithmetic3A_491 : vector<16xi32>
        %bitcast3A_495 = vector.bitcast %sub3A_494 : vector<16xi32> to vector<16xf32>
        %mul3A_496 = arith.constant 5.000000e-01 : f32
        %mul3A_497 = vector.broadcast %mul3A_496 : f32 to vector<16xf32>
        %mul3A_498 = arith.mulf %mul3A_497, %add3A_487 : vector<16xf32>
        %mul3A_499 = arith.mulf %mul3A_498, %bitcast3A_495 : vector<16xf32>
        %mul3A_500 = arith.mulf %mul3A_499, %bitcast3A_495 : vector<16xf32>
        %sub3A_501 = arith.constant 1.500000e+00 : f32
        %sub3A_502 = vector.broadcast %sub3A_501 : f32 to vector<16xf32>
        %sub3A_503 = arith.subf %sub3A_502, %mul3A_500 : vector<16xf32>
        %mul3A_504 = arith.mulf %bitcast3A_495, %sub3A_503 : vector<16xf32>
        %mul3A_505 = arith.mulf %mul3A_498, %mul3A_504 : vector<16xf32>
        %mul3A_506 = arith.mulf %mul3A_505, %mul3A_504 : vector<16xf32>
        %sub3A_507 = arith.constant 1.500000e+00 : f32
        %sub3A_508 = vector.broadcast %sub3A_507 : f32 to vector<16xf32>
        %sub3A_509 = arith.subf %sub3A_508, %mul3A_506 : vector<16xf32>
        %mul3A_510 = arith.mulf %mul3A_504, %sub3A_509 : vector<16xf32>
        %mul3A_511 = arith.mulf %add3A_487, %mul3A_510 : vector<16xf32>
        %gt3A_512 = arith.constant 9.99999996E-13 : f32
        %gt3A_513 = vector.broadcast %gt3A_512 : f32 to vector<16xf32>
        %gt3A_514 = arith.cmpf ogt, %add3A_487, %gt3A_513 : vector<16xf32>
        %jit3A_515 = arith.constant 0.000000e+00 : f32
        %broadcast_in_dim3A_516 = vector.broadcast %jit3A_515 : f32 to vector<16xf32>
        %select_n3A_517 = arith.select %gt3A_514, %mul3A_511, %broadcast_in_dim3A_516 : vector<16xi1>, vector<16xf32>
        %add3A_518 = arith.addf %add3A_461, %select_n3A_517 : vector<16xf32>
        %jit3A_519 = arith.constant 1.000000e+00 : f32
        %jit3A_520 = arith.constant 0.000000e+00 : f32
        %broadcast_in_dim3A_521 = vector.broadcast %jit3A_519 : f32 to vector<16xf32>
        %broadcast_in_dim3A_522 = vector.broadcast %jit3A_520 : f32 to vector<16xf32>
        %select_n3A_523 = arith.select %gt3A_514, %broadcast_in_dim3A_521, %broadcast_in_dim3A_522 : vector<16xi1>, vector<16xf32>
        %add3A_524 = arith.addf %add3A_467, %select_n3A_523 : vector<16xf32>
        %add3A_525 = arith.constant 112 : i32
        %add3A_526 = arith.addi %mul3A_126, %add3A_525 : i32
        %get3A_527 = arith.index_cast %add3A_526 : i32 to index
        %get3A_528 = tpu.vector_load %arg20[%get3A_527] {strides = array<i32>} : memref<3584xf32, #tpu.memory_space<vmem>>, vector<16xf32>,
        %sub3A_529 = arith.subf %get3A_528, %get3A_127 : vector<16xf32>
        %add3A_530 = arith.constant 112 : i32
        %add3A_531 = arith.addi %mul3A_126, %add3A_530 : i32
        %get3A_532 = arith.index_cast %add3A_531 : i32 to index
        %get3A_533 = tpu.vector_load %arg22[%get3A_532] {strides = array<i32>} : memref<3584xf32, #tpu.memory_space<vmem>>, vector<16xf32>,
        %sub3A_534 = arith.subf %get3A_533, %get3A_129 : vector<16xf32>
        %add3A_535 = arith.constant 112 : i32
        %add3A_536 = arith.addi %mul3A_126, %add3A_535 : i32
        %get3A_537 = arith.index_cast %add3A_536 : i32 to index
        %get3A_538 = tpu.vector_load %arg24[%get3A_537] {strides = array<i32>} : memref<3584xf32, #tpu.memory_space<vmem>>, vector<16xf32>,
        %sub3A_539 = arith.subf %get3A_538, %get3A_131 : vector<16xf32>
        %mul3A_540 = arith.mulf %sub3A_529, %sub3A_529 : vector<16xf32>
        %mul3A_541 = arith.mulf %sub3A_534, %sub3A_534 : vector<16xf32>
        %add3A_542 = arith.addf %mul3A_540, %mul3A_541 : vector<16xf32>
        %mul3A_543 = arith.mulf %sub3A_539, %sub3A_539 : vector<16xf32>
        %add3A_544 = arith.addf %add3A_542, %mul3A_543 : vector<16xf32>
        %bitcast3A_545 = vector.bitcast %add3A_544 : vector<16xf32> to vector<16xi32>
        %shift_right_arithmetic3A_546 = arith.constant 1 : i32
        %shift_right_arithmetic3A_547 = vector.broadcast %shift_right_arithmetic3A_546 : i32 to vector<16xi32>
        %shift_right_arithmetic3A_548 = arith.shrsi %bitcast3A_545, %shift_right_arithmetic3A_547 : vector<16xi32>
        %sub3A_549 = arith.constant 1597463007 : i32
        %sub3A_550 = vector.broadcast %sub3A_549 : i32 to vector<16xi32>
        %sub3A_551 = arith.subi %sub3A_550, %shift_right_arithmetic3A_548 : vector<16xi32>
        %bitcast3A_552 = vector.bitcast %sub3A_551 : vector<16xi32> to vector<16xf32>
        %mul3A_553 = arith.constant 5.000000e-01 : f32
        %mul3A_554 = vector.broadcast %mul3A_553 : f32 to vector<16xf32>
        %mul3A_555 = arith.mulf %mul3A_554, %add3A_544 : vector<16xf32>
        %mul3A_556 = arith.mulf %mul3A_555, %bitcast3A_552 : vector<16xf32>
        %mul3A_557 = arith.mulf %mul3A_556, %bitcast3A_552 : vector<16xf32>
        %sub3A_558 = arith.constant 1.500000e+00 : f32
        %sub3A_559 = vector.broadcast %sub3A_558 : f32 to vector<16xf32>
        %sub3A_560 = arith.subf %sub3A_559, %mul3A_557 : vector<16xf32>
        %mul3A_561 = arith.mulf %bitcast3A_552, %sub3A_560 : vector<16xf32>
        %mul3A_562 = arith.mulf %mul3A_555, %mul3A_561 : vector<16xf32>
        %mul3A_563 = arith.mulf %mul3A_562, %mul3A_561 : vector<16xf32>
        %sub3A_564 = arith.constant 1.500000e+00 : f32
        %sub3A_565 = vector.broadcast %sub3A_564 : f32 to vector<16xf32>
        %sub3A_566 = arith.subf %sub3A_565, %mul3A_563 : vector<16xf32>
        %mul3A_567 = arith.mulf %mul3A_561, %sub3A_566 : vector<16xf32>
        %mul3A_568 = arith.mulf %add3A_544, %mul3A_567 : vector<16xf32>
        %gt3A_569 = arith.constant 9.99999996E-13 : f32
        %gt3A_570 = vector.broadcast %gt3A_569 : f32 to vector<16xf32>
        %gt3A_571 = arith.cmpf ogt, %add3A_544, %gt3A_570 : vector<16xf32>
        %jit3A_572 = arith.constant 0.000000e+00 : f32
        %broadcast_in_dim3A_573 = vector.broadcast %jit3A_572 : f32 to vector<16xf32>
        %select_n3A_574 = arith.select %gt3A_571, %mul3A_568, %broadcast_in_dim3A_573 : vector<16xi1>, vector<16xf32>
        %add3A_575 = arith.addf %add3A_518, %select_n3A_574 : vector<16xf32>
        %jit3A_576 = arith.constant 1.000000e+00 : f32
        %jit3A_577 = arith.constant 0.000000e+00 : f32
        %broadcast_in_dim3A_578 = vector.broadcast %jit3A_576 : f32 to vector<16xf32>
        %broadcast_in_dim3A_579 = vector.broadcast %jit3A_577 : f32 to vector<16xf32>
        %select_n3A_580 = arith.select %gt3A_571, %broadcast_in_dim3A_578, %broadcast_in_dim3A_579 : vector<16xi1>, vector<16xf32>
        %add3A_581 = arith.addf %add3A_524, %select_n3A_580 : vector<16xf32>
        %add3A_582 = arith.constant 128 : i32
        %add3A_583 = arith.addi %mul3A_126, %add3A_582 : i32
        %get3A_584 = arith.index_cast %add3A_583 : i32 to index
        %get3A_585 = tpu.vector_load %arg20[%get3A_584] {strides = array<i32>} : memref<3584xf32, #tpu.memory_space<vmem>>, vector<16xf32>,
        %sub3A_586 = arith.subf %get3A_585, %get3A_127 : vector<16xf32>
        %add3A_587 = arith.constant 128 : i32
        %add3A_588 = arith.addi %mul3A_126, %add3A_587 : i32
        %get3A_589 = arith.index_cast %add3A_588 : i32 to index
        %get3A_590 = tpu.vector_load %arg22[%get3A_589] {strides = array<i32>} : memref<3584xf32, #tpu.memory_space<vmem>>, vector<16xf32>,
        %sub3A_591 = arith.subf %get3A_590, %get3A_129 : vector<16xf32>
        %add3A_592 = arith.constant 128 : i32
        %add3A_593 = arith.addi %mul3A_126, %add3A_592 : i32
        %get3A_594 = arith.index_cast %add3A_593 : i32 to index
        %get3A_595 = tpu.vector_load %arg24[%get3A_594] {strides = array<i32>} : memref<3584xf32, #tpu.memory_space<vmem>>, vector<16xf32>,
        %sub3A_596 = arith.subf %get3A_595, %get3A_131 : vector<16xf32>
        %mul3A_597 = arith.mulf %sub3A_586, %sub3A_586 : vector<16xf32>
        %mul3A_598 = arith.mulf %sub3A_591, %sub3A_591 : vector<16xf32>
        %add3A_599 = arith.addf %mul3A_597, %mul3A_598 : vector<16xf32>
        %mul3A_600 = arith.mulf %sub3A_596, %sub3A_596 : vector<16xf32>
        %add3A_601 = arith.addf %add3A_599, %mul3A_600 : vector<16xf32>
        %bitcast3A_602 = vector.bitcast %add3A_601 : vector<16xf32> to vector<16xi32>
        %shift_right_arithmetic3A_603 = arith.constant 1 : i32
        %shift_right_arithmetic3A_604 = vector.broadcast %shift_right_arithmetic3A_603 : i32 to vector<16xi32>
        %shift_right_arithmetic3A_605 = arith.shrsi %bitcast3A_602, %shift_right_arithmetic3A_604 : vector<16xi32>
        %sub3A_606 = arith.constant 1597463007 : i32
        %sub3A_607 = vector.broadcast %sub3A_606 : i32 to vector<16xi32>
        %sub3A_608 = arith.subi %sub3A_607, %shift_right_arithmetic3A_605 : vector<16xi32>
        %bitcast3A_609 = vector.bitcast %sub3A_608 : vector<16xi32> to vector<16xf32>
        %mul3A_610 = arith.constant 5.000000e-01 : f32
        %mul3A_611 = vector.broadcast %mul3A_610 : f32 to vector<16xf32>
        %mul3A_612 = arith.mulf %mul3A_611, %add3A_601 : vector<16xf32>
        %mul3A_613 = arith.mulf %mul3A_612, %bitcast3A_609 : vector<16xf32>
        %mul3A_614 = arith.mulf %mul3A_613, %bitcast3A_609 : vector<16xf32>
        %sub3A_615 = arith.constant 1.500000e+00 : f32
        %sub3A_616 = vector.broadcast %sub3A_615 : f32 to vector<16xf32>
        %sub3A_617 = arith.subf %sub3A_616, %mul3A_614 : vector<16xf32>
        %mul3A_618 = arith.mulf %bitcast3A_609, %sub3A_617 : vector<16xf32>
        %mul3A_619 = arith.mulf %mul3A_612, %mul3A_618 : vector<16xf32>
        %mul3A_620 = arith.mulf %mul3A_619, %mul3A_618 : vector<16xf32>
        %sub3A_621 = arith.constant 1.500000e+00 : f32
        %sub3A_622 = vector.broadcast %sub3A_621 : f32 to vector<16xf32>
        %sub3A_623 = arith.subf %sub3A_622, %mul3A_620 : vector<16xf32>
        %mul3A_624 = arith.mulf %mul3A_618, %sub3A_623 : vector<16xf32>
        %mul3A_625 = arith.mulf %add3A_601, %mul3A_624 : vector<16xf32>
        %gt3A_626 = arith.constant 9.99999996E-13 : f32
        %gt3A_627 = vector.broadcast %gt3A_626 : f32 to vector<16xf32>
        %gt3A_628 = arith.cmpf ogt, %add3A_601, %gt3A_627 : vector<16xf32>
        %jit3A_629 = arith.constant 0.000000e+00 : f32
        %broadcast_in_dim3A_630 = vector.broadcast %jit3A_629 : f32 to vector<16xf32>
        %select_n3A_631 = arith.select %gt3A_628, %mul3A_625, %broadcast_in_dim3A_630 : vector<16xi1>, vector<16xf32>
        %add3A_632 = arith.addf %add3A_575, %select_n3A_631 : vector<16xf32>
        %jit3A_633 = arith.constant 1.000000e+00 : f32
        %jit3A_634 = arith.constant 0.000000e+00 : f32
        %broadcast_in_dim3A_635 = vector.broadcast %jit3A_633 : f32 to vector<16xf32>
        %broadcast_in_dim3A_636 = vector.broadcast %jit3A_634 : f32 to vector<16xf32>
        %select_n3A_637 = arith.select %gt3A_628, %broadcast_in_dim3A_635, %broadcast_in_dim3A_636 : vector<16xi1>, vector<16xf32>
        %add3A_638 = arith.addf %add3A_581, %select_n3A_637 : vector<16xf32>
        %add3A_639 = arith.constant 144 : i32
        %add3A_640 = arith.addi %mul3A_126, %add3A_639 : i32
        %get3A_641 = arith.index_cast %add3A_640 : i32 to index
        %get3A_642 = tpu.vector_load %arg20[%get3A_641] {strides = array<i32>} : memref<3584xf32, #tpu.memory_space<vmem>>, vector<16xf32>,
        %sub3A_643 = arith.subf %get3A_642, %get3A_127 : vector<16xf32>
        %add3A_644 = arith.constant 144 : i32
        %add3A_645 = arith.addi %mul3A_126, %add3A_644 : i32
        %get3A_646 = arith.index_cast %add3A_645 : i32 to index
        %get3A_647 = tpu.vector_load %arg22[%get3A_646] {strides = array<i32>} : memref<3584xf32, #tpu.memory_space<vmem>>, vector<16xf32>,
        %sub3A_648 = arith.subf %get3A_647, %get3A_129 : vector<16xf32>
        %add3A_649 = arith.constant 144 : i32
        %add3A_650 = arith.addi %mul3A_126, %add3A_649 : i32
        %get3A_651 = arith.index_cast %add3A_650 : i32 to index
        %get3A_652 = tpu.vector_load %arg24[%get3A_651] {strides = array<i32>} : memref<3584xf32, #tpu.memory_space<vmem>>, vector<16xf32>,
        %sub3A_653 = arith.subf %get3A_652, %get3A_131 : vector<16xf32>
        %mul3A_654 = arith.mulf %sub3A_643, %sub3A_643 : vector<16xf32>
        %mul3A_655 = arith.mulf %sub3A_648, %sub3A_648 : vector<16xf32>
        %add3A_656 = arith.addf %mul3A_654, %mul3A_655 : vector<16xf32>
        %mul3A_657 = arith.mulf %sub3A_653, %sub3A_653 : vector<16xf32>
        %add3A_658 = arith.addf %add3A_656, %mul3A_657 : vector<16xf32>
        %bitcast3A_659 = vector.bitcast %add3A_658 : vector<16xf32> to vector<16xi32>
        %shift_right_arithmetic3A_660 = arith.constant 1 : i32
        %shift_right_arithmetic3A_661 = vector.broadcast %shift_right_arithmetic3A_660 : i32 to vector<16xi32>
        %shift_right_arithmetic3A_662 = arith.shrsi %bitcast3A_659, %shift_right_arithmetic3A_661 : vector<16xi32>
        %sub3A_663 = arith.constant 1597463007 : i32
        %sub3A_664 = vector.broadcast %sub3A_663 : i32 to vector<16xi32>
        %sub3A_665 = arith.subi %sub3A_664, %shift_right_arithmetic3A_662 : vector<16xi32>
        %bitcast3A_666 = vector.bitcast %sub3A_665 : vector<16xi32> to vector<16xf32>
        %mul3A_667 = arith.constant 5.000000e-01 : f32
        %mul3A_668 = vector.broadcast %mul3A_667 : f32 to vector<16xf32>
        %mul3A_669 = arith.mulf %mul3A_668, %add3A_658 : vector<16xf32>
        %mul3A_670 = arith.mulf %mul3A_669, %bitcast3A_666 : vector<16xf32>
        %mul3A_671 = arith.mulf %mul3A_670, %bitcast3A_666 : vector<16xf32>
        %sub3A_672 = arith.constant 1.500000e+00 : f32
        %sub3A_673 = vector.broadcast %sub3A_672 : f32 to vector<16xf32>
        %sub3A_674 = arith.subf %sub3A_673, %mul3A_671 : vector<16xf32>
        %mul3A_675 = arith.mulf %bitcast3A_666, %sub3A_674 : vector<16xf32>
        %mul3A_676 = arith.mulf %mul3A_669, %mul3A_675 : vector<16xf32>
        %mul3A_677 = arith.mulf %mul3A_676, %mul3A_675 : vector<16xf32>
        %sub3A_678 = arith.constant 1.500000e+00 : f32
        %sub3A_679 = vector.broadcast %sub3A_678 : f32 to vector<16xf32>
        %sub3A_680 = arith.subf %sub3A_679, %mul3A_677 : vector<16xf32>
        %mul3A_681 = arith.mulf %mul3A_675, %sub3A_680 : vector<16xf32>
        %mul3A_682 = arith.mulf %add3A_658, %mul3A_681 : vector<16xf32>
        %gt3A_683 = arith.constant 9.99999996E-13 : f32
        %gt3A_684 = vector.broadcast %gt3A_683 : f32 to vector<16xf32>
        %gt3A_685 = arith.cmpf ogt, %add3A_658, %gt3A_684 : vector<16xf32>
        %jit3A_686 = arith.constant 0.000000e+00 : f32
        %broadcast_in_dim3A_687 = vector.broadcast %jit3A_686 : f32 to vector<16xf32>
        %select_n3A_688 = arith.select %gt3A_685, %mul3A_682, %broadcast_in_dim3A_687 : vector<16xi1>, vector<16xf32>
        %add3A_689 = arith.addf %add3A_632, %select_n3A_688 : vector<16xf32>
        %jit3A_690 = arith.constant 1.000000e+00 : f32
        %jit3A_691 = arith.constant 0.000000e+00 : f32
        %broadcast_in_dim3A_692 = vector.broadcast %jit3A_690 : f32 to vector<16xf32>
        %broadcast_in_dim3A_693 = vector.broadcast %jit3A_691 : f32 to vector<16xf32>
        %select_n3A_694 = arith.select %gt3A_685, %broadcast_in_dim3A_692, %broadcast_in_dim3A_693 : vector<16xi1>, vector<16xf32>
        %add3A_695 = arith.addf %add3A_638, %select_n3A_694 : vector<16xf32>
        %add3A_696 = arith.constant 160 : i32
        %add3A_697 = arith.addi %mul3A_126, %add3A_696 : i32
        %get3A_698 = arith.index_cast %add3A_697 : i32 to index
        %get3A_699 = tpu.vector_load %arg20[%get3A_698] {strides = array<i32>} : memref<3584xf32, #tpu.memory_space<vmem>>, vector<16xf32>,
        %sub3A_700 = arith.subf %get3A_699, %get3A_127 : vector<16xf32>
        %add3A_701 = arith.constant 160 : i32
        %add3A_702 = arith.addi %mul3A_126, %add3A_701 : i32
        %get3A_703 = arith.index_cast %add3A_702 : i32 to index
        %get3A_704 = tpu.vector_load %arg22[%get3A_703] {strides = array<i32>} : memref<3584xf32, #tpu.memory_space<vmem>>, vector<16xf32>,
        %sub3A_705 = arith.subf %get3A_704, %get3A_129 : vector<16xf32>
        %add3A_706 = arith.constant 160 : i32
        %add3A_707 = arith.addi %mul3A_126, %add3A_706 : i32
        %get3A_708 = arith.index_cast %add3A_707 : i32 to index
        %get3A_709 = tpu.vector_load %arg24[%get3A_708] {strides = array<i32>} : memref<3584xf32, #tpu.memory_space<vmem>>, vector<16xf32>,
        %sub3A_710 = arith.subf %get3A_709, %get3A_131 : vector<16xf32>
        %mul3A_711 = arith.mulf %sub3A_700, %sub3A_700 : vector<16xf32>
        %mul3A_712 = arith.mulf %sub3A_705, %sub3A_705 : vector<16xf32>
        %add3A_713 = arith.addf %mul3A_711, %mul3A_712 : vector<16xf32>
        %mul3A_714 = arith.mulf %sub3A_710, %sub3A_710 : vector<16xf32>
        %add3A_715 = arith.addf %add3A_713, %mul3A_714 : vector<16xf32>
        %bitcast3A_716 = vector.bitcast %add3A_715 : vector<16xf32> to vector<16xi32>
        %shift_right_arithmetic3A_717 = arith.constant 1 : i32
        %shift_right_arithmetic3A_718 = vector.broadcast %shift_right_arithmetic3A_717 : i32 to vector<16xi32>
        %shift_right_arithmetic3A_719 = arith.shrsi %bitcast3A_716, %shift_right_arithmetic3A_718 : vector<16xi32>
        %sub3A_720 = arith.constant 1597463007 : i32
        %sub3A_721 = vector.broadcast %sub3A_720 : i32 to vector<16xi32>
        %sub3A_722 = arith.subi %sub3A_721, %shift_right_arithmetic3A_719 : vector<16xi32>
        %bitcast3A_723 = vector.bitcast %sub3A_722 : vector<16xi32> to vector<16xf32>
        %mul3A_724 = arith.constant 5.000000e-01 : f32
        %mul3A_725 = vector.broadcast %mul3A_724 : f32 to vector<16xf32>
        %mul3A_726 = arith.mulf %mul3A_725, %add3A_715 : vector<16xf32>
        %mul3A_727 = arith.mulf %mul3A_726, %bitcast3A_723 : vector<16xf32>
        %mul3A_728 = arith.mulf %mul3A_727, %bitcast3A_723 : vector<16xf32>
        %sub3A_729 = arith.constant 1.500000e+00 : f32
        %sub3A_730 = vector.broadcast %sub3A_729 : f32 to vector<16xf32>
        %sub3A_731 = arith.subf %sub3A_730, %mul3A_728 : vector<16xf32>
        %mul3A_732 = arith.mulf %bitcast3A_723, %sub3A_731 : vector<16xf32>
        %mul3A_733 = arith.mulf %mul3A_726, %mul3A_732 : vector<16xf32>
        %mul3A_734 = arith.mulf %mul3A_733, %mul3A_732 : vector<16xf32>
        %sub3A_735 = arith.constant 1.500000e+00 : f32
        %sub3A_736 = vector.broadcast %sub3A_735 : f32 to vector<16xf32>
        %sub3A_737 = arith.subf %sub3A_736, %mul3A_734 : vector<16xf32>
        %mul3A_738 = arith.mulf %mul3A_732, %sub3A_737 : vector<16xf32>
        %mul3A_739 = arith.mulf %add3A_715, %mul3A_738 : vector<16xf32>
        %gt3A_740 = arith.constant 9.99999996E-13 : f32
        %gt3A_741 = vector.broadcast %gt3A_740 : f32 to vector<16xf32>
        %gt3A_742 = arith.cmpf ogt, %add3A_715, %gt3A_741 : vector<16xf32>
        %jit3A_743 = arith.constant 0.000000e+00 : f32
        %broadcast_in_dim3A_744 = vector.broadcast %jit3A_743 : f32 to vector<16xf32>
        %select_n3A_745 = arith.select %gt3A_742, %mul3A_739, %broadcast_in_dim3A_744 : vector<16xi1>, vector<16xf32>
        %add3A_746 = arith.addf %add3A_689, %select_n3A_745 : vector<16xf32>
        %jit3A_747 = arith.constant 1.000000e+00 : f32
        %jit3A_748 = arith.constant 0.000000e+00 : f32
        %broadcast_in_dim3A_749 = vector.broadcast %jit3A_747 : f32 to vector<16xf32>
        %broadcast_in_dim3A_750 = vector.broadcast %jit3A_748 : f32 to vector<16xf32>
        %select_n3A_751 = arith.select %gt3A_742, %broadcast_in_dim3A_749, %broadcast_in_dim3A_750 : vector<16xi1>, vector<16xf32>
        %add3A_752 = arith.addf %add3A_695, %select_n3A_751 : vector<16xf32>
        %add3A_753 = arith.constant 176 : i32
        %add3A_754 = arith.addi %mul3A_126, %add3A_753 : i32
        %get3A_755 = arith.index_cast %add3A_754 : i32 to index
        %get3A_756 = tpu.vector_load %arg20[%get3A_755] {strides = array<i32>} : memref<3584xf32, #tpu.memory_space<vmem>>, vector<16xf32>,
        %sub3A_757 = arith.subf %get3A_756, %get3A_127 : vector<16xf32>
        %add3A_758 = arith.constant 176 : i32
        %add3A_759 = arith.addi %mul3A_126, %add3A_758 : i32
        %get3A_760 = arith.index_cast %add3A_759 : i32 to index
        %get3A_761 = tpu.vector_load %arg22[%get3A_760] {strides = array<i32>} : memref<3584xf32, #tpu.memory_space<vmem>>, vector<16xf32>,
        %sub3A_762 = arith.subf %get3A_761, %get3A_129 : vector<16xf32>
        %add3A_763 = arith.constant 176 : i32
        %add3A_764 = arith.addi %mul3A_126, %add3A_763 : i32
        %get3A_765 = arith.index_cast %add3A_764 : i32 to index
        %get3A_766 = tpu.vector_load %arg24[%get3A_765] {strides = array<i32>} : memref<3584xf32, #tpu.memory_space<vmem>>, vector<16xf32>,
        %sub3A_767 = arith.subf %get3A_766, %get3A_131 : vector<16xf32>
        %mul3A_768 = arith.mulf %sub3A_757, %sub3A_757 : vector<16xf32>
        %mul3A_769 = arith.mulf %sub3A_762, %sub3A_762 : vector<16xf32>
        %add3A_770 = arith.addf %mul3A_768, %mul3A_769 : vector<16xf32>
        %mul3A_771 = arith.mulf %sub3A_767, %sub3A_767 : vector<16xf32>
        %add3A_772 = arith.addf %add3A_770, %mul3A_771 : vector<16xf32>
        %bitcast3A_773 = vector.bitcast %add3A_772 : vector<16xf32> to vector<16xi32>
        %shift_right_arithmetic3A_774 = arith.constant 1 : i32
        %shift_right_arithmetic3A_775 = vector.broadcast %shift_right_arithmetic3A_774 : i32 to vector<16xi32>
        %shift_right_arithmetic3A_776 = arith.shrsi %bitcast3A_773, %shift_right_arithmetic3A_775 : vector<16xi32>
        %sub3A_777 = arith.constant 1597463007 : i32
        %sub3A_778 = vector.broadcast %sub3A_777 : i32 to vector<16xi32>
        %sub3A_779 = arith.subi %sub3A_778, %shift_right_arithmetic3A_776 : vector<16xi32>
        %bitcast3A_780 = vector.bitcast %sub3A_779 : vector<16xi32> to vector<16xf32>
        %mul3A_781 = arith.constant 5.000000e-01 : f32
        %mul3A_782 = vector.broadcast %mul3A_781 : f32 to vector<16xf32>
        %mul3A_783 = arith.mulf %mul3A_782, %add3A_772 : vector<16xf32>
        %mul3A_784 = arith.mulf %mul3A_783, %bitcast3A_780 : vector<16xf32>
        %mul3A_785 = arith.mulf %mul3A_784, %bitcast3A_780 : vector<16xf32>
        %sub3A_786 = arith.constant 1.500000e+00 : f32
        %sub3A_787 = vector.broadcast %sub3A_786 : f32 to vector<16xf32>
        %sub3A_788 = arith.subf %sub3A_787, %mul3A_785 : vector<16xf32>
        %mul3A_789 = arith.mulf %bitcast3A_780, %sub3A_788 : vector<16xf32>
        %mul3A_790 = arith.mulf %mul3A_783, %mul3A_789 : vector<16xf32>
        %mul3A_791 = arith.mulf %mul3A_790, %mul3A_789 : vector<16xf32>
        %sub3A_792 = arith.constant 1.500000e+00 : f32
        %sub3A_793 = vector.broadcast %sub3A_792 : f32 to vector<16xf32>
        %sub3A_794 = arith.subf %sub3A_793, %mul3A_791 : vector<16xf32>
        %mul3A_795 = arith.mulf %mul3A_789, %sub3A_794 : vector<16xf32>
        %mul3A_796 = arith.mulf %add3A_772, %mul3A_795 : vector<16xf32>
        %gt3A_797 = arith.constant 9.99999996E-13 : f32
        %gt3A_798 = vector.broadcast %gt3A_797 : f32 to vector<16xf32>
        %gt3A_799 = arith.cmpf ogt, %add3A_772, %gt3A_798 : vector<16xf32>
        %jit3A_800 = arith.constant 0.000000e+00 : f32
        %broadcast_in_dim3A_801 = vector.broadcast %jit3A_800 : f32 to vector<16xf32>
        %select_n3A_802 = arith.select %gt3A_799, %mul3A_796, %broadcast_in_dim3A_801 : vector<16xi1>, vector<16xf32>
        %add3A_803 = arith.addf %add3A_746, %select_n3A_802 : vector<16xf32>
        %jit3A_804 = arith.constant 1.000000e+00 : f32
        %jit3A_805 = arith.constant 0.000000e+00 : f32
        %broadcast_in_dim3A_806 = vector.broadcast %jit3A_804 : f32 to vector<16xf32>
        %broadcast_in_dim3A_807 = vector.broadcast %jit3A_805 : f32 to vector<16xf32>
        %select_n3A_808 = arith.select %gt3A_799, %broadcast_in_dim3A_806, %broadcast_in_dim3A_807 : vector<16xi1>, vector<16xf32>
        %add3A_809 = arith.addf %add3A_752, %select_n3A_808 : vector<16xf32>
        %add3A_810 = arith.constant 192 : i32
        %add3A_811 = arith.addi %mul3A_126, %add3A_810 : i32
        %get3A_812 = arith.index_cast %add3A_811 : i32 to index
        %get3A_813 = tpu.vector_load %arg20[%get3A_812] {strides = array<i32>} : memref<3584xf32, #tpu.memory_space<vmem>>, vector<16xf32>,
        %sub3A_814 = arith.subf %get3A_813, %get3A_127 : vector<16xf32>
        %add3A_815 = arith.constant 192 : i32
        %add3A_816 = arith.addi %mul3A_126, %add3A_815 : i32
        %get3A_817 = arith.index_cast %add3A_816 : i32 to index
        %get3A_818 = tpu.vector_load %arg22[%get3A_817] {strides = array<i32>} : memref<3584xf32, #tpu.memory_space<vmem>>, vector<16xf32>,
        %sub3A_819 = arith.subf %get3A_818, %get3A_129 : vector<16xf32>
        %add3A_820 = arith.constant 192 : i32
        %add3A_821 = arith.addi %mul3A_126, %add3A_820 : i32
        %get3A_822 = arith.index_cast %add3A_821 : i32 to index
        %get3A_823 = tpu.vector_load %arg24[%get3A_822] {strides = array<i32>} : memref<3584xf32, #tpu.memory_space<vmem>>, vector<16xf32>,
        %sub3A_824 = arith.subf %get3A_823, %get3A_131 : vector<16xf32>
        %mul3A_825 = arith.mulf %sub3A_814, %sub3A_814 : vector<16xf32>
        %mul3A_826 = arith.mulf %sub3A_819, %sub3A_819 : vector<16xf32>
        %add3A_827 = arith.addf %mul3A_825, %mul3A_826 : vector<16xf32>
        %mul3A_828 = arith.mulf %sub3A_824, %sub3A_824 : vector<16xf32>
        %add3A_829 = arith.addf %add3A_827, %mul3A_828 : vector<16xf32>
        %bitcast3A_830 = vector.bitcast %add3A_829 : vector<16xf32> to vector<16xi32>
        %shift_right_arithmetic3A_831 = arith.constant 1 : i32
        %shift_right_arithmetic3A_832 = vector.broadcast %shift_right_arithmetic3A_831 : i32 to vector<16xi32>
        %shift_right_arithmetic3A_833 = arith.shrsi %bitcast3A_830, %shift_right_arithmetic3A_832 : vector<16xi32>
        %sub3A_834 = arith.constant 1597463007 : i32
        %sub3A_835 = vector.broadcast %sub3A_834 : i32 to vector<16xi32>
        %sub3A_836 = arith.subi %sub3A_835, %shift_right_arithmetic3A_833 : vector<16xi32>
        %bitcast3A_837 = vector.bitcast %sub3A_836 : vector<16xi32> to vector<16xf32>
        %mul3A_838 = arith.constant 5.000000e-01 : f32
        %mul3A_839 = vector.broadcast %mul3A_838 : f32 to vector<16xf32>
        %mul3A_840 = arith.mulf %mul3A_839, %add3A_829 : vector<16xf32>
        %mul3A_841 = arith.mulf %mul3A_840, %bitcast3A_837 : vector<16xf32>
        %mul3A_842 = arith.mulf %mul3A_841, %bitcast3A_837 : vector<16xf32>
        %sub3A_843 = arith.constant 1.500000e+00 : f32
        %sub3A_844 = vector.broadcast %sub3A_843 : f32 to vector<16xf32>
        %sub3A_845 = arith.subf %sub3A_844, %mul3A_842 : vector<16xf32>
        %mul3A_846 = arith.mulf %bitcast3A_837, %sub3A_845 : vector<16xf32>
        %mul3A_847 = arith.mulf %mul3A_840, %mul3A_846 : vector<16xf32>
        %mul3A_848 = arith.mulf %mul3A_847, %mul3A_846 : vector<16xf32>
        %sub3A_849 = arith.constant 1.500000e+00 : f32
        %sub3A_850 = vector.broadcast %sub3A_849 : f32 to vector<16xf32>
        %sub3A_851 = arith.subf %sub3A_850, %mul3A_848 : vector<16xf32>
        %mul3A_852 = arith.mulf %mul3A_846, %sub3A_851 : vector<16xf32>
        %mul3A_853 = arith.mulf %add3A_829, %mul3A_852 : vector<16xf32>
        %gt3A_854 = arith.constant 9.99999996E-13 : f32
        %gt3A_855 = vector.broadcast %gt3A_854 : f32 to vector<16xf32>
        %gt3A_856 = arith.cmpf ogt, %add3A_829, %gt3A_855 : vector<16xf32>
        %jit3A_857 = arith.constant 0.000000e+00 : f32
        %broadcast_in_dim3A_858 = vector.broadcast %jit3A_857 : f32 to vector<16xf32>
        %select_n3A_859 = arith.select %gt3A_856, %mul3A_853, %broadcast_in_dim3A_858 : vector<16xi1>, vector<16xf32>
        %add3A_860 = arith.addf %add3A_803, %select_n3A_859 : vector<16xf32>
        %jit3A_861 = arith.constant 1.000000e+00 : f32
        %jit3A_862 = arith.constant 0.000000e+00 : f32
        %broadcast_in_dim3A_863 = vector.broadcast %jit3A_861 : f32 to vector<16xf32>
        %broadcast_in_dim3A_864 = vector.broadcast %jit3A_862 : f32 to vector<16xf32>
        %select_n3A_865 = arith.select %gt3A_856, %broadcast_in_dim3A_863, %broadcast_in_dim3A_864 : vector<16xi1>, vector<16xf32>
        %add3A_866 = arith.addf %add3A_809, %select_n3A_865 : vector<16xf32>
        %add3A_867 = arith.constant 208 : i32
        %add3A_868 = arith.addi %mul3A_126, %add3A_867 : i32
        %get3A_869 = arith.index_cast %add3A_868 : i32 to index
        %get3A_870 = tpu.vector_load %arg20[%get3A_869] {strides = array<i32>} : memref<3584xf32, #tpu.memory_space<vmem>>, vector<16xf32>,
        %sub3A_871 = arith.subf %get3A_870, %get3A_127 : vector<16xf32>
        %add3A_872 = arith.constant 208 : i32
        %add3A_873 = arith.addi %mul3A_126, %add3A_872 : i32
        %get3A_874 = arith.index_cast %add3A_873 : i32 to index
        %get3A_875 = tpu.vector_load %arg22[%get3A_874] {strides = array<i32>} : memref<3584xf32, #tpu.memory_space<vmem>>, vector<16xf32>,
        %sub3A_876 = arith.subf %get3A_875, %get3A_129 : vector<16xf32>
        %add3A_877 = arith.constant 208 : i32
        %add3A_878 = arith.addi %mul3A_126, %add3A_877 : i32
        %get3A_879 = arith.index_cast %add3A_878 : i32 to index
        %get3A_880 = tpu.vector_load %arg24[%get3A_879] {strides = array<i32>} : memref<3584xf32, #tpu.memory_space<vmem>>, vector<16xf32>,
        %sub3A_881 = arith.subf %get3A_880, %get3A_131 : vector<16xf32>
        %mul3A_882 = arith.mulf %sub3A_871, %sub3A_871 : vector<16xf32>
        %mul3A_883 = arith.mulf %sub3A_876, %sub3A_876 : vector<16xf32>
        %add3A_884 = arith.addf %mul3A_882, %mul3A_883 : vector<16xf32>
        %mul3A_885 = arith.mulf %sub3A_881, %sub3A_881 : vector<16xf32>
        %add3A_886 = arith.addf %add3A_884, %mul3A_885 : vector<16xf32>
        %bitcast3A_887 = vector.bitcast %add3A_886 : vector<16xf32> to vector<16xi32>
        %shift_right_arithmetic3A_888 = arith.constant 1 : i32
        %shift_right_arithmetic3A_889 = vector.broadcast %shift_right_arithmetic3A_888 : i32 to vector<16xi32>
        %shift_right_arithmetic3A_890 = arith.shrsi %bitcast3A_887, %shift_right_arithmetic3A_889 : vector<16xi32>
        %sub3A_891 = arith.constant 1597463007 : i32
        %sub3A_892 = vector.broadcast %sub3A_891 : i32 to vector<16xi32>
        %sub3A_893 = arith.subi %sub3A_892, %shift_right_arithmetic3A_890 : vector<16xi32>
        %bitcast3A_894 = vector.bitcast %sub3A_893 : vector<16xi32> to vector<16xf32>
        %mul3A_895 = arith.constant 5.000000e-01 : f32
        %mul3A_896 = vector.broadcast %mul3A_895 : f32 to vector<16xf32>
        %mul3A_897 = arith.mulf %mul3A_896, %add3A_886 : vector<16xf32>
        %mul3A_898 = arith.mulf %mul3A_897, %bitcast3A_894 : vector<16xf32>
        %mul3A_899 = arith.mulf %mul3A_898, %bitcast3A_894 : vector<16xf32>
        %sub3A_900 = arith.constant 1.500000e+00 : f32
        %sub3A_901 = vector.broadcast %sub3A_900 : f32 to vector<16xf32>
        %sub3A_902 = arith.subf %sub3A_901, %mul3A_899 : vector<16xf32>
        %mul3A_903 = arith.mulf %bitcast3A_894, %sub3A_902 : vector<16xf32>
        %mul3A_904 = arith.mulf %mul3A_897, %mul3A_903 : vector<16xf32>
        %mul3A_905 = arith.mulf %mul3A_904, %mul3A_903 : vector<16xf32>
        %sub3A_906 = arith.constant 1.500000e+00 : f32
        %sub3A_907 = vector.broadcast %sub3A_906 : f32 to vector<16xf32>
        %sub3A_908 = arith.subf %sub3A_907, %mul3A_905 : vector<16xf32>
        %mul3A_909 = arith.mulf %mul3A_903, %sub3A_908 : vector<16xf32>
        %mul3A_910 = arith.mulf %add3A_886, %mul3A_909 : vector<16xf32>
        %gt3A_911 = arith.constant 9.99999996E-13 : f32
        %gt3A_912 = vector.broadcast %gt3A_911 : f32 to vector<16xf32>
        %gt3A_913 = arith.cmpf ogt, %add3A_886, %gt3A_912 : vector<16xf32>
        %jit3A_914 = arith.constant 0.000000e+00 : f32
        %broadcast_in_dim3A_915 = vector.broadcast %jit3A_914 : f32 to vector<16xf32>
        %select_n3A_916 = arith.select %gt3A_913, %mul3A_910, %broadcast_in_dim3A_915 : vector<16xi1>, vector<16xf32>
        %add3A_917 = arith.addf %add3A_860, %select_n3A_916 : vector<16xf32>
        %jit3A_918 = arith.constant 1.000000e+00 : f32
        %jit3A_919 = arith.constant 0.000000e+00 : f32
        %broadcast_in_dim3A_920 = vector.broadcast %jit3A_918 : f32 to vector<16xf32>
        %broadcast_in_dim3A_921 = vector.broadcast %jit3A_919 : f32 to vector<16xf32>
        %select_n3A_922 = arith.select %gt3A_913, %broadcast_in_dim3A_920, %broadcast_in_dim3A_921 : vector<16xi1>, vector<16xf32>
        %add3A_923 = arith.addf %add3A_866, %select_n3A_922 : vector<16xf32>
        %add3A_924 = arith.constant 224 : i32
        %add3A_925 = arith.addi %mul3A_126, %add3A_924 : i32
        %get3A_926 = arith.index_cast %add3A_925 : i32 to index
        %get3A_927 = tpu.vector_load %arg20[%get3A_926] {strides = array<i32>} : memref<3584xf32, #tpu.memory_space<vmem>>, vector<16xf32>,
        %sub3A_928 = arith.subf %get3A_927, %get3A_127 : vector<16xf32>
        %add3A_929 = arith.constant 224 : i32
        %add3A_930 = arith.addi %mul3A_126, %add3A_929 : i32
        %get3A_931 = arith.index_cast %add3A_930 : i32 to index
        %get3A_932 = tpu.vector_load %arg22[%get3A_931] {strides = array<i32>} : memref<3584xf32, #tpu.memory_space<vmem>>, vector<16xf32>,
        %sub3A_933 = arith.subf %get3A_932, %get3A_129 : vector<16xf32>
        %add3A_934 = arith.constant 224 : i32
        %add3A_935 = arith.addi %mul3A_126, %add3A_934 : i32
        %get3A_936 = arith.index_cast %add3A_935 : i32 to index
        %get3A_937 = tpu.vector_load %arg24[%get3A_936] {strides = array<i32>} : memref<3584xf32, #tpu.memory_space<vmem>>, vector<16xf32>,
        %sub3A_938 = arith.subf %get3A_937, %get3A_131 : vector<16xf32>
        %mul3A_939 = arith.mulf %sub3A_928, %sub3A_928 : vector<16xf32>
        %mul3A_940 = arith.mulf %sub3A_933, %sub3A_933 : vector<16xf32>
        %add3A_941 = arith.addf %mul3A_939, %mul3A_940 : vector<16xf32>
        %mul3A_942 = arith.mulf %sub3A_938, %sub3A_938 : vector<16xf32>
        %add3A_943 = arith.addf %add3A_941, %mul3A_942 : vector<16xf32>
        %bitcast3A_944 = vector.bitcast %add3A_943 : vector<16xf32> to vector<16xi32>
        %shift_right_arithmetic3A_945 = arith.constant 1 : i32
        %shift_right_arithmetic3A_946 = vector.broadcast %shift_right_arithmetic3A_945 : i32 to vector<16xi32>
        %shift_right_arithmetic3A_947 = arith.shrsi %bitcast3A_944, %shift_right_arithmetic3A_946 : vector<16xi32>
        %sub3A_948 = arith.constant 1597463007 : i32
        %sub3A_949 = vector.broadcast %sub3A_948 : i32 to vector<16xi32>
        %sub3A_950 = arith.subi %sub3A_949, %shift_right_arithmetic3A_947 : vector<16xi32>
        %bitcast3A_951 = vector.bitcast %sub3A_950 : vector<16xi32> to vector<16xf32>
        %mul3A_952 = arith.constant 5.000000e-01 : f32
        %mul3A_953 = vector.broadcast %mul3A_952 : f32 to vector<16xf32>
        %mul3A_954 = arith.mulf %mul3A_953, %add3A_943 : vector<16xf32>
        %mul3A_955 = arith.mulf %mul3A_954, %bitcast3A_951 : vector<16xf32>
        %mul3A_956 = arith.mulf %mul3A_955, %bitcast3A_951 : vector<16xf32>
        %sub3A_957 = arith.constant 1.500000e+00 : f32
        %sub3A_958 = vector.broadcast %sub3A_957 : f32 to vector<16xf32>
        %sub3A_959 = arith.subf %sub3A_958, %mul3A_956 : vector<16xf32>
        %mul3A_960 = arith.mulf %bitcast3A_951, %sub3A_959 : vector<16xf32>
        %mul3A_961 = arith.mulf %mul3A_954, %mul3A_960 : vector<16xf32>
        %mul3A_962 = arith.mulf %mul3A_961, %mul3A_960 : vector<16xf32>
        %sub3A_963 = arith.constant 1.500000e+00 : f32
        %sub3A_964 = vector.broadcast %sub3A_963 : f32 to vector<16xf32>
        %sub3A_965 = arith.subf %sub3A_964, %mul3A_962 : vector<16xf32>
        %mul3A_966 = arith.mulf %mul3A_960, %sub3A_965 : vector<16xf32>
        %mul3A_967 = arith.mulf %add3A_943, %mul3A_966 : vector<16xf32>
        %gt3A_968 = arith.constant 9.99999996E-13 : f32
        %gt3A_969 = vector.broadcast %gt3A_968 : f32 to vector<16xf32>
        %gt3A_970 = arith.cmpf ogt, %add3A_943, %gt3A_969 : vector<16xf32>
        %jit3A_971 = arith.constant 0.000000e+00 : f32
        %broadcast_in_dim3A_972 = vector.broadcast %jit3A_971 : f32 to vector<16xf32>
        %select_n3A_973 = arith.select %gt3A_970, %mul3A_967, %broadcast_in_dim3A_972 : vector<16xi1>, vector<16xf32>
        %add3A_974 = arith.addf %add3A_917, %select_n3A_973 : vector<16xf32>
        %jit3A_975 = arith.constant 1.000000e+00 : f32
        %jit3A_976 = arith.constant 0.000000e+00 : f32
        %broadcast_in_dim3A_977 = vector.broadcast %jit3A_975 : f32 to vector<16xf32>
        %broadcast_in_dim3A_978 = vector.broadcast %jit3A_976 : f32 to vector<16xf32>
        %select_n3A_979 = arith.select %gt3A_970, %broadcast_in_dim3A_977, %broadcast_in_dim3A_978 : vector<16xi1>, vector<16xf32>
        %add3A_980 = arith.addf %add3A_923, %select_n3A_979 : vector<16xf32>
        %add3A_981 = arith.constant 240 : i32
        %add3A_982 = arith.addi %mul3A_126, %add3A_981 : i32
        %get3A_983 = arith.index_cast %add3A_982 : i32 to index
        %get3A_984 = tpu.vector_load %arg20[%get3A_983] {strides = array<i32>} : memref<3584xf32, #tpu.memory_space<vmem>>, vector<16xf32>,
        %sub3A_985 = arith.subf %get3A_984, %get3A_127 : vector<16xf32>
        %add3A_986 = arith.constant 240 : i32
        %add3A_987 = arith.addi %mul3A_126, %add3A_986 : i32
        %get3A_988 = arith.index_cast %add3A_987 : i32 to index
        %get3A_989 = tpu.vector_load %arg22[%get3A_988] {strides = array<i32>} : memref<3584xf32, #tpu.memory_space<vmem>>, vector<16xf32>,
        %sub3A_990 = arith.subf %get3A_989, %get3A_129 : vector<16xf32>
        %add3A_991 = arith.constant 240 : i32
        %add3A_992 = arith.addi %mul3A_126, %add3A_991 : i32
        %get3A_993 = arith.index_cast %add3A_992 : i32 to index
        %get3A_994 = tpu.vector_load %arg24[%get3A_993] {strides = array<i32>} : memref<3584xf32, #tpu.memory_space<vmem>>, vector<16xf32>,
        %sub3A_995 = arith.subf %get3A_994, %get3A_131 : vector<16xf32>
        %mul3A_996 = arith.mulf %sub3A_985, %sub3A_985 : vector<16xf32>
        %mul3A_997 = arith.mulf %sub3A_990, %sub3A_990 : vector<16xf32>
        %add3A_998 = arith.addf %mul3A_996, %mul3A_997 : vector<16xf32>
        %mul3A_999 = arith.mulf %sub3A_995, %sub3A_995 : vector<16xf32>
        %add3A_1000 = arith.addf %add3A_998, %mul3A_999 : vector<16xf32>
        %bitcast3A_1001 = vector.bitcast %add3A_1000 : vector<16xf32> to vector<16xi32>
        %shift_right_arithmetic3A_1002 = arith.constant 1 : i32
        %shift_right_arithmetic3A_1003 = vector.broadcast %shift_right_arithmetic3A_1002 : i32 to vector<16xi32>
        %shift_right_arithmetic3A_1004 = arith.shrsi %bitcast3A_1001, %shift_right_arithmetic3A_1003 : vector<16xi32>
        %sub3A_1005 = arith.constant 1597463007 : i32
        %sub3A_1006 = vector.broadcast %sub3A_1005 : i32 to vector<16xi32>
        %sub3A_1007 = arith.subi %sub3A_1006, %shift_right_arithmetic3A_1004 : vector<16xi32>
        %bitcast3A_1008 = vector.bitcast %sub3A_1007 : vector<16xi32> to vector<16xf32>
        %mul3A_1009 = arith.constant 5.000000e-01 : f32
        %mul3A_1010 = vector.broadcast %mul3A_1009 : f32 to vector<16xf32>
        %mul3A_1011 = arith.mulf %mul3A_1010, %add3A_1000 : vector<16xf32>
        %mul3A_1012 = arith.mulf %mul3A_1011, %bitcast3A_1008 : vector<16xf32>
        %mul3A_1013 = arith.mulf %mul3A_1012, %bitcast3A_1008 : vector<16xf32>
        %sub3A_1014 = arith.constant 1.500000e+00 : f32
        %sub3A_1015 = vector.broadcast %sub3A_1014 : f32 to vector<16xf32>
        %sub3A_1016 = arith.subf %sub3A_1015, %mul3A_1013 : vector<16xf32>
        %mul3A_1017 = arith.mulf %bitcast3A_1008, %sub3A_1016 : vector<16xf32>
        %mul3A_1018 = arith.mulf %mul3A_1011, %mul3A_1017 : vector<16xf32>
        %mul3A_1019 = arith.mulf %mul3A_1018, %mul3A_1017 : vector<16xf32>
        %sub3A_1020 = arith.constant 1.500000e+00 : f32
        %sub3A_1021 = vector.broadcast %sub3A_1020 : f32 to vector<16xf32>
        %sub3A_1022 = arith.subf %sub3A_1021, %mul3A_1019 : vector<16xf32>
        %mul3A_1023 = arith.mulf %mul3A_1017, %sub3A_1022 : vector<16xf32>
        %mul3A_1024 = arith.mulf %add3A_1000, %mul3A_1023 : vector<16xf32>
        %gt3A_1025 = arith.constant 9.99999996E-13 : f32
        %gt3A_1026 = vector.broadcast %gt3A_1025 : f32 to vector<16xf32>
        %gt3A_1027 = arith.cmpf ogt, %add3A_1000, %gt3A_1026 : vector<16xf32>
        %jit3A_1028 = arith.constant 0.000000e+00 : f32
        %broadcast_in_dim3A_1029 = vector.broadcast %jit3A_1028 : f32 to vector<16xf32>
        %select_n3A_1030 = arith.select %gt3A_1027, %mul3A_1024, %broadcast_in_dim3A_1029 : vector<16xi1>, vector<16xf32>
        %add3A_1031 = arith.addf %add3A_974, %select_n3A_1030 : vector<16xf32>
        %jit3A_1032 = arith.constant 1.000000e+00 : f32
        %jit3A_1033 = arith.constant 0.000000e+00 : f32
        %broadcast_in_dim3A_1034 = vector.broadcast %jit3A_1032 : f32 to vector<16xf32>
        %broadcast_in_dim3A_1035 = vector.broadcast %jit3A_1033 : f32 to vector<16xf32>
        %select_n3A_1036 = arith.select %gt3A_1027, %broadcast_in_dim3A_1034, %broadcast_in_dim3A_1035 : vector<16xi1>, vector<16xf32>
        %add3A_1037 = arith.addf %add3A_980, %select_n3A_1036 : vector<16xf32>
        %max3A = arith.constant 1.000000e+00 : f32
        %max3A_1038 = vector.broadcast %max3A : f32 to vector<16xf32>
        %max3A_1039 = arith.maximumf %add3A_1037, %max3A_1038 : vector<16xf32>
        %div3A = arith.divf %add3A_1031, %max3A_1039 : vector<16xf32>
        %swap3A_1040 = arith.index_cast %mul3A_124 : i32 to index
        %swap3A_1041 = tpu.vector_load %arg14[%swap3A_1040] {strides = array<i32>} : memref<3136xf32, #tpu.memory_space<vmem>>, vector<16xf32>,
        tpu.vector_store %arg14[%swap3A_1040], %div3A {strides = array<i32>} : memref<3136xf32, #tpu.memory_space<vmem>>, vector<16xf32>,
        %add3A_1042 = arith.addi %min3A_3, %mul3A_124 : i32
        %mul3A_1043 = arith.constant 3136 : i32
        %mul3A_1044 = arith.muli %add3A, %mul3A_1043 : i32
        %ge3A = arith.cmpi sge, %add3A_1042, %mul3A_1044 : i32
        %gt3A_1045 = arith.constant 0.000000e+00 : f32
        %gt3A_1046 = vector.broadcast %gt3A_1045 : f32 to vector<16xf32>
        %gt3A_1047 = arith.cmpf ogt, %add3A_1037, %gt3A_1046 : vector<16xf32>
        %and3A = vector.broadcast %ge3A : i1 to vector<16xi1>
        %and3A_1048 = arith.andi %gt3A_1047, %and3A : vector<16xi1>
        %jit3A_1049 = arith.constant 0.000000e+00 : f32
        %broadcast_in_dim3A_1050 = vector.broadcast %jit3A_1049 : f32 to vector<16xf32>
        %select_n3A_1051 = arith.select %and3A_1048, %div3A, %broadcast_in_dim3A_1050 : vector<16xi1>, vector<16xf32>
        %add3A_1052 = arith.addf %scan3A_116, %select_n3A_1051 : vector<16xf32>
        %jit3A_1053 = arith.constant 1.000000e+00 : f32
        %jit3A_1054 = arith.constant 0.000000e+00 : f32
        %broadcast_in_dim3A_1055 = vector.broadcast %jit3A_1053 : f32 to vector<16xf32>
        %broadcast_in_dim3A_1056 = vector.broadcast %jit3A_1054 : f32 to vector<16xf32>
        %select_n3A_1057 = arith.select %and3A_1048, %broadcast_in_dim3A_1055, %broadcast_in_dim3A_1056 : vector<16xi1>, vector<16xf32>
        %add3A_1058 = arith.addf %scan3A_117, %select_n3A_1057 : vector<16xf32>
        %jit3A_1059 = arith.constant 3.000000e+38 : f32
        %broadcast_in_dim3A_1060 = vector.broadcast %jit3A_1059 : f32 to vector<16xf32>
        %select_n3A_1061 = arith.select %and3A_1048, %div3A, %broadcast_in_dim3A_1060 : vector<16xi1>, vector<16xf32>
        %min3A_1062 = arith.minimumf %scan3A_118, %select_n3A_1061 : vector<16xf32>
        %jit3A_1063 = arith.constant -3.000000e+38 : f32
        %broadcast_in_dim3A_1064 = vector.broadcast %jit3A_1063 : f32 to vector<16xf32>
        %select_n3A_1065 = arith.select %and3A_1048, %div3A, %broadcast_in_dim3A_1064 : vector<16xi1>, vector<16xf32>
        %max3A_1066 = arith.maximumf %scan3A_119, %select_n3A_1065 : vector<16xf32>
        scf.yield %add3A_1052, %add3A_1058, %min3A_1062, %max3A_1066 : vector<16xf32>, vector<16xf32>, vector<16xf32>, vector<16xf32>
      }
      %scan3A_79 = arith.constant 14 : i32
      %add3A_80 = arith.constant 2 : i32
      %add3A_81 = arith.addi %add3A_62, %add3A_80 : i32
      %lt3A = arith.constant 14 : i32
      %lt3A_82 = arith.cmpi slt, %add3A_81, %lt3A : i32
      %convert_element_type3A_83 = arith.extui %lt3A_82 : i1 to i32
      %cond3A_84 = arith.constant 0 : i32
      %cond3A_85 = arith.cmpi ne, %convert_element_type3A_83, %cond3A_84 : i32
      scf.if %cond3A_85 {
        %mul3A_115 = arith.constant 224 : i32
        %mul3A_116 = arith.muli %add3A_81, %mul3A_115 : i32
        %add3A_117 = arith.addi %min3A_3, %mul3A_116 : i32
        "tpu.region"() ({
          %run_scoped3A = tpu.sem_alloc : memref<!tpu.dma_semaphore, #tpu.memory_space<semaphore_mem>>
          %dma_start3A_130 = arith.constant 0 : i32
          %dma_start3A_131 = tpu.memref_slice %arg5[%add3A_117, %dma_start3A_130] : memref<100000x32xi32, #tpu.memory_space<hbm>> -> memref<224x32xi32, #tpu.memory_space<hbm>>
          %dma_start3A_132 = arith.constant 0 : i32
          %dma_start3A_133 = tpu.memref_slice %arg5[%add3A_117, %dma_start3A_132] : memref<100000x32xi32, #tpu.memory_space<hbm>> -> memref<224x32xi32, #tpu.memory_space<hbm>>
          tpu.enqueue_dma source(%dma_start3A_133 : memref<224x32xi32, #tpu.memory_space<hbm>>) target(%arg16 : memref<224x32xi32, #tpu.memory_space<vmem>>) target_semaphore(%run_scoped3A : memref<!tpu.dma_semaphore, #tpu.memory_space<semaphore_mem>>)
          %dma_wait3A_134 = arith.constant 0 : i32
          %dma_wait3A_135 = tpu.memref_slice %arg5[%add3A_117, %dma_wait3A_134] : memref<100000x32xi32, #tpu.memory_space<hbm>> -> memref<224x32xi32, #tpu.memory_space<hbm>>
          %dma_wait3A_136 = arith.constant 0 : i32
          %dma_wait3A_137 = tpu.memref_slice %arg5[%add3A_117, %dma_wait3A_136] : memref<100000x32xi32, #tpu.memory_space<hbm>> -> memref<224x32xi32, #tpu.memory_space<hbm>>
          tpu.wait_dma2 semaphore(%run_scoped3A : memref<!tpu.dma_semaphore, #tpu.memory_space<semaphore_mem>>) src(%dma_wait3A_137 : memref<224x32xi32, #tpu.memory_space<hbm>>) dst(%arg16 : memref<224x32xi32, #tpu.memory_space<vmem>>)
          tpu.yield
        }) : () -> ()
        %scan3A_118 = arith.constant 0 : i32
        %scan3A_119 = arith.constant 0 : i32
        %scan3A_120 = arith.constant 14 : i32
        %scan3A_121 = arith.addi %scan3A_119, %scan3A_120 : i32
        %scan3A_122 = arith.constant 1 : i32
        scf.for %scan3A_130 = %scan3A_119 to %scan3A_121 step %scan3A_122  : i32 {
          %mul3A_131 = arith.constant 16 : i32
          %mul3A_132 = arith.muli %scan3A_130, %mul3A_131 : i32
          %add3A_133 = vector.broadcast %mul3A_132 : i32 to vector<16xi32>
          %add3A_134 = arith.addi %iota3A, %add3A_133 : vector<16xi32>
          %broadcast_in_dim3A_135 = arith.constant 0 : i32
          %broadcast_in_dim3A_136 = vector.broadcast %broadcast_in_dim3A_135 : i32 to vector<16xi32>
          %gather3A = tpu.vector_load_idx %arg16[%add3A_134, %broadcast_in_dim3A_136] : memref<224x32xi32, #tpu.memory_space<vmem>>[vector<16xi32>, vector<16xi32>], vector<16xi32>,
          %mul3A_137 = arith.constant 256 : i32
          %mul3A_138 = arith.muli %scan3A_130, %mul3A_137 : i32
          %add3A_139 = arith.constant 0 : i32
          %add3A_140 = arith.addi %mul3A_138, %add3A_139 : i32
          %swap3A_141 = arith.index_cast %add3A_140 : i32 to index
          %swap3A_142 = tpu.vector_load %arg18[%swap3A_141] {strides = array<i32>} : memref<3584xi32, #tpu.memory_space<vmem>>, vector<16xi32>,
          tpu.vector_store %arg18[%swap3A_141], %gather3A {strides = array<i32>} : memref<3584xi32, #tpu.memory_space<vmem>>, vector<16xi32>,
          %broadcast_in_dim3A_143 = arith.constant 1 : i32
          %broadcast_in_dim3A_144 = vector.broadcast %broadcast_in_dim3A_143 : i32 to vector<16xi32>
          %gather3A_145 = tpu.vector_load_idx %arg16[%add3A_134, %broadcast_in_dim3A_144] : memref<224x32xi32, #tpu.memory_space<vmem>>[vector<16xi32>, vector<16xi32>], vector<16xi32>,
          %mul3A_146 = arith.constant 256 : i32
          %mul3A_147 = arith.muli %scan3A_130, %mul3A_146 : i32
          %add3A_148 = arith.constant 16 : i32
          %add3A_149 = arith.addi %mul3A_147, %add3A_148 : i32
          %swap3A_150 = arith.index_cast %add3A_149 : i32 to index
          %swap3A_151 = tpu.vector_load %arg18[%swap3A_150] {strides = array<i32>} : memref<3584xi32, #tpu.memory_space<vmem>>, vector<16xi32>,
          tpu.vector_store %arg18[%swap3A_150], %gather3A_145 {strides = array<i32>} : memref<3584xi32, #tpu.memory_space<vmem>>, vector<16xi32>,
          %broadcast_in_dim3A_152 = arith.constant 2 : i32
          %broadcast_in_dim3A_153 = vector.broadcast %broadcast_in_dim3A_152 : i32 to vector<16xi32>
          %gather3A_154 = tpu.vector_load_idx %arg16[%add3A_134, %broadcast_in_dim3A_153] : memref<224x32xi32, #tpu.memory_space<vmem>>[vector<16xi32>, vector<16xi32>], vector<16xi32>,
          %mul3A_155 = arith.constant 256 : i32
          %mul3A_156 = arith.muli %scan3A_130, %mul3A_155 : i32
          %add3A_157 = arith.constant 32 : i32
          %add3A_158 = arith.addi %mul3A_156, %add3A_157 : i32
          %swap3A_159 = arith.index_cast %add3A_158 : i32 to index
          %swap3A_160 = tpu.vector_load %arg18[%swap3A_159] {strides = array<i32>} : memref<3584xi32, #tpu.memory_space<vmem>>, vector<16xi32>,
          tpu.vector_store %arg18[%swap3A_159], %gather3A_154 {strides = array<i32>} : memref<3584xi32, #tpu.memory_space<vmem>>, vector<16xi32>,
          %broadcast_in_dim3A_161 = arith.constant 3 : i32
          %broadcast_in_dim3A_162 = vector.broadcast %broadcast_in_dim3A_161 : i32 to vector<16xi32>
          %gather3A_163 = tpu.vector_load_idx %arg16[%add3A_134, %broadcast_in_dim3A_162] : memref<224x32xi32, #tpu.memory_space<vmem>>[vector<16xi32>, vector<16xi32>], vector<16xi32>,
          %mul3A_164 = arith.constant 256 : i32
          %mul3A_165 = arith.muli %scan3A_130, %mul3A_164 : i32
          %add3A_166 = arith.constant 48 : i32
          %add3A_167 = arith.addi %mul3A_165, %add3A_166 : i32
          %swap3A_168 = arith.index_cast %add3A_167 : i32 to index
          %swap3A_169 = tpu.vector_load %arg18[%swap3A_168] {strides = array<i32>} : memref<3584xi32, #tpu.memory_space<vmem>>, vector<16xi32>,
          tpu.vector_store %arg18[%swap3A_168], %gather3A_163 {strides = array<i32>} : memref<3584xi32, #tpu.memory_space<vmem>>, vector<16xi32>,
          %broadcast_in_dim3A_170 = arith.constant 4 : i32
          %broadcast_in_dim3A_171 = vector.broadcast %broadcast_in_dim3A_170 : i32 to vector<16xi32>
          %gather3A_172 = tpu.vector_load_idx %arg16[%add3A_134, %broadcast_in_dim3A_171] : memref<224x32xi32, #tpu.memory_space<vmem>>[vector<16xi32>, vector<16xi32>], vector<16xi32>,
          %mul3A_173 = arith.constant 256 : i32
          %mul3A_174 = arith.muli %scan3A_130, %mul3A_173 : i32
          %add3A_175 = arith.constant 64 : i32
          %add3A_176 = arith.addi %mul3A_174, %add3A_175 : i32
          %swap3A_177 = arith.index_cast %add3A_176 : i32 to index
          %swap3A_178 = tpu.vector_load %arg18[%swap3A_177] {strides = array<i32>} : memref<3584xi32, #tpu.memory_space<vmem>>, vector<16xi32>,
          tpu.vector_store %arg18[%swap3A_177], %gather3A_172 {strides = array<i32>} : memref<3584xi32, #tpu.memory_space<vmem>>, vector<16xi32>,
          %broadcast_in_dim3A_179 = arith.constant 5 : i32
          %broadcast_in_dim3A_180 = vector.broadcast %broadcast_in_dim3A_179 : i32 to vector<16xi32>
          %gather3A_181 = tpu.vector_load_idx %arg16[%add3A_134, %broadcast_in_dim3A_180] : memref<224x32xi32, #tpu.memory_space<vmem>>[vector<16xi32>, vector<16xi32>], vector<16xi32>,
          %mul3A_182 = arith.constant 256 : i32
          %mul3A_183 = arith.muli %scan3A_130, %mul3A_182 : i32
          %add3A_184 = arith.constant 80 : i32
          %add3A_185 = arith.addi %mul3A_183, %add3A_184 : i32
          %swap3A_186 = arith.index_cast %add3A_185 : i32 to index
          %swap3A_187 = tpu.vector_load %arg18[%swap3A_186] {strides = array<i32>} : memref<3584xi32, #tpu.memory_space<vmem>>, vector<16xi32>,
          tpu.vector_store %arg18[%swap3A_186], %gather3A_181 {strides = array<i32>} : memref<3584xi32, #tpu.memory_space<vmem>>, vector<16xi32>,
          %broadcast_in_dim3A_188 = arith.constant 6 : i32
          %broadcast_in_dim3A_189 = vector.broadcast %broadcast_in_dim3A_188 : i32 to vector<16xi32>
          %gather3A_190 = tpu.vector_load_idx %arg16[%add3A_134, %broadcast_in_dim3A_189] : memref<224x32xi32, #tpu.memory_space<vmem>>[vector<16xi32>, vector<16xi32>], vector<16xi32>,
          %mul3A_191 = arith.constant 256 : i32
          %mul3A_192 = arith.muli %scan3A_130, %mul3A_191 : i32
          %add3A_193 = arith.constant 96 : i32
          %add3A_194 = arith.addi %mul3A_192, %add3A_193 : i32
          %swap3A_195 = arith.index_cast %add3A_194 : i32 to index
          %swap3A_196 = tpu.vector_load %arg18[%swap3A_195] {strides = array<i32>} : memref<3584xi32, #tpu.memory_space<vmem>>, vector<16xi32>,
          tpu.vector_store %arg18[%swap3A_195], %gather3A_190 {strides = array<i32>} : memref<3584xi32, #tpu.memory_space<vmem>>, vector<16xi32>,
          %broadcast_in_dim3A_197 = arith.constant 7 : i32
          %broadcast_in_dim3A_198 = vector.broadcast %broadcast_in_dim3A_197 : i32 to vector<16xi32>
          %gather3A_199 = tpu.vector_load_idx %arg16[%add3A_134, %broadcast_in_dim3A_198] : memref<224x32xi32, #tpu.memory_space<vmem>>[vector<16xi32>, vector<16xi32>], vector<16xi32>,
          %mul3A_200 = arith.constant 256 : i32
          %mul3A_201 = arith.muli %scan3A_130, %mul3A_200 : i32
          %add3A_202 = arith.constant 112 : i32
          %add3A_203 = arith.addi %mul3A_201, %add3A_202 : i32
          %swap3A_204 = arith.index_cast %add3A_203 : i32 to index
          %swap3A_205 = tpu.vector_load %arg18[%swap3A_204] {strides = array<i32>} : memref<3584xi32, #tpu.memory_space<vmem>>, vector<16xi32>,
          tpu.vector_store %arg18[%swap3A_204], %gather3A_199 {strides = array<i32>} : memref<3584xi32, #tpu.memory_space<vmem>>, vector<16xi32>,
          %broadcast_in_dim3A_206 = arith.constant 8 : i32
          %broadcast_in_dim3A_207 = vector.broadcast %broadcast_in_dim3A_206 : i32 to vector<16xi32>
          %gather3A_208 = tpu.vector_load_idx %arg16[%add3A_134, %broadcast_in_dim3A_207] : memref<224x32xi32, #tpu.memory_space<vmem>>[vector<16xi32>, vector<16xi32>], vector<16xi32>,
          %mul3A_209 = arith.constant 256 : i32
          %mul3A_210 = arith.muli %scan3A_130, %mul3A_209 : i32
          %add3A_211 = arith.constant 128 : i32
          %add3A_212 = arith.addi %mul3A_210, %add3A_211 : i32
          %swap3A_213 = arith.index_cast %add3A_212 : i32 to index
          %swap3A_214 = tpu.vector_load %arg18[%swap3A_213] {strides = array<i32>} : memref<3584xi32, #tpu.memory_space<vmem>>, vector<16xi32>,
          tpu.vector_store %arg18[%swap3A_213], %gather3A_208 {strides = array<i32>} : memref<3584xi32, #tpu.memory_space<vmem>>, vector<16xi32>,
          %broadcast_in_dim3A_215 = arith.constant 9 : i32
          %broadcast_in_dim3A_216 = vector.broadcast %broadcast_in_dim3A_215 : i32 to vector<16xi32>
          %gather3A_217 = tpu.vector_load_idx %arg16[%add3A_134, %broadcast_in_dim3A_216] : memref<224x32xi32, #tpu.memory_space<vmem>>[vector<16xi32>, vector<16xi32>], vector<16xi32>,
          %mul3A_218 = arith.constant 256 : i32
          %mul3A_219 = arith.muli %scan3A_130, %mul3A_218 : i32
          %add3A_220 = arith.constant 144 : i32
          %add3A_221 = arith.addi %mul3A_219, %add3A_220 : i32
          %swap3A_222 = arith.index_cast %add3A_221 : i32 to index
          %swap3A_223 = tpu.vector_load %arg18[%swap3A_222] {strides = array<i32>} : memref<3584xi32, #tpu.memory_space<vmem>>, vector<16xi32>,
          tpu.vector_store %arg18[%swap3A_222], %gather3A_217 {strides = array<i32>} : memref<3584xi32, #tpu.memory_space<vmem>>, vector<16xi32>,
          %broadcast_in_dim3A_224 = arith.constant 10 : i32
          %broadcast_in_dim3A_225 = vector.broadcast %broadcast_in_dim3A_224 : i32 to vector<16xi32>
          %gather3A_226 = tpu.vector_load_idx %arg16[%add3A_134, %broadcast_in_dim3A_225] : memref<224x32xi32, #tpu.memory_space<vmem>>[vector<16xi32>, vector<16xi32>], vector<16xi32>,
          %mul3A_227 = arith.constant 256 : i32
          %mul3A_228 = arith.muli %scan3A_130, %mul3A_227 : i32
          %add3A_229 = arith.constant 160 : i32
          %add3A_230 = arith.addi %mul3A_228, %add3A_229 : i32
          %swap3A_231 = arith.index_cast %add3A_230 : i32 to index
          %swap3A_232 = tpu.vector_load %arg18[%swap3A_231] {strides = array<i32>} : memref<3584xi32, #tpu.memory_space<vmem>>, vector<16xi32>,
          tpu.vector_store %arg18[%swap3A_231], %gather3A_226 {strides = array<i32>} : memref<3584xi32, #tpu.memory_space<vmem>>, vector<16xi32>,
          %broadcast_in_dim3A_233 = arith.constant 11 : i32
          %broadcast_in_dim3A_234 = vector.broadcast %broadcast_in_dim3A_233 : i32 to vector<16xi32>
          %gather3A_235 = tpu.vector_load_idx %arg16[%add3A_134, %broadcast_in_dim3A_234] : memref<224x32xi32, #tpu.memory_space<vmem>>[vector<16xi32>, vector<16xi32>], vector<16xi32>,
          %mul3A_236 = arith.constant 256 : i32
          %mul3A_237 = arith.muli %scan3A_130, %mul3A_236 : i32
          %add3A_238 = arith.constant 176 : i32
          %add3A_239 = arith.addi %mul3A_237, %add3A_238 : i32
          %swap3A_240 = arith.index_cast %add3A_239 : i32 to index
          %swap3A_241 = tpu.vector_load %arg18[%swap3A_240] {strides = array<i32>} : memref<3584xi32, #tpu.memory_space<vmem>>, vector<16xi32>,
          tpu.vector_store %arg18[%swap3A_240], %gather3A_235 {strides = array<i32>} : memref<3584xi32, #tpu.memory_space<vmem>>, vector<16xi32>,
          %broadcast_in_dim3A_242 = arith.constant 12 : i32
          %broadcast_in_dim3A_243 = vector.broadcast %broadcast_in_dim3A_242 : i32 to vector<16xi32>
          %gather3A_244 = tpu.vector_load_idx %arg16[%add3A_134, %broadcast_in_dim3A_243] : memref<224x32xi32, #tpu.memory_space<vmem>>[vector<16xi32>, vector<16xi32>], vector<16xi32>,
          %mul3A_245 = arith.constant 256 : i32
          %mul3A_246 = arith.muli %scan3A_130, %mul3A_245 : i32
          %add3A_247 = arith.constant 192 : i32
          %add3A_248 = arith.addi %mul3A_246, %add3A_247 : i32
          %swap3A_249 = arith.index_cast %add3A_248 : i32 to index
          %swap3A_250 = tpu.vector_load %arg18[%swap3A_249] {strides = array<i32>} : memref<3584xi32, #tpu.memory_space<vmem>>, vector<16xi32>,
          tpu.vector_store %arg18[%swap3A_249], %gather3A_244 {strides = array<i32>} : memref<3584xi32, #tpu.memory_space<vmem>>, vector<16xi32>,
          %broadcast_in_dim3A_251 = arith.constant 13 : i32
          %broadcast_in_dim3A_252 = vector.broadcast %broadcast_in_dim3A_251 : i32 to vector<16xi32>
          %gather3A_253 = tpu.vector_load_idx %arg16[%add3A_134, %broadcast_in_dim3A_252] : memref<224x32xi32, #tpu.memory_space<vmem>>[vector<16xi32>, vector<16xi32>], vector<16xi32>,
          %mul3A_254 = arith.constant 256 : i32
          %mul3A_255 = arith.muli %scan3A_130, %mul3A_254 : i32
          %add3A_256 = arith.constant 208 : i32
          %add3A_257 = arith.addi %mul3A_255, %add3A_256 : i32
          %swap3A_258 = arith.index_cast %add3A_257 : i32 to index
          %swap3A_259 = tpu.vector_load %arg18[%swap3A_258] {strides = array<i32>} : memref<3584xi32, #tpu.memory_space<vmem>>, vector<16xi32>,
          tpu.vector_store %arg18[%swap3A_258], %gather3A_253 {strides = array<i32>} : memref<3584xi32, #tpu.memory_space<vmem>>, vector<16xi32>,
          %broadcast_in_dim3A_260 = arith.constant 14 : i32
          %broadcast_in_dim3A_261 = vector.broadcast %broadcast_in_dim3A_260 : i32 to vector<16xi32>
          %gather3A_262 = tpu.vector_load_idx %arg16[%add3A_134, %broadcast_in_dim3A_261] : memref<224x32xi32, #tpu.memory_space<vmem>>[vector<16xi32>, vector<16xi32>], vector<16xi32>,
          %mul3A_263 = arith.constant 256 : i32
          %mul3A_264 = arith.muli %scan3A_130, %mul3A_263 : i32
          %add3A_265 = arith.constant 224 : i32
          %add3A_266 = arith.addi %mul3A_264, %add3A_265 : i32
          %swap3A_267 = arith.index_cast %add3A_266 : i32 to index
          %swap3A_268 = tpu.vector_load %arg18[%swap3A_267] {strides = array<i32>} : memref<3584xi32, #tpu.memory_space<vmem>>, vector<16xi32>,
          tpu.vector_store %arg18[%swap3A_267], %gather3A_262 {strides = array<i32>} : memref<3584xi32, #tpu.memory_space<vmem>>, vector<16xi32>,
          %broadcast_in_dim3A_269 = arith.constant 15 : i32
          %broadcast_in_dim3A_270 = vector.broadcast %broadcast_in_dim3A_269 : i32 to vector<16xi32>
          %gather3A_271 = tpu.vector_load_idx %arg16[%add3A_134, %broadcast_in_dim3A_270] : memref<224x32xi32, #tpu.memory_space<vmem>>[vector<16xi32>, vector<16xi32>], vector<16xi32>,
          %mul3A_272 = arith.constant 256 : i32
          %mul3A_273 = arith.muli %scan3A_130, %mul3A_272 : i32
          %add3A_274 = arith.constant 240 : i32
          %add3A_275 = arith.addi %mul3A_273, %add3A_274 : i32
          %swap3A_276 = arith.index_cast %add3A_275 : i32 to index
          %swap3A_277 = tpu.vector_load %arg18[%swap3A_276] {strides = array<i32>} : memref<3584xi32, #tpu.memory_space<vmem>>, vector<16xi32>,
          tpu.vector_store %arg18[%swap3A_276], %gather3A_271 {strides = array<i32>} : memref<3584xi32, #tpu.memory_space<vmem>>, vector<16xi32>,
        }
        %scan3A_123 = arith.constant 14 : i32
        %dma_start3A_124 = arith.constant 0 : i32
        %dma_start3A_125 = tpu.memref_slice %arg8[%dma_start3A_124] : memref<100000xf32, #tpu.memory_space<vmem_shared>> -> memref<100000xf32, #tpu.memory_space<vmem_shared>>
        tpu.enqueue_indirect_dma source(%dma_start3A_125 : memref<100000xf32, #tpu.memory_space<vmem_shared>>) target(%arg20 : memref<3584xf32, #tpu.memory_space<vmem>>) offsets(%arg18 : memref<3584xi32, #tpu.memory_space<vmem>>) semaphore(%arg26 : memref<!tpu.dma_semaphore, #tpu.memory_space<semaphore_mem>>)
        %dma_start3A_126 = arith.constant 0 : i32
        %dma_start3A_127 = tpu.memref_slice %arg9[%dma_start3A_126] : memref<100000xf32, #tpu.memory_space<vmem_shared>> -> memref<100000xf32, #tpu.memory_space<vmem_shared>>
        tpu.enqueue_indirect_dma source(%dma_start3A_127 : memref<100000xf32, #tpu.memory_space<vmem_shared>>) target(%arg22 : memref<3584xf32, #tpu.memory_space<vmem>>) offsets(%arg18 : memref<3584xi32, #tpu.memory_space<vmem>>) semaphore(%arg26 : memref<!tpu.dma_semaphore, #tpu.memory_space<semaphore_mem>>)
        %dma_start3A_128 = arith.constant 0 : i32
        %dma_start3A_129 = tpu.memref_slice %arg10[%dma_start3A_128] : memref<100000xf32, #tpu.memory_space<vmem_shared>> -> memref<100000xf32, #tpu.memory_space<vmem_shared>>
        tpu.enqueue_indirect_dma source(%dma_start3A_129 : memref<100000xf32, #tpu.memory_space<vmem_shared>>) target(%arg24 : memref<3584xf32, #tpu.memory_space<vmem>>) offsets(%arg18 : memref<3584xi32, #tpu.memory_space<vmem>>) semaphore(%arg26 : memref<!tpu.dma_semaphore, #tpu.memory_space<semaphore_mem>>)
      } else {
      }
      %mul3A_86 = arith.constant 2 : i32
      %mul3A_87 = arith.muli %mul3A_86, %scan3A_54 : i32
      %add3A_88 = arith.constant 1 : i32
      %add3A_89 = arith.addi %mul3A_87, %add3A_88 : i32
      %dma_wait3A_90 = arith.constant 0 : i32
      %dma_wait3A_91 = tpu.memref_slice %arg2[%dma_wait3A_90] : memref<100000xf32, #tpu.memory_space<hbm>> -> memref<3584xf32, #tpu.memory_space<hbm>>
      %dma_wait3A_92 = arith.constant 0 : i32
      %dma_wait3A_93 = tpu.memref_slice %arg2[%dma_wait3A_92] : memref<100000xf32, #tpu.memory_space<hbm>> -> memref<3584xf32, #tpu.memory_space<hbm>>
      tpu.wait_dma2 semaphore(%arg27 : memref<!tpu.dma_semaphore, #tpu.memory_space<semaphore_mem>>) src(%dma_wait3A_93 : memref<3584xf32, #tpu.memory_space<hbm>>) dst(%arg21 : memref<3584xf32, #tpu.memory_space<vmem>>)
      %dma_wait3A_94 = arith.constant 0 : i32
      %dma_wait3A_95 = tpu.memref_slice %arg3[%dma_wait3A_94] : memref<100000xf32, #tpu.memory_space<hbm>> -> memref<3584xf32, #tpu.memory_space<hbm>>
      %dma_wait3A_96 = arith.constant 0 : i32
      %dma_wait3A_97 = tpu.memref_slice %arg3[%dma_wait3A_96] : memref<100000xf32, #tpu.memory_space<hbm>> -> memref<3584xf32, #tpu.memory_space<hbm>>
      tpu.wait_dma2 semaphore(%arg27 : memref<!tpu.dma_semaphore, #tpu.memory_space<semaphore_mem>>) src(%dma_wait3A_97 : memref<3584xf32, #tpu.memory_space<hbm>>) dst(%arg23 : memref<3584xf32, #tpu.memory_space<vmem>>)
      %dma_wait3A_98 = arith.constant 0 : i32
      %dma_wait3A_99 = tpu.memref_slice %arg4[%dma_wait3A_98] : memref<100000xf32, #tpu.memory_space<hbm>> -> memref<3584xf32, #tpu.memory_space<hbm>>
      %dma_wait3A_100 = arith.constant 0 : i32
      %dma_wait3A_101 = tpu.memref_slice %arg4[%dma_wait3A_100] : memref<100000xf32, #tpu.memory_space<hbm>> -> memref<3584xf32, #tpu.memory_space<hbm>>
      tpu.wait_dma2 semaphore(%arg27 : memref<!tpu.dma_semaphore, #tpu.memory_space<semaphore_mem>>) src(%dma_wait3A_101 : memref<3584xf32, #tpu.memory_space<hbm>>) dst(%arg25 : memref<3584xf32, #tpu.memory_space<vmem>>)
      %scan3A_102 = arith.constant 0 : i32
      %scan3A_103 = arith.constant 14 : i32
      %scan3A_104 = arith.addi %scan3A_102, %scan3A_103 : i32
      %scan3A_105 = arith.constant 1 : i32
      %scan3A_106:4 = scf.for %scan3A_115 = %scan3A_102 to %scan3A_104 step %scan3A_105 iter_args(%scan3A_116 = %scan3A_78#0, %scan3A_117 = %scan3A_78#1, %scan3A_118 = %scan3A_78#2, %scan3A_119 = %scan3A_78#3) -> (vector<16xf32>, vector<16xf32>, vector<16xf32>, vector<16xf32>)  : i32 {
        %mul3A_120 = arith.constant 14 : i32
        %mul3A_121 = arith.muli %add3A_89, %mul3A_120 : i32
        %add3A_122 = arith.addi %mul3A_121, %scan3A_115 : i32
        %mul3A_123 = arith.constant 16 : i32
        %mul3A_124 = arith.muli %add3A_122, %mul3A_123 : i32
        %mul3A_125 = arith.constant 256 : i32
        %mul3A_126 = arith.muli %scan3A_115, %mul3A_125 : i32
        %get3A = arith.index_cast %mul3A_124 : i32 to index
        %get3A_127 = tpu.vector_load %arg11[%get3A] {strides = array<i32>} : memref<3136xf32, #tpu.memory_space<vmem>>, vector<16xf32>,
        %get3A_128 = arith.index_cast %mul3A_124 : i32 to index
        %get3A_129 = tpu.vector_load %arg12[%get3A_128] {strides = array<i32>} : memref<3136xf32, #tpu.memory_space<vmem>>, vector<16xf32>,
        %get3A_130 = arith.index_cast %mul3A_124 : i32 to index
        %get3A_131 = tpu.vector_load %arg13[%get3A_130] {strides = array<i32>} : memref<3136xf32, #tpu.memory_space<vmem>>, vector<16xf32>,
        %add3A_132 = arith.constant 0 : i32
        %add3A_133 = arith.addi %mul3A_126, %add3A_132 : i32
        %get3A_134 = arith.index_cast %add3A_133 : i32 to index
        %get3A_135 = tpu.vector_load %arg21[%get3A_134] {strides = array<i32>} : memref<3584xf32, #tpu.memory_space<vmem>>, vector<16xf32>,
        %sub3A = arith.subf %get3A_135, %get3A_127 : vector<16xf32>
        %add3A_136 = arith.constant 0 : i32
        %add3A_137 = arith.addi %mul3A_126, %add3A_136 : i32
        %get3A_138 = arith.index_cast %add3A_137 : i32 to index
        %get3A_139 = tpu.vector_load %arg23[%get3A_138] {strides = array<i32>} : memref<3584xf32, #tpu.memory_space<vmem>>, vector<16xf32>,
        %sub3A_140 = arith.subf %get3A_139, %get3A_129 : vector<16xf32>
        %add3A_141 = arith.constant 0 : i32
        %add3A_142 = arith.addi %mul3A_126, %add3A_141 : i32
        %get3A_143 = arith.index_cast %add3A_142 : i32 to index
        %get3A_144 = tpu.vector_load %arg25[%get3A_143] {strides = array<i32>} : memref<3584xf32, #tpu.memory_space<vmem>>, vector<16xf32>,
        %sub3A_145 = arith.subf %get3A_144, %get3A_131 : vector<16xf32>
        %mul3A_146 = arith.mulf %sub3A, %sub3A : vector<16xf32>
        %mul3A_147 = arith.mulf %sub3A_140, %sub3A_140 : vector<16xf32>
        %add3A_148 = arith.addf %mul3A_146, %mul3A_147 : vector<16xf32>
        %mul3A_149 = arith.mulf %sub3A_145, %sub3A_145 : vector<16xf32>
        %add3A_150 = arith.addf %add3A_148, %mul3A_149 : vector<16xf32>
        %bitcast3A = vector.bitcast %add3A_150 : vector<16xf32> to vector<16xi32>
        %shift_right_arithmetic3A = arith.constant 1 : i32
        %shift_right_arithmetic3A_151 = vector.broadcast %shift_right_arithmetic3A : i32 to vector<16xi32>
        %shift_right_arithmetic3A_152 = arith.shrsi %bitcast3A, %shift_right_arithmetic3A_151 : vector<16xi32>
        %sub3A_153 = arith.constant 1597463007 : i32
        %sub3A_154 = vector.broadcast %sub3A_153 : i32 to vector<16xi32>
        %sub3A_155 = arith.subi %sub3A_154, %shift_right_arithmetic3A_152 : vector<16xi32>
        %bitcast3A_156 = vector.bitcast %sub3A_155 : vector<16xi32> to vector<16xf32>
        %mul3A_157 = arith.constant 5.000000e-01 : f32
        %mul3A_158 = vector.broadcast %mul3A_157 : f32 to vector<16xf32>
        %mul3A_159 = arith.mulf %mul3A_158, %add3A_150 : vector<16xf32>
        %mul3A_160 = arith.mulf %mul3A_159, %bitcast3A_156 : vector<16xf32>
        %mul3A_161 = arith.mulf %mul3A_160, %bitcast3A_156 : vector<16xf32>
        %sub3A_162 = arith.constant 1.500000e+00 : f32
        %sub3A_163 = vector.broadcast %sub3A_162 : f32 to vector<16xf32>
        %sub3A_164 = arith.subf %sub3A_163, %mul3A_161 : vector<16xf32>
        %mul3A_165 = arith.mulf %bitcast3A_156, %sub3A_164 : vector<16xf32>
        %mul3A_166 = arith.mulf %mul3A_159, %mul3A_165 : vector<16xf32>
        %mul3A_167 = arith.mulf %mul3A_166, %mul3A_165 : vector<16xf32>
        %sub3A_168 = arith.constant 1.500000e+00 : f32
        %sub3A_169 = vector.broadcast %sub3A_168 : f32 to vector<16xf32>
        %sub3A_170 = arith.subf %sub3A_169, %mul3A_167 : vector<16xf32>
        %mul3A_171 = arith.mulf %mul3A_165, %sub3A_170 : vector<16xf32>
        %mul3A_172 = arith.mulf %add3A_150, %mul3A_171 : vector<16xf32>
        %gt3A = arith.constant 9.99999996E-13 : f32
        %gt3A_173 = vector.broadcast %gt3A : f32 to vector<16xf32>
        %gt3A_174 = arith.cmpf ogt, %add3A_150, %gt3A_173 : vector<16xf32>
        %jit3A = arith.constant 0.000000e+00 : f32
        %broadcast_in_dim3A_175 = vector.broadcast %jit3A : f32 to vector<16xf32>
        %select_n3A = arith.select %gt3A_174, %mul3A_172, %broadcast_in_dim3A_175 : vector<16xi1>, vector<16xf32>
        %add3A_176 = arith.addf %broadcast_in_dim3A_6, %select_n3A : vector<16xf32>
        %jit3A_177 = arith.constant 1.000000e+00 : f32
        %jit3A_178 = arith.constant 0.000000e+00 : f32
        %broadcast_in_dim3A_179 = vector.broadcast %jit3A_177 : f32 to vector<16xf32>
        %broadcast_in_dim3A_180 = vector.broadcast %jit3A_178 : f32 to vector<16xf32>
        %select_n3A_181 = arith.select %gt3A_174, %broadcast_in_dim3A_179, %broadcast_in_dim3A_180 : vector<16xi1>, vector<16xf32>
        %add3A_182 = arith.addf %broadcast_in_dim3A_6, %select_n3A_181 : vector<16xf32>
        %add3A_183 = arith.constant 16 : i32
        %add3A_184 = arith.addi %mul3A_126, %add3A_183 : i32
        %get3A_185 = arith.index_cast %add3A_184 : i32 to index
        %get3A_186 = tpu.vector_load %arg21[%get3A_185] {strides = array<i32>} : memref<3584xf32, #tpu.memory_space<vmem>>, vector<16xf32>,
        %sub3A_187 = arith.subf %get3A_186, %get3A_127 : vector<16xf32>
        %add3A_188 = arith.constant 16 : i32
        %add3A_189 = arith.addi %mul3A_126, %add3A_188 : i32
        %get3A_190 = arith.index_cast %add3A_189 : i32 to index
        %get3A_191 = tpu.vector_load %arg23[%get3A_190] {strides = array<i32>} : memref<3584xf32, #tpu.memory_space<vmem>>, vector<16xf32>,
        %sub3A_192 = arith.subf %get3A_191, %get3A_129 : vector<16xf32>
        %add3A_193 = arith.constant 16 : i32
        %add3A_194 = arith.addi %mul3A_126, %add3A_193 : i32
        %get3A_195 = arith.index_cast %add3A_194 : i32 to index
        %get3A_196 = tpu.vector_load %arg25[%get3A_195] {strides = array<i32>} : memref<3584xf32, #tpu.memory_space<vmem>>, vector<16xf32>,
        %sub3A_197 = arith.subf %get3A_196, %get3A_131 : vector<16xf32>
        %mul3A_198 = arith.mulf %sub3A_187, %sub3A_187 : vector<16xf32>
        %mul3A_199 = arith.mulf %sub3A_192, %sub3A_192 : vector<16xf32>
        %add3A_200 = arith.addf %mul3A_198, %mul3A_199 : vector<16xf32>
        %mul3A_201 = arith.mulf %sub3A_197, %sub3A_197 : vector<16xf32>
        %add3A_202 = arith.addf %add3A_200, %mul3A_201 : vector<16xf32>
        %bitcast3A_203 = vector.bitcast %add3A_202 : vector<16xf32> to vector<16xi32>
        %shift_right_arithmetic3A_204 = arith.constant 1 : i32
        %shift_right_arithmetic3A_205 = vector.broadcast %shift_right_arithmetic3A_204 : i32 to vector<16xi32>
        %shift_right_arithmetic3A_206 = arith.shrsi %bitcast3A_203, %shift_right_arithmetic3A_205 : vector<16xi32>
        %sub3A_207 = arith.constant 1597463007 : i32
        %sub3A_208 = vector.broadcast %sub3A_207 : i32 to vector<16xi32>
        %sub3A_209 = arith.subi %sub3A_208, %shift_right_arithmetic3A_206 : vector<16xi32>
        %bitcast3A_210 = vector.bitcast %sub3A_209 : vector<16xi32> to vector<16xf32>
        %mul3A_211 = arith.constant 5.000000e-01 : f32
        %mul3A_212 = vector.broadcast %mul3A_211 : f32 to vector<16xf32>
        %mul3A_213 = arith.mulf %mul3A_212, %add3A_202 : vector<16xf32>
        %mul3A_214 = arith.mulf %mul3A_213, %bitcast3A_210 : vector<16xf32>
        %mul3A_215 = arith.mulf %mul3A_214, %bitcast3A_210 : vector<16xf32>
        %sub3A_216 = arith.constant 1.500000e+00 : f32
        %sub3A_217 = vector.broadcast %sub3A_216 : f32 to vector<16xf32>
        %sub3A_218 = arith.subf %sub3A_217, %mul3A_215 : vector<16xf32>
        %mul3A_219 = arith.mulf %bitcast3A_210, %sub3A_218 : vector<16xf32>
        %mul3A_220 = arith.mulf %mul3A_213, %mul3A_219 : vector<16xf32>
        %mul3A_221 = arith.mulf %mul3A_220, %mul3A_219 : vector<16xf32>
        %sub3A_222 = arith.constant 1.500000e+00 : f32
        %sub3A_223 = vector.broadcast %sub3A_222 : f32 to vector<16xf32>
        %sub3A_224 = arith.subf %sub3A_223, %mul3A_221 : vector<16xf32>
        %mul3A_225 = arith.mulf %mul3A_219, %sub3A_224 : vector<16xf32>
        %mul3A_226 = arith.mulf %add3A_202, %mul3A_225 : vector<16xf32>
        %gt3A_227 = arith.constant 9.99999996E-13 : f32
        %gt3A_228 = vector.broadcast %gt3A_227 : f32 to vector<16xf32>
        %gt3A_229 = arith.cmpf ogt, %add3A_202, %gt3A_228 : vector<16xf32>
        %jit3A_230 = arith.constant 0.000000e+00 : f32
        %broadcast_in_dim3A_231 = vector.broadcast %jit3A_230 : f32 to vector<16xf32>
        %select_n3A_232 = arith.select %gt3A_229, %mul3A_226, %broadcast_in_dim3A_231 : vector<16xi1>, vector<16xf32>
        %add3A_233 = arith.addf %add3A_176, %select_n3A_232 : vector<16xf32>
        %jit3A_234 = arith.constant 1.000000e+00 : f32
        %jit3A_235 = arith.constant 0.000000e+00 : f32
        %broadcast_in_dim3A_236 = vector.broadcast %jit3A_234 : f32 to vector<16xf32>
        %broadcast_in_dim3A_237 = vector.broadcast %jit3A_235 : f32 to vector<16xf32>
        %select_n3A_238 = arith.select %gt3A_229, %broadcast_in_dim3A_236, %broadcast_in_dim3A_237 : vector<16xi1>, vector<16xf32>
        %add3A_239 = arith.addf %add3A_182, %select_n3A_238 : vector<16xf32>
        %add3A_240 = arith.constant 32 : i32
        %add3A_241 = arith.addi %mul3A_126, %add3A_240 : i32
        %get3A_242 = arith.index_cast %add3A_241 : i32 to index
        %get3A_243 = tpu.vector_load %arg21[%get3A_242] {strides = array<i32>} : memref<3584xf32, #tpu.memory_space<vmem>>, vector<16xf32>,
        %sub3A_244 = arith.subf %get3A_243, %get3A_127 : vector<16xf32>
        %add3A_245 = arith.constant 32 : i32
        %add3A_246 = arith.addi %mul3A_126, %add3A_245 : i32
        %get3A_247 = arith.index_cast %add3A_246 : i32 to index
        %get3A_248 = tpu.vector_load %arg23[%get3A_247] {strides = array<i32>} : memref<3584xf32, #tpu.memory_space<vmem>>, vector<16xf32>,
        %sub3A_249 = arith.subf %get3A_248, %get3A_129 : vector<16xf32>
        %add3A_250 = arith.constant 32 : i32
        %add3A_251 = arith.addi %mul3A_126, %add3A_250 : i32
        %get3A_252 = arith.index_cast %add3A_251 : i32 to index
        %get3A_253 = tpu.vector_load %arg25[%get3A_252] {strides = array<i32>} : memref<3584xf32, #tpu.memory_space<vmem>>, vector<16xf32>,
        %sub3A_254 = arith.subf %get3A_253, %get3A_131 : vector<16xf32>
        %mul3A_255 = arith.mulf %sub3A_244, %sub3A_244 : vector<16xf32>
        %mul3A_256 = arith.mulf %sub3A_249, %sub3A_249 : vector<16xf32>
        %add3A_257 = arith.addf %mul3A_255, %mul3A_256 : vector<16xf32>
        %mul3A_258 = arith.mulf %sub3A_254, %sub3A_254 : vector<16xf32>
        %add3A_259 = arith.addf %add3A_257, %mul3A_258 : vector<16xf32>
        %bitcast3A_260 = vector.bitcast %add3A_259 : vector<16xf32> to vector<16xi32>
        %shift_right_arithmetic3A_261 = arith.constant 1 : i32
        %shift_right_arithmetic3A_262 = vector.broadcast %shift_right_arithmetic3A_261 : i32 to vector<16xi32>
        %shift_right_arithmetic3A_263 = arith.shrsi %bitcast3A_260, %shift_right_arithmetic3A_262 : vector<16xi32>
        %sub3A_264 = arith.constant 1597463007 : i32
        %sub3A_265 = vector.broadcast %sub3A_264 : i32 to vector<16xi32>
        %sub3A_266 = arith.subi %sub3A_265, %shift_right_arithmetic3A_263 : vector<16xi32>
        %bitcast3A_267 = vector.bitcast %sub3A_266 : vector<16xi32> to vector<16xf32>
        %mul3A_268 = arith.constant 5.000000e-01 : f32
        %mul3A_269 = vector.broadcast %mul3A_268 : f32 to vector<16xf32>
        %mul3A_270 = arith.mulf %mul3A_269, %add3A_259 : vector<16xf32>
        %mul3A_271 = arith.mulf %mul3A_270, %bitcast3A_267 : vector<16xf32>
        %mul3A_272 = arith.mulf %mul3A_271, %bitcast3A_267 : vector<16xf32>
        %sub3A_273 = arith.constant 1.500000e+00 : f32
        %sub3A_274 = vector.broadcast %sub3A_273 : f32 to vector<16xf32>
        %sub3A_275 = arith.subf %sub3A_274, %mul3A_272 : vector<16xf32>
        %mul3A_276 = arith.mulf %bitcast3A_267, %sub3A_275 : vector<16xf32>
        %mul3A_277 = arith.mulf %mul3A_270, %mul3A_276 : vector<16xf32>
        %mul3A_278 = arith.mulf %mul3A_277, %mul3A_276 : vector<16xf32>
        %sub3A_279 = arith.constant 1.500000e+00 : f32
        %sub3A_280 = vector.broadcast %sub3A_279 : f32 to vector<16xf32>
        %sub3A_281 = arith.subf %sub3A_280, %mul3A_278 : vector<16xf32>
        %mul3A_282 = arith.mulf %mul3A_276, %sub3A_281 : vector<16xf32>
        %mul3A_283 = arith.mulf %add3A_259, %mul3A_282 : vector<16xf32>
        %gt3A_284 = arith.constant 9.99999996E-13 : f32
        %gt3A_285 = vector.broadcast %gt3A_284 : f32 to vector<16xf32>
        %gt3A_286 = arith.cmpf ogt, %add3A_259, %gt3A_285 : vector<16xf32>
        %jit3A_287 = arith.constant 0.000000e+00 : f32
        %broadcast_in_dim3A_288 = vector.broadcast %jit3A_287 : f32 to vector<16xf32>
        %select_n3A_289 = arith.select %gt3A_286, %mul3A_283, %broadcast_in_dim3A_288 : vector<16xi1>, vector<16xf32>
        %add3A_290 = arith.addf %add3A_233, %select_n3A_289 : vector<16xf32>
        %jit3A_291 = arith.constant 1.000000e+00 : f32
        %jit3A_292 = arith.constant 0.000000e+00 : f32
        %broadcast_in_dim3A_293 = vector.broadcast %jit3A_291 : f32 to vector<16xf32>
        %broadcast_in_dim3A_294 = vector.broadcast %jit3A_292 : f32 to vector<16xf32>
        %select_n3A_295 = arith.select %gt3A_286, %broadcast_in_dim3A_293, %broadcast_in_dim3A_294 : vector<16xi1>, vector<16xf32>
        %add3A_296 = arith.addf %add3A_239, %select_n3A_295 : vector<16xf32>
        %add3A_297 = arith.constant 48 : i32
        %add3A_298 = arith.addi %mul3A_126, %add3A_297 : i32
        %get3A_299 = arith.index_cast %add3A_298 : i32 to index
        %get3A_300 = tpu.vector_load %arg21[%get3A_299] {strides = array<i32>} : memref<3584xf32, #tpu.memory_space<vmem>>, vector<16xf32>,
        %sub3A_301 = arith.subf %get3A_300, %get3A_127 : vector<16xf32>
        %add3A_302 = arith.constant 48 : i32
        %add3A_303 = arith.addi %mul3A_126, %add3A_302 : i32
        %get3A_304 = arith.index_cast %add3A_303 : i32 to index
        %get3A_305 = tpu.vector_load %arg23[%get3A_304] {strides = array<i32>} : memref<3584xf32, #tpu.memory_space<vmem>>, vector<16xf32>,
        %sub3A_306 = arith.subf %get3A_305, %get3A_129 : vector<16xf32>
        %add3A_307 = arith.constant 48 : i32
        %add3A_308 = arith.addi %mul3A_126, %add3A_307 : i32
        %get3A_309 = arith.index_cast %add3A_308 : i32 to index
        %get3A_310 = tpu.vector_load %arg25[%get3A_309] {strides = array<i32>} : memref<3584xf32, #tpu.memory_space<vmem>>, vector<16xf32>,
        %sub3A_311 = arith.subf %get3A_310, %get3A_131 : vector<16xf32>
        %mul3A_312 = arith.mulf %sub3A_301, %sub3A_301 : vector<16xf32>
        %mul3A_313 = arith.mulf %sub3A_306, %sub3A_306 : vector<16xf32>
        %add3A_314 = arith.addf %mul3A_312, %mul3A_313 : vector<16xf32>
        %mul3A_315 = arith.mulf %sub3A_311, %sub3A_311 : vector<16xf32>
        %add3A_316 = arith.addf %add3A_314, %mul3A_315 : vector<16xf32>
        %bitcast3A_317 = vector.bitcast %add3A_316 : vector<16xf32> to vector<16xi32>
        %shift_right_arithmetic3A_318 = arith.constant 1 : i32
        %shift_right_arithmetic3A_319 = vector.broadcast %shift_right_arithmetic3A_318 : i32 to vector<16xi32>
        %shift_right_arithmetic3A_320 = arith.shrsi %bitcast3A_317, %shift_right_arithmetic3A_319 : vector<16xi32>
        %sub3A_321 = arith.constant 1597463007 : i32
        %sub3A_322 = vector.broadcast %sub3A_321 : i32 to vector<16xi32>
        %sub3A_323 = arith.subi %sub3A_322, %shift_right_arithmetic3A_320 : vector<16xi32>
        %bitcast3A_324 = vector.bitcast %sub3A_323 : vector<16xi32> to vector<16xf32>
        %mul3A_325 = arith.constant 5.000000e-01 : f32
        %mul3A_326 = vector.broadcast %mul3A_325 : f32 to vector<16xf32>
        %mul3A_327 = arith.mulf %mul3A_326, %add3A_316 : vector<16xf32>
        %mul3A_328 = arith.mulf %mul3A_327, %bitcast3A_324 : vector<16xf32>
        %mul3A_329 = arith.mulf %mul3A_328, %bitcast3A_324 : vector<16xf32>
        %sub3A_330 = arith.constant 1.500000e+00 : f32
        %sub3A_331 = vector.broadcast %sub3A_330 : f32 to vector<16xf32>
        %sub3A_332 = arith.subf %sub3A_331, %mul3A_329 : vector<16xf32>
        %mul3A_333 = arith.mulf %bitcast3A_324, %sub3A_332 : vector<16xf32>
        %mul3A_334 = arith.mulf %mul3A_327, %mul3A_333 : vector<16xf32>
        %mul3A_335 = arith.mulf %mul3A_334, %mul3A_333 : vector<16xf32>
        %sub3A_336 = arith.constant 1.500000e+00 : f32
        %sub3A_337 = vector.broadcast %sub3A_336 : f32 to vector<16xf32>
        %sub3A_338 = arith.subf %sub3A_337, %mul3A_335 : vector<16xf32>
        %mul3A_339 = arith.mulf %mul3A_333, %sub3A_338 : vector<16xf32>
        %mul3A_340 = arith.mulf %add3A_316, %mul3A_339 : vector<16xf32>
        %gt3A_341 = arith.constant 9.99999996E-13 : f32
        %gt3A_342 = vector.broadcast %gt3A_341 : f32 to vector<16xf32>
        %gt3A_343 = arith.cmpf ogt, %add3A_316, %gt3A_342 : vector<16xf32>
        %jit3A_344 = arith.constant 0.000000e+00 : f32
        %broadcast_in_dim3A_345 = vector.broadcast %jit3A_344 : f32 to vector<16xf32>
        %select_n3A_346 = arith.select %gt3A_343, %mul3A_340, %broadcast_in_dim3A_345 : vector<16xi1>, vector<16xf32>
        %add3A_347 = arith.addf %add3A_290, %select_n3A_346 : vector<16xf32>
        %jit3A_348 = arith.constant 1.000000e+00 : f32
        %jit3A_349 = arith.constant 0.000000e+00 : f32
        %broadcast_in_dim3A_350 = vector.broadcast %jit3A_348 : f32 to vector<16xf32>
        %broadcast_in_dim3A_351 = vector.broadcast %jit3A_349 : f32 to vector<16xf32>
        %select_n3A_352 = arith.select %gt3A_343, %broadcast_in_dim3A_350, %broadcast_in_dim3A_351 : vector<16xi1>, vector<16xf32>
        %add3A_353 = arith.addf %add3A_296, %select_n3A_352 : vector<16xf32>
        %add3A_354 = arith.constant 64 : i32
        %add3A_355 = arith.addi %mul3A_126, %add3A_354 : i32
        %get3A_356 = arith.index_cast %add3A_355 : i32 to index
        %get3A_357 = tpu.vector_load %arg21[%get3A_356] {strides = array<i32>} : memref<3584xf32, #tpu.memory_space<vmem>>, vector<16xf32>,
        %sub3A_358 = arith.subf %get3A_357, %get3A_127 : vector<16xf32>
        %add3A_359 = arith.constant 64 : i32
        %add3A_360 = arith.addi %mul3A_126, %add3A_359 : i32
        %get3A_361 = arith.index_cast %add3A_360 : i32 to index
        %get3A_362 = tpu.vector_load %arg23[%get3A_361] {strides = array<i32>} : memref<3584xf32, #tpu.memory_space<vmem>>, vector<16xf32>,
        %sub3A_363 = arith.subf %get3A_362, %get3A_129 : vector<16xf32>
        %add3A_364 = arith.constant 64 : i32
        %add3A_365 = arith.addi %mul3A_126, %add3A_364 : i32
        %get3A_366 = arith.index_cast %add3A_365 : i32 to index
        %get3A_367 = tpu.vector_load %arg25[%get3A_366] {strides = array<i32>} : memref<3584xf32, #tpu.memory_space<vmem>>, vector<16xf32>,
        %sub3A_368 = arith.subf %get3A_367, %get3A_131 : vector<16xf32>
        %mul3A_369 = arith.mulf %sub3A_358, %sub3A_358 : vector<16xf32>
        %mul3A_370 = arith.mulf %sub3A_363, %sub3A_363 : vector<16xf32>
        %add3A_371 = arith.addf %mul3A_369, %mul3A_370 : vector<16xf32>
        %mul3A_372 = arith.mulf %sub3A_368, %sub3A_368 : vector<16xf32>
        %add3A_373 = arith.addf %add3A_371, %mul3A_372 : vector<16xf32>
        %bitcast3A_374 = vector.bitcast %add3A_373 : vector<16xf32> to vector<16xi32>
        %shift_right_arithmetic3A_375 = arith.constant 1 : i32
        %shift_right_arithmetic3A_376 = vector.broadcast %shift_right_arithmetic3A_375 : i32 to vector<16xi32>
        %shift_right_arithmetic3A_377 = arith.shrsi %bitcast3A_374, %shift_right_arithmetic3A_376 : vector<16xi32>
        %sub3A_378 = arith.constant 1597463007 : i32
        %sub3A_379 = vector.broadcast %sub3A_378 : i32 to vector<16xi32>
        %sub3A_380 = arith.subi %sub3A_379, %shift_right_arithmetic3A_377 : vector<16xi32>
        %bitcast3A_381 = vector.bitcast %sub3A_380 : vector<16xi32> to vector<16xf32>
        %mul3A_382 = arith.constant 5.000000e-01 : f32
        %mul3A_383 = vector.broadcast %mul3A_382 : f32 to vector<16xf32>
        %mul3A_384 = arith.mulf %mul3A_383, %add3A_373 : vector<16xf32>
        %mul3A_385 = arith.mulf %mul3A_384, %bitcast3A_381 : vector<16xf32>
        %mul3A_386 = arith.mulf %mul3A_385, %bitcast3A_381 : vector<16xf32>
        %sub3A_387 = arith.constant 1.500000e+00 : f32
        %sub3A_388 = vector.broadcast %sub3A_387 : f32 to vector<16xf32>
        %sub3A_389 = arith.subf %sub3A_388, %mul3A_386 : vector<16xf32>
        %mul3A_390 = arith.mulf %bitcast3A_381, %sub3A_389 : vector<16xf32>
        %mul3A_391 = arith.mulf %mul3A_384, %mul3A_390 : vector<16xf32>
        %mul3A_392 = arith.mulf %mul3A_391, %mul3A_390 : vector<16xf32>
        %sub3A_393 = arith.constant 1.500000e+00 : f32
        %sub3A_394 = vector.broadcast %sub3A_393 : f32 to vector<16xf32>
        %sub3A_395 = arith.subf %sub3A_394, %mul3A_392 : vector<16xf32>
        %mul3A_396 = arith.mulf %mul3A_390, %sub3A_395 : vector<16xf32>
        %mul3A_397 = arith.mulf %add3A_373, %mul3A_396 : vector<16xf32>
        %gt3A_398 = arith.constant 9.99999996E-13 : f32
        %gt3A_399 = vector.broadcast %gt3A_398 : f32 to vector<16xf32>
        %gt3A_400 = arith.cmpf ogt, %add3A_373, %gt3A_399 : vector<16xf32>
        %jit3A_401 = arith.constant 0.000000e+00 : f32
        %broadcast_in_dim3A_402 = vector.broadcast %jit3A_401 : f32 to vector<16xf32>
        %select_n3A_403 = arith.select %gt3A_400, %mul3A_397, %broadcast_in_dim3A_402 : vector<16xi1>, vector<16xf32>
        %add3A_404 = arith.addf %add3A_347, %select_n3A_403 : vector<16xf32>
        %jit3A_405 = arith.constant 1.000000e+00 : f32
        %jit3A_406 = arith.constant 0.000000e+00 : f32
        %broadcast_in_dim3A_407 = vector.broadcast %jit3A_405 : f32 to vector<16xf32>
        %broadcast_in_dim3A_408 = vector.broadcast %jit3A_406 : f32 to vector<16xf32>
        %select_n3A_409 = arith.select %gt3A_400, %broadcast_in_dim3A_407, %broadcast_in_dim3A_408 : vector<16xi1>, vector<16xf32>
        %add3A_410 = arith.addf %add3A_353, %select_n3A_409 : vector<16xf32>
        %add3A_411 = arith.constant 80 : i32
        %add3A_412 = arith.addi %mul3A_126, %add3A_411 : i32
        %get3A_413 = arith.index_cast %add3A_412 : i32 to index
        %get3A_414 = tpu.vector_load %arg21[%get3A_413] {strides = array<i32>} : memref<3584xf32, #tpu.memory_space<vmem>>, vector<16xf32>,
        %sub3A_415 = arith.subf %get3A_414, %get3A_127 : vector<16xf32>
        %add3A_416 = arith.constant 80 : i32
        %add3A_417 = arith.addi %mul3A_126, %add3A_416 : i32
        %get3A_418 = arith.index_cast %add3A_417 : i32 to index
        %get3A_419 = tpu.vector_load %arg23[%get3A_418] {strides = array<i32>} : memref<3584xf32, #tpu.memory_space<vmem>>, vector<16xf32>,
        %sub3A_420 = arith.subf %get3A_419, %get3A_129 : vector<16xf32>
        %add3A_421 = arith.constant 80 : i32
        %add3A_422 = arith.addi %mul3A_126, %add3A_421 : i32
        %get3A_423 = arith.index_cast %add3A_422 : i32 to index
        %get3A_424 = tpu.vector_load %arg25[%get3A_423] {strides = array<i32>} : memref<3584xf32, #tpu.memory_space<vmem>>, vector<16xf32>,
        %sub3A_425 = arith.subf %get3A_424, %get3A_131 : vector<16xf32>
        %mul3A_426 = arith.mulf %sub3A_415, %sub3A_415 : vector<16xf32>
        %mul3A_427 = arith.mulf %sub3A_420, %sub3A_420 : vector<16xf32>
        %add3A_428 = arith.addf %mul3A_426, %mul3A_427 : vector<16xf32>
        %mul3A_429 = arith.mulf %sub3A_425, %sub3A_425 : vector<16xf32>
        %add3A_430 = arith.addf %add3A_428, %mul3A_429 : vector<16xf32>
        %bitcast3A_431 = vector.bitcast %add3A_430 : vector<16xf32> to vector<16xi32>
        %shift_right_arithmetic3A_432 = arith.constant 1 : i32
        %shift_right_arithmetic3A_433 = vector.broadcast %shift_right_arithmetic3A_432 : i32 to vector<16xi32>
        %shift_right_arithmetic3A_434 = arith.shrsi %bitcast3A_431, %shift_right_arithmetic3A_433 : vector<16xi32>
        %sub3A_435 = arith.constant 1597463007 : i32
        %sub3A_436 = vector.broadcast %sub3A_435 : i32 to vector<16xi32>
        %sub3A_437 = arith.subi %sub3A_436, %shift_right_arithmetic3A_434 : vector<16xi32>
        %bitcast3A_438 = vector.bitcast %sub3A_437 : vector<16xi32> to vector<16xf32>
        %mul3A_439 = arith.constant 5.000000e-01 : f32
        %mul3A_440 = vector.broadcast %mul3A_439 : f32 to vector<16xf32>
        %mul3A_441 = arith.mulf %mul3A_440, %add3A_430 : vector<16xf32>
        %mul3A_442 = arith.mulf %mul3A_441, %bitcast3A_438 : vector<16xf32>
        %mul3A_443 = arith.mulf %mul3A_442, %bitcast3A_438 : vector<16xf32>
        %sub3A_444 = arith.constant 1.500000e+00 : f32
        %sub3A_445 = vector.broadcast %sub3A_444 : f32 to vector<16xf32>
        %sub3A_446 = arith.subf %sub3A_445, %mul3A_443 : vector<16xf32>
        %mul3A_447 = arith.mulf %bitcast3A_438, %sub3A_446 : vector<16xf32>
        %mul3A_448 = arith.mulf %mul3A_441, %mul3A_447 : vector<16xf32>
        %mul3A_449 = arith.mulf %mul3A_448, %mul3A_447 : vector<16xf32>
        %sub3A_450 = arith.constant 1.500000e+00 : f32
        %sub3A_451 = vector.broadcast %sub3A_450 : f32 to vector<16xf32>
        %sub3A_452 = arith.subf %sub3A_451, %mul3A_449 : vector<16xf32>
        %mul3A_453 = arith.mulf %mul3A_447, %sub3A_452 : vector<16xf32>
        %mul3A_454 = arith.mulf %add3A_430, %mul3A_453 : vector<16xf32>
        %gt3A_455 = arith.constant 9.99999996E-13 : f32
        %gt3A_456 = vector.broadcast %gt3A_455 : f32 to vector<16xf32>
        %gt3A_457 = arith.cmpf ogt, %add3A_430, %gt3A_456 : vector<16xf32>
        %jit3A_458 = arith.constant 0.000000e+00 : f32
        %broadcast_in_dim3A_459 = vector.broadcast %jit3A_458 : f32 to vector<16xf32>
        %select_n3A_460 = arith.select %gt3A_457, %mul3A_454, %broadcast_in_dim3A_459 : vector<16xi1>, vector<16xf32>
        %add3A_461 = arith.addf %add3A_404, %select_n3A_460 : vector<16xf32>
        %jit3A_462 = arith.constant 1.000000e+00 : f32
        %jit3A_463 = arith.constant 0.000000e+00 : f32
        %broadcast_in_dim3A_464 = vector.broadcast %jit3A_462 : f32 to vector<16xf32>
        %broadcast_in_dim3A_465 = vector.broadcast %jit3A_463 : f32 to vector<16xf32>
        %select_n3A_466 = arith.select %gt3A_457, %broadcast_in_dim3A_464, %broadcast_in_dim3A_465 : vector<16xi1>, vector<16xf32>
        %add3A_467 = arith.addf %add3A_410, %select_n3A_466 : vector<16xf32>
        %add3A_468 = arith.constant 96 : i32
        %add3A_469 = arith.addi %mul3A_126, %add3A_468 : i32
        %get3A_470 = arith.index_cast %add3A_469 : i32 to index
        %get3A_471 = tpu.vector_load %arg21[%get3A_470] {strides = array<i32>} : memref<3584xf32, #tpu.memory_space<vmem>>, vector<16xf32>,
        %sub3A_472 = arith.subf %get3A_471, %get3A_127 : vector<16xf32>
        %add3A_473 = arith.constant 96 : i32
        %add3A_474 = arith.addi %mul3A_126, %add3A_473 : i32
        %get3A_475 = arith.index_cast %add3A_474 : i32 to index
        %get3A_476 = tpu.vector_load %arg23[%get3A_475] {strides = array<i32>} : memref<3584xf32, #tpu.memory_space<vmem>>, vector<16xf32>,
        %sub3A_477 = arith.subf %get3A_476, %get3A_129 : vector<16xf32>
        %add3A_478 = arith.constant 96 : i32
        %add3A_479 = arith.addi %mul3A_126, %add3A_478 : i32
        %get3A_480 = arith.index_cast %add3A_479 : i32 to index
        %get3A_481 = tpu.vector_load %arg25[%get3A_480] {strides = array<i32>} : memref<3584xf32, #tpu.memory_space<vmem>>, vector<16xf32>,
        %sub3A_482 = arith.subf %get3A_481, %get3A_131 : vector<16xf32>
        %mul3A_483 = arith.mulf %sub3A_472, %sub3A_472 : vector<16xf32>
        %mul3A_484 = arith.mulf %sub3A_477, %sub3A_477 : vector<16xf32>
        %add3A_485 = arith.addf %mul3A_483, %mul3A_484 : vector<16xf32>
        %mul3A_486 = arith.mulf %sub3A_482, %sub3A_482 : vector<16xf32>
        %add3A_487 = arith.addf %add3A_485, %mul3A_486 : vector<16xf32>
        %bitcast3A_488 = vector.bitcast %add3A_487 : vector<16xf32> to vector<16xi32>
        %shift_right_arithmetic3A_489 = arith.constant 1 : i32
        %shift_right_arithmetic3A_490 = vector.broadcast %shift_right_arithmetic3A_489 : i32 to vector<16xi32>
        %shift_right_arithmetic3A_491 = arith.shrsi %bitcast3A_488, %shift_right_arithmetic3A_490 : vector<16xi32>
        %sub3A_492 = arith.constant 1597463007 : i32
        %sub3A_493 = vector.broadcast %sub3A_492 : i32 to vector<16xi32>
        %sub3A_494 = arith.subi %sub3A_493, %shift_right_arithmetic3A_491 : vector<16xi32>
        %bitcast3A_495 = vector.bitcast %sub3A_494 : vector<16xi32> to vector<16xf32>
        %mul3A_496 = arith.constant 5.000000e-01 : f32
        %mul3A_497 = vector.broadcast %mul3A_496 : f32 to vector<16xf32>
        %mul3A_498 = arith.mulf %mul3A_497, %add3A_487 : vector<16xf32>
        %mul3A_499 = arith.mulf %mul3A_498, %bitcast3A_495 : vector<16xf32>
        %mul3A_500 = arith.mulf %mul3A_499, %bitcast3A_495 : vector<16xf32>
        %sub3A_501 = arith.constant 1.500000e+00 : f32
        %sub3A_502 = vector.broadcast %sub3A_501 : f32 to vector<16xf32>
        %sub3A_503 = arith.subf %sub3A_502, %mul3A_500 : vector<16xf32>
        %mul3A_504 = arith.mulf %bitcast3A_495, %sub3A_503 : vector<16xf32>
        %mul3A_505 = arith.mulf %mul3A_498, %mul3A_504 : vector<16xf32>
        %mul3A_506 = arith.mulf %mul3A_505, %mul3A_504 : vector<16xf32>
        %sub3A_507 = arith.constant 1.500000e+00 : f32
        %sub3A_508 = vector.broadcast %sub3A_507 : f32 to vector<16xf32>
        %sub3A_509 = arith.subf %sub3A_508, %mul3A_506 : vector<16xf32>
        %mul3A_510 = arith.mulf %mul3A_504, %sub3A_509 : vector<16xf32>
        %mul3A_511 = arith.mulf %add3A_487, %mul3A_510 : vector<16xf32>
        %gt3A_512 = arith.constant 9.99999996E-13 : f32
        %gt3A_513 = vector.broadcast %gt3A_512 : f32 to vector<16xf32>
        %gt3A_514 = arith.cmpf ogt, %add3A_487, %gt3A_513 : vector<16xf32>
        %jit3A_515 = arith.constant 0.000000e+00 : f32
        %broadcast_in_dim3A_516 = vector.broadcast %jit3A_515 : f32 to vector<16xf32>
        %select_n3A_517 = arith.select %gt3A_514, %mul3A_511, %broadcast_in_dim3A_516 : vector<16xi1>, vector<16xf32>
        %add3A_518 = arith.addf %add3A_461, %select_n3A_517 : vector<16xf32>
        %jit3A_519 = arith.constant 1.000000e+00 : f32
        %jit3A_520 = arith.constant 0.000000e+00 : f32
        %broadcast_in_dim3A_521 = vector.broadcast %jit3A_519 : f32 to vector<16xf32>
        %broadcast_in_dim3A_522 = vector.broadcast %jit3A_520 : f32 to vector<16xf32>
        %select_n3A_523 = arith.select %gt3A_514, %broadcast_in_dim3A_521, %broadcast_in_dim3A_522 : vector<16xi1>, vector<16xf32>
        %add3A_524 = arith.addf %add3A_467, %select_n3A_523 : vector<16xf32>
        %add3A_525 = arith.constant 112 : i32
        %add3A_526 = arith.addi %mul3A_126, %add3A_525 : i32
        %get3A_527 = arith.index_cast %add3A_526 : i32 to index
        %get3A_528 = tpu.vector_load %arg21[%get3A_527] {strides = array<i32>} : memref<3584xf32, #tpu.memory_space<vmem>>, vector<16xf32>,
        %sub3A_529 = arith.subf %get3A_528, %get3A_127 : vector<16xf32>
        %add3A_530 = arith.constant 112 : i32
        %add3A_531 = arith.addi %mul3A_126, %add3A_530 : i32
        %get3A_532 = arith.index_cast %add3A_531 : i32 to index
        %get3A_533 = tpu.vector_load %arg23[%get3A_532] {strides = array<i32>} : memref<3584xf32, #tpu.memory_space<vmem>>, vector<16xf32>,
        %sub3A_534 = arith.subf %get3A_533, %get3A_129 : vector<16xf32>
        %add3A_535 = arith.constant 112 : i32
        %add3A_536 = arith.addi %mul3A_126, %add3A_535 : i32
        %get3A_537 = arith.index_cast %add3A_536 : i32 to index
        %get3A_538 = tpu.vector_load %arg25[%get3A_537] {strides = array<i32>} : memref<3584xf32, #tpu.memory_space<vmem>>, vector<16xf32>,
        %sub3A_539 = arith.subf %get3A_538, %get3A_131 : vector<16xf32>
        %mul3A_540 = arith.mulf %sub3A_529, %sub3A_529 : vector<16xf32>
        %mul3A_541 = arith.mulf %sub3A_534, %sub3A_534 : vector<16xf32>
        %add3A_542 = arith.addf %mul3A_540, %mul3A_541 : vector<16xf32>
        %mul3A_543 = arith.mulf %sub3A_539, %sub3A_539 : vector<16xf32>
        %add3A_544 = arith.addf %add3A_542, %mul3A_543 : vector<16xf32>
        %bitcast3A_545 = vector.bitcast %add3A_544 : vector<16xf32> to vector<16xi32>
        %shift_right_arithmetic3A_546 = arith.constant 1 : i32
        %shift_right_arithmetic3A_547 = vector.broadcast %shift_right_arithmetic3A_546 : i32 to vector<16xi32>
        %shift_right_arithmetic3A_548 = arith.shrsi %bitcast3A_545, %shift_right_arithmetic3A_547 : vector<16xi32>
        %sub3A_549 = arith.constant 1597463007 : i32
        %sub3A_550 = vector.broadcast %sub3A_549 : i32 to vector<16xi32>
        %sub3A_551 = arith.subi %sub3A_550, %shift_right_arithmetic3A_548 : vector<16xi32>
        %bitcast3A_552 = vector.bitcast %sub3A_551 : vector<16xi32> to vector<16xf32>
        %mul3A_553 = arith.constant 5.000000e-01 : f32
        %mul3A_554 = vector.broadcast %mul3A_553 : f32 to vector<16xf32>
        %mul3A_555 = arith.mulf %mul3A_554, %add3A_544 : vector<16xf32>
        %mul3A_556 = arith.mulf %mul3A_555, %bitcast3A_552 : vector<16xf32>
        %mul3A_557 = arith.mulf %mul3A_556, %bitcast3A_552 : vector<16xf32>
        %sub3A_558 = arith.constant 1.500000e+00 : f32
        %sub3A_559 = vector.broadcast %sub3A_558 : f32 to vector<16xf32>
        %sub3A_560 = arith.subf %sub3A_559, %mul3A_557 : vector<16xf32>
        %mul3A_561 = arith.mulf %bitcast3A_552, %sub3A_560 : vector<16xf32>
        %mul3A_562 = arith.mulf %mul3A_555, %mul3A_561 : vector<16xf32>
        %mul3A_563 = arith.mulf %mul3A_562, %mul3A_561 : vector<16xf32>
        %sub3A_564 = arith.constant 1.500000e+00 : f32
        %sub3A_565 = vector.broadcast %sub3A_564 : f32 to vector<16xf32>
        %sub3A_566 = arith.subf %sub3A_565, %mul3A_563 : vector<16xf32>
        %mul3A_567 = arith.mulf %mul3A_561, %sub3A_566 : vector<16xf32>
        %mul3A_568 = arith.mulf %add3A_544, %mul3A_567 : vector<16xf32>
        %gt3A_569 = arith.constant 9.99999996E-13 : f32
        %gt3A_570 = vector.broadcast %gt3A_569 : f32 to vector<16xf32>
        %gt3A_571 = arith.cmpf ogt, %add3A_544, %gt3A_570 : vector<16xf32>
        %jit3A_572 = arith.constant 0.000000e+00 : f32
        %broadcast_in_dim3A_573 = vector.broadcast %jit3A_572 : f32 to vector<16xf32>
        %select_n3A_574 = arith.select %gt3A_571, %mul3A_568, %broadcast_in_dim3A_573 : vector<16xi1>, vector<16xf32>
        %add3A_575 = arith.addf %add3A_518, %select_n3A_574 : vector<16xf32>
        %jit3A_576 = arith.constant 1.000000e+00 : f32
        %jit3A_577 = arith.constant 0.000000e+00 : f32
        %broadcast_in_dim3A_578 = vector.broadcast %jit3A_576 : f32 to vector<16xf32>
        %broadcast_in_dim3A_579 = vector.broadcast %jit3A_577 : f32 to vector<16xf32>
        %select_n3A_580 = arith.select %gt3A_571, %broadcast_in_dim3A_578, %broadcast_in_dim3A_579 : vector<16xi1>, vector<16xf32>
        %add3A_581 = arith.addf %add3A_524, %select_n3A_580 : vector<16xf32>
        %add3A_582 = arith.constant 128 : i32
        %add3A_583 = arith.addi %mul3A_126, %add3A_582 : i32
        %get3A_584 = arith.index_cast %add3A_583 : i32 to index
        %get3A_585 = tpu.vector_load %arg21[%get3A_584] {strides = array<i32>} : memref<3584xf32, #tpu.memory_space<vmem>>, vector<16xf32>,
        %sub3A_586 = arith.subf %get3A_585, %get3A_127 : vector<16xf32>
        %add3A_587 = arith.constant 128 : i32
        %add3A_588 = arith.addi %mul3A_126, %add3A_587 : i32
        %get3A_589 = arith.index_cast %add3A_588 : i32 to index
        %get3A_590 = tpu.vector_load %arg23[%get3A_589] {strides = array<i32>} : memref<3584xf32, #tpu.memory_space<vmem>>, vector<16xf32>,
        %sub3A_591 = arith.subf %get3A_590, %get3A_129 : vector<16xf32>
        %add3A_592 = arith.constant 128 : i32
        %add3A_593 = arith.addi %mul3A_126, %add3A_592 : i32
        %get3A_594 = arith.index_cast %add3A_593 : i32 to index
        %get3A_595 = tpu.vector_load %arg25[%get3A_594] {strides = array<i32>} : memref<3584xf32, #tpu.memory_space<vmem>>, vector<16xf32>,
        %sub3A_596 = arith.subf %get3A_595, %get3A_131 : vector<16xf32>
        %mul3A_597 = arith.mulf %sub3A_586, %sub3A_586 : vector<16xf32>
        %mul3A_598 = arith.mulf %sub3A_591, %sub3A_591 : vector<16xf32>
        %add3A_599 = arith.addf %mul3A_597, %mul3A_598 : vector<16xf32>
        %mul3A_600 = arith.mulf %sub3A_596, %sub3A_596 : vector<16xf32>
        %add3A_601 = arith.addf %add3A_599, %mul3A_600 : vector<16xf32>
        %bitcast3A_602 = vector.bitcast %add3A_601 : vector<16xf32> to vector<16xi32>
        %shift_right_arithmetic3A_603 = arith.constant 1 : i32
        %shift_right_arithmetic3A_604 = vector.broadcast %shift_right_arithmetic3A_603 : i32 to vector<16xi32>
        %shift_right_arithmetic3A_605 = arith.shrsi %bitcast3A_602, %shift_right_arithmetic3A_604 : vector<16xi32>
        %sub3A_606 = arith.constant 1597463007 : i32
        %sub3A_607 = vector.broadcast %sub3A_606 : i32 to vector<16xi32>
        %sub3A_608 = arith.subi %sub3A_607, %shift_right_arithmetic3A_605 : vector<16xi32>
        %bitcast3A_609 = vector.bitcast %sub3A_608 : vector<16xi32> to vector<16xf32>
        %mul3A_610 = arith.constant 5.000000e-01 : f32
        %mul3A_611 = vector.broadcast %mul3A_610 : f32 to vector<16xf32>
        %mul3A_612 = arith.mulf %mul3A_611, %add3A_601 : vector<16xf32>
        %mul3A_613 = arith.mulf %mul3A_612, %bitcast3A_609 : vector<16xf32>
        %mul3A_614 = arith.mulf %mul3A_613, %bitcast3A_609 : vector<16xf32>
        %sub3A_615 = arith.constant 1.500000e+00 : f32
        %sub3A_616 = vector.broadcast %sub3A_615 : f32 to vector<16xf32>
        %sub3A_617 = arith.subf %sub3A_616, %mul3A_614 : vector<16xf32>
        %mul3A_618 = arith.mulf %bitcast3A_609, %sub3A_617 : vector<16xf32>
        %mul3A_619 = arith.mulf %mul3A_612, %mul3A_618 : vector<16xf32>
        %mul3A_620 = arith.mulf %mul3A_619, %mul3A_618 : vector<16xf32>
        %sub3A_621 = arith.constant 1.500000e+00 : f32
        %sub3A_622 = vector.broadcast %sub3A_621 : f32 to vector<16xf32>
        %sub3A_623 = arith.subf %sub3A_622, %mul3A_620 : vector<16xf32>
        %mul3A_624 = arith.mulf %mul3A_618, %sub3A_623 : vector<16xf32>
        %mul3A_625 = arith.mulf %add3A_601, %mul3A_624 : vector<16xf32>
        %gt3A_626 = arith.constant 9.99999996E-13 : f32
        %gt3A_627 = vector.broadcast %gt3A_626 : f32 to vector<16xf32>
        %gt3A_628 = arith.cmpf ogt, %add3A_601, %gt3A_627 : vector<16xf32>
        %jit3A_629 = arith.constant 0.000000e+00 : f32
        %broadcast_in_dim3A_630 = vector.broadcast %jit3A_629 : f32 to vector<16xf32>
        %select_n3A_631 = arith.select %gt3A_628, %mul3A_625, %broadcast_in_dim3A_630 : vector<16xi1>, vector<16xf32>
        %add3A_632 = arith.addf %add3A_575, %select_n3A_631 : vector<16xf32>
        %jit3A_633 = arith.constant 1.000000e+00 : f32
        %jit3A_634 = arith.constant 0.000000e+00 : f32
        %broadcast_in_dim3A_635 = vector.broadcast %jit3A_633 : f32 to vector<16xf32>
        %broadcast_in_dim3A_636 = vector.broadcast %jit3A_634 : f32 to vector<16xf32>
        %select_n3A_637 = arith.select %gt3A_628, %broadcast_in_dim3A_635, %broadcast_in_dim3A_636 : vector<16xi1>, vector<16xf32>
        %add3A_638 = arith.addf %add3A_581, %select_n3A_637 : vector<16xf32>
        %add3A_639 = arith.constant 144 : i32
        %add3A_640 = arith.addi %mul3A_126, %add3A_639 : i32
        %get3A_641 = arith.index_cast %add3A_640 : i32 to index
        %get3A_642 = tpu.vector_load %arg21[%get3A_641] {strides = array<i32>} : memref<3584xf32, #tpu.memory_space<vmem>>, vector<16xf32>,
        %sub3A_643 = arith.subf %get3A_642, %get3A_127 : vector<16xf32>
        %add3A_644 = arith.constant 144 : i32
        %add3A_645 = arith.addi %mul3A_126, %add3A_644 : i32
        %get3A_646 = arith.index_cast %add3A_645 : i32 to index
        %get3A_647 = tpu.vector_load %arg23[%get3A_646] {strides = array<i32>} : memref<3584xf32, #tpu.memory_space<vmem>>, vector<16xf32>,
        %sub3A_648 = arith.subf %get3A_647, %get3A_129 : vector<16xf32>
        %add3A_649 = arith.constant 144 : i32
        %add3A_650 = arith.addi %mul3A_126, %add3A_649 : i32
        %get3A_651 = arith.index_cast %add3A_650 : i32 to index
        %get3A_652 = tpu.vector_load %arg25[%get3A_651] {strides = array<i32>} : memref<3584xf32, #tpu.memory_space<vmem>>, vector<16xf32>,
        %sub3A_653 = arith.subf %get3A_652, %get3A_131 : vector<16xf32>
        %mul3A_654 = arith.mulf %sub3A_643, %sub3A_643 : vector<16xf32>
        %mul3A_655 = arith.mulf %sub3A_648, %sub3A_648 : vector<16xf32>
        %add3A_656 = arith.addf %mul3A_654, %mul3A_655 : vector<16xf32>
        %mul3A_657 = arith.mulf %sub3A_653, %sub3A_653 : vector<16xf32>
        %add3A_658 = arith.addf %add3A_656, %mul3A_657 : vector<16xf32>
        %bitcast3A_659 = vector.bitcast %add3A_658 : vector<16xf32> to vector<16xi32>
        %shift_right_arithmetic3A_660 = arith.constant 1 : i32
        %shift_right_arithmetic3A_661 = vector.broadcast %shift_right_arithmetic3A_660 : i32 to vector<16xi32>
        %shift_right_arithmetic3A_662 = arith.shrsi %bitcast3A_659, %shift_right_arithmetic3A_661 : vector<16xi32>
        %sub3A_663 = arith.constant 1597463007 : i32
        %sub3A_664 = vector.broadcast %sub3A_663 : i32 to vector<16xi32>
        %sub3A_665 = arith.subi %sub3A_664, %shift_right_arithmetic3A_662 : vector<16xi32>
        %bitcast3A_666 = vector.bitcast %sub3A_665 : vector<16xi32> to vector<16xf32>
        %mul3A_667 = arith.constant 5.000000e-01 : f32
        %mul3A_668 = vector.broadcast %mul3A_667 : f32 to vector<16xf32>
        %mul3A_669 = arith.mulf %mul3A_668, %add3A_658 : vector<16xf32>
        %mul3A_670 = arith.mulf %mul3A_669, %bitcast3A_666 : vector<16xf32>
        %mul3A_671 = arith.mulf %mul3A_670, %bitcast3A_666 : vector<16xf32>
        %sub3A_672 = arith.constant 1.500000e+00 : f32
        %sub3A_673 = vector.broadcast %sub3A_672 : f32 to vector<16xf32>
        %sub3A_674 = arith.subf %sub3A_673, %mul3A_671 : vector<16xf32>
        %mul3A_675 = arith.mulf %bitcast3A_666, %sub3A_674 : vector<16xf32>
        %mul3A_676 = arith.mulf %mul3A_669, %mul3A_675 : vector<16xf32>
        %mul3A_677 = arith.mulf %mul3A_676, %mul3A_675 : vector<16xf32>
        %sub3A_678 = arith.constant 1.500000e+00 : f32
        %sub3A_679 = vector.broadcast %sub3A_678 : f32 to vector<16xf32>
        %sub3A_680 = arith.subf %sub3A_679, %mul3A_677 : vector<16xf32>
        %mul3A_681 = arith.mulf %mul3A_675, %sub3A_680 : vector<16xf32>
        %mul3A_682 = arith.mulf %add3A_658, %mul3A_681 : vector<16xf32>
        %gt3A_683 = arith.constant 9.99999996E-13 : f32
        %gt3A_684 = vector.broadcast %gt3A_683 : f32 to vector<16xf32>
        %gt3A_685 = arith.cmpf ogt, %add3A_658, %gt3A_684 : vector<16xf32>
        %jit3A_686 = arith.constant 0.000000e+00 : f32
        %broadcast_in_dim3A_687 = vector.broadcast %jit3A_686 : f32 to vector<16xf32>
        %select_n3A_688 = arith.select %gt3A_685, %mul3A_682, %broadcast_in_dim3A_687 : vector<16xi1>, vector<16xf32>
        %add3A_689 = arith.addf %add3A_632, %select_n3A_688 : vector<16xf32>
        %jit3A_690 = arith.constant 1.000000e+00 : f32
        %jit3A_691 = arith.constant 0.000000e+00 : f32
        %broadcast_in_dim3A_692 = vector.broadcast %jit3A_690 : f32 to vector<16xf32>
        %broadcast_in_dim3A_693 = vector.broadcast %jit3A_691 : f32 to vector<16xf32>
        %select_n3A_694 = arith.select %gt3A_685, %broadcast_in_dim3A_692, %broadcast_in_dim3A_693 : vector<16xi1>, vector<16xf32>
        %add3A_695 = arith.addf %add3A_638, %select_n3A_694 : vector<16xf32>
        %add3A_696 = arith.constant 160 : i32
        %add3A_697 = arith.addi %mul3A_126, %add3A_696 : i32
        %get3A_698 = arith.index_cast %add3A_697 : i32 to index
        %get3A_699 = tpu.vector_load %arg21[%get3A_698] {strides = array<i32>} : memref<3584xf32, #tpu.memory_space<vmem>>, vector<16xf32>,
        %sub3A_700 = arith.subf %get3A_699, %get3A_127 : vector<16xf32>
        %add3A_701 = arith.constant 160 : i32
        %add3A_702 = arith.addi %mul3A_126, %add3A_701 : i32
        %get3A_703 = arith.index_cast %add3A_702 : i32 to index
        %get3A_704 = tpu.vector_load %arg23[%get3A_703] {strides = array<i32>} : memref<3584xf32, #tpu.memory_space<vmem>>, vector<16xf32>,
        %sub3A_705 = arith.subf %get3A_704, %get3A_129 : vector<16xf32>
        %add3A_706 = arith.constant 160 : i32
        %add3A_707 = arith.addi %mul3A_126, %add3A_706 : i32
        %get3A_708 = arith.index_cast %add3A_707 : i32 to index
        %get3A_709 = tpu.vector_load %arg25[%get3A_708] {strides = array<i32>} : memref<3584xf32, #tpu.memory_space<vmem>>, vector<16xf32>,
        %sub3A_710 = arith.subf %get3A_709, %get3A_131 : vector<16xf32>
        %mul3A_711 = arith.mulf %sub3A_700, %sub3A_700 : vector<16xf32>
        %mul3A_712 = arith.mulf %sub3A_705, %sub3A_705 : vector<16xf32>
        %add3A_713 = arith.addf %mul3A_711, %mul3A_712 : vector<16xf32>
        %mul3A_714 = arith.mulf %sub3A_710, %sub3A_710 : vector<16xf32>
        %add3A_715 = arith.addf %add3A_713, %mul3A_714 : vector<16xf32>
        %bitcast3A_716 = vector.bitcast %add3A_715 : vector<16xf32> to vector<16xi32>
        %shift_right_arithmetic3A_717 = arith.constant 1 : i32
        %shift_right_arithmetic3A_718 = vector.broadcast %shift_right_arithmetic3A_717 : i32 to vector<16xi32>
        %shift_right_arithmetic3A_719 = arith.shrsi %bitcast3A_716, %shift_right_arithmetic3A_718 : vector<16xi32>
        %sub3A_720 = arith.constant 1597463007 : i32
        %sub3A_721 = vector.broadcast %sub3A_720 : i32 to vector<16xi32>
        %sub3A_722 = arith.subi %sub3A_721, %shift_right_arithmetic3A_719 : vector<16xi32>
        %bitcast3A_723 = vector.bitcast %sub3A_722 : vector<16xi32> to vector<16xf32>
        %mul3A_724 = arith.constant 5.000000e-01 : f32
        %mul3A_725 = vector.broadcast %mul3A_724 : f32 to vector<16xf32>
        %mul3A_726 = arith.mulf %mul3A_725, %add3A_715 : vector<16xf32>
        %mul3A_727 = arith.mulf %mul3A_726, %bitcast3A_723 : vector<16xf32>
        %mul3A_728 = arith.mulf %mul3A_727, %bitcast3A_723 : vector<16xf32>
        %sub3A_729 = arith.constant 1.500000e+00 : f32
        %sub3A_730 = vector.broadcast %sub3A_729 : f32 to vector<16xf32>
        %sub3A_731 = arith.subf %sub3A_730, %mul3A_728 : vector<16xf32>
        %mul3A_732 = arith.mulf %bitcast3A_723, %sub3A_731 : vector<16xf32>
        %mul3A_733 = arith.mulf %mul3A_726, %mul3A_732 : vector<16xf32>
        %mul3A_734 = arith.mulf %mul3A_733, %mul3A_732 : vector<16xf32>
        %sub3A_735 = arith.constant 1.500000e+00 : f32
        %sub3A_736 = vector.broadcast %sub3A_735 : f32 to vector<16xf32>
        %sub3A_737 = arith.subf %sub3A_736, %mul3A_734 : vector<16xf32>
        %mul3A_738 = arith.mulf %mul3A_732, %sub3A_737 : vector<16xf32>
        %mul3A_739 = arith.mulf %add3A_715, %mul3A_738 : vector<16xf32>
        %gt3A_740 = arith.constant 9.99999996E-13 : f32
        %gt3A_741 = vector.broadcast %gt3A_740 : f32 to vector<16xf32>
        %gt3A_742 = arith.cmpf ogt, %add3A_715, %gt3A_741 : vector<16xf32>
        %jit3A_743 = arith.constant 0.000000e+00 : f32
        %broadcast_in_dim3A_744 = vector.broadcast %jit3A_743 : f32 to vector<16xf32>
        %select_n3A_745 = arith.select %gt3A_742, %mul3A_739, %broadcast_in_dim3A_744 : vector<16xi1>, vector<16xf32>
        %add3A_746 = arith.addf %add3A_689, %select_n3A_745 : vector<16xf32>
        %jit3A_747 = arith.constant 1.000000e+00 : f32
        %jit3A_748 = arith.constant 0.000000e+00 : f32
        %broadcast_in_dim3A_749 = vector.broadcast %jit3A_747 : f32 to vector<16xf32>
        %broadcast_in_dim3A_750 = vector.broadcast %jit3A_748 : f32 to vector<16xf32>
        %select_n3A_751 = arith.select %gt3A_742, %broadcast_in_dim3A_749, %broadcast_in_dim3A_750 : vector<16xi1>, vector<16xf32>
        %add3A_752 = arith.addf %add3A_695, %select_n3A_751 : vector<16xf32>
        %add3A_753 = arith.constant 176 : i32
        %add3A_754 = arith.addi %mul3A_126, %add3A_753 : i32
        %get3A_755 = arith.index_cast %add3A_754 : i32 to index
        %get3A_756 = tpu.vector_load %arg21[%get3A_755] {strides = array<i32>} : memref<3584xf32, #tpu.memory_space<vmem>>, vector<16xf32>,
        %sub3A_757 = arith.subf %get3A_756, %get3A_127 : vector<16xf32>
        %add3A_758 = arith.constant 176 : i32
        %add3A_759 = arith.addi %mul3A_126, %add3A_758 : i32
        %get3A_760 = arith.index_cast %add3A_759 : i32 to index
        %get3A_761 = tpu.vector_load %arg23[%get3A_760] {strides = array<i32>} : memref<3584xf32, #tpu.memory_space<vmem>>, vector<16xf32>,
        %sub3A_762 = arith.subf %get3A_761, %get3A_129 : vector<16xf32>
        %add3A_763 = arith.constant 176 : i32
        %add3A_764 = arith.addi %mul3A_126, %add3A_763 : i32
        %get3A_765 = arith.index_cast %add3A_764 : i32 to index
        %get3A_766 = tpu.vector_load %arg25[%get3A_765] {strides = array<i32>} : memref<3584xf32, #tpu.memory_space<vmem>>, vector<16xf32>,
        %sub3A_767 = arith.subf %get3A_766, %get3A_131 : vector<16xf32>
        %mul3A_768 = arith.mulf %sub3A_757, %sub3A_757 : vector<16xf32>
        %mul3A_769 = arith.mulf %sub3A_762, %sub3A_762 : vector<16xf32>
        %add3A_770 = arith.addf %mul3A_768, %mul3A_769 : vector<16xf32>
        %mul3A_771 = arith.mulf %sub3A_767, %sub3A_767 : vector<16xf32>
        %add3A_772 = arith.addf %add3A_770, %mul3A_771 : vector<16xf32>
        %bitcast3A_773 = vector.bitcast %add3A_772 : vector<16xf32> to vector<16xi32>
        %shift_right_arithmetic3A_774 = arith.constant 1 : i32
        %shift_right_arithmetic3A_775 = vector.broadcast %shift_right_arithmetic3A_774 : i32 to vector<16xi32>
        %shift_right_arithmetic3A_776 = arith.shrsi %bitcast3A_773, %shift_right_arithmetic3A_775 : vector<16xi32>
        %sub3A_777 = arith.constant 1597463007 : i32
        %sub3A_778 = vector.broadcast %sub3A_777 : i32 to vector<16xi32>
        %sub3A_779 = arith.subi %sub3A_778, %shift_right_arithmetic3A_776 : vector<16xi32>
        %bitcast3A_780 = vector.bitcast %sub3A_779 : vector<16xi32> to vector<16xf32>
        %mul3A_781 = arith.constant 5.000000e-01 : f32
        %mul3A_782 = vector.broadcast %mul3A_781 : f32 to vector<16xf32>
        %mul3A_783 = arith.mulf %mul3A_782, %add3A_772 : vector<16xf32>
        %mul3A_784 = arith.mulf %mul3A_783, %bitcast3A_780 : vector<16xf32>
        %mul3A_785 = arith.mulf %mul3A_784, %bitcast3A_780 : vector<16xf32>
        %sub3A_786 = arith.constant 1.500000e+00 : f32
        %sub3A_787 = vector.broadcast %sub3A_786 : f32 to vector<16xf32>
        %sub3A_788 = arith.subf %sub3A_787, %mul3A_785 : vector<16xf32>
        %mul3A_789 = arith.mulf %bitcast3A_780, %sub3A_788 : vector<16xf32>
        %mul3A_790 = arith.mulf %mul3A_783, %mul3A_789 : vector<16xf32>
        %mul3A_791 = arith.mulf %mul3A_790, %mul3A_789 : vector<16xf32>
        %sub3A_792 = arith.constant 1.500000e+00 : f32
        %sub3A_793 = vector.broadcast %sub3A_792 : f32 to vector<16xf32>
        %sub3A_794 = arith.subf %sub3A_793, %mul3A_791 : vector<16xf32>
        %mul3A_795 = arith.mulf %mul3A_789, %sub3A_794 : vector<16xf32>
        %mul3A_796 = arith.mulf %add3A_772, %mul3A_795 : vector<16xf32>
        %gt3A_797 = arith.constant 9.99999996E-13 : f32
        %gt3A_798 = vector.broadcast %gt3A_797 : f32 to vector<16xf32>
        %gt3A_799 = arith.cmpf ogt, %add3A_772, %gt3A_798 : vector<16xf32>
        %jit3A_800 = arith.constant 0.000000e+00 : f32
        %broadcast_in_dim3A_801 = vector.broadcast %jit3A_800 : f32 to vector<16xf32>
        %select_n3A_802 = arith.select %gt3A_799, %mul3A_796, %broadcast_in_dim3A_801 : vector<16xi1>, vector<16xf32>
        %add3A_803 = arith.addf %add3A_746, %select_n3A_802 : vector<16xf32>
        %jit3A_804 = arith.constant 1.000000e+00 : f32
        %jit3A_805 = arith.constant 0.000000e+00 : f32
        %broadcast_in_dim3A_806 = vector.broadcast %jit3A_804 : f32 to vector<16xf32>
        %broadcast_in_dim3A_807 = vector.broadcast %jit3A_805 : f32 to vector<16xf32>
        %select_n3A_808 = arith.select %gt3A_799, %broadcast_in_dim3A_806, %broadcast_in_dim3A_807 : vector<16xi1>, vector<16xf32>
        %add3A_809 = arith.addf %add3A_752, %select_n3A_808 : vector<16xf32>
        %add3A_810 = arith.constant 192 : i32
        %add3A_811 = arith.addi %mul3A_126, %add3A_810 : i32
        %get3A_812 = arith.index_cast %add3A_811 : i32 to index
        %get3A_813 = tpu.vector_load %arg21[%get3A_812] {strides = array<i32>} : memref<3584xf32, #tpu.memory_space<vmem>>, vector<16xf32>,
        %sub3A_814 = arith.subf %get3A_813, %get3A_127 : vector<16xf32>
        %add3A_815 = arith.constant 192 : i32
        %add3A_816 = arith.addi %mul3A_126, %add3A_815 : i32
        %get3A_817 = arith.index_cast %add3A_816 : i32 to index
        %get3A_818 = tpu.vector_load %arg23[%get3A_817] {strides = array<i32>} : memref<3584xf32, #tpu.memory_space<vmem>>, vector<16xf32>,
        %sub3A_819 = arith.subf %get3A_818, %get3A_129 : vector<16xf32>
        %add3A_820 = arith.constant 192 : i32
        %add3A_821 = arith.addi %mul3A_126, %add3A_820 : i32
        %get3A_822 = arith.index_cast %add3A_821 : i32 to index
        %get3A_823 = tpu.vector_load %arg25[%get3A_822] {strides = array<i32>} : memref<3584xf32, #tpu.memory_space<vmem>>, vector<16xf32>,
        %sub3A_824 = arith.subf %get3A_823, %get3A_131 : vector<16xf32>
        %mul3A_825 = arith.mulf %sub3A_814, %sub3A_814 : vector<16xf32>
        %mul3A_826 = arith.mulf %sub3A_819, %sub3A_819 : vector<16xf32>
        %add3A_827 = arith.addf %mul3A_825, %mul3A_826 : vector<16xf32>
        %mul3A_828 = arith.mulf %sub3A_824, %sub3A_824 : vector<16xf32>
        %add3A_829 = arith.addf %add3A_827, %mul3A_828 : vector<16xf32>
        %bitcast3A_830 = vector.bitcast %add3A_829 : vector<16xf32> to vector<16xi32>
        %shift_right_arithmetic3A_831 = arith.constant 1 : i32
        %shift_right_arithmetic3A_832 = vector.broadcast %shift_right_arithmetic3A_831 : i32 to vector<16xi32>
        %shift_right_arithmetic3A_833 = arith.shrsi %bitcast3A_830, %shift_right_arithmetic3A_832 : vector<16xi32>
        %sub3A_834 = arith.constant 1597463007 : i32
        %sub3A_835 = vector.broadcast %sub3A_834 : i32 to vector<16xi32>
        %sub3A_836 = arith.subi %sub3A_835, %shift_right_arithmetic3A_833 : vector<16xi32>
        %bitcast3A_837 = vector.bitcast %sub3A_836 : vector<16xi32> to vector<16xf32>
        %mul3A_838 = arith.constant 5.000000e-01 : f32
        %mul3A_839 = vector.broadcast %mul3A_838 : f32 to vector<16xf32>
        %mul3A_840 = arith.mulf %mul3A_839, %add3A_829 : vector<16xf32>
        %mul3A_841 = arith.mulf %mul3A_840, %bitcast3A_837 : vector<16xf32>
        %mul3A_842 = arith.mulf %mul3A_841, %bitcast3A_837 : vector<16xf32>
        %sub3A_843 = arith.constant 1.500000e+00 : f32
        %sub3A_844 = vector.broadcast %sub3A_843 : f32 to vector<16xf32>
        %sub3A_845 = arith.subf %sub3A_844, %mul3A_842 : vector<16xf32>
        %mul3A_846 = arith.mulf %bitcast3A_837, %sub3A_845 : vector<16xf32>
        %mul3A_847 = arith.mulf %mul3A_840, %mul3A_846 : vector<16xf32>
        %mul3A_848 = arith.mulf %mul3A_847, %mul3A_846 : vector<16xf32>
        %sub3A_849 = arith.constant 1.500000e+00 : f32
        %sub3A_850 = vector.broadcast %sub3A_849 : f32 to vector<16xf32>
        %sub3A_851 = arith.subf %sub3A_850, %mul3A_848 : vector<16xf32>
        %mul3A_852 = arith.mulf %mul3A_846, %sub3A_851 : vector<16xf32>
        %mul3A_853 = arith.mulf %add3A_829, %mul3A_852 : vector<16xf32>
        %gt3A_854 = arith.constant 9.99999996E-13 : f32
        %gt3A_855 = vector.broadcast %gt3A_854 : f32 to vector<16xf32>
        %gt3A_856 = arith.cmpf ogt, %add3A_829, %gt3A_855 : vector<16xf32>
        %jit3A_857 = arith.constant 0.000000e+00 : f32
        %broadcast_in_dim3A_858 = vector.broadcast %jit3A_857 : f32 to vector<16xf32>
        %select_n3A_859 = arith.select %gt3A_856, %mul3A_853, %broadcast_in_dim3A_858 : vector<16xi1>, vector<16xf32>
        %add3A_860 = arith.addf %add3A_803, %select_n3A_859 : vector<16xf32>
        %jit3A_861 = arith.constant 1.000000e+00 : f32
        %jit3A_862 = arith.constant 0.000000e+00 : f32
        %broadcast_in_dim3A_863 = vector.broadcast %jit3A_861 : f32 to vector<16xf32>
        %broadcast_in_dim3A_864 = vector.broadcast %jit3A_862 : f32 to vector<16xf32>
        %select_n3A_865 = arith.select %gt3A_856, %broadcast_in_dim3A_863, %broadcast_in_dim3A_864 : vector<16xi1>, vector<16xf32>
        %add3A_866 = arith.addf %add3A_809, %select_n3A_865 : vector<16xf32>
        %add3A_867 = arith.constant 208 : i32
        %add3A_868 = arith.addi %mul3A_126, %add3A_867 : i32
        %get3A_869 = arith.index_cast %add3A_868 : i32 to index
        %get3A_870 = tpu.vector_load %arg21[%get3A_869] {strides = array<i32>} : memref<3584xf32, #tpu.memory_space<vmem>>, vector<16xf32>,
        %sub3A_871 = arith.subf %get3A_870, %get3A_127 : vector<16xf32>
        %add3A_872 = arith.constant 208 : i32
        %add3A_873 = arith.addi %mul3A_126, %add3A_872 : i32
        %get3A_874 = arith.index_cast %add3A_873 : i32 to index
        %get3A_875 = tpu.vector_load %arg23[%get3A_874] {strides = array<i32>} : memref<3584xf32, #tpu.memory_space<vmem>>, vector<16xf32>,
        %sub3A_876 = arith.subf %get3A_875, %get3A_129 : vector<16xf32>
        %add3A_877 = arith.constant 208 : i32
        %add3A_878 = arith.addi %mul3A_126, %add3A_877 : i32
        %get3A_879 = arith.index_cast %add3A_878 : i32 to index
        %get3A_880 = tpu.vector_load %arg25[%get3A_879] {strides = array<i32>} : memref<3584xf32, #tpu.memory_space<vmem>>, vector<16xf32>,
        %sub3A_881 = arith.subf %get3A_880, %get3A_131 : vector<16xf32>
        %mul3A_882 = arith.mulf %sub3A_871, %sub3A_871 : vector<16xf32>
        %mul3A_883 = arith.mulf %sub3A_876, %sub3A_876 : vector<16xf32>
        %add3A_884 = arith.addf %mul3A_882, %mul3A_883 : vector<16xf32>
        %mul3A_885 = arith.mulf %sub3A_881, %sub3A_881 : vector<16xf32>
        %add3A_886 = arith.addf %add3A_884, %mul3A_885 : vector<16xf32>
        %bitcast3A_887 = vector.bitcast %add3A_886 : vector<16xf32> to vector<16xi32>
        %shift_right_arithmetic3A_888 = arith.constant 1 : i32
        %shift_right_arithmetic3A_889 = vector.broadcast %shift_right_arithmetic3A_888 : i32 to vector<16xi32>
        %shift_right_arithmetic3A_890 = arith.shrsi %bitcast3A_887, %shift_right_arithmetic3A_889 : vector<16xi32>
        %sub3A_891 = arith.constant 1597463007 : i32
        %sub3A_892 = vector.broadcast %sub3A_891 : i32 to vector<16xi32>
        %sub3A_893 = arith.subi %sub3A_892, %shift_right_arithmetic3A_890 : vector<16xi32>
        %bitcast3A_894 = vector.bitcast %sub3A_893 : vector<16xi32> to vector<16xf32>
        %mul3A_895 = arith.constant 5.000000e-01 : f32
        %mul3A_896 = vector.broadcast %mul3A_895 : f32 to vector<16xf32>
        %mul3A_897 = arith.mulf %mul3A_896, %add3A_886 : vector<16xf32>
        %mul3A_898 = arith.mulf %mul3A_897, %bitcast3A_894 : vector<16xf32>
        %mul3A_899 = arith.mulf %mul3A_898, %bitcast3A_894 : vector<16xf32>
        %sub3A_900 = arith.constant 1.500000e+00 : f32
        %sub3A_901 = vector.broadcast %sub3A_900 : f32 to vector<16xf32>
        %sub3A_902 = arith.subf %sub3A_901, %mul3A_899 : vector<16xf32>
        %mul3A_903 = arith.mulf %bitcast3A_894, %sub3A_902 : vector<16xf32>
        %mul3A_904 = arith.mulf %mul3A_897, %mul3A_903 : vector<16xf32>
        %mul3A_905 = arith.mulf %mul3A_904, %mul3A_903 : vector<16xf32>
        %sub3A_906 = arith.constant 1.500000e+00 : f32
        %sub3A_907 = vector.broadcast %sub3A_906 : f32 to vector<16xf32>
        %sub3A_908 = arith.subf %sub3A_907, %mul3A_905 : vector<16xf32>
        %mul3A_909 = arith.mulf %mul3A_903, %sub3A_908 : vector<16xf32>
        %mul3A_910 = arith.mulf %add3A_886, %mul3A_909 : vector<16xf32>
        %gt3A_911 = arith.constant 9.99999996E-13 : f32
        %gt3A_912 = vector.broadcast %gt3A_911 : f32 to vector<16xf32>
        %gt3A_913 = arith.cmpf ogt, %add3A_886, %gt3A_912 : vector<16xf32>
        %jit3A_914 = arith.constant 0.000000e+00 : f32
        %broadcast_in_dim3A_915 = vector.broadcast %jit3A_914 : f32 to vector<16xf32>
        %select_n3A_916 = arith.select %gt3A_913, %mul3A_910, %broadcast_in_dim3A_915 : vector<16xi1>, vector<16xf32>
        %add3A_917 = arith.addf %add3A_860, %select_n3A_916 : vector<16xf32>
        %jit3A_918 = arith.constant 1.000000e+00 : f32
        %jit3A_919 = arith.constant 0.000000e+00 : f32
        %broadcast_in_dim3A_920 = vector.broadcast %jit3A_918 : f32 to vector<16xf32>
        %broadcast_in_dim3A_921 = vector.broadcast %jit3A_919 : f32 to vector<16xf32>
        %select_n3A_922 = arith.select %gt3A_913, %broadcast_in_dim3A_920, %broadcast_in_dim3A_921 : vector<16xi1>, vector<16xf32>
        %add3A_923 = arith.addf %add3A_866, %select_n3A_922 : vector<16xf32>
        %add3A_924 = arith.constant 224 : i32
        %add3A_925 = arith.addi %mul3A_126, %add3A_924 : i32
        %get3A_926 = arith.index_cast %add3A_925 : i32 to index
        %get3A_927 = tpu.vector_load %arg21[%get3A_926] {strides = array<i32>} : memref<3584xf32, #tpu.memory_space<vmem>>, vector<16xf32>,
        %sub3A_928 = arith.subf %get3A_927, %get3A_127 : vector<16xf32>
        %add3A_929 = arith.constant 224 : i32
        %add3A_930 = arith.addi %mul3A_126, %add3A_929 : i32
        %get3A_931 = arith.index_cast %add3A_930 : i32 to index
        %get3A_932 = tpu.vector_load %arg23[%get3A_931] {strides = array<i32>} : memref<3584xf32, #tpu.memory_space<vmem>>, vector<16xf32>,
        %sub3A_933 = arith.subf %get3A_932, %get3A_129 : vector<16xf32>
        %add3A_934 = arith.constant 224 : i32
        %add3A_935 = arith.addi %mul3A_126, %add3A_934 : i32
        %get3A_936 = arith.index_cast %add3A_935 : i32 to index
        %get3A_937 = tpu.vector_load %arg25[%get3A_936] {strides = array<i32>} : memref<3584xf32, #tpu.memory_space<vmem>>, vector<16xf32>,
        %sub3A_938 = arith.subf %get3A_937, %get3A_131 : vector<16xf32>
        %mul3A_939 = arith.mulf %sub3A_928, %sub3A_928 : vector<16xf32>
        %mul3A_940 = arith.mulf %sub3A_933, %sub3A_933 : vector<16xf32>
        %add3A_941 = arith.addf %mul3A_939, %mul3A_940 : vector<16xf32>
        %mul3A_942 = arith.mulf %sub3A_938, %sub3A_938 : vector<16xf32>
        %add3A_943 = arith.addf %add3A_941, %mul3A_942 : vector<16xf32>
        %bitcast3A_944 = vector.bitcast %add3A_943 : vector<16xf32> to vector<16xi32>
        %shift_right_arithmetic3A_945 = arith.constant 1 : i32
        %shift_right_arithmetic3A_946 = vector.broadcast %shift_right_arithmetic3A_945 : i32 to vector<16xi32>
        %shift_right_arithmetic3A_947 = arith.shrsi %bitcast3A_944, %shift_right_arithmetic3A_946 : vector<16xi32>
        %sub3A_948 = arith.constant 1597463007 : i32
        %sub3A_949 = vector.broadcast %sub3A_948 : i32 to vector<16xi32>
        %sub3A_950 = arith.subi %sub3A_949, %shift_right_arithmetic3A_947 : vector<16xi32>
        %bitcast3A_951 = vector.bitcast %sub3A_950 : vector<16xi32> to vector<16xf32>
        %mul3A_952 = arith.constant 5.000000e-01 : f32
        %mul3A_953 = vector.broadcast %mul3A_952 : f32 to vector<16xf32>
        %mul3A_954 = arith.mulf %mul3A_953, %add3A_943 : vector<16xf32>
        %mul3A_955 = arith.mulf %mul3A_954, %bitcast3A_951 : vector<16xf32>
        %mul3A_956 = arith.mulf %mul3A_955, %bitcast3A_951 : vector<16xf32>
        %sub3A_957 = arith.constant 1.500000e+00 : f32
        %sub3A_958 = vector.broadcast %sub3A_957 : f32 to vector<16xf32>
        %sub3A_959 = arith.subf %sub3A_958, %mul3A_956 : vector<16xf32>
        %mul3A_960 = arith.mulf %bitcast3A_951, %sub3A_959 : vector<16xf32>
        %mul3A_961 = arith.mulf %mul3A_954, %mul3A_960 : vector<16xf32>
        %mul3A_962 = arith.mulf %mul3A_961, %mul3A_960 : vector<16xf32>
        %sub3A_963 = arith.constant 1.500000e+00 : f32
        %sub3A_964 = vector.broadcast %sub3A_963 : f32 to vector<16xf32>
        %sub3A_965 = arith.subf %sub3A_964, %mul3A_962 : vector<16xf32>
        %mul3A_966 = arith.mulf %mul3A_960, %sub3A_965 : vector<16xf32>
        %mul3A_967 = arith.mulf %add3A_943, %mul3A_966 : vector<16xf32>
        %gt3A_968 = arith.constant 9.99999996E-13 : f32
        %gt3A_969 = vector.broadcast %gt3A_968 : f32 to vector<16xf32>
        %gt3A_970 = arith.cmpf ogt, %add3A_943, %gt3A_969 : vector<16xf32>
        %jit3A_971 = arith.constant 0.000000e+00 : f32
        %broadcast_in_dim3A_972 = vector.broadcast %jit3A_971 : f32 to vector<16xf32>
        %select_n3A_973 = arith.select %gt3A_970, %mul3A_967, %broadcast_in_dim3A_972 : vector<16xi1>, vector<16xf32>
        %add3A_974 = arith.addf %add3A_917, %select_n3A_973 : vector<16xf32>
        %jit3A_975 = arith.constant 1.000000e+00 : f32
        %jit3A_976 = arith.constant 0.000000e+00 : f32
        %broadcast_in_dim3A_977 = vector.broadcast %jit3A_975 : f32 to vector<16xf32>
        %broadcast_in_dim3A_978 = vector.broadcast %jit3A_976 : f32 to vector<16xf32>
        %select_n3A_979 = arith.select %gt3A_970, %broadcast_in_dim3A_977, %broadcast_in_dim3A_978 : vector<16xi1>, vector<16xf32>
        %add3A_980 = arith.addf %add3A_923, %select_n3A_979 : vector<16xf32>
        %add3A_981 = arith.constant 240 : i32
        %add3A_982 = arith.addi %mul3A_126, %add3A_981 : i32
        %get3A_983 = arith.index_cast %add3A_982 : i32 to index
        %get3A_984 = tpu.vector_load %arg21[%get3A_983] {strides = array<i32>} : memref<3584xf32, #tpu.memory_space<vmem>>, vector<16xf32>,
        %sub3A_985 = arith.subf %get3A_984, %get3A_127 : vector<16xf32>
        %add3A_986 = arith.constant 240 : i32
        %add3A_987 = arith.addi %mul3A_126, %add3A_986 : i32
        %get3A_988 = arith.index_cast %add3A_987 : i32 to index
        %get3A_989 = tpu.vector_load %arg23[%get3A_988] {strides = array<i32>} : memref<3584xf32, #tpu.memory_space<vmem>>, vector<16xf32>,
        %sub3A_990 = arith.subf %get3A_989, %get3A_129 : vector<16xf32>
        %add3A_991 = arith.constant 240 : i32
        %add3A_992 = arith.addi %mul3A_126, %add3A_991 : i32
        %get3A_993 = arith.index_cast %add3A_992 : i32 to index
        %get3A_994 = tpu.vector_load %arg25[%get3A_993] {strides = array<i32>} : memref<3584xf32, #tpu.memory_space<vmem>>, vector<16xf32>,
        %sub3A_995 = arith.subf %get3A_994, %get3A_131 : vector<16xf32>
        %mul3A_996 = arith.mulf %sub3A_985, %sub3A_985 : vector<16xf32>
        %mul3A_997 = arith.mulf %sub3A_990, %sub3A_990 : vector<16xf32>
        %add3A_998 = arith.addf %mul3A_996, %mul3A_997 : vector<16xf32>
        %mul3A_999 = arith.mulf %sub3A_995, %sub3A_995 : vector<16xf32>
        %add3A_1000 = arith.addf %add3A_998, %mul3A_999 : vector<16xf32>
        %bitcast3A_1001 = vector.bitcast %add3A_1000 : vector<16xf32> to vector<16xi32>
        %shift_right_arithmetic3A_1002 = arith.constant 1 : i32
        %shift_right_arithmetic3A_1003 = vector.broadcast %shift_right_arithmetic3A_1002 : i32 to vector<16xi32>
        %shift_right_arithmetic3A_1004 = arith.shrsi %bitcast3A_1001, %shift_right_arithmetic3A_1003 : vector<16xi32>
        %sub3A_1005 = arith.constant 1597463007 : i32
        %sub3A_1006 = vector.broadcast %sub3A_1005 : i32 to vector<16xi32>
        %sub3A_1007 = arith.subi %sub3A_1006, %shift_right_arithmetic3A_1004 : vector<16xi32>
        %bitcast3A_1008 = vector.bitcast %sub3A_1007 : vector<16xi32> to vector<16xf32>
        %mul3A_1009 = arith.constant 5.000000e-01 : f32
        %mul3A_1010 = vector.broadcast %mul3A_1009 : f32 to vector<16xf32>
        %mul3A_1011 = arith.mulf %mul3A_1010, %add3A_1000 : vector<16xf32>
        %mul3A_1012 = arith.mulf %mul3A_1011, %bitcast3A_1008 : vector<16xf32>
        %mul3A_1013 = arith.mulf %mul3A_1012, %bitcast3A_1008 : vector<16xf32>
        %sub3A_1014 = arith.constant 1.500000e+00 : f32
        %sub3A_1015 = vector.broadcast %sub3A_1014 : f32 to vector<16xf32>
        %sub3A_1016 = arith.subf %sub3A_1015, %mul3A_1013 : vector<16xf32>
        %mul3A_1017 = arith.mulf %bitcast3A_1008, %sub3A_1016 : vector<16xf32>
        %mul3A_1018 = arith.mulf %mul3A_1011, %mul3A_1017 : vector<16xf32>
        %mul3A_1019 = arith.mulf %mul3A_1018, %mul3A_1017 : vector<16xf32>
        %sub3A_1020 = arith.constant 1.500000e+00 : f32
        %sub3A_1021 = vector.broadcast %sub3A_1020 : f32 to vector<16xf32>
        %sub3A_1022 = arith.subf %sub3A_1021, %mul3A_1019 : vector<16xf32>
        %mul3A_1023 = arith.mulf %mul3A_1017, %sub3A_1022 : vector<16xf32>
        %mul3A_1024 = arith.mulf %add3A_1000, %mul3A_1023 : vector<16xf32>
        %gt3A_1025 = arith.constant 9.99999996E-13 : f32
        %gt3A_1026 = vector.broadcast %gt3A_1025 : f32 to vector<16xf32>
        %gt3A_1027 = arith.cmpf ogt, %add3A_1000, %gt3A_1026 : vector<16xf32>
        %jit3A_1028 = arith.constant 0.000000e+00 : f32
        %broadcast_in_dim3A_1029 = vector.broadcast %jit3A_1028 : f32 to vector<16xf32>
        %select_n3A_1030 = arith.select %gt3A_1027, %mul3A_1024, %broadcast_in_dim3A_1029 : vector<16xi1>, vector<16xf32>
        %add3A_1031 = arith.addf %add3A_974, %select_n3A_1030 : vector<16xf32>
        %jit3A_1032 = arith.constant 1.000000e+00 : f32
        %jit3A_1033 = arith.constant 0.000000e+00 : f32
        %broadcast_in_dim3A_1034 = vector.broadcast %jit3A_1032 : f32 to vector<16xf32>
        %broadcast_in_dim3A_1035 = vector.broadcast %jit3A_1033 : f32 to vector<16xf32>
        %select_n3A_1036 = arith.select %gt3A_1027, %broadcast_in_dim3A_1034, %broadcast_in_dim3A_1035 : vector<16xi1>, vector<16xf32>
        %add3A_1037 = arith.addf %add3A_980, %select_n3A_1036 : vector<16xf32>
        %max3A = arith.constant 1.000000e+00 : f32
        %max3A_1038 = vector.broadcast %max3A : f32 to vector<16xf32>
        %max3A_1039 = arith.maximumf %add3A_1037, %max3A_1038 : vector<16xf32>
        %div3A = arith.divf %add3A_1031, %max3A_1039 : vector<16xf32>
        %swap3A_1040 = arith.index_cast %mul3A_124 : i32 to index
        %swap3A_1041 = tpu.vector_load %arg14[%swap3A_1040] {strides = array<i32>} : memref<3136xf32, #tpu.memory_space<vmem>>, vector<16xf32>,
        tpu.vector_store %arg14[%swap3A_1040], %div3A {strides = array<i32>} : memref<3136xf32, #tpu.memory_space<vmem>>, vector<16xf32>,
        %add3A_1042 = arith.addi %min3A_3, %mul3A_124 : i32
        %mul3A_1043 = arith.constant 3136 : i32
        %mul3A_1044 = arith.muli %add3A, %mul3A_1043 : i32
        %ge3A = arith.cmpi sge, %add3A_1042, %mul3A_1044 : i32
        %gt3A_1045 = arith.constant 0.000000e+00 : f32
        %gt3A_1046 = vector.broadcast %gt3A_1045 : f32 to vector<16xf32>
        %gt3A_1047 = arith.cmpf ogt, %add3A_1037, %gt3A_1046 : vector<16xf32>
        %and3A = vector.broadcast %ge3A : i1 to vector<16xi1>
        %and3A_1048 = arith.andi %gt3A_1047, %and3A : vector<16xi1>
        %jit3A_1049 = arith.constant 0.000000e+00 : f32
        %broadcast_in_dim3A_1050 = vector.broadcast %jit3A_1049 : f32 to vector<16xf32>
        %select_n3A_1051 = arith.select %and3A_1048, %div3A, %broadcast_in_dim3A_1050 : vector<16xi1>, vector<16xf32>
        %add3A_1052 = arith.addf %scan3A_116, %select_n3A_1051 : vector<16xf32>
        %jit3A_1053 = arith.constant 1.000000e+00 : f32
        %jit3A_1054 = arith.constant 0.000000e+00 : f32
        %broadcast_in_dim3A_1055 = vector.broadcast %jit3A_1053 : f32 to vector<16xf32>
        %broadcast_in_dim3A_1056 = vector.broadcast %jit3A_1054 : f32 to vector<16xf32>
        %select_n3A_1057 = arith.select %and3A_1048, %broadcast_in_dim3A_1055, %broadcast_in_dim3A_1056 : vector<16xi1>, vector<16xf32>
        %add3A_1058 = arith.addf %scan3A_117, %select_n3A_1057 : vector<16xf32>
        %jit3A_1059 = arith.constant 3.000000e+38 : f32
        %broadcast_in_dim3A_1060 = vector.broadcast %jit3A_1059 : f32 to vector<16xf32>
        %select_n3A_1061 = arith.select %and3A_1048, %div3A, %broadcast_in_dim3A_1060 : vector<16xi1>, vector<16xf32>
        %min3A_1062 = arith.minimumf %scan3A_118, %select_n3A_1061 : vector<16xf32>
        %jit3A_1063 = arith.constant -3.000000e+38 : f32
        %broadcast_in_dim3A_1064 = vector.broadcast %jit3A_1063 : f32 to vector<16xf32>
        %select_n3A_1065 = arith.select %and3A_1048, %div3A, %broadcast_in_dim3A_1064 : vector<16xi1>, vector<16xf32>
        %max3A_1066 = arith.maximumf %scan3A_119, %select_n3A_1065 : vector<16xf32>
        scf.yield %add3A_1052, %add3A_1058, %min3A_1062, %max3A_1066 : vector<16xf32>, vector<16xf32>, vector<16xf32>, vector<16xf32>
      }
      %scan3A_107 = arith.constant 14 : i32
      %add3A_108 = arith.constant 2 : i32
      %add3A_109 = arith.addi %add3A_89, %add3A_108 : i32
      %lt3A_110 = arith.constant 14 : i32
      %lt3A_111 = arith.cmpi slt, %add3A_109, %lt3A_110 : i32
      %convert_element_type3A_112 = arith.extui %lt3A_111 : i1 to i32
      %cond3A_113 = arith.constant 0 : i32
      %cond3A_114 = arith.cmpi ne, %convert_element_type3A_112, %cond3A_113 : i32
      scf.if %cond3A_114 {
        %mul3A_115 = arith.constant 224 : i32
        %mul3A_116 = arith.muli %add3A_109, %mul3A_115 : i32
        %add3A_117 = arith.addi %min3A_3, %mul3A_116 : i32
        "tpu.region"() ({
          %run_scoped3A = tpu.sem_alloc : memref<!tpu.dma_semaphore, #tpu.memory_space<semaphore_mem>>
          %dma_start3A_130 = arith.constant 0 : i32
          %dma_start3A_131 = tpu.memref_slice %arg5[%add3A_117, %dma_start3A_130] : memref<100000x32xi32, #tpu.memory_space<hbm>> -> memref<224x32xi32, #tpu.memory_space<hbm>>
          %dma_start3A_132 = arith.constant 0 : i32
          %dma_start3A_133 = tpu.memref_slice %arg5[%add3A_117, %dma_start3A_132] : memref<100000x32xi32, #tpu.memory_space<hbm>> -> memref<224x32xi32, #tpu.memory_space<hbm>>
          tpu.enqueue_dma source(%dma_start3A_133 : memref<224x32xi32, #tpu.memory_space<hbm>>) target(%arg17 : memref<224x32xi32, #tpu.memory_space<vmem>>) target_semaphore(%run_scoped3A : memref<!tpu.dma_semaphore, #tpu.memory_space<semaphore_mem>>)
          %dma_wait3A_134 = arith.constant 0 : i32
          %dma_wait3A_135 = tpu.memref_slice %arg5[%add3A_117, %dma_wait3A_134] : memref<100000x32xi32, #tpu.memory_space<hbm>> -> memref<224x32xi32, #tpu.memory_space<hbm>>
          %dma_wait3A_136 = arith.constant 0 : i32
          %dma_wait3A_137 = tpu.memref_slice %arg5[%add3A_117, %dma_wait3A_136] : memref<100000x32xi32, #tpu.memory_space<hbm>> -> memref<224x32xi32, #tpu.memory_space<hbm>>
          tpu.wait_dma2 semaphore(%run_scoped3A : memref<!tpu.dma_semaphore, #tpu.memory_space<semaphore_mem>>) src(%dma_wait3A_137 : memref<224x32xi32, #tpu.memory_space<hbm>>) dst(%arg17 : memref<224x32xi32, #tpu.memory_space<vmem>>)
          tpu.yield
        }) : () -> ()
        %scan3A_118 = arith.constant 0 : i32
        %scan3A_119 = arith.constant 0 : i32
        %scan3A_120 = arith.constant 14 : i32
        %scan3A_121 = arith.addi %scan3A_119, %scan3A_120 : i32
        %scan3A_122 = arith.constant 1 : i32
        scf.for %scan3A_130 = %scan3A_119 to %scan3A_121 step %scan3A_122  : i32 {
          %mul3A_131 = arith.constant 16 : i32
          %mul3A_132 = arith.muli %scan3A_130, %mul3A_131 : i32
          %add3A_133 = vector.broadcast %mul3A_132 : i32 to vector<16xi32>
          %add3A_134 = arith.addi %iota3A, %add3A_133 : vector<16xi32>
          %broadcast_in_dim3A_135 = arith.constant 0 : i32
          %broadcast_in_dim3A_136 = vector.broadcast %broadcast_in_dim3A_135 : i32 to vector<16xi32>
          %gather3A = tpu.vector_load_idx %arg17[%add3A_134, %broadcast_in_dim3A_136] : memref<224x32xi32, #tpu.memory_space<vmem>>[vector<16xi32>, vector<16xi32>], vector<16xi32>,
          %mul3A_137 = arith.constant 256 : i32
          %mul3A_138 = arith.muli %scan3A_130, %mul3A_137 : i32
          %add3A_139 = arith.constant 0 : i32
          %add3A_140 = arith.addi %mul3A_138, %add3A_139 : i32
          %swap3A_141 = arith.index_cast %add3A_140 : i32 to index
          %swap3A_142 = tpu.vector_load %arg19[%swap3A_141] {strides = array<i32>} : memref<3584xi32, #tpu.memory_space<vmem>>, vector<16xi32>,
          tpu.vector_store %arg19[%swap3A_141], %gather3A {strides = array<i32>} : memref<3584xi32, #tpu.memory_space<vmem>>, vector<16xi32>,
          %broadcast_in_dim3A_143 = arith.constant 1 : i32
          %broadcast_in_dim3A_144 = vector.broadcast %broadcast_in_dim3A_143 : i32 to vector<16xi32>
          %gather3A_145 = tpu.vector_load_idx %arg17[%add3A_134, %broadcast_in_dim3A_144] : memref<224x32xi32, #tpu.memory_space<vmem>>[vector<16xi32>, vector<16xi32>], vector<16xi32>,
          %mul3A_146 = arith.constant 256 : i32
          %mul3A_147 = arith.muli %scan3A_130, %mul3A_146 : i32
          %add3A_148 = arith.constant 16 : i32
          %add3A_149 = arith.addi %mul3A_147, %add3A_148 : i32
          %swap3A_150 = arith.index_cast %add3A_149 : i32 to index
          %swap3A_151 = tpu.vector_load %arg19[%swap3A_150] {strides = array<i32>} : memref<3584xi32, #tpu.memory_space<vmem>>, vector<16xi32>,
          tpu.vector_store %arg19[%swap3A_150], %gather3A_145 {strides = array<i32>} : memref<3584xi32, #tpu.memory_space<vmem>>, vector<16xi32>,
          %broadcast_in_dim3A_152 = arith.constant 2 : i32
          %broadcast_in_dim3A_153 = vector.broadcast %broadcast_in_dim3A_152 : i32 to vector<16xi32>
          %gather3A_154 = tpu.vector_load_idx %arg17[%add3A_134, %broadcast_in_dim3A_153] : memref<224x32xi32, #tpu.memory_space<vmem>>[vector<16xi32>, vector<16xi32>], vector<16xi32>,
          %mul3A_155 = arith.constant 256 : i32
          %mul3A_156 = arith.muli %scan3A_130, %mul3A_155 : i32
          %add3A_157 = arith.constant 32 : i32
          %add3A_158 = arith.addi %mul3A_156, %add3A_157 : i32
          %swap3A_159 = arith.index_cast %add3A_158 : i32 to index
          %swap3A_160 = tpu.vector_load %arg19[%swap3A_159] {strides = array<i32>} : memref<3584xi32, #tpu.memory_space<vmem>>, vector<16xi32>,
          tpu.vector_store %arg19[%swap3A_159], %gather3A_154 {strides = array<i32>} : memref<3584xi32, #tpu.memory_space<vmem>>, vector<16xi32>,
          %broadcast_in_dim3A_161 = arith.constant 3 : i32
          %broadcast_in_dim3A_162 = vector.broadcast %broadcast_in_dim3A_161 : i32 to vector<16xi32>
          %gather3A_163 = tpu.vector_load_idx %arg17[%add3A_134, %broadcast_in_dim3A_162] : memref<224x32xi32, #tpu.memory_space<vmem>>[vector<16xi32>, vector<16xi32>], vector<16xi32>,
          %mul3A_164 = arith.constant 256 : i32
          %mul3A_165 = arith.muli %scan3A_130, %mul3A_164 : i32
          %add3A_166 = arith.constant 48 : i32
          %add3A_167 = arith.addi %mul3A_165, %add3A_166 : i32
          %swap3A_168 = arith.index_cast %add3A_167 : i32 to index
          %swap3A_169 = tpu.vector_load %arg19[%swap3A_168] {strides = array<i32>} : memref<3584xi32, #tpu.memory_space<vmem>>, vector<16xi32>,
          tpu.vector_store %arg19[%swap3A_168], %gather3A_163 {strides = array<i32>} : memref<3584xi32, #tpu.memory_space<vmem>>, vector<16xi32>,
          %broadcast_in_dim3A_170 = arith.constant 4 : i32
          %broadcast_in_dim3A_171 = vector.broadcast %broadcast_in_dim3A_170 : i32 to vector<16xi32>
          %gather3A_172 = tpu.vector_load_idx %arg17[%add3A_134, %broadcast_in_dim3A_171] : memref<224x32xi32, #tpu.memory_space<vmem>>[vector<16xi32>, vector<16xi32>], vector<16xi32>,
          %mul3A_173 = arith.constant 256 : i32
          %mul3A_174 = arith.muli %scan3A_130, %mul3A_173 : i32
          %add3A_175 = arith.constant 64 : i32
          %add3A_176 = arith.addi %mul3A_174, %add3A_175 : i32
          %swap3A_177 = arith.index_cast %add3A_176 : i32 to index
          %swap3A_178 = tpu.vector_load %arg19[%swap3A_177] {strides = array<i32>} : memref<3584xi32, #tpu.memory_space<vmem>>, vector<16xi32>,
          tpu.vector_store %arg19[%swap3A_177], %gather3A_172 {strides = array<i32>} : memref<3584xi32, #tpu.memory_space<vmem>>, vector<16xi32>,
          %broadcast_in_dim3A_179 = arith.constant 5 : i32
          %broadcast_in_dim3A_180 = vector.broadcast %broadcast_in_dim3A_179 : i32 to vector<16xi32>
          %gather3A_181 = tpu.vector_load_idx %arg17[%add3A_134, %broadcast_in_dim3A_180] : memref<224x32xi32, #tpu.memory_space<vmem>>[vector<16xi32>, vector<16xi32>], vector<16xi32>,
          %mul3A_182 = arith.constant 256 : i32
          %mul3A_183 = arith.muli %scan3A_130, %mul3A_182 : i32
          %add3A_184 = arith.constant 80 : i32
          %add3A_185 = arith.addi %mul3A_183, %add3A_184 : i32
          %swap3A_186 = arith.index_cast %add3A_185 : i32 to index
          %swap3A_187 = tpu.vector_load %arg19[%swap3A_186] {strides = array<i32>} : memref<3584xi32, #tpu.memory_space<vmem>>, vector<16xi32>,
          tpu.vector_store %arg19[%swap3A_186], %gather3A_181 {strides = array<i32>} : memref<3584xi32, #tpu.memory_space<vmem>>, vector<16xi32>,
          %broadcast_in_dim3A_188 = arith.constant 6 : i32
          %broadcast_in_dim3A_189 = vector.broadcast %broadcast_in_dim3A_188 : i32 to vector<16xi32>
          %gather3A_190 = tpu.vector_load_idx %arg17[%add3A_134, %broadcast_in_dim3A_189] : memref<224x32xi32, #tpu.memory_space<vmem>>[vector<16xi32>, vector<16xi32>], vector<16xi32>,
          %mul3A_191 = arith.constant 256 : i32
          %mul3A_192 = arith.muli %scan3A_130, %mul3A_191 : i32
          %add3A_193 = arith.constant 96 : i32
          %add3A_194 = arith.addi %mul3A_192, %add3A_193 : i32
          %swap3A_195 = arith.index_cast %add3A_194 : i32 to index
          %swap3A_196 = tpu.vector_load %arg19[%swap3A_195] {strides = array<i32>} : memref<3584xi32, #tpu.memory_space<vmem>>, vector<16xi32>,
          tpu.vector_store %arg19[%swap3A_195], %gather3A_190 {strides = array<i32>} : memref<3584xi32, #tpu.memory_space<vmem>>, vector<16xi32>,
          %broadcast_in_dim3A_197 = arith.constant 7 : i32
          %broadcast_in_dim3A_198 = vector.broadcast %broadcast_in_dim3A_197 : i32 to vector<16xi32>
          %gather3A_199 = tpu.vector_load_idx %arg17[%add3A_134, %broadcast_in_dim3A_198] : memref<224x32xi32, #tpu.memory_space<vmem>>[vector<16xi32>, vector<16xi32>], vector<16xi32>,
          %mul3A_200 = arith.constant 256 : i32
          %mul3A_201 = arith.muli %scan3A_130, %mul3A_200 : i32
          %add3A_202 = arith.constant 112 : i32
          %add3A_203 = arith.addi %mul3A_201, %add3A_202 : i32
          %swap3A_204 = arith.index_cast %add3A_203 : i32 to index
          %swap3A_205 = tpu.vector_load %arg19[%swap3A_204] {strides = array<i32>} : memref<3584xi32, #tpu.memory_space<vmem>>, vector<16xi32>,
          tpu.vector_store %arg19[%swap3A_204], %gather3A_199 {strides = array<i32>} : memref<3584xi32, #tpu.memory_space<vmem>>, vector<16xi32>,
          %broadcast_in_dim3A_206 = arith.constant 8 : i32
          %broadcast_in_dim3A_207 = vector.broadcast %broadcast_in_dim3A_206 : i32 to vector<16xi32>
          %gather3A_208 = tpu.vector_load_idx %arg17[%add3A_134, %broadcast_in_dim3A_207] : memref<224x32xi32, #tpu.memory_space<vmem>>[vector<16xi32>, vector<16xi32>], vector<16xi32>,
          %mul3A_209 = arith.constant 256 : i32
          %mul3A_210 = arith.muli %scan3A_130, %mul3A_209 : i32
          %add3A_211 = arith.constant 128 : i32
          %add3A_212 = arith.addi %mul3A_210, %add3A_211 : i32
          %swap3A_213 = arith.index_cast %add3A_212 : i32 to index
          %swap3A_214 = tpu.vector_load %arg19[%swap3A_213] {strides = array<i32>} : memref<3584xi32, #tpu.memory_space<vmem>>, vector<16xi32>,
          tpu.vector_store %arg19[%swap3A_213], %gather3A_208 {strides = array<i32>} : memref<3584xi32, #tpu.memory_space<vmem>>, vector<16xi32>,
          %broadcast_in_dim3A_215 = arith.constant 9 : i32
          %broadcast_in_dim3A_216 = vector.broadcast %broadcast_in_dim3A_215 : i32 to vector<16xi32>
          %gather3A_217 = tpu.vector_load_idx %arg17[%add3A_134, %broadcast_in_dim3A_216] : memref<224x32xi32, #tpu.memory_space<vmem>>[vector<16xi32>, vector<16xi32>], vector<16xi32>,
          %mul3A_218 = arith.constant 256 : i32
          %mul3A_219 = arith.muli %scan3A_130, %mul3A_218 : i32
          %add3A_220 = arith.constant 144 : i32
          %add3A_221 = arith.addi %mul3A_219, %add3A_220 : i32
          %swap3A_222 = arith.index_cast %add3A_221 : i32 to index
          %swap3A_223 = tpu.vector_load %arg19[%swap3A_222] {strides = array<i32>} : memref<3584xi32, #tpu.memory_space<vmem>>, vector<16xi32>,
          tpu.vector_store %arg19[%swap3A_222], %gather3A_217 {strides = array<i32>} : memref<3584xi32, #tpu.memory_space<vmem>>, vector<16xi32>,
          %broadcast_in_dim3A_224 = arith.constant 10 : i32
          %broadcast_in_dim3A_225 = vector.broadcast %broadcast_in_dim3A_224 : i32 to vector<16xi32>
          %gather3A_226 = tpu.vector_load_idx %arg17[%add3A_134, %broadcast_in_dim3A_225] : memref<224x32xi32, #tpu.memory_space<vmem>>[vector<16xi32>, vector<16xi32>], vector<16xi32>,
          %mul3A_227 = arith.constant 256 : i32
          %mul3A_228 = arith.muli %scan3A_130, %mul3A_227 : i32
          %add3A_229 = arith.constant 160 : i32
          %add3A_230 = arith.addi %mul3A_228, %add3A_229 : i32
          %swap3A_231 = arith.index_cast %add3A_230 : i32 to index
          %swap3A_232 = tpu.vector_load %arg19[%swap3A_231] {strides = array<i32>} : memref<3584xi32, #tpu.memory_space<vmem>>, vector<16xi32>,
          tpu.vector_store %arg19[%swap3A_231], %gather3A_226 {strides = array<i32>} : memref<3584xi32, #tpu.memory_space<vmem>>, vector<16xi32>,
          %broadcast_in_dim3A_233 = arith.constant 11 : i32
          %broadcast_in_dim3A_234 = vector.broadcast %broadcast_in_dim3A_233 : i32 to vector<16xi32>
          %gather3A_235 = tpu.vector_load_idx %arg17[%add3A_134, %broadcast_in_dim3A_234] : memref<224x32xi32, #tpu.memory_space<vmem>>[vector<16xi32>, vector<16xi32>], vector<16xi32>,
          %mul3A_236 = arith.constant 256 : i32
          %mul3A_237 = arith.muli %scan3A_130, %mul3A_236 : i32
          %add3A_238 = arith.constant 176 : i32
          %add3A_239 = arith.addi %mul3A_237, %add3A_238 : i32
          %swap3A_240 = arith.index_cast %add3A_239 : i32 to index
          %swap3A_241 = tpu.vector_load %arg19[%swap3A_240] {strides = array<i32>} : memref<3584xi32, #tpu.memory_space<vmem>>, vector<16xi32>,
          tpu.vector_store %arg19[%swap3A_240], %gather3A_235 {strides = array<i32>} : memref<3584xi32, #tpu.memory_space<vmem>>, vector<16xi32>,
          %broadcast_in_dim3A_242 = arith.constant 12 : i32
          %broadcast_in_dim3A_243 = vector.broadcast %broadcast_in_dim3A_242 : i32 to vector<16xi32>
          %gather3A_244 = tpu.vector_load_idx %arg17[%add3A_134, %broadcast_in_dim3A_243] : memref<224x32xi32, #tpu.memory_space<vmem>>[vector<16xi32>, vector<16xi32>], vector<16xi32>,
          %mul3A_245 = arith.constant 256 : i32
          %mul3A_246 = arith.muli %scan3A_130, %mul3A_245 : i32
          %add3A_247 = arith.constant 192 : i32
          %add3A_248 = arith.addi %mul3A_246, %add3A_247 : i32
          %swap3A_249 = arith.index_cast %add3A_248 : i32 to index
          %swap3A_250 = tpu.vector_load %arg19[%swap3A_249] {strides = array<i32>} : memref<3584xi32, #tpu.memory_space<vmem>>, vector<16xi32>,
          tpu.vector_store %arg19[%swap3A_249], %gather3A_244 {strides = array<i32>} : memref<3584xi32, #tpu.memory_space<vmem>>, vector<16xi32>,
          %broadcast_in_dim3A_251 = arith.constant 13 : i32
          %broadcast_in_dim3A_252 = vector.broadcast %broadcast_in_dim3A_251 : i32 to vector<16xi32>
          %gather3A_253 = tpu.vector_load_idx %arg17[%add3A_134, %broadcast_in_dim3A_252] : memref<224x32xi32, #tpu.memory_space<vmem>>[vector<16xi32>, vector<16xi32>], vector<16xi32>,
          %mul3A_254 = arith.constant 256 : i32
          %mul3A_255 = arith.muli %scan3A_130, %mul3A_254 : i32
          %add3A_256 = arith.constant 208 : i32
          %add3A_257 = arith.addi %mul3A_255, %add3A_256 : i32
          %swap3A_258 = arith.index_cast %add3A_257 : i32 to index
          %swap3A_259 = tpu.vector_load %arg19[%swap3A_258] {strides = array<i32>} : memref<3584xi32, #tpu.memory_space<vmem>>, vector<16xi32>,
          tpu.vector_store %arg19[%swap3A_258], %gather3A_253 {strides = array<i32>} : memref<3584xi32, #tpu.memory_space<vmem>>, vector<16xi32>,
          %broadcast_in_dim3A_260 = arith.constant 14 : i32
          %broadcast_in_dim3A_261 = vector.broadcast %broadcast_in_dim3A_260 : i32 to vector<16xi32>
          %gather3A_262 = tpu.vector_load_idx %arg17[%add3A_134, %broadcast_in_dim3A_261] : memref<224x32xi32, #tpu.memory_space<vmem>>[vector<16xi32>, vector<16xi32>], vector<16xi32>,
          %mul3A_263 = arith.constant 256 : i32
          %mul3A_264 = arith.muli %scan3A_130, %mul3A_263 : i32
          %add3A_265 = arith.constant 224 : i32
          %add3A_266 = arith.addi %mul3A_264, %add3A_265 : i32
          %swap3A_267 = arith.index_cast %add3A_266 : i32 to index
          %swap3A_268 = tpu.vector_load %arg19[%swap3A_267] {strides = array<i32>} : memref<3584xi32, #tpu.memory_space<vmem>>, vector<16xi32>,
          tpu.vector_store %arg19[%swap3A_267], %gather3A_262 {strides = array<i32>} : memref<3584xi32, #tpu.memory_space<vmem>>, vector<16xi32>,
          %broadcast_in_dim3A_269 = arith.constant 15 : i32
          %broadcast_in_dim3A_270 = vector.broadcast %broadcast_in_dim3A_269 : i32 to vector<16xi32>
          %gather3A_271 = tpu.vector_load_idx %arg17[%add3A_134, %broadcast_in_dim3A_270] : memref<224x32xi32, #tpu.memory_space<vmem>>[vector<16xi32>, vector<16xi32>], vector<16xi32>,
          %mul3A_272 = arith.constant 256 : i32
          %mul3A_273 = arith.muli %scan3A_130, %mul3A_272 : i32
          %add3A_274 = arith.constant 240 : i32
          %add3A_275 = arith.addi %mul3A_273, %add3A_274 : i32
          %swap3A_276 = arith.index_cast %add3A_275 : i32 to index
          %swap3A_277 = tpu.vector_load %arg19[%swap3A_276] {strides = array<i32>} : memref<3584xi32, #tpu.memory_space<vmem>>, vector<16xi32>,
          tpu.vector_store %arg19[%swap3A_276], %gather3A_271 {strides = array<i32>} : memref<3584xi32, #tpu.memory_space<vmem>>, vector<16xi32>,
        }
        %scan3A_123 = arith.constant 14 : i32
        %dma_start3A_124 = arith.constant 0 : i32
        %dma_start3A_125 = tpu.memref_slice %arg8[%dma_start3A_124] : memref<100000xf32, #tpu.memory_space<vmem_shared>> -> memref<100000xf32, #tpu.memory_space<vmem_shared>>
        tpu.enqueue_indirect_dma source(%dma_start3A_125 : memref<100000xf32, #tpu.memory_space<vmem_shared>>) target(%arg21 : memref<3584xf32, #tpu.memory_space<vmem>>) offsets(%arg19 : memref<3584xi32, #tpu.memory_space<vmem>>) semaphore(%arg27 : memref<!tpu.dma_semaphore, #tpu.memory_space<semaphore_mem>>)
        %dma_start3A_126 = arith.constant 0 : i32
        %dma_start3A_127 = tpu.memref_slice %arg9[%dma_start3A_126] : memref<100000xf32, #tpu.memory_space<vmem_shared>> -> memref<100000xf32, #tpu.memory_space<vmem_shared>>
        tpu.enqueue_indirect_dma source(%dma_start3A_127 : memref<100000xf32, #tpu.memory_space<vmem_shared>>) target(%arg23 : memref<3584xf32, #tpu.memory_space<vmem>>) offsets(%arg19 : memref<3584xi32, #tpu.memory_space<vmem>>) semaphore(%arg27 : memref<!tpu.dma_semaphore, #tpu.memory_space<semaphore_mem>>)
        %dma_start3A_128 = arith.constant 0 : i32
        %dma_start3A_129 = tpu.memref_slice %arg10[%dma_start3A_128] : memref<100000xf32, #tpu.memory_space<vmem_shared>> -> memref<100000xf32, #tpu.memory_space<vmem_shared>>
        tpu.enqueue_indirect_dma source(%dma_start3A_129 : memref<100000xf32, #tpu.memory_space<vmem_shared>>) target(%arg25 : memref<3584xf32, #tpu.memory_space<vmem>>) offsets(%arg19 : memref<3584xi32, #tpu.memory_space<vmem>>) semaphore(%arg27 : memref<!tpu.dma_semaphore, #tpu.memory_space<semaphore_mem>>)
      } else {
      }
      scf.yield %scan3A_106#0, %scan3A_106#1, %scan3A_106#2, %scan3A_106#3 : vector<16xf32>, vector<16xf32>, vector<16xf32>, vector<16xf32>
    }
    %scan3A_42 = arith.constant 7 : i32
    %swap3A = arith.constant 0 : index
    %swap3A_43 = tpu.vector_load %arg15[%swap3A] {strides = array<i32>} : memref<64xf32, #tpu.memory_space<vmem>>, vector<16xf32>,
    tpu.vector_store %arg15[%swap3A], %scan3A_41#0 {strides = array<i32>} : memref<64xf32, #tpu.memory_space<vmem>>, vector<16xf32>,
    %swap3A_44 = arith.constant 16 : index
    %swap3A_45 = tpu.vector_load %arg15[%swap3A_44] {strides = array<i32>} : memref<64xf32, #tpu.memory_space<vmem>>, vector<16xf32>,
    tpu.vector_store %arg15[%swap3A_44], %scan3A_41#1 {strides = array<i32>} : memref<64xf32, #tpu.memory_space<vmem>>, vector<16xf32>,
    %swap3A_46 = arith.constant 32 : index
    %swap3A_47 = tpu.vector_load %arg15[%swap3A_46] {strides = array<i32>} : memref<64xf32, #tpu.memory_space<vmem>>, vector<16xf32>,
    tpu.vector_store %arg15[%swap3A_46], %scan3A_41#2 {strides = array<i32>} : memref<64xf32, #tpu.memory_space<vmem>>, vector<16xf32>,
    %swap3A_48 = arith.constant 48 : index
    %swap3A_49 = tpu.vector_load %arg15[%swap3A_48] {strides = array<i32>} : memref<64xf32, #tpu.memory_space<vmem>>, vector<16xf32>,
    tpu.vector_store %arg15[%swap3A_48], %scan3A_41#3 {strides = array<i32>} : memref<64xf32, #tpu.memory_space<vmem>>, vector<16xf32>,
    %mul3A_50 = arith.constant 4 : i32
    %mul3A_51 = arith.muli %add3A, %mul3A_50 : i32
    %mul3A_52 = arith.constant 16 : i32
    %mul3A_53 = arith.muli %mul3A_51, %mul3A_52 : i32
    "tpu.region"() ({
      %run_scoped3A = tpu.sem_alloc : memref<!tpu.dma_semaphore, #tpu.memory_space<semaphore_mem>>
      %dma_start3A_54 = tpu.memref_slice %arg7[%mul3A_53] : memref<2048xf32, #tpu.memory_space<hbm>> -> memref<64xf32, #tpu.memory_space<hbm>>
      %dma_start3A_55 = tpu.memref_slice %arg7[%mul3A_53] : memref<2048xf32, #tpu.memory_space<hbm>> -> memref<64xf32, #tpu.memory_space<hbm>>
      tpu.enqueue_dma source(%arg15 : memref<64xf32, #tpu.memory_space<vmem>>) target(%dma_start3A_55 : memref<64xf32, #tpu.memory_space<hbm>>) target_semaphore(%run_scoped3A : memref<!tpu.dma_semaphore, #tpu.memory_space<semaphore_mem>>)
      %dma_wait3A = tpu.memref_slice %arg7[%mul3A_53] : memref<2048xf32, #tpu.memory_space<hbm>> -> memref<64xf32, #tpu.memory_space<hbm>>
      %dma_wait3A_56 = tpu.memref_slice %arg7[%mul3A_53] : memref<2048xf32, #tpu.memory_space<hbm>> -> memref<64xf32, #tpu.memory_space<hbm>>
      tpu.wait_dma2 semaphore(%run_scoped3A : memref<!tpu.dma_semaphore, #tpu.memory_space<semaphore_mem>>) src(%arg15 : memref<64xf32, #tpu.memory_space<vmem>>) dst(%dma_wait3A_56 : memref<64xf32, #tpu.memory_space<hbm>>)
      tpu.yield
    }) : () -> ()
    "tpu.region"() ({
      %run_scoped3A = tpu.sem_alloc : memref<!tpu.dma_semaphore, #tpu.memory_space<semaphore_mem>>
      %dma_start3A_54 = tpu.memref_slice %arg6[%min3A_3] : memref<100000xf32, #tpu.memory_space<hbm>> -> memref<3136xf32, #tpu.memory_space<hbm>>
      %dma_start3A_55 = tpu.memref_slice %arg6[%min3A_3] : memref<100000xf32, #tpu.memory_space<hbm>> -> memref<3136xf32, #tpu.memory_space<hbm>>
      tpu.enqueue_dma source(%arg14 : memref<3136xf32, #tpu.memory_space<vmem>>) target(%dma_start3A_55 : memref<3136xf32, #tpu.memory_space<hbm>>) target_semaphore(%run_scoped3A : memref<!tpu.dma_semaphore, #tpu.memory_space<semaphore_mem>>)
      %dma_wait3A = tpu.memref_slice %arg6[%min3A_3] : memref<100000xf32, #tpu.memory_space<hbm>> -> memref<3136xf32, #tpu.memory_space<hbm>>
      %dma_wait3A_56 = tpu.memref_slice %arg6[%min3A_3] : memref<100000xf32, #tpu.memory_space<hbm>> -> memref<3136xf32, #tpu.memory_space<hbm>>
      tpu.wait_dma2 semaphore(%run_scoped3A : memref<!tpu.dma_semaphore, #tpu.memory_space<semaphore_mem>>) src(%arg14 : memref<3136xf32, #tpu.memory_space<vmem>>) dst(%dma_wait3A_56 : memref<3136xf32, #tpu.memory_space<hbm>>)
      tpu.yield
    }) : () -> ()
    return
  }
}

#map = affine_map<(d0, d1) -> (0)>
module attributes {stable_mosaic.version = 14 : i64} {
  func.func @_phase_b_body(%arg0: i32, %arg1: i32, %arg2: memref<100000xf32, #tpu.memory_space<hbm>>, %arg3: memref<2048xf32, #tpu.memory_space<hbm>>, %arg4: memref<100000xf32, #tpu.memory_space<hbm>>, %arg5: memref<3136xf32, #tpu.memory_space<vmem>>, %arg6: memref<3136xf32, #tpu.memory_space<vmem>>, %arg7: memref<2048xf32, #tpu.memory_space<vmem>>) attributes {dimension_semantics = [#tpu.dimension_semantics<core_parallel>, #tpu.dimension_semantics<subcore_parallel>], iteration_bounds = array<i64: 2, 16>, scalar_prefetch = 0 : i64, scratch_operands = 3 : i64, tpu.core_type = #tpu.core_type<sc_vector_subcore>, window_params = [{transform_indices = #map}, {transform_indices = #map}, {transform_indices = #map}]} {
    %mul3A = arith.constant 2 : i32
    %mul3A_0 = arith.muli %arg1, %mul3A : i32
    %add3A = arith.addi %mul3A_0, %arg0 : i32
    %mul3A_1 = arith.constant 3136 : i32
    %mul3A_2 = arith.muli %add3A, %mul3A_1 : i32
    %min3A = arith.constant 96864 : i32
    %min3A_3 = arith.minsi %mul3A_2, %min3A : i32
    "tpu.region"() ({
      %run_scoped3A = tpu.sem_alloc : memref<!tpu.dma_semaphore, #tpu.memory_space<semaphore_mem>>
      tpu.enqueue_dma source(%arg3 : memref<2048xf32, #tpu.memory_space<hbm>>) target(%arg7 : memref<2048xf32, #tpu.memory_space<vmem>>) target_semaphore(%run_scoped3A : memref<!tpu.dma_semaphore, #tpu.memory_space<semaphore_mem>>)
      tpu.wait_dma2 semaphore(%run_scoped3A : memref<!tpu.dma_semaphore, #tpu.memory_space<semaphore_mem>>) src(%arg3 : memref<2048xf32, #tpu.memory_space<hbm>>) dst(%arg7 : memref<2048xf32, #tpu.memory_space<vmem>>)
      tpu.yield
    }) : () -> ()
    %broadcast_in_dim3A = arith.constant 0.000000e+00 : f32
    %broadcast_in_dim3A_4 = vector.broadcast %broadcast_in_dim3A : f32 to vector<16xf32>
    %broadcast_in_dim3A_5 = arith.constant 0.000000e+00 : f32
    %broadcast_in_dim3A_6 = vector.broadcast %broadcast_in_dim3A_5 : f32 to vector<16xf32>
    %broadcast_in_dim3A_7 = arith.constant 3.000000e+38 : f32
    %broadcast_in_dim3A_8 = vector.broadcast %broadcast_in_dim3A_7 : f32 to vector<16xf32>
    %broadcast_in_dim3A_9 = arith.constant -3.000000e+38 : f32
    %broadcast_in_dim3A_10 = vector.broadcast %broadcast_in_dim3A_9 : f32 to vector<16xf32>
    %get3A = arith.constant 0 : index
    %get3A_11 = tpu.vector_load %arg7[%get3A] {strides = array<i32>} : memref<2048xf32, #tpu.memory_space<vmem>>, vector<16xf32>,
    %add3A_12 = arith.addf %broadcast_in_dim3A_4, %get3A_11 : vector<16xf32>
    %get3A_13 = arith.constant 16 : index
    %get3A_14 = tpu.vector_load %arg7[%get3A_13] {strides = array<i32>} : memref<2048xf32, #tpu.memory_space<vmem>>, vector<16xf32>,
    %add3A_15 = arith.addf %broadcast_in_dim3A_6, %get3A_14 : vector<16xf32>
    %get3A_16 = arith.constant 32 : index
    %get3A_17 = tpu.vector_load %arg7[%get3A_16] {strides = array<i32>} : memref<2048xf32, #tpu.memory_space<vmem>>, vector<16xf32>,
    %min3A_18 = arith.minimumf %broadcast_in_dim3A_8, %get3A_17 : vector<16xf32>
    %get3A_19 = arith.constant 48 : index
    %get3A_20 = tpu.vector_load %arg7[%get3A_19] {strides = array<i32>} : memref<2048xf32, #tpu.memory_space<vmem>>, vector<16xf32>,
    %max3A = arith.maximumf %broadcast_in_dim3A_10, %get3A_20 : vector<16xf32>
    %get3A_21 = arith.constant 64 : index
    %get3A_22 = tpu.vector_load %arg7[%get3A_21] {strides = array<i32>} : memref<2048xf32, #tpu.memory_space<vmem>>, vector<16xf32>,
    %add3A_23 = arith.addf %add3A_12, %get3A_22 : vector<16xf32>
    %get3A_24 = arith.constant 80 : index
    %get3A_25 = tpu.vector_load %arg7[%get3A_24] {strides = array<i32>} : memref<2048xf32, #tpu.memory_space<vmem>>, vector<16xf32>,
    %add3A_26 = arith.addf %add3A_15, %get3A_25 : vector<16xf32>
    %get3A_27 = arith.constant 96 : index
    %get3A_28 = tpu.vector_load %arg7[%get3A_27] {strides = array<i32>} : memref<2048xf32, #tpu.memory_space<vmem>>, vector<16xf32>,
    %min3A_29 = arith.minimumf %min3A_18, %get3A_28 : vector<16xf32>
    %get3A_30 = arith.constant 112 : index
    %get3A_31 = tpu.vector_load %arg7[%get3A_30] {strides = array<i32>} : memref<2048xf32, #tpu.memory_space<vmem>>, vector<16xf32>,
    %max3A_32 = arith.maximumf %max3A, %get3A_31 : vector<16xf32>
    %get3A_33 = arith.constant 128 : index
    %get3A_34 = tpu.vector_load %arg7[%get3A_33] {strides = array<i32>} : memref<2048xf32, #tpu.memory_space<vmem>>, vector<16xf32>,
    %add3A_35 = arith.addf %add3A_23, %get3A_34 : vector<16xf32>
    %get3A_36 = arith.constant 144 : index
    %get3A_37 = tpu.vector_load %arg7[%get3A_36] {strides = array<i32>} : memref<2048xf32, #tpu.memory_space<vmem>>, vector<16xf32>,
    %add3A_38 = arith.addf %add3A_26, %get3A_37 : vector<16xf32>
    %get3A_39 = arith.constant 160 : index
    %get3A_40 = tpu.vector_load %arg7[%get3A_39] {strides = array<i32>} : memref<2048xf32, #tpu.memory_space<vmem>>, vector<16xf32>,
    %min3A_41 = arith.minimumf %min3A_29, %get3A_40 : vector<16xf32>
    %get3A_42 = arith.constant 176 : index
    %get3A_43 = tpu.vector_load %arg7[%get3A_42] {strides = array<i32>} : memref<2048xf32, #tpu.memory_space<vmem>>, vector<16xf32>,
    %max3A_44 = arith.maximumf %max3A_32, %get3A_43 : vector<16xf32>
    %get3A_45 = arith.constant 192 : index
    %get3A_46 = tpu.vector_load %arg7[%get3A_45] {strides = array<i32>} : memref<2048xf32, #tpu.memory_space<vmem>>, vector<16xf32>,
    %add3A_47 = arith.addf %add3A_35, %get3A_46 : vector<16xf32>
    %get3A_48 = arith.constant 208 : index
    %get3A_49 = tpu.vector_load %arg7[%get3A_48] {strides = array<i32>} : memref<2048xf32, #tpu.memory_space<vmem>>, vector<16xf32>,
    %add3A_50 = arith.addf %add3A_38, %get3A_49 : vector<16xf32>
    %get3A_51 = arith.constant 224 : index
    %get3A_52 = tpu.vector_load %arg7[%get3A_51] {strides = array<i32>} : memref<2048xf32, #tpu.memory_space<vmem>>, vector<16xf32>,
    %min3A_53 = arith.minimumf %min3A_41, %get3A_52 : vector<16xf32>
    %get3A_54 = arith.constant 240 : index
    %get3A_55 = tpu.vector_load %arg7[%get3A_54] {strides = array<i32>} : memref<2048xf32, #tpu.memory_space<vmem>>, vector<16xf32>,
    %max3A_56 = arith.maximumf %max3A_44, %get3A_55 : vector<16xf32>
    %get3A_57 = arith.constant 256 : index
    %get3A_58 = tpu.vector_load %arg7[%get3A_57] {strides = array<i32>} : memref<2048xf32, #tpu.memory_space<vmem>>, vector<16xf32>,
    %add3A_59 = arith.addf %add3A_47, %get3A_58 : vector<16xf32>
    %get3A_60 = arith.constant 272 : index
    %get3A_61 = tpu.vector_load %arg7[%get3A_60] {strides = array<i32>} : memref<2048xf32, #tpu.memory_space<vmem>>, vector<16xf32>,
    %add3A_62 = arith.addf %add3A_50, %get3A_61 : vector<16xf32>
    %get3A_63 = arith.constant 288 : index
    %get3A_64 = tpu.vector_load %arg7[%get3A_63] {strides = array<i32>} : memref<2048xf32, #tpu.memory_space<vmem>>, vector<16xf32>,
    %min3A_65 = arith.minimumf %min3A_53, %get3A_64 : vector<16xf32>
    %get3A_66 = arith.constant 304 : index
    %get3A_67 = tpu.vector_load %arg7[%get3A_66] {strides = array<i32>} : memref<2048xf32, #tpu.memory_space<vmem>>, vector<16xf32>,
    %max3A_68 = arith.maximumf %max3A_56, %get3A_67 : vector<16xf32>
    %get3A_69 = arith.constant 320 : index
    %get3A_70 = tpu.vector_load %arg7[%get3A_69] {strides = array<i32>} : memref<2048xf32, #tpu.memory_space<vmem>>, vector<16xf32>,
    %add3A_71 = arith.addf %add3A_59, %get3A_70 : vector<16xf32>
    %get3A_72 = arith.constant 336 : index
    %get3A_73 = tpu.vector_load %arg7[%get3A_72] {strides = array<i32>} : memref<2048xf32, #tpu.memory_space<vmem>>, vector<16xf32>,
    %add3A_74 = arith.addf %add3A_62, %get3A_73 : vector<16xf32>
    %get3A_75 = arith.constant 352 : index
    %get3A_76 = tpu.vector_load %arg7[%get3A_75] {strides = array<i32>} : memref<2048xf32, #tpu.memory_space<vmem>>, vector<16xf32>,
    %min3A_77 = arith.minimumf %min3A_65, %get3A_76 : vector<16xf32>
    %get3A_78 = arith.constant 368 : index
    %get3A_79 = tpu.vector_load %arg7[%get3A_78] {strides = array<i32>} : memref<2048xf32, #tpu.memory_space<vmem>>, vector<16xf32>,
    %max3A_80 = arith.maximumf %max3A_68, %get3A_79 : vector<16xf32>
    %get3A_81 = arith.constant 384 : index
    %get3A_82 = tpu.vector_load %arg7[%get3A_81] {strides = array<i32>} : memref<2048xf32, #tpu.memory_space<vmem>>, vector<16xf32>,
    %add3A_83 = arith.addf %add3A_71, %get3A_82 : vector<16xf32>
    %get3A_84 = arith.constant 400 : index
    %get3A_85 = tpu.vector_load %arg7[%get3A_84] {strides = array<i32>} : memref<2048xf32, #tpu.memory_space<vmem>>, vector<16xf32>,
    %add3A_86 = arith.addf %add3A_74, %get3A_85 : vector<16xf32>
    %get3A_87 = arith.constant 416 : index
    %get3A_88 = tpu.vector_load %arg7[%get3A_87] {strides = array<i32>} : memref<2048xf32, #tpu.memory_space<vmem>>, vector<16xf32>,
    %min3A_89 = arith.minimumf %min3A_77, %get3A_88 : vector<16xf32>
    %get3A_90 = arith.constant 432 : index
    %get3A_91 = tpu.vector_load %arg7[%get3A_90] {strides = array<i32>} : memref<2048xf32, #tpu.memory_space<vmem>>, vector<16xf32>,
    %max3A_92 = arith.maximumf %max3A_80, %get3A_91 : vector<16xf32>
    %get3A_93 = arith.constant 448 : index
    %get3A_94 = tpu.vector_load %arg7[%get3A_93] {strides = array<i32>} : memref<2048xf32, #tpu.memory_space<vmem>>, vector<16xf32>,
    %add3A_95 = arith.addf %add3A_83, %get3A_94 : vector<16xf32>
    %get3A_96 = arith.constant 464 : index
    %get3A_97 = tpu.vector_load %arg7[%get3A_96] {strides = array<i32>} : memref<2048xf32, #tpu.memory_space<vmem>>, vector<16xf32>,
    %add3A_98 = arith.addf %add3A_86, %get3A_97 : vector<16xf32>
    %get3A_99 = arith.constant 480 : index
    %get3A_100 = tpu.vector_load %arg7[%get3A_99] {strides = array<i32>} : memref<2048xf32, #tpu.memory_space<vmem>>, vector<16xf32>,
    %min3A_101 = arith.minimumf %min3A_89, %get3A_100 : vector<16xf32>
    %get3A_102 = arith.constant 496 : index
    %get3A_103 = tpu.vector_load %arg7[%get3A_102] {strides = array<i32>} : memref<2048xf32, #tpu.memory_space<vmem>>, vector<16xf32>,
    %max3A_104 = arith.maximumf %max3A_92, %get3A_103 : vector<16xf32>
    %get3A_105 = arith.constant 512 : index
    %get3A_106 = tpu.vector_load %arg7[%get3A_105] {strides = array<i32>} : memref<2048xf32, #tpu.memory_space<vmem>>, vector<16xf32>,
    %add3A_107 = arith.addf %add3A_95, %get3A_106 : vector<16xf32>
    %get3A_108 = arith.constant 528 : index
    %get3A_109 = tpu.vector_load %arg7[%get3A_108] {strides = array<i32>} : memref<2048xf32, #tpu.memory_space<vmem>>, vector<16xf32>,
    %add3A_110 = arith.addf %add3A_98, %get3A_109 : vector<16xf32>
    %get3A_111 = arith.constant 544 : index
    %get3A_112 = tpu.vector_load %arg7[%get3A_111] {strides = array<i32>} : memref<2048xf32, #tpu.memory_space<vmem>>, vector<16xf32>,
    %min3A_113 = arith.minimumf %min3A_101, %get3A_112 : vector<16xf32>
    %get3A_114 = arith.constant 560 : index
    %get3A_115 = tpu.vector_load %arg7[%get3A_114] {strides = array<i32>} : memref<2048xf32, #tpu.memory_space<vmem>>, vector<16xf32>,
    %max3A_116 = arith.maximumf %max3A_104, %get3A_115 : vector<16xf32>
    %get3A_117 = arith.constant 576 : index
    %get3A_118 = tpu.vector_load %arg7[%get3A_117] {strides = array<i32>} : memref<2048xf32, #tpu.memory_space<vmem>>, vector<16xf32>,
    %add3A_119 = arith.addf %add3A_107, %get3A_118 : vector<16xf32>
    %get3A_120 = arith.constant 592 : index
    %get3A_121 = tpu.vector_load %arg7[%get3A_120] {strides = array<i32>} : memref<2048xf32, #tpu.memory_space<vmem>>, vector<16xf32>,
    %add3A_122 = arith.addf %add3A_110, %get3A_121 : vector<16xf32>
    %get3A_123 = arith.constant 608 : index
    %get3A_124 = tpu.vector_load %arg7[%get3A_123] {strides = array<i32>} : memref<2048xf32, #tpu.memory_space<vmem>>, vector<16xf32>,
    %min3A_125 = arith.minimumf %min3A_113, %get3A_124 : vector<16xf32>
    %get3A_126 = arith.constant 624 : index
    %get3A_127 = tpu.vector_load %arg7[%get3A_126] {strides = array<i32>} : memref<2048xf32, #tpu.memory_space<vmem>>, vector<16xf32>,
    %max3A_128 = arith.maximumf %max3A_116, %get3A_127 : vector<16xf32>
    %get3A_129 = arith.constant 640 : index
    %get3A_130 = tpu.vector_load %arg7[%get3A_129] {strides = array<i32>} : memref<2048xf32, #tpu.memory_space<vmem>>, vector<16xf32>,
    %add3A_131 = arith.addf %add3A_119, %get3A_130 : vector<16xf32>
    %get3A_132 = arith.constant 656 : index
    %get3A_133 = tpu.vector_load %arg7[%get3A_132] {strides = array<i32>} : memref<2048xf32, #tpu.memory_space<vmem>>, vector<16xf32>,
    %add3A_134 = arith.addf %add3A_122, %get3A_133 : vector<16xf32>
    %get3A_135 = arith.constant 672 : index
    %get3A_136 = tpu.vector_load %arg7[%get3A_135] {strides = array<i32>} : memref<2048xf32, #tpu.memory_space<vmem>>, vector<16xf32>,
    %min3A_137 = arith.minimumf %min3A_125, %get3A_136 : vector<16xf32>
    %get3A_138 = arith.constant 688 : index
    %get3A_139 = tpu.vector_load %arg7[%get3A_138] {strides = array<i32>} : memref<2048xf32, #tpu.memory_space<vmem>>, vector<16xf32>,
    %max3A_140 = arith.maximumf %max3A_128, %get3A_139 : vector<16xf32>
    %get3A_141 = arith.constant 704 : index
    %get3A_142 = tpu.vector_load %arg7[%get3A_141] {strides = array<i32>} : memref<2048xf32, #tpu.memory_space<vmem>>, vector<16xf32>,
    %add3A_143 = arith.addf %add3A_131, %get3A_142 : vector<16xf32>
    %get3A_144 = arith.constant 720 : index
    %get3A_145 = tpu.vector_load %arg7[%get3A_144] {strides = array<i32>} : memref<2048xf32, #tpu.memory_space<vmem>>, vector<16xf32>,
    %add3A_146 = arith.addf %add3A_134, %get3A_145 : vector<16xf32>
    %get3A_147 = arith.constant 736 : index
    %get3A_148 = tpu.vector_load %arg7[%get3A_147] {strides = array<i32>} : memref<2048xf32, #tpu.memory_space<vmem>>, vector<16xf32>,
    %min3A_149 = arith.minimumf %min3A_137, %get3A_148 : vector<16xf32>
    %get3A_150 = arith.constant 752 : index
    %get3A_151 = tpu.vector_load %arg7[%get3A_150] {strides = array<i32>} : memref<2048xf32, #tpu.memory_space<vmem>>, vector<16xf32>,
    %max3A_152 = arith.maximumf %max3A_140, %get3A_151 : vector<16xf32>
    %get3A_153 = arith.constant 768 : index
    %get3A_154 = tpu.vector_load %arg7[%get3A_153] {strides = array<i32>} : memref<2048xf32, #tpu.memory_space<vmem>>, vector<16xf32>,
    %add3A_155 = arith.addf %add3A_143, %get3A_154 : vector<16xf32>
    %get3A_156 = arith.constant 784 : index
    %get3A_157 = tpu.vector_load %arg7[%get3A_156] {strides = array<i32>} : memref<2048xf32, #tpu.memory_space<vmem>>, vector<16xf32>,
    %add3A_158 = arith.addf %add3A_146, %get3A_157 : vector<16xf32>
    %get3A_159 = arith.constant 800 : index
    %get3A_160 = tpu.vector_load %arg7[%get3A_159] {strides = array<i32>} : memref<2048xf32, #tpu.memory_space<vmem>>, vector<16xf32>,
    %min3A_161 = arith.minimumf %min3A_149, %get3A_160 : vector<16xf32>
    %get3A_162 = arith.constant 816 : index
    %get3A_163 = tpu.vector_load %arg7[%get3A_162] {strides = array<i32>} : memref<2048xf32, #tpu.memory_space<vmem>>, vector<16xf32>,
    %max3A_164 = arith.maximumf %max3A_152, %get3A_163 : vector<16xf32>
    %get3A_165 = arith.constant 832 : index
    %get3A_166 = tpu.vector_load %arg7[%get3A_165] {strides = array<i32>} : memref<2048xf32, #tpu.memory_space<vmem>>, vector<16xf32>,
    %add3A_167 = arith.addf %add3A_155, %get3A_166 : vector<16xf32>
    %get3A_168 = arith.constant 848 : index
    %get3A_169 = tpu.vector_load %arg7[%get3A_168] {strides = array<i32>} : memref<2048xf32, #tpu.memory_space<vmem>>, vector<16xf32>,
    %add3A_170 = arith.addf %add3A_158, %get3A_169 : vector<16xf32>
    %get3A_171 = arith.constant 864 : index
    %get3A_172 = tpu.vector_load %arg7[%get3A_171] {strides = array<i32>} : memref<2048xf32, #tpu.memory_space<vmem>>, vector<16xf32>,
    %min3A_173 = arith.minimumf %min3A_161, %get3A_172 : vector<16xf32>
    %get3A_174 = arith.constant 880 : index
    %get3A_175 = tpu.vector_load %arg7[%get3A_174] {strides = array<i32>} : memref<2048xf32, #tpu.memory_space<vmem>>, vector<16xf32>,
    %max3A_176 = arith.maximumf %max3A_164, %get3A_175 : vector<16xf32>
    %get3A_177 = arith.constant 896 : index
    %get3A_178 = tpu.vector_load %arg7[%get3A_177] {strides = array<i32>} : memref<2048xf32, #tpu.memory_space<vmem>>, vector<16xf32>,
    %add3A_179 = arith.addf %add3A_167, %get3A_178 : vector<16xf32>
    %get3A_180 = arith.constant 912 : index
    %get3A_181 = tpu.vector_load %arg7[%get3A_180] {strides = array<i32>} : memref<2048xf32, #tpu.memory_space<vmem>>, vector<16xf32>,
    %add3A_182 = arith.addf %add3A_170, %get3A_181 : vector<16xf32>
    %get3A_183 = arith.constant 928 : index
    %get3A_184 = tpu.vector_load %arg7[%get3A_183] {strides = array<i32>} : memref<2048xf32, #tpu.memory_space<vmem>>, vector<16xf32>,
    %min3A_185 = arith.minimumf %min3A_173, %get3A_184 : vector<16xf32>
    %get3A_186 = arith.constant 944 : index
    %get3A_187 = tpu.vector_load %arg7[%get3A_186] {strides = array<i32>} : memref<2048xf32, #tpu.memory_space<vmem>>, vector<16xf32>,
    %max3A_188 = arith.maximumf %max3A_176, %get3A_187 : vector<16xf32>
    %get3A_189 = arith.constant 960 : index
    %get3A_190 = tpu.vector_load %arg7[%get3A_189] {strides = array<i32>} : memref<2048xf32, #tpu.memory_space<vmem>>, vector<16xf32>,
    %add3A_191 = arith.addf %add3A_179, %get3A_190 : vector<16xf32>
    %get3A_192 = arith.constant 976 : index
    %get3A_193 = tpu.vector_load %arg7[%get3A_192] {strides = array<i32>} : memref<2048xf32, #tpu.memory_space<vmem>>, vector<16xf32>,
    %add3A_194 = arith.addf %add3A_182, %get3A_193 : vector<16xf32>
    %get3A_195 = arith.constant 992 : index
    %get3A_196 = tpu.vector_load %arg7[%get3A_195] {strides = array<i32>} : memref<2048xf32, #tpu.memory_space<vmem>>, vector<16xf32>,
    %min3A_197 = arith.minimumf %min3A_185, %get3A_196 : vector<16xf32>
    %get3A_198 = arith.constant 1008 : index
    %get3A_199 = tpu.vector_load %arg7[%get3A_198] {strides = array<i32>} : memref<2048xf32, #tpu.memory_space<vmem>>, vector<16xf32>,
    %max3A_200 = arith.maximumf %max3A_188, %get3A_199 : vector<16xf32>
    %get3A_201 = arith.constant 1024 : index
    %get3A_202 = tpu.vector_load %arg7[%get3A_201] {strides = array<i32>} : memref<2048xf32, #tpu.memory_space<vmem>>, vector<16xf32>,
    %add3A_203 = arith.addf %add3A_191, %get3A_202 : vector<16xf32>
    %get3A_204 = arith.constant 1040 : index
    %get3A_205 = tpu.vector_load %arg7[%get3A_204] {strides = array<i32>} : memref<2048xf32, #tpu.memory_space<vmem>>, vector<16xf32>,
    %add3A_206 = arith.addf %add3A_194, %get3A_205 : vector<16xf32>
    %get3A_207 = arith.constant 1056 : index
    %get3A_208 = tpu.vector_load %arg7[%get3A_207] {strides = array<i32>} : memref<2048xf32, #tpu.memory_space<vmem>>, vector<16xf32>,
    %min3A_209 = arith.minimumf %min3A_197, %get3A_208 : vector<16xf32>
    %get3A_210 = arith.constant 1072 : index
    %get3A_211 = tpu.vector_load %arg7[%get3A_210] {strides = array<i32>} : memref<2048xf32, #tpu.memory_space<vmem>>, vector<16xf32>,
    %max3A_212 = arith.maximumf %max3A_200, %get3A_211 : vector<16xf32>
    %get3A_213 = arith.constant 1088 : index
    %get3A_214 = tpu.vector_load %arg7[%get3A_213] {strides = array<i32>} : memref<2048xf32, #tpu.memory_space<vmem>>, vector<16xf32>,
    %add3A_215 = arith.addf %add3A_203, %get3A_214 : vector<16xf32>
    %get3A_216 = arith.constant 1104 : index
    %get3A_217 = tpu.vector_load %arg7[%get3A_216] {strides = array<i32>} : memref<2048xf32, #tpu.memory_space<vmem>>, vector<16xf32>,
    %add3A_218 = arith.addf %add3A_206, %get3A_217 : vector<16xf32>
    %get3A_219 = arith.constant 1120 : index
    %get3A_220 = tpu.vector_load %arg7[%get3A_219] {strides = array<i32>} : memref<2048xf32, #tpu.memory_space<vmem>>, vector<16xf32>,
    %min3A_221 = arith.minimumf %min3A_209, %get3A_220 : vector<16xf32>
    %get3A_222 = arith.constant 1136 : index
    %get3A_223 = tpu.vector_load %arg7[%get3A_222] {strides = array<i32>} : memref<2048xf32, #tpu.memory_space<vmem>>, vector<16xf32>,
    %max3A_224 = arith.maximumf %max3A_212, %get3A_223 : vector<16xf32>
    %get3A_225 = arith.constant 1152 : index
    %get3A_226 = tpu.vector_load %arg7[%get3A_225] {strides = array<i32>} : memref<2048xf32, #tpu.memory_space<vmem>>, vector<16xf32>,
    %add3A_227 = arith.addf %add3A_215, %get3A_226 : vector<16xf32>
    %get3A_228 = arith.constant 1168 : index
    %get3A_229 = tpu.vector_load %arg7[%get3A_228] {strides = array<i32>} : memref<2048xf32, #tpu.memory_space<vmem>>, vector<16xf32>,
    %add3A_230 = arith.addf %add3A_218, %get3A_229 : vector<16xf32>
    %get3A_231 = arith.constant 1184 : index
    %get3A_232 = tpu.vector_load %arg7[%get3A_231] {strides = array<i32>} : memref<2048xf32, #tpu.memory_space<vmem>>, vector<16xf32>,
    %min3A_233 = arith.minimumf %min3A_221, %get3A_232 : vector<16xf32>
    %get3A_234 = arith.constant 1200 : index
    %get3A_235 = tpu.vector_load %arg7[%get3A_234] {strides = array<i32>} : memref<2048xf32, #tpu.memory_space<vmem>>, vector<16xf32>,
    %max3A_236 = arith.maximumf %max3A_224, %get3A_235 : vector<16xf32>
    %get3A_237 = arith.constant 1216 : index
    %get3A_238 = tpu.vector_load %arg7[%get3A_237] {strides = array<i32>} : memref<2048xf32, #tpu.memory_space<vmem>>, vector<16xf32>,
    %add3A_239 = arith.addf %add3A_227, %get3A_238 : vector<16xf32>
    %get3A_240 = arith.constant 1232 : index
    %get3A_241 = tpu.vector_load %arg7[%get3A_240] {strides = array<i32>} : memref<2048xf32, #tpu.memory_space<vmem>>, vector<16xf32>,
    %add3A_242 = arith.addf %add3A_230, %get3A_241 : vector<16xf32>
    %get3A_243 = arith.constant 1248 : index
    %get3A_244 = tpu.vector_load %arg7[%get3A_243] {strides = array<i32>} : memref<2048xf32, #tpu.memory_space<vmem>>, vector<16xf32>,
    %min3A_245 = arith.minimumf %min3A_233, %get3A_244 : vector<16xf32>
    %get3A_246 = arith.constant 1264 : index
    %get3A_247 = tpu.vector_load %arg7[%get3A_246] {strides = array<i32>} : memref<2048xf32, #tpu.memory_space<vmem>>, vector<16xf32>,
    %max3A_248 = arith.maximumf %max3A_236, %get3A_247 : vector<16xf32>
    %get3A_249 = arith.constant 1280 : index
    %get3A_250 = tpu.vector_load %arg7[%get3A_249] {strides = array<i32>} : memref<2048xf32, #tpu.memory_space<vmem>>, vector<16xf32>,
    %add3A_251 = arith.addf %add3A_239, %get3A_250 : vector<16xf32>
    %get3A_252 = arith.constant 1296 : index
    %get3A_253 = tpu.vector_load %arg7[%get3A_252] {strides = array<i32>} : memref<2048xf32, #tpu.memory_space<vmem>>, vector<16xf32>,
    %add3A_254 = arith.addf %add3A_242, %get3A_253 : vector<16xf32>
    %get3A_255 = arith.constant 1312 : index
    %get3A_256 = tpu.vector_load %arg7[%get3A_255] {strides = array<i32>} : memref<2048xf32, #tpu.memory_space<vmem>>, vector<16xf32>,
    %min3A_257 = arith.minimumf %min3A_245, %get3A_256 : vector<16xf32>
    %get3A_258 = arith.constant 1328 : index
    %get3A_259 = tpu.vector_load %arg7[%get3A_258] {strides = array<i32>} : memref<2048xf32, #tpu.memory_space<vmem>>, vector<16xf32>,
    %max3A_260 = arith.maximumf %max3A_248, %get3A_259 : vector<16xf32>
    %get3A_261 = arith.constant 1344 : index
    %get3A_262 = tpu.vector_load %arg7[%get3A_261] {strides = array<i32>} : memref<2048xf32, #tpu.memory_space<vmem>>, vector<16xf32>,
    %add3A_263 = arith.addf %add3A_251, %get3A_262 : vector<16xf32>
    %get3A_264 = arith.constant 1360 : index
    %get3A_265 = tpu.vector_load %arg7[%get3A_264] {strides = array<i32>} : memref<2048xf32, #tpu.memory_space<vmem>>, vector<16xf32>,
    %add3A_266 = arith.addf %add3A_254, %get3A_265 : vector<16xf32>
    %get3A_267 = arith.constant 1376 : index
    %get3A_268 = tpu.vector_load %arg7[%get3A_267] {strides = array<i32>} : memref<2048xf32, #tpu.memory_space<vmem>>, vector<16xf32>,
    %min3A_269 = arith.minimumf %min3A_257, %get3A_268 : vector<16xf32>
    %get3A_270 = arith.constant 1392 : index
    %get3A_271 = tpu.vector_load %arg7[%get3A_270] {strides = array<i32>} : memref<2048xf32, #tpu.memory_space<vmem>>, vector<16xf32>,
    %max3A_272 = arith.maximumf %max3A_260, %get3A_271 : vector<16xf32>
    %get3A_273 = arith.constant 1408 : index
    %get3A_274 = tpu.vector_load %arg7[%get3A_273] {strides = array<i32>} : memref<2048xf32, #tpu.memory_space<vmem>>, vector<16xf32>,
    %add3A_275 = arith.addf %add3A_263, %get3A_274 : vector<16xf32>
    %get3A_276 = arith.constant 1424 : index
    %get3A_277 = tpu.vector_load %arg7[%get3A_276] {strides = array<i32>} : memref<2048xf32, #tpu.memory_space<vmem>>, vector<16xf32>,
    %add3A_278 = arith.addf %add3A_266, %get3A_277 : vector<16xf32>
    %get3A_279 = arith.constant 1440 : index
    %get3A_280 = tpu.vector_load %arg7[%get3A_279] {strides = array<i32>} : memref<2048xf32, #tpu.memory_space<vmem>>, vector<16xf32>,
    %min3A_281 = arith.minimumf %min3A_269, %get3A_280 : vector<16xf32>
    %get3A_282 = arith.constant 1456 : index
    %get3A_283 = tpu.vector_load %arg7[%get3A_282] {strides = array<i32>} : memref<2048xf32, #tpu.memory_space<vmem>>, vector<16xf32>,
    %max3A_284 = arith.maximumf %max3A_272, %get3A_283 : vector<16xf32>
    %get3A_285 = arith.constant 1472 : index
    %get3A_286 = tpu.vector_load %arg7[%get3A_285] {strides = array<i32>} : memref<2048xf32, #tpu.memory_space<vmem>>, vector<16xf32>,
    %add3A_287 = arith.addf %add3A_275, %get3A_286 : vector<16xf32>
    %get3A_288 = arith.constant 1488 : index
    %get3A_289 = tpu.vector_load %arg7[%get3A_288] {strides = array<i32>} : memref<2048xf32, #tpu.memory_space<vmem>>, vector<16xf32>,
    %add3A_290 = arith.addf %add3A_278, %get3A_289 : vector<16xf32>
    %get3A_291 = arith.constant 1504 : index
    %get3A_292 = tpu.vector_load %arg7[%get3A_291] {strides = array<i32>} : memref<2048xf32, #tpu.memory_space<vmem>>, vector<16xf32>,
    %min3A_293 = arith.minimumf %min3A_281, %get3A_292 : vector<16xf32>
    %get3A_294 = arith.constant 1520 : index
    %get3A_295 = tpu.vector_load %arg7[%get3A_294] {strides = array<i32>} : memref<2048xf32, #tpu.memory_space<vmem>>, vector<16xf32>,
    %max3A_296 = arith.maximumf %max3A_284, %get3A_295 : vector<16xf32>
    %get3A_297 = arith.constant 1536 : index
    %get3A_298 = tpu.vector_load %arg7[%get3A_297] {strides = array<i32>} : memref<2048xf32, #tpu.memory_space<vmem>>, vector<16xf32>,
    %add3A_299 = arith.addf %add3A_287, %get3A_298 : vector<16xf32>
    %get3A_300 = arith.constant 1552 : index
    %get3A_301 = tpu.vector_load %arg7[%get3A_300] {strides = array<i32>} : memref<2048xf32, #tpu.memory_space<vmem>>, vector<16xf32>,
    %add3A_302 = arith.addf %add3A_290, %get3A_301 : vector<16xf32>
    %get3A_303 = arith.constant 1568 : index
    %get3A_304 = tpu.vector_load %arg7[%get3A_303] {strides = array<i32>} : memref<2048xf32, #tpu.memory_space<vmem>>, vector<16xf32>,
    %min3A_305 = arith.minimumf %min3A_293, %get3A_304 : vector<16xf32>
    %get3A_306 = arith.constant 1584 : index
    %get3A_307 = tpu.vector_load %arg7[%get3A_306] {strides = array<i32>} : memref<2048xf32, #tpu.memory_space<vmem>>, vector<16xf32>,
    %max3A_308 = arith.maximumf %max3A_296, %get3A_307 : vector<16xf32>
    %get3A_309 = arith.constant 1600 : index
    %get3A_310 = tpu.vector_load %arg7[%get3A_309] {strides = array<i32>} : memref<2048xf32, #tpu.memory_space<vmem>>, vector<16xf32>,
    %add3A_311 = arith.addf %add3A_299, %get3A_310 : vector<16xf32>
    %get3A_312 = arith.constant 1616 : index
    %get3A_313 = tpu.vector_load %arg7[%get3A_312] {strides = array<i32>} : memref<2048xf32, #tpu.memory_space<vmem>>, vector<16xf32>,
    %add3A_314 = arith.addf %add3A_302, %get3A_313 : vector<16xf32>
    %get3A_315 = arith.constant 1632 : index
    %get3A_316 = tpu.vector_load %arg7[%get3A_315] {strides = array<i32>} : memref<2048xf32, #tpu.memory_space<vmem>>, vector<16xf32>,
    %min3A_317 = arith.minimumf %min3A_305, %get3A_316 : vector<16xf32>
    %get3A_318 = arith.constant 1648 : index
    %get3A_319 = tpu.vector_load %arg7[%get3A_318] {strides = array<i32>} : memref<2048xf32, #tpu.memory_space<vmem>>, vector<16xf32>,
    %max3A_320 = arith.maximumf %max3A_308, %get3A_319 : vector<16xf32>
    %get3A_321 = arith.constant 1664 : index
    %get3A_322 = tpu.vector_load %arg7[%get3A_321] {strides = array<i32>} : memref<2048xf32, #tpu.memory_space<vmem>>, vector<16xf32>,
    %add3A_323 = arith.addf %add3A_311, %get3A_322 : vector<16xf32>
    %get3A_324 = arith.constant 1680 : index
    %get3A_325 = tpu.vector_load %arg7[%get3A_324] {strides = array<i32>} : memref<2048xf32, #tpu.memory_space<vmem>>, vector<16xf32>,
    %add3A_326 = arith.addf %add3A_314, %get3A_325 : vector<16xf32>
    %get3A_327 = arith.constant 1696 : index
    %get3A_328 = tpu.vector_load %arg7[%get3A_327] {strides = array<i32>} : memref<2048xf32, #tpu.memory_space<vmem>>, vector<16xf32>,
    %min3A_329 = arith.minimumf %min3A_317, %get3A_328 : vector<16xf32>
    %get3A_330 = arith.constant 1712 : index
    %get3A_331 = tpu.vector_load %arg7[%get3A_330] {strides = array<i32>} : memref<2048xf32, #tpu.memory_space<vmem>>, vector<16xf32>,
    %max3A_332 = arith.maximumf %max3A_320, %get3A_331 : vector<16xf32>
    %get3A_333 = arith.constant 1728 : index
    %get3A_334 = tpu.vector_load %arg7[%get3A_333] {strides = array<i32>} : memref<2048xf32, #tpu.memory_space<vmem>>, vector<16xf32>,
    %add3A_335 = arith.addf %add3A_323, %get3A_334 : vector<16xf32>
    %get3A_336 = arith.constant 1744 : index
    %get3A_337 = tpu.vector_load %arg7[%get3A_336] {strides = array<i32>} : memref<2048xf32, #tpu.memory_space<vmem>>, vector<16xf32>,
    %add3A_338 = arith.addf %add3A_326, %get3A_337 : vector<16xf32>
    %get3A_339 = arith.constant 1760 : index
    %get3A_340 = tpu.vector_load %arg7[%get3A_339] {strides = array<i32>} : memref<2048xf32, #tpu.memory_space<vmem>>, vector<16xf32>,
    %min3A_341 = arith.minimumf %min3A_329, %get3A_340 : vector<16xf32>
    %get3A_342 = arith.constant 1776 : index
    %get3A_343 = tpu.vector_load %arg7[%get3A_342] {strides = array<i32>} : memref<2048xf32, #tpu.memory_space<vmem>>, vector<16xf32>,
    %max3A_344 = arith.maximumf %max3A_332, %get3A_343 : vector<16xf32>
    %get3A_345 = arith.constant 1792 : index
    %get3A_346 = tpu.vector_load %arg7[%get3A_345] {strides = array<i32>} : memref<2048xf32, #tpu.memory_space<vmem>>, vector<16xf32>,
    %add3A_347 = arith.addf %add3A_335, %get3A_346 : vector<16xf32>
    %get3A_348 = arith.constant 1808 : index
    %get3A_349 = tpu.vector_load %arg7[%get3A_348] {strides = array<i32>} : memref<2048xf32, #tpu.memory_space<vmem>>, vector<16xf32>,
    %add3A_350 = arith.addf %add3A_338, %get3A_349 : vector<16xf32>
    %get3A_351 = arith.constant 1824 : index
    %get3A_352 = tpu.vector_load %arg7[%get3A_351] {strides = array<i32>} : memref<2048xf32, #tpu.memory_space<vmem>>, vector<16xf32>,
    %min3A_353 = arith.minimumf %min3A_341, %get3A_352 : vector<16xf32>
    %get3A_354 = arith.constant 1840 : index
    %get3A_355 = tpu.vector_load %arg7[%get3A_354] {strides = array<i32>} : memref<2048xf32, #tpu.memory_space<vmem>>, vector<16xf32>,
    %max3A_356 = arith.maximumf %max3A_344, %get3A_355 : vector<16xf32>
    %get3A_357 = arith.constant 1856 : index
    %get3A_358 = tpu.vector_load %arg7[%get3A_357] {strides = array<i32>} : memref<2048xf32, #tpu.memory_space<vmem>>, vector<16xf32>,
    %add3A_359 = arith.addf %add3A_347, %get3A_358 : vector<16xf32>
    %get3A_360 = arith.constant 1872 : index
    %get3A_361 = tpu.vector_load %arg7[%get3A_360] {strides = array<i32>} : memref<2048xf32, #tpu.memory_space<vmem>>, vector<16xf32>,
    %add3A_362 = arith.addf %add3A_350, %get3A_361 : vector<16xf32>
    %get3A_363 = arith.constant 1888 : index
    %get3A_364 = tpu.vector_load %arg7[%get3A_363] {strides = array<i32>} : memref<2048xf32, #tpu.memory_space<vmem>>, vector<16xf32>,
    %min3A_365 = arith.minimumf %min3A_353, %get3A_364 : vector<16xf32>
    %get3A_366 = arith.constant 1904 : index
    %get3A_367 = tpu.vector_load %arg7[%get3A_366] {strides = array<i32>} : memref<2048xf32, #tpu.memory_space<vmem>>, vector<16xf32>,
    %max3A_368 = arith.maximumf %max3A_356, %get3A_367 : vector<16xf32>
    %get3A_369 = arith.constant 1920 : index
    %get3A_370 = tpu.vector_load %arg7[%get3A_369] {strides = array<i32>} : memref<2048xf32, #tpu.memory_space<vmem>>, vector<16xf32>,
    %add3A_371 = arith.addf %add3A_359, %get3A_370 : vector<16xf32>
    %get3A_372 = arith.constant 1936 : index
    %get3A_373 = tpu.vector_load %arg7[%get3A_372] {strides = array<i32>} : memref<2048xf32, #tpu.memory_space<vmem>>, vector<16xf32>,
    %add3A_374 = arith.addf %add3A_362, %get3A_373 : vector<16xf32>
    %get3A_375 = arith.constant 1952 : index
    %get3A_376 = tpu.vector_load %arg7[%get3A_375] {strides = array<i32>} : memref<2048xf32, #tpu.memory_space<vmem>>, vector<16xf32>,
    %min3A_377 = arith.minimumf %min3A_365, %get3A_376 : vector<16xf32>
    %get3A_378 = arith.constant 1968 : index
    %get3A_379 = tpu.vector_load %arg7[%get3A_378] {strides = array<i32>} : memref<2048xf32, #tpu.memory_space<vmem>>, vector<16xf32>,
    %max3A_380 = arith.maximumf %max3A_368, %get3A_379 : vector<16xf32>
    %get3A_381 = arith.constant 1984 : index
    %get3A_382 = tpu.vector_load %arg7[%get3A_381] {strides = array<i32>} : memref<2048xf32, #tpu.memory_space<vmem>>, vector<16xf32>,
    %add3A_383 = arith.addf %add3A_371, %get3A_382 : vector<16xf32>
    %get3A_384 = arith.constant 2000 : index
    %get3A_385 = tpu.vector_load %arg7[%get3A_384] {strides = array<i32>} : memref<2048xf32, #tpu.memory_space<vmem>>, vector<16xf32>,
    %add3A_386 = arith.addf %add3A_374, %get3A_385 : vector<16xf32>
    %get3A_387 = arith.constant 2016 : index
    %get3A_388 = tpu.vector_load %arg7[%get3A_387] {strides = array<i32>} : memref<2048xf32, #tpu.memory_space<vmem>>, vector<16xf32>,
    %min3A_389 = arith.minimumf %min3A_377, %get3A_388 : vector<16xf32>
    %get3A_390 = arith.constant 2032 : index
    %get3A_391 = tpu.vector_load %arg7[%get3A_390] {strides = array<i32>} : memref<2048xf32, #tpu.memory_space<vmem>>, vector<16xf32>,
    %max3A_392 = arith.maximumf %max3A_380, %get3A_391 : vector<16xf32>
    %reduce_sum3A = arith.constant true
    %reduce_sum3A_393 = vector.broadcast %reduce_sum3A : i1 to vector<16xi1>
    %reduce_sum3A_394 = tpu.scan <sum>, %add3A_383 masked %reduce_sum3A_393 : vector<16xf32>, vector<16xi1> -> vector<16xf32>
    %reduce_sum3A_395 = vector.extract %reduce_sum3A_394[15] : f32 from vector<16xf32>
    %broadcast_in_dim3A_396 = vector.broadcast %reduce_sum3A_395 : f32 to vector<16xf32>
    %reduce_sum3A_397 = arith.constant true
    %reduce_sum3A_398 = vector.broadcast %reduce_sum3A_397 : i1 to vector<16xi1>
    %reduce_sum3A_399 = tpu.scan <sum>, %add3A_386 masked %reduce_sum3A_398 : vector<16xf32>, vector<16xi1> -> vector<16xf32>
    %reduce_sum3A_400 = vector.extract %reduce_sum3A_399[15] : f32 from vector<16xf32>
    %broadcast_in_dim3A_401 = vector.broadcast %reduce_sum3A_400 : f32 to vector<16xf32>
    %reduce_min3A = arith.constant true
    %reduce_min3A_402 = vector.broadcast %reduce_min3A : i1 to vector<16xi1>
    %reduce_min3A_403 = tpu.scan <min>, %min3A_389 masked %reduce_min3A_402 : vector<16xf32>, vector<16xi1> -> vector<16xf32>
    %reduce_min3A_404 = vector.extract %reduce_min3A_403[15] : f32 from vector<16xf32>
    %broadcast_in_dim3A_405 = vector.broadcast %reduce_min3A_404 : f32 to vector<16xf32>
    %reduce_max3A = arith.constant true
    %reduce_max3A_406 = vector.broadcast %reduce_max3A : i1 to vector<16xi1>
    %reduce_max3A_407 = tpu.scan <max>, %max3A_392 masked %reduce_max3A_406 : vector<16xf32>, vector<16xi1> -> vector<16xf32>
    %reduce_max3A_408 = vector.extract %reduce_max3A_407[15] : f32 from vector<16xf32>
    %broadcast_in_dim3A_409 = vector.broadcast %reduce_max3A_408 : f32 to vector<16xf32>
    %gt3A = arith.constant 0.000000e+00 : f32
    %gt3A_410 = vector.broadcast %gt3A : f32 to vector<16xf32>
    %gt3A_411 = arith.cmpf ogt, %broadcast_in_dim3A_401, %gt3A_410 : vector<16xf32>
    %max3A_412 = arith.constant 1.000000e+00 : f32
    %max3A_413 = vector.broadcast %max3A_412 : f32 to vector<16xf32>
    %max3A_414 = arith.maximumf %broadcast_in_dim3A_401, %max3A_413 : vector<16xf32>
    %div3A = arith.divf %broadcast_in_dim3A_396, %max3A_414 : vector<16xf32>
    %jit3A = arith.constant 1.000000e+00 : f32
    %broadcast_in_dim3A_415 = vector.broadcast %jit3A : f32 to vector<16xf32>
    %select_n3A = arith.select %gt3A_411, %div3A, %broadcast_in_dim3A_415 : vector<16xi1>, vector<16xf32>
    %jit3A_416 = arith.constant 1.000000e+00 : f32
    %broadcast_in_dim3A_417 = vector.broadcast %jit3A_416 : f32 to vector<16xf32>
    %select_n3A_418 = arith.select %gt3A_411, %broadcast_in_dim3A_405, %broadcast_in_dim3A_417 : vector<16xi1>, vector<16xf32>
    %jit3A_419 = arith.constant 1.000000e+00 : f32
    %broadcast_in_dim3A_420 = vector.broadcast %jit3A_419 : f32 to vector<16xf32>
    %select_n3A_421 = arith.select %gt3A_411, %broadcast_in_dim3A_409, %broadcast_in_dim3A_420 : vector<16xi1>, vector<16xf32>
    %add3A_422 = arith.constant 9.99999997E-7 : f32
    %add3A_423 = vector.broadcast %add3A_422 : f32 to vector<16xf32>
    %add3A_424 = arith.addf %select_n3A_421, %add3A_423 : vector<16xf32>
    %div3A_425 = arith.constant 1.000000e+00 : f32
    %div3A_426 = vector.broadcast %div3A_425 : f32 to vector<16xf32>
    %div3A_427 = arith.divf %div3A_426, %add3A_424 : vector<16xf32>
    %add3A_428 = arith.constant 9.99999997E-7 : f32
    %add3A_429 = vector.broadcast %add3A_428 : f32 to vector<16xf32>
    %add3A_430 = arith.addf %select_n3A_418, %add3A_429 : vector<16xf32>
    %div3A_431 = arith.constant 1.000000e+00 : f32
    %div3A_432 = vector.broadcast %div3A_431 : f32 to vector<16xf32>
    %div3A_433 = arith.divf %div3A_432, %add3A_430 : vector<16xf32>
    %sub3A = arith.subf %div3A_433, %div3A_427 : vector<16xf32>
    %add3A_434 = arith.constant 9.99999997E-7 : f32
    %add3A_435 = vector.broadcast %add3A_434 : f32 to vector<16xf32>
    %add3A_436 = arith.addf %sub3A, %add3A_435 : vector<16xf32>
    %div3A_437 = arith.constant 1.000000e+00 : f32
    %div3A_438 = vector.broadcast %div3A_437 : f32 to vector<16xf32>
    %div3A_439 = arith.divf %div3A_438, %add3A_436 : vector<16xf32>
    "tpu.region"() ({
      %run_scoped3A = tpu.sem_alloc : memref<!tpu.dma_semaphore, #tpu.memory_space<semaphore_mem>>
      %dma_start3A = tpu.memref_slice %arg2[%min3A_3] : memref<100000xf32, #tpu.memory_space<hbm>> -> memref<3136xf32, #tpu.memory_space<hbm>>
      %dma_start3A_445 = tpu.memref_slice %arg2[%min3A_3] : memref<100000xf32, #tpu.memory_space<hbm>> -> memref<3136xf32, #tpu.memory_space<hbm>>
      tpu.enqueue_dma source(%dma_start3A_445 : memref<3136xf32, #tpu.memory_space<hbm>>) target(%arg5 : memref<3136xf32, #tpu.memory_space<vmem>>) target_semaphore(%run_scoped3A : memref<!tpu.dma_semaphore, #tpu.memory_space<semaphore_mem>>)
      %dma_wait3A = tpu.memref_slice %arg2[%min3A_3] : memref<100000xf32, #tpu.memory_space<hbm>> -> memref<3136xf32, #tpu.memory_space<hbm>>
      %dma_wait3A_446 = tpu.memref_slice %arg2[%min3A_3] : memref<100000xf32, #tpu.memory_space<hbm>> -> memref<3136xf32, #tpu.memory_space<hbm>>
      tpu.wait_dma2 semaphore(%run_scoped3A : memref<!tpu.dma_semaphore, #tpu.memory_space<semaphore_mem>>) src(%dma_wait3A_446 : memref<3136xf32, #tpu.memory_space<hbm>>) dst(%arg5 : memref<3136xf32, #tpu.memory_space<vmem>>)
      tpu.yield
    }) : () -> ()
    %scan3A = arith.constant 0 : i32
    %scan3A_440 = arith.constant 0 : i32
    %scan3A_441 = arith.constant 196 : i32
    %scan3A_442 = arith.addi %scan3A_440, %scan3A_441 : i32
    %scan3A_443 = arith.constant 1 : i32
    scf.for %scan3A_445 = %scan3A_440 to %scan3A_442 step %scan3A_443  : i32 {
      %mul3A_446 = arith.constant 16 : i32
      %mul3A_447 = arith.muli %scan3A_445, %mul3A_446 : i32
      %get3A_448 = arith.index_cast %mul3A_447 : i32 to index
      %get3A_449 = tpu.vector_load %arg5[%get3A_448] {strides = array<i32>} : memref<3136xf32, #tpu.memory_space<vmem>>, vector<16xf32>,
      %gt3A_450 = arith.constant 0.000000e+00 : f32
      %gt3A_451 = vector.broadcast %gt3A_450 : f32 to vector<16xf32>
      %gt3A_452 = arith.cmpf ogt, %get3A_449, %gt3A_451 : vector<16xf32>
      %select_n3A_453 = arith.select %gt3A_452, %get3A_449, %select_n3A : vector<16xi1>, vector<16xf32>
      %add3A_454 = arith.constant 9.99999997E-7 : f32
      %add3A_455 = vector.broadcast %add3A_454 : f32 to vector<16xf32>
      %add3A_456 = arith.addf %select_n3A_453, %add3A_455 : vector<16xf32>
      %div3A_457 = arith.constant 1.000000e+00 : f32
      %div3A_458 = vector.broadcast %div3A_457 : f32 to vector<16xf32>
      %div3A_459 = arith.divf %div3A_458, %add3A_456 : vector<16xf32>
      %sub3A_460 = arith.subf %div3A_459, %div3A_427 : vector<16xf32>
      %mul3A_461 = arith.mulf %sub3A_460, %div3A_439 : vector<16xf32>
      %sub3A_462 = arith.constant 1.000000e+00 : f32
      %sub3A_463 = vector.broadcast %sub3A_462 : f32 to vector<16xf32>
      %sub3A_464 = arith.subf %sub3A_463, %mul3A_461 : vector<16xf32>
      %mul3A_465 = arith.constant 1.500000e+00 : f32
      %mul3A_466 = vector.broadcast %mul3A_465 : f32 to vector<16xf32>
      %mul3A_467 = arith.mulf %mul3A_466, %sub3A_464 : vector<16xf32>
      %add3A_468 = arith.constant 5.000000e-01 : f32
      %add3A_469 = vector.broadcast %add3A_468 : f32 to vector<16xf32>
      %add3A_470 = arith.addf %add3A_469, %mul3A_467 : vector<16xf32>
      %min3A_471 = arith.constant 2.000000e+00 : f32
      %min3A_472 = vector.broadcast %min3A_471 : f32 to vector<16xf32>
      %min3A_473 = arith.minimumf %add3A_470, %min3A_472 : vector<16xf32>
      %max3A_474 = arith.constant 5.000000e-01 : f32
      %max3A_475 = vector.broadcast %max3A_474 : f32 to vector<16xf32>
      %max3A_476 = arith.maximumf %min3A_473, %max3A_475 : vector<16xf32>
      %swap3A = arith.index_cast %mul3A_447 : i32 to index
      %swap3A_477 = tpu.vector_load %arg6[%swap3A] {strides = array<i32>} : memref<3136xf32, #tpu.memory_space<vmem>>, vector<16xf32>,
      tpu.vector_store %arg6[%swap3A], %max3A_476 {strides = array<i32>} : memref<3136xf32, #tpu.memory_space<vmem>>, vector<16xf32>,
    }
    %scan3A_444 = arith.constant 196 : i32
    "tpu.region"() ({
      %run_scoped3A = tpu.sem_alloc : memref<!tpu.dma_semaphore, #tpu.memory_space<semaphore_mem>>
      %dma_start3A = tpu.memref_slice %arg4[%min3A_3] : memref<100000xf32, #tpu.memory_space<hbm>> -> memref<3136xf32, #tpu.memory_space<hbm>>
      %dma_start3A_445 = tpu.memref_slice %arg4[%min3A_3] : memref<100000xf32, #tpu.memory_space<hbm>> -> memref<3136xf32, #tpu.memory_space<hbm>>
      tpu.enqueue_dma source(%arg6 : memref<3136xf32, #tpu.memory_space<vmem>>) target(%dma_start3A_445 : memref<3136xf32, #tpu.memory_space<hbm>>) target_semaphore(%run_scoped3A : memref<!tpu.dma_semaphore, #tpu.memory_space<semaphore_mem>>)
      %dma_wait3A = tpu.memref_slice %arg4[%min3A_3] : memref<100000xf32, #tpu.memory_space<hbm>> -> memref<3136xf32, #tpu.memory_space<hbm>>
      %dma_wait3A_446 = tpu.memref_slice %arg4[%min3A_3] : memref<100000xf32, #tpu.memory_space<hbm>> -> memref<3136xf32, #tpu.memory_space<hbm>>
      tpu.wait_dma2 semaphore(%run_scoped3A : memref<!tpu.dma_semaphore, #tpu.memory_space<semaphore_mem>>) src(%arg6 : memref<3136xf32, #tpu.memory_space<vmem>>) dst(%dma_wait3A_446 : memref<3136xf32, #tpu.memory_space<hbm>>)
      tpu.yield
    }) : () -> ()
    return
  }
}

</mosaic_0001>

<sc_bundles>
// kernel: kernel.4.cloned.1.call-start
scs
__scs_entry_jumppad:
0x0: {  	(pc) =	sbr.rel $0x88, $3  }
0x1: {  	(tag) =	ssettag $0x0;
	lr =	simm.s32 $0x1  }
0x2: {  	[smem:$0x3F9F] =	sst lr;
	_ =	strace $0xD0000000  }
0x3: {  	_ = 	snop  }
0x4: {  	_ = 	snop  }
0x5: {  	_ = 	snop  }
0x6: {  	_ = 	snop  }
0x7: {  	_ = 	snop  }
__scs_overlays_trampoline_lowered:
0x8: {  	[smem:$0x3FAE] =	sst s0  }
0x9: {  	[smem:$0x3FAF] =	sst s1  }
0xa: {  	[smem:$0x3FB0] =	sst s2  }
0xb: {  	[smem:$0x3FB1] =	sst s3  }
0xc: {  	[smem:$0x3FB2] =	sst s4  }
0xd: {  	[smem:$0x3FB3] =	sst s5  }
0xe: {  	[smem:$0x3FB4] =	sst s6  }
0xf: {  	[smem:$0x3FB5] =	sst s7  }
0x10: {  	[smem:$0x3FB6] =	sst s8  }
0x11: {  	[smem:$0x3FB7] =	sst s9;
	s0 =	simm.s32 @!p0 $0x0  }
0x12: {  	s1 =	sld [smem:$0x3F9D];
	s0 =	simm.s32 @p0 $0x1  }
0x13: {  	[smem:$0x3FB8] =	sst s0;
	s0 =	simm.s32 @!p1 $0x0  }
0x14: {  	s2 =	sld [smem:$0x3F9C];
	s0 =	simm.s32 @p1 $0x1  }
0x15: {  	[smem:$0x3FB9] =	sst s0;
	s0 =	simm.s32 @!p2 $0x0  }
0x16: {  	s3 =	sld [smem:$0x3FDB];
	s0 =	simm.s32 @p2 $0x1  }
0x17: {  	s4 =	simm.s32 $0x1BF5;
	[smem:$0x3FBB] =	sst s0  }
0x18: {  	s0 =	sld [smem:$0x3F9E];
	_ =	swait.ge [sflag:s4], $0x0  }
0x19: {  	s7 =	sld [smem:$0x3F9F]  }
0x1a: {  	s8 =	sadd.s32 $0xFFFFE003, lr  }
0x1b: {  	s9 =	sadd.s32 $0xFFFFFEF7, lr;
	s5 =	simm.s32 $0xFFFFFFFF;
	p2 =	slt.u32 s8, $0xFFFFF086  }
0x1c: {  	p1 =	slt.u32 s9, $0xF7A;
	s5 =	simm.s32 @!p2 $0x0  }
0x1d: {  	s5 =	simm.s32 @p1 $0x1;
	p0 =	seq.s32 s7, s2  }
0x1e: {  	s7 =	smul.u32 @!p0 $0xF7A, s2;
	p2 =	seq.s32 @!p0 s5, $0x0  }
0x1f: {  	s9 =	smul.u32 $0xF7A, s1;
	s8 =	simm.s32 @!p0 $0x1BF5;
	p2 =	por !p2, p0  }
0x20: {  	[sflag:s8] =	ssyncset.s32 @!p0 $0xFFFFF086;
	s6 =	sadd.s32 @!p0 s3, s7;
	s7 =	simm.s32 @!p0 $0x108  }
0x21: {  	s3 =	sadd.s32 s3, s9;
	s6 =	sadd.s32 @!p0 $0x88, s6;
	s7 =	simm.s32 @p2 $0x1082  }
0x22: {  	[simem:s7], [sflag:s8] =	dma.local @!p0 [hbm:s6], $0xF7A  }
0x23: {  	s9 =	sor.u32 $0xD0000000, s2;
	s6 =	simm.s32 $0x108;
	_ =	swait.ge @!p0 [sflag:s8], $0x0  }
0x24: {  	s3 =	sadd.s32 $0x88, s3;
	s6 =	simm.s32 @!p1 $0x1082;
	[sflag:s4] =	ssyncset.s32 $0xFFFFF086  }
0x25: {  	[simem:s6], [sflag:s4] =	dma.local [hbm:s3], $0xF7A  }
0x26: {  	[smem:$0x3F9F] =	sst s1;
	(tag) =	ssettag s2;
	_ =	strace s9  }
0x27: {  	s1 =	sld [smem:$0x3FAF]  }
0x28: {  	s2 =	sld [smem:$0x3FB0]  }
0x29: {  	s4 =	sld [smem:$0x3FB2]  }
0x2a: {  	p0 =	seq.s32 s5, $0x0;
	s5 =	sld [smem:$0x3FB3]  }
0x2b: {  	s6 =	sld [smem:$0x3FB4]  }
0x2c: {  	s7 =	sld [smem:$0x3FB5]  }
0x2d: {  	s3 =	simm.s32 $0x108;
	s8 =	sld [smem:$0x3FB6]  }
0x2e: {  	s3 =	simm.s32 @!p0 $0x1082;
	s9 =	sld [smem:$0x3FB7]  }
0x2f: {  	lr =	sadd.s32 s0, s3;
	s0 =	sld [smem:$0x3FAE]  }
0x30: {  	s3 =	sld [smem:$0x3FB1]  }
0x31: {  	[smem:$0x3FBA] =	sst s10  }
0x32: {  	s10 =	sld [smem:$0x3FB8];
	_ =	sdelay $0x3  }
0x33: {  	p0 =	seq.s32 s10, $0x1;
	s10 =	sld [smem:$0x3FBA];
	_ =	sdelay $0x3  }
0x34: {  	[smem:$0x3FBA] =	sst s10  }
0x35: {  	s10 =	sld [smem:$0x3FB9];
	_ =	sdelay $0x3  }
0x36: {  	p1 =	seq.s32 s10, $0x1;
	s10 =	sld [smem:$0x3FBA];
	_ =	sdelay $0x3  }
0x37: {  	[smem:$0x3FBA] =	sst s10  }
0x38: {  	s10 =	sld [smem:$0x3FBB]  }
0x39: {  	_ = 	snop;
	(pc) =	sbr.ind lr, $3  }
0x3a: {  	_ = 	snop  }
0x3b: {  	_ = 	snop  }
0x3c: {  	p2 =	seq.s32 s10, $0x1;
	s10 =	sld [smem:$0x3FBA]  }
0x3d: {  	_ =	shalt  }
0x3e: {  	_ =	shalt  }
0x3f: {  	_ =	shalt  }
0x40: {  	_ =	shalt  }
0x41: {  	_ =	shalt  }
0x42: {  	_ =	shalt  }
0x43: {  	_ =	shalt  }
0x44: {  	_ =	shalt  }
0x45: {  	_ =	shalt  }
0x46: {  	_ =	shalt  }
0x47: {  	_ =	shalt  }
0x48: {  	_ =	shalt  }
0x49: {  	_ =	shalt  }
0x4a: {  	_ =	shalt  }
0x4b: {  	_ =	shalt  }
0x4c: {  	_ =	shalt  }
0x4d: {  	_ =	shalt  }
0x4e: {  	_ =	shalt  }
0x4f: {  	_ =	shalt  }
0x50: {  	_ =	shalt  }
0x51: {  	_ =	shalt  }
0x52: {  	_ =	shalt  }
0x53: {  	_ =	shalt  }
0x54: {  	_ =	shalt  }
0x55: {  	_ =	shalt  }
0x56: {  	_ =	shalt  }
0x57: {  	_ =	shalt  }
0x58: {  	_ =	shalt  }
0x59: {  	_ =	shalt  }
0x5a: {  	_ =	shalt  }
0x5b: {  	_ =	shalt  }
0x5c: {  	_ =	shalt  }
0x5d: {  	_ =	shalt  }
0x5e: {  	_ =	shalt  }
0x5f: {  	_ =	shalt  }
0x60: {  	_ =	shalt  }
0x61: {  	_ =	shalt  }
0x62: {  	_ =	shalt  }
0x63: {  	_ =	shalt  }
0x64: {  	_ =	shalt  }
0x65: {  	_ =	shalt  }
0x66: {  	_ =	shalt  }
0x67: {  	_ =	shalt  }
0x68: {  	_ =	shalt  }
0x69: {  	_ =	shalt  }
0x6a: {  	_ =	shalt  }
0x6b: {  	_ =	shalt  }
0x6c: {  	_ =	shalt  }
0x6d: {  	_ =	shalt  }
0x6e: {  	_ =	shalt  }
0x6f: {  	_ =	shalt  }
0x70: {  	_ =	shalt  }
0x71: {  	_ =	shalt  }
0x72: {  	_ =	shalt  }
0x73: {  	_ =	shalt  }
0x74: {  	_ =	shalt  }
0x75: {  	_ =	shalt  }
0x76: {  	_ =	shalt  }
0x77: {  	_ =	shalt  }
0x78: {  	_ =	shalt  }
0x79: {  	_ =	shalt  }
0x7a: {  	_ =	shalt  }
0x7b: {  	_ =	shalt  }
0x7c: {  	_ =	shalt  }
0x7d: {  	_ =	shalt  }
0x7e: {  	_ =	shalt  }
0x7f: {  	_ =	shalt  }
0x80: {  	_ =	shalt  }
0x81: {  	_ =	shalt  }
0x82: {  	_ =	shalt  }
0x83: {  	_ =	shalt  }
0x84: {  	_ =	shalt  }
0x85: {  	_ =	shalt  }
0x86: {  	_ =	shalt  }
0x87: {  	_ =	shalt  }
.Lfunc_end0:
.L_simem_size_0:
called_computation_lowered:
.L_overlay_start_0:
0x88: {  	s2 =	sld [smem:$0x3FD9]  }
0x89: {  	s3 =	sld [smem:$0x3FFE];
	_ =	sdelay $0x1  }
0x8a: {  	s1 =	srdreg.scid  }
0x8b: {  	s0 =	sand.u32 $0x1, s1  }
0x8c: {  	s17 =	sshll.u32 s0, $0xA;
	s2 =	sadd.s32 s3, s2  }
0x8d: {  	s2 =	sadd.s32 s2, s17  }
0x8e: {  	[smem:$0x3FC6] =	sst s2  }
0x8f: {  	_ = 	snop  }
0x90: {  	s2 =	sld [smem:$0x3FD0];
	(tm) =	ssettm $0x1  }
0x91: {  	s18 =	sld [smem:$0x3FFB];
	_ =	sdelay $0x3  }
0x92: {  	_ =	strace s18  }
0x93: {  	s3 =	sld [smem:$0x3FFC];
	_ =	sdelay $0x3  }
0x94: {  	_ =	strace s3  }
0x95: {  	s3 =	sld [smem:$0x3FFD];
	_ =	sdelay $0x3  }
0x96: {  	_ =	strace s3  }
0x97: {  	_ =	strace $0x8FFFFFFF  }
0x98: {  	s19 =	sld [smem:$0x3FDB];
	_ =	sdelay $0x1  }
0x99: {  	s4 =	simm.s32 $_scs_section_size  }
0x9a: {  	s5 =	simm.s32 $_size__tile_overlayer_lowered;
	s6 =	simm.s32 $_tile_overlayer_lowered  }
0x9b: {  	s22 =	simm.s32 $0x1BFF;
	s21 =	sshll.u32 s6, $0x1;
	s3 =	sadd.s32 s4, s19  }
0x9c: {  	s7 =	simm.s32 $0x0;
	s20 =	sshll.u32 s5, $0x1;
	s5 =	sadd.s32 s21, s3  }
0x9d: {  	[timem:s7], [sflag:s22] =	dma.local [hbm:s5], s20  }
0x9e: {  	_ =	swait.ge [sflag:s22], s20  }
0x9f: {  	s4 =	ssub.s32 $0x0, s20;
	[sflag:s22] =	ssyncset.done $0x0  }
0xa0: {  	[sflag:s22] =	ssyncadd.s32 s4;
	_ =	sdelay $0x1  }
0xa1: {  	s23 =	simm.s32 $0x1B8B  }
0xa2: {  	_ =	swait.ge [sflag:s23], $0x1  }
0xa3: {  	[sflag:s23] =	ssyncset.done $0x0  }
0xa4: {  	s25 =	simm.s32 $0x1B8E;
	s24 =	sld [smem:$0x3FFE];
	[sflag:s23] =	ssyncadd.s32 $0xFFFFFFFF  }
0xa5: {  	s26 =	simm.s32 $execute0_lowered;
	[smem:$0x3FD2] =	sst s25  }
0xa6: {  	s5 =	sshll.u32 s26, $0x1;
	_ =	strace $0x80000046;
	[dreg:$0x1] =	wrdreg $0xFFFFFFFF  }
0xa7: {  	s28 =	simm.s32 $_size_execute0_lowered;
	s3 =	sadd.s32 s3, s5;
	[dreg:$0x0] =	wrdreg $0x0  }
0xa8: {  	s5 =	sshll.u32 s28, $0x1;
	[dreg:$0x2] =	wrdreg s3  }
0xa9: {  	[dreg:$0x3] =	wrdreg s5  }
0xaa: {  	[dreg:$0x4] =	wrdreg $0xC0  }
0xab: {  	_ =	task [dreg:s7], $0x5FFFF  }
0xac: {  	[dreg:$0x1] =	wrdreg $0xFFFFFFFF  }
0xad: {  	[dreg:$0x0] =	wrdreg $0x60  }
0xae: {  	[dreg:$0x2] =	wrdreg s24  }
0xaf: {  	[dreg:$0x3] =	wrdreg s2  }
0xb0: {  	[dreg:$0x4] =	wrdreg $0x0  }
0xb1: {  	[dreg:$0x5] =	wrdreg $0x18700  }
0xb2: {  	[dreg:$0x6] =	wrdreg $0x30E00  }
0xb3: {  	[dreg:$0x7] =	wrdreg $0x9  }
0xb4: {  	_ =	task.clear_ibuf [dreg:s7], $0x8FFFF;
	_ =	strace $0x90000046  }
0xb5: {  	s29 =	simm.s32 $0x9;
	_ =	strace $0x80000048  }
0xb6: {  	_ =	swait.ge [sflag:s29], $0x1  }
0xb7: {  	[sflag:s29] =	ssyncadd.s32 $0xFFFFFFFF  }
0xb8: {  	_ =	strace $0x90000048  }
0xb9: {  	_ =	sfence  }
0xba: {  	s30 =	sld [smem:$0x0];
	_ =	sdelay $0x2  }
0xbb: {  	s31 =	sshll.u32 s1, $0xD;
	s1 =	sshrl.u32 s1, $0x2  }
0xbc: {  	s3 =	sand.u32 $0x4000, s31;
	s1 =	sadd.s32 s1, s30  }
0xbd: {  	s0 =	sor.u32 s3, s0;
	s1 =	sshll.u32 s1, $0x11  }
0xbe: {  	s0 =	sor.u32 s1, s0  }
0xbf: {  	s0 =	sadd.s32 $0x8F2B, s0  }
0xc0: {  	[sflag:s0] =	ssyncadd.remote.s32 $0x1  }
0xc1: {  	_ =	sfence.sel $0xFFFF  }
0xc2: {  	[dreg:$0x0] =	wrdreg $0xFFFFFFFF;
	(pc) =	sbr.abs _section_cstart, $3  }
0xc3: {  	[dreg:$0x1] =	wrdreg $0xFFFFFFFF  }
0xc4: {  	_ =	task.clear_ibuf [dreg:s7], $0x2FFFF;
	_ =	strace $0x9FFFFFFF  }
0xc5: {  	(tm) =	ssettm $0x7FFFFFFF  }
tec
execute0_lowered:
.L_overlay_start_1:
0x0: {  	(tag) =	ssettag $0x1  }
0x1: {  	s14 =	rddreg [dreg:$0x0]  }
0x2: {  	s0 =	rddreg [dreg:$0x1]  }
0x3: {  	s2 =	rddreg [dreg:$0x2]  }
0x4: {  	s3 =	rddreg [dreg:$0x3]  }
0x5: {  	s4 =	rddreg [dreg:$0x4];
	s1 =	srdreg.scid  }
0x6: {  	s5 =	stileid.u32;
	s15 =	simm.s32 $0x0;
	s28 =	simm.s32 $0xE00  }
0x7: {  	s29 =	simm.s32 $0x15BD0;
	s22 =	simm.s32 $0xEBD0;
	s1 =	sand.u32 $0x1, s1  }
0x8: {  	s6 =	sshll.u32 s5, $0x1;
	[smem:$0x7FF] =	sst s15;
	s16 =	sadd.s32 $0x6400, s14  }
0x9: {  	s17 =	sadd.s32 $0x3200, s14;
	s9 =	sadd.s32 $0x9600, s14;
	s13 =	smul.u32 $0x1880, s5  }
0xa: {  	p0 =	sne.s32 s5, $0x0;
	s7 =	sor.u32 s1, s6;
	_ =	strace $0x80000047  }
0xb: {  	s8 =	ssub.s32 $0x2, s1;
	[dreg:$0x6] =	wrdreg s16;
	s1 =	smul.u32 $0xC40, s1  }
0xc: {  	s6 =	smul.u32 $0xC40, s7;
	s10 =	sshrl.u32 s8, $0x1;
	s7 =	sshll.u32 s7, $0x3  }
0xd: {  	[dreg:$0x7] =	wrdreg s17;
	s8 =	ssub.s32 s8, s10;
	s0 =	sadd.s32 s0, s7  }
0xe: {  	s1 =	sadd.s32 s1, s13;
	[dreg:$0xe] =	wrdreg s0;
	s31 =	smax.u32 s8, $0x1  }
0xf: {  	s23 =	smin.u32 s6, $0x17A60;
	s26 =	smin.u32 s1, $0x17A60;
	[dreg:$0x11] =	wrdreg s31  }
0x10: {  	s1 =	simm.s32 $0x0;
	s25 =	sadd.s32 $0x1C0, s23;
	[dreg:$0xf] =	wrdreg s26  }
0x11: {  	s11 =	sshrl.u32 s23, $0x3;
	s0 =	sadd.s32 $0xE0, s26;
	[dreg:$0xd] =	wrdreg s25  }
0x12: {  	s12 =	sshll.u32 s23, $0x4;
	s16 =	sadd.s32 s16, s11;
	[dreg:$0x12] =	wrdreg s0  }
0x13: {  	s26 =	simm.s32 $0x7BD0;
	s24 =	sadd.s32 s17, s11;
	[dreg:$0x8] =	wrdreg s16  }
.Ltmp0:
0x14: {  	s12 =	sadd.s32 s9, s12;
	[dreg:$0xa] =	wrdreg s24;
	(pc) =	sbr.rel .LBB2_1-.Ltmp0, $4  }
0x15: {  	s11 =	sadd.s32 s14, s11;
	s14 =	simm.s32 $0x2;
	[dreg:$0x9] =	wrdreg s12  }
0x16: {  	s12 =	sadd.s32 $0xE00, s12;
	s16 =	sadd.s32 $0x2A0, s23;
	[dreg:$0xb] =	wrdreg s11  }
0x17: {  	v0 =	vlaneseq.u32;
	s30 =	sadd.s32 $0x190000, s11;
	s23 =	simm.s32 $0x3;
	[dreg:$0xc] =	wrdreg s12  }
0x18: {  	v1 =	vimm.f32 $0.0e+00;
	vm0 =	vmxor vm0, vm0;
	v0 =	vmul.u32 $0x80, v0;
	s24 =	simm.s32 $0x169D0;
	[dreg:$0x10] =	wrdreg s30;
	s12 =	simm.s32 $0x1  }
.LBB2_18:
0x19: {  	[tilespmem:$0x7B50] =	vst v5  }
0x1a: {  	[tilespmem:$0x7B70] =	vst v2  }
0x1b: {  	[tilespmem:$0x7B80] =	vst v3  }
0x1c: {  	s15 =	simm.s32 $0x0;
	s0 =	rddreg [dreg:$0xe];
	s1 =	simm.s32 $0x7B50;
	[tilespmem:$0x7B60] =	vst v4  }
0x1d: {  	[hbm4b:s0+s15] =	stream.linear.scatter [tilespmem:s1], [sflag:$0x3], $0x40, $0x38;
	[tilespmem:$0x1CBD0] =	vst v63  }
0x1e: {  	_ =	swait.ge [sflag:s23], $0x40  }
0x1f: {  	[sflag:s23] =	ssyncset.done $0x0  }
0x20: {  	s25 =	simm.s32 $0x6ED0;
	s21 =	rddreg [dreg:$0x10];
	[sflag:s23] =	ssyncadd.s32 $0xFFFFFFC0  }
0x21: {  	[hbm4b:s21+s15] =	stream.linear.scatter [tilespmem:s25], [sflag:$0x3], $0xC40, $0x38;
	[tilespmem:$0x1CBD0] =	vst v63  }
0x22: {  	_ =	swait.ge [sflag:s23], $0xC40  }
0x23: {  	s30 =	rddreg [dreg:$0x13]  }
0x24: {  	s31 =	rddreg [dreg:$0x11];
	s1 =	sadd.s32 $0x1, s30  }
0x25: {  	p1 =	sne.s32 s1, s31  }
.Ltmp1:
0x26: {  	_ = 	snop;
	(pc) =	sbr.rel @!p1 .LBB2_19-.Ltmp1, $3  }
0x27: {  	_ =	sdelay $0x1  }
0x28: {  	[sflag:s23] =	ssyncset.done $0x0  }
0x29: {  	[sflag:s23] =	ssyncadd.s32 $0xFFFFF3C0  }
.LBB2_1:
0x2a: {  	[dreg:$0x13] =	wrdreg s1  }
0x2b: {  	s0 =	rddreg [dreg:$0x8];
	s18 =	simm.s32 $0x4950  }
0x2c: {  	[tilespmem:s18], [sflag:$0x3] =	stream.linear.gather [hbm4b:s0+s15], $0xC40, $0x38;
	[tilespmem:$0x1CBD0] =	vst v63  }
0x2d: {  	_ =	swait.ge [sflag:s23], $0xC40  }
0x2e: {  	[sflag:s23] =	ssyncset.done $0x0  }
0x2f: {  	s20 =	simm.s32 $0x55D0;
	s19 =	rddreg [dreg:$0xa];
	[sflag:s23] =	ssyncadd.s32 $0xFFFFF3C0  }
0x30: {  	[tilespmem:s20], [sflag:$0x3] =	stream.linear.gather [hbm4b:s19+s15], $0xC40, $0x38;
	[tilespmem:$0x1CBD0] =	vst v63  }
0x31: {  	_ =	swait.ge [sflag:s23], $0xC40  }
0x32: {  	[sflag:s23] =	ssyncset.done $0x0  }
0x33: {  	s25 =	simm.s32 $0x6250;
	s21 =	rddreg [dreg:$0xb];
	[sflag:s23] =	ssyncadd.s32 $0xFFFFF3C0  }
0x34: {  	[tilespmem:s25], [sflag:$0x3] =	stream.linear.gather [hbm4b:s21+s15], $0xC40, $0x38;
	[tilespmem:$0x1CBD0] =	vst v63  }
0x35: {  	_ =	swait.ge [sflag:s23], $0xC40  }
0x36: {  	s1 =	simm.s32 @!p0 $0x1C03;
	[sflag:s23] =	ssyncset.done $0x0  }
0x37: {  	s0 =	sshrl.u32 @!p0 s2, $0x3;
	s5 =	rddreg [dreg:$0x6];
	[sflag:s23] =	ssyncadd.s32 $0xFFFFF3C0  }
0x38: {  	[spmem:s0], [sflag:s1] =	dma.local @!p0 [hbm:s5], $0x30E0  }
0x39: {  	s0 =	simm.s32 @!p0 $0x3  }
0x3a: {  	_ =	swait.ge @!p0 [sflag:s0], $0x30E0  }
0x3b: {  	[sflag:s0] =	ssyncset.done @!p0 $0x0  }
0x3c: {  	s5 =	sshrl.u32 @!p0 s3, $0x3;
	s7 =	rddreg [dreg:$0x7];
	[sflag:s0] =	ssyncadd.s32 @!p0 $0xFFFFCF20  }
0x3d: {  	[spmem:s5], [sflag:s1] =	dma.local @!p0 [hbm:s7], $0x30E0  }
0x3e: {  	_ =	swait.ge @!p0 [sflag:s0], $0x30E0  }
0x3f: {  	[sflag:s0] =	ssyncset.done @!p0 $0x0  }
0x40: {  	[sflag:s0] =	ssyncadd.s32 @!p0 $0xFFFFCF20  }
0x41: {  	s5 =	sshrl.u32 @!p0 s4, $0x3;
	s7 =	rddreg [dreg:$0x0]  }
0x42: {  	[spmem:s5], [sflag:s1] =	dma.local @!p0 [hbm:s7], $0x30E0  }
0x43: {  	_ =	swait.ge @!p0 [sflag:s0], $0x30E0  }
0x44: {  	[sflag:s0] =	ssyncset.done @!p0 $0x0  }
0x45: {  	v2 =	vmov s15;
	[sflag:s0] =	ssyncadd.s32 @!p0 $0xFFFFCF20  }
0x46: {  	v2 =	vshll.u32 v2, $0x7;
	[bflag:$0x0] =	sbarrier.arrive $0xFFFF  }
0x47: {  	v2 =	vor.u32 v0, v2;
	s30 =	rddreg [dreg:$0x9]  }
0x48: {  	[tilespmem:s26], [sflag:$0x3] =	stream.linear.gather [hbm4b:s30+s15], $0x7000, $0x38;
	[tilespmem:$0x1CBD0] =	vst v63  }
0x49: {  	_ =	swait.ge [sflag:s23], $0x7000  }
0x4a: {  	[sflag:s23] =	ssyncset.done $0x0  }
0x4b: {  	[sflag:s23] =	ssyncadd.s32 $0xFFFF9000  }
0x4c: {  	v3 =	vld.idx.msk [tilespmem:v2+s26+$0x0], $0xffff  }
0x4d: {  	v4 =	vor.u32 $0x1, v2;
	_ =	sdelay $0x2  }
0x4e: {  	s0 =	simm.s32 $0x15C50  }
0x4f: {  	[tilespmem:s0+$0xFFFFFF80] =	vst v3  }
0x50: {  	v3 =	vld.idx.msk [tilespmem:v4+s26+$0x0], $0xffff  }
0x51: {  	v4 =	vor.u32 $0x2, v2;
	_ =	sdelay $0x3  }
0x52: {  	[tilespmem:s0+$0xFFFFFF90] =	vst v3  }
0x53: {  	v3 =	vld.idx.msk [tilespmem:v4+s26+$0x0], $0xffff  }
0x54: {  	v4 =	vor.u32 $0x3, v2;
	_ =	sdelay $0x3  }
0x55: {  	[tilespmem:s0+$0xFFFFFFA0] =	vst v3  }
0x56: {  	v3 =	vld.idx.msk [tilespmem:v4+s26+$0x0], $0xffff  }
0x57: {  	v4 =	vor.u32 $0x4, v2;
	_ =	sdelay $0x3  }
0x58: {  	[tilespmem:s0+$0xFFFFFFB0] =	vst v3  }
0x59: {  	v3 =	vld.idx.msk [tilespmem:v4+s26+$0x0], $0xffff  }
0x5a: {  	v4 =	vor.u32 $0x5, v2;
	_ =	sdelay $0x3  }
0x5b: {  	[tilespmem:s0+$0xFFFFFFC0] =	vst v3  }
0x5c: {  	v3 =	vld.idx.msk [tilespmem:v4+s26+$0x0], $0xffff  }
0x5d: {  	v4 =	vor.u32 $0x6, v2;
	_ =	sdelay $0x3  }
0x5e: {  	[tilespmem:s0+$0xFFFFFFD0] =	vst v3  }
0x5f: {  	v3 =	vld.idx.msk [tilespmem:v4+s26+$0x0], $0xffff  }
0x60: {  	v4 =	vor.u32 $0x7, v2;
	_ =	sdelay $0x3  }
0x61: {  	[tilespmem:s0+$0xFFFFFFE0] =	vst v3  }
0x62: {  	v3 =	vld.idx.msk [tilespmem:v4+s26+$0x0], $0xffff  }
0x63: {  	v4 =	vor.u32 $0x8, v2;
	_ =	sdelay $0x3  }
0x64: {  	[tilespmem:s0+$0xFFFFFFF0] =	vst v3  }
0x65: {  	v3 =	vld.idx.msk [tilespmem:v4+s26+$0x0], $0xffff  }
0x66: {  	v4 =	vor.u32 $0x9, v2;
	_ =	sdelay $0x3  }
0x67: {  	[tilespmem:s0+$0x0] =	vst v3  }
0x68: {  	v3 =	vld.idx.msk [tilespmem:v4+s26+$0x0], $0xffff  }
0x69: {  	v4 =	vor.u32 $0xA, v2;
	_ =	sdelay $0x3  }
0x6a: {  	[tilespmem:s0+$0x10] =	vst v3  }
0x6b: {  	v3 =	vld.idx.msk [tilespmem:v4+s26+$0x0], $0xffff  }
0x6c: {  	v4 =	vor.u32 $0xB, v2;
	_ =	sdelay $0x3  }
0x6d: {  	[tilespmem:s0+$0x20] =	vst v3  }
0x6e: {  	v3 =	vld.idx.msk [tilespmem:v4+s26+$0x0], $0xffff  }
0x6f: {  	v4 =	vor.u32 $0xC, v2;
	_ =	sdelay $0x3  }
0x70: {  	[tilespmem:s0+$0x30] =	vst v3  }
0x71: {  	v3 =	vld.idx.msk [tilespmem:v4+s26+$0x0], $0xffff  }
0x72: {  	v4 =	vor.u32 $0xD, v2;
	_ =	sdelay $0x3  }
0x73: {  	[tilespmem:s0+$0x40] =	vst v3  }
0x74: {  	v3 =	vld.idx.msk [tilespmem:v4+s26+$0x0], $0xffff  }
0x75: {  	v4 =	vor.u32 $0xE, v2;
	_ =	sdelay $0x3  }
0x76: {  	[tilespmem:s0+$0x50] =	vst v3  }
0x77: {  	v3 =	vld.idx.msk [tilespmem:v4+s26+$0x0], $0xffff  }
0x78: {  	v4 =	vor.u32 $0xF, v2;
	_ =	sdelay $0x3  }
0x79: {  	s31 =	simm.s32 $0x10;
	[tilespmem:s0+$0x60] =	vst v3  }
0x7a: {  	s1 =	simm.s32 $0x20;
	v2 =	vmov s31;
	v3 =	vld.idx.msk [tilespmem:v4+s26+$0x0], $0xffff  }
.LBB2_2:
0x7b: {  	p1 =	sne.s32 s1, $0xD0;
	v2 =	vshll.u32 v2, $0x7  }
0x7c: {  	v2 =	vor.u32 v0, v2;
	_ =	sdelay $0x3  }
0x7d: {  	[tilespmem:s0+$0x70] =	vst v3  }
0x7e: {  	v3 =	vld.idx.msk [tilespmem:v2+s26+$0x0], $0xffff;
	_ =	sdelay $0x1  }
0x7f: {  	v4 =	vor.u32 $0x1, v2;
	_ =	sdelay $0x2  }
0x80: {  	s0 =	sadd.s32 $0x100, s0  }
0x81: {  	[tilespmem:s0+$0xFFFFFF80] =	vst v3  }
0x82: {  	v3 =	vld.idx.msk [tilespmem:v4+s26+$0x0], $0xffff;
	_ =	sdelay $0x1  }
0x83: {  	v4 =	vor.u32 $0x2, v2;
	_ =	sdelay $0x3  }
0x84: {  	[tilespmem:s0+$0xFFFFFF90] =	vst v3  }
0x85: {  	v3 =	vld.idx.msk [tilespmem:v4+s26+$0x0], $0xffff;
	_ =	sdelay $0x1  }
0x86: {  	v4 =	vor.u32 $0x3, v2;
	_ =	sdelay $0x3  }
0x87: {  	[tilespmem:s0+$0xFFFFFFA0] =	vst v3  }
0x88: {  	v3 =	vld.idx.msk [tilespmem:v4+s26+$0x0], $0xffff;
	_ =	sdelay $0x1  }
0x89: {  	v4 =	vor.u32 $0x4, v2;
	_ =	sdelay $0x3  }
0x8a: {  	[tilespmem:s0+$0xFFFFFFB0] =	vst v3  }
0x8b: {  	v3 =	vld.idx.msk [tilespmem:v4+s26+$0x0], $0xffff;
	_ =	sdelay $0x1  }
0x8c: {  	v4 =	vor.u32 $0x5, v2;
	_ =	sdelay $0x3  }
0x8d: {  	[tilespmem:s0+$0xFFFFFFC0] =	vst v3  }
0x8e: {  	v3 =	vld.idx.msk [tilespmem:v4+s26+$0x0], $0xffff;
	_ =	sdelay $0x1  }
0x8f: {  	v4 =	vor.u32 $0x6, v2;
	_ =	sdelay $0x3  }
0x90: {  	[tilespmem:s0+$0xFFFFFFD0] =	vst v3  }
0x91: {  	v3 =	vld.idx.msk [tilespmem:v4+s26+$0x0], $0xffff;
	_ =	sdelay $0x1  }
0x92: {  	v4 =	vor.u32 $0x7, v2;
	_ =	sdelay $0x3  }
0x93: {  	[tilespmem:s0+$0xFFFFFFE0] =	vst v3  }
0x94: {  	v3 =	vld.idx.msk [tilespmem:v4+s26+$0x0], $0xffff;
	_ =	sdelay $0x1  }
0x95: {  	v4 =	vor.u32 $0x8, v2;
	_ =	sdelay $0x3  }
0x96: {  	[tilespmem:s0+$0xFFFFFFF0] =	vst v3  }
0x97: {  	v3 =	vld.idx.msk [tilespmem:v4+s26+$0x0], $0xffff;
	_ =	sdelay $0x1  }
0x98: {  	v4 =	vor.u32 $0x9, v2;
	_ =	sdelay $0x3  }
0x99: {  	[tilespmem:s0+$0x0] =	vst v3  }
0x9a: {  	v3 =	vld.idx.msk [tilespmem:v4+s26+$0x0], $0xffff;
	_ =	sdelay $0x1  }
0x9b: {  	v4 =	vor.u32 $0xA, v2;
	_ =	sdelay $0x3  }
0x9c: {  	[tilespmem:s0+$0x10] =	vst v3  }
0x9d: {  	v3 =	vld.idx.msk [tilespmem:v4+s26+$0x0], $0xffff;
	_ =	sdelay $0x1  }
0x9e: {  	v4 =	vor.u32 $0xB, v2;
	_ =	sdelay $0x3  }
0x9f: {  	[tilespmem:s0+$0x20] =	vst v3  }
0xa0: {  	v3 =	vld.idx.msk [tilespmem:v4+s26+$0x0], $0xffff;
	_ =	sdelay $0x1  }
0xa1: {  	v4 =	vor.u32 $0xC, v2;
	_ =	sdelay $0x3  }
0xa2: {  	[tilespmem:s0+$0x30] =	vst v3  }
0xa3: {  	v3 =	vld.idx.msk [tilespmem:v4+s26+$0x0], $0xffff;
	_ =	sdelay $0x1  }
0xa4: {  	v4 =	vor.u32 $0xD, v2;
	_ =	sdelay $0x3  }
0xa5: {  	[tilespmem:s0+$0x40] =	vst v3  }
0xa6: {  	v3 =	vld.idx.msk [tilespmem:v4+s26+$0x0], $0xffff;
	_ =	sdelay $0x1  }
0xa7: {  	v4 =	vor.u32 $0xE, v2;
	_ =	sdelay $0x3  }
0xa8: {  	[tilespmem:s0+$0x50] =	vst v3  }
0xa9: {  	v3 =	vld.idx.msk [tilespmem:v4+s26+$0x0], $0xffff;
	_ =	sdelay $0x1  }
0xaa: {  	v4 =	vor.u32 $0xF, v2  }
.Ltmp2:
0xab: {  	(pc) =	sbr.rel @p1 .LBB2_2-.Ltmp2, $3  }
0xac: {  	_ =	sdelay $0x1  }
0xad: {  	[tilespmem:s0+$0x60] =	vst v3  }
0xae: {  	v2 =	vmov s1;
	s1 =	sadd.s32 $0x10, s1;
	v3 =	vld.idx.msk [tilespmem:v4+s26+$0x0], $0xffff  }
0xaf: {  	v2 =	vshll.u32 v2, $0x7  }
0xb0: {  	v2 =	vor.u32 v0, v2;
	_ =	sdelay $0x3  }
0xb1: {  	[tilespmem:s0+$0x70] =	vst v3  }
0xb2: {  	v3 =	vld.idx.msk [tilespmem:v2+s26+$0x0], $0xffff  }
0xb3: {  	v4 =	vor.u32 $0x1, v2;
	_ =	sdelay $0x2  }
0xb4: {  	s19 =	sadd.s32 $0x100, s0  }
0xb5: {  	[tilespmem:s19+$0xFFFFFF80] =	vst v3  }
0xb6: {  	v3 =	vld.idx.msk [tilespmem:v4+s26+$0x0], $0xffff  }
0xb7: {  	v4 =	vor.u32 $0x2, v2;
	_ =	sdelay $0x3  }
0xb8: {  	[tilespmem:s19+$0xFFFFFF90] =	vst v3  }
0xb9: {  	v3 =	vld.idx.msk [tilespmem:v4+s26+$0x0], $0xffff  }
0xba: {  	v4 =	vor.u32 $0x3, v2;
	_ =	sdelay $0x3  }
0xbb: {  	[tilespmem:s19+$0xFFFFFFA0] =	vst v3  }
0xbc: {  	v3 =	vld.idx.msk [tilespmem:v4+s26+$0x0], $0xffff  }
0xbd: {  	v4 =	vor.u32 $0x4, v2;
	_ =	sdelay $0x3  }
0xbe: {  	[tilespmem:s19+$0xFFFFFFB0] =	vst v3  }
0xbf: {  	v3 =	vld.idx.msk [tilespmem:v4+s26+$0x0], $0xffff  }
0xc0: {  	v4 =	vor.u32 $0x5, v2;
	_ =	sdelay $0x3  }
0xc1: {  	[tilespmem:s19+$0xFFFFFFC0] =	vst v3  }
0xc2: {  	v3 =	vld.idx.msk [tilespmem:v4+s26+$0x0], $0xffff  }
0xc3: {  	v4 =	vor.u32 $0x6, v2;
	_ =	sdelay $0x3  }
0xc4: {  	[tilespmem:s19+$0xFFFFFFD0] =	vst v3  }
0xc5: {  	v3 =	vld.idx.msk [tilespmem:v4+s26+$0x0], $0xffff  }
0xc6: {  	v4 =	vor.u32 $0x7, v2;
	_ =	sdelay $0x3  }
0xc7: {  	[tilespmem:s19+$0xFFFFFFE0] =	vst v3  }
0xc8: {  	v3 =	vld.idx.msk [tilespmem:v4+s26+$0x0], $0xffff  }
0xc9: {  	v4 =	vor.u32 $0x8, v2;
	_ =	sdelay $0x3  }
0xca: {  	[tilespmem:s19+$0xFFFFFFF0] =	vst v3  }
0xcb: {  	v3 =	vld.idx.msk [tilespmem:v4+s26+$0x0], $0xffff  }
0xcc: {  	v4 =	vor.u32 $0x9, v2;
	_ =	sdelay $0x3  }
0xcd: {  	[tilespmem:s19+$0x0] =	vst v3  }
0xce: {  	v3 =	vld.idx.msk [tilespmem:v4+s26+$0x0], $0xffff  }
0xcf: {  	v4 =	vor.u32 $0xA, v2;
	_ =	sdelay $0x3  }
0xd0: {  	[tilespmem:s19+$0x10] =	vst v3  }
0xd1: {  	v3 =	vld.idx.msk [tilespmem:v4+s26+$0x0], $0xffff  }
0xd2: {  	v4 =	vor.u32 $0xB, v2;
	_ =	sdelay $0x3  }
0xd3: {  	[tilespmem:s19+$0x20] =	vst v3  }
0xd4: {  	v3 =	vld.idx.msk [tilespmem:v4+s26+$0x0], $0xffff  }
0xd5: {  	v4 =	vor.u32 $0xC, v2;
	_ =	sdelay $0x3  }
0xd6: {  	[tilespmem:s19+$0x30] =	vst v3  }
0xd7: {  	v3 =	vld.idx.msk [tilespmem:v4+s26+$0x0], $0xffff  }
0xd8: {  	v4 =	vor.u32 $0xD, v2;
	_ =	sdelay $0x3  }
0xd9: {  	[tilespmem:s19+$0x40] =	vst v3  }
0xda: {  	v3 =	vld.idx.msk [tilespmem:v4+s26+$0x0], $0xffff  }
0xdb: {  	v4 =	vor.u32 $0xE, v2;
	_ =	sdelay $0x3  }
0xdc: {  	[tilespmem:s19+$0x50] =	vst v3  }
0xdd: {  	v3 =	vld.idx.msk [tilespmem:v4+s26+$0x0], $0xffff  }
0xde: {  	v2 =	vor.u32 $0xF, v2;
	_ =	sdelay $0x3  }
0xdf: {  	[tilespmem:s19+$0x60] =	vst v3  }
0xe0: {  	v2 =	vld.idx.msk [tilespmem:v2+s26+$0x0], $0xffff;
	_ =	sdelay $0x4  }
0xe1: {  	s20 =	simm.s32 $0x177D0;
	[tilespmem:s19+$0x70] =	vst v2  }
0xe2: {  	[tilespmem:s20], [sflag:$0x1] =	stream.indirect.gather [spmem:s2], $0x1, s29, s28, $0xb8;
	[tilespmem:$0x1CBD0] =	vst v63  }
0xe3: {  	s21 =	simm.s32 $0x193D0;
	s25 =	simm.s32 $0x0  }
0xe4: {  	[tilespmem:s21], [sflag:$0x1] =	stream.indirect.gather [spmem:s3], $0x1, s29, s28, $0xb8;
	[tilespmem:$0x1CBD0] =	vst v63  }
0xe5: {  	s1 =	simm.s32 $0x1AFD0;
	v2 =	vmov s25  }
0xe6: {  	v2 =	vshll.u32 v2, $0x7;
	[tilespmem:s1], [sflag:$0x1] =	stream.indirect.gather [spmem:s4], $0x1, s29, s28, $0xb8;
	[tilespmem:$0x1CBD0] =	vst v63  }
0xe7: {  	s30 =	rddreg [dreg:$0xc];
	v2 =	vor.u32 v0, v2  }
0xe8: {  	[tilespmem:s22], [sflag:$0x3] =	stream.linear.gather [hbm4b:s30+s25], $0x7000, $0x38;
	[tilespmem:$0x1CBD0] =	vst v63  }
0xe9: {  	_ =	swait.ge [sflag:s23], $0x7000  }
0xea: {  	[sflag:s23] =	ssyncset.done $0x0  }
0xeb: {  	[sflag:s23] =	ssyncadd.s32 $0xFFFF9000  }
0xec: {  	v3 =	vld.idx.msk [tilespmem:v2+s22+$0x0], $0xffff  }
0xed: {  	v4 =	vor.u32 $0x1, v2;
	_ =	sdelay $0x2  }
0xee: {  	s0 =	simm.s32 $0x16A50  }
0xef: {  	[tilespmem:s0+$0xFFFFFF80] =	vst v3  }
0xf0: {  	v3 =	vld.idx.msk [tilespmem:v4+s22+$0x0], $0xffff  }
0xf1: {  	v4 =	vor.u32 $0x2, v2;
	_ =	sdelay $0x3  }
0xf2: {  	[tilespmem:s0+$0xFFFFFF90] =	vst v3  }
0xf3: {  	v3 =	vld.idx.msk [tilespmem:v4+s22+$0x0], $0xffff  }
0xf4: {  	v4 =	vor.u32 $0x3, v2;
	_ =	sdelay $0x3  }
0xf5: {  	[tilespmem:s0+$0xFFFFFFA0] =	vst v3  }
0xf6: {  	v3 =	vld.idx.msk [tilespmem:v4+s22+$0x0], $0xffff  }
0xf7: {  	v4 =	vor.u32 $0x4, v2;
	_ =	sdelay $0x3  }
0xf8: {  	[tilespmem:s0+$0xFFFFFFB0] =	vst v3  }
0xf9: {  	v3 =	vld.idx.msk [tilespmem:v4+s22+$0x0], $0xffff  }
0xfa: {  	v4 =	vor.u32 $0x5, v2;
	_ =	sdelay $0x3  }
0xfb: {  	[tilespmem:s0+$0xFFFFFFC0] =	vst v3  }
0xfc: {  	v3 =	vld.idx.msk [tilespmem:v4+s22+$0x0], $0xffff  }
0xfd: {  	v4 =	vor.u32 $0x6, v2;
	_ =	sdelay $0x3  }
0xfe: {  	[tilespmem:s0+$0xFFFFFFD0] =	vst v3  }
0xff: {  	v3 =	vld.idx.msk [tilespmem:v4+s22+$0x0], $0xffff  }
0x100: {  	v4 =	vor.u32 $0x7, v2;
	_ =	sdelay $0x3  }
0x101: {  	[tilespmem:s0+$0xFFFFFFE0] =	vst v3  }
0x102: {  	v3 =	vld.idx.msk [tilespmem:v4+s22+$0x0], $0xffff  }
0x103: {  	v4 =	vor.u32 $0x8, v2;
	_ =	sdelay $0x3  }
0x104: {  	[tilespmem:s0+$0xFFFFFFF0] =	vst v3  }
0x105: {  	v3 =	vld.idx.msk [tilespmem:v4+s22+$0x0], $0xffff  }
0x106: {  	v4 =	vor.u32 $0x9, v2;
	_ =	sdelay $0x3  }
0x107: {  	[tilespmem:s0+$0x0] =	vst v3  }
0x108: {  	v3 =	vld.idx.msk [tilespmem:v4+s22+$0x0], $0xffff  }
0x109: {  	v4 =	vor.u32 $0xA, v2;
	_ =	sdelay $0x3  }
0x10a: {  	[tilespmem:s0+$0x10] =	vst v3  }
0x10b: {  	v3 =	vld.idx.msk [tilespmem:v4+s22+$0x0], $0xffff  }
0x10c: {  	v4 =	vor.u32 $0xB, v2;
	_ =	sdelay $0x3  }
0x10d: {  	[tilespmem:s0+$0x20] =	vst v3  }
0x10e: {  	v3 =	vld.idx.msk [tilespmem:v4+s22+$0x0], $0xffff  }
0x10f: {  	v4 =	vor.u32 $0xC, v2;
	_ =	sdelay $0x3  }
0x110: {  	[tilespmem:s0+$0x30] =	vst v3  }
0x111: {  	v3 =	vld.idx.msk [tilespmem:v4+s22+$0x0], $0xffff  }
0x112: {  	v4 =	vor.u32 $0xD, v2;
	_ =	sdelay $0x3  }
0x113: {  	[tilespmem:s0+$0x40] =	vst v3  }
0x114: {  	v3 =	vld.idx.msk [tilespmem:v4+s22+$0x0], $0xffff  }
0x115: {  	v4 =	vor.u32 $0xE, v2;
	_ =	sdelay $0x3  }
0x116: {  	[tilespmem:s0+$0x50] =	vst v3  }
0x117: {  	v3 =	vld.idx.msk [tilespmem:v4+s22+$0x0], $0xffff  }
0x118: {  	v4 =	vor.u32 $0xF, v2;
	_ =	sdelay $0x3  }
0x119: {  	s31 =	simm.s32 $0x10;
	[tilespmem:s0+$0x60] =	vst v3  }
0x11a: {  	s1 =	simm.s32 $0x20;
	v2 =	vmov s31;
	v3 =	vld.idx.msk [tilespmem:v4+s22+$0x0], $0xffff  }
.LBB2_4:
0x11b: {  	p1 =	sne.s32 s1, $0xD0;
	v2 =	vshll.u32 v2, $0x7  }
0x11c: {  	v2 =	vor.u32 v0, v2;
	_ =	sdelay $0x3  }
0x11d: {  	[tilespmem:s0+$0x70] =	vst v3  }
0x11e: {  	v3 =	vld.idx.msk [tilespmem:v2+s22+$0x0], $0xffff;
	_ =	sdelay $0x1  }
0x11f: {  	v4 =	vor.u32 $0x1, v2;
	_ =	sdelay $0x2  }
0x120: {  	s0 =	sadd.s32 $0x100, s0  }
0x121: {  	[tilespmem:s0+$0xFFFFFF80] =	vst v3  }
0x122: {  	v3 =	vld.idx.msk [tilespmem:v4+s22+$0x0], $0xffff;
	_ =	sdelay $0x1  }
0x123: {  	v4 =	vor.u32 $0x2, v2;
	_ =	sdelay $0x3  }
0x124: {  	[tilespmem:s0+$0xFFFFFF90] =	vst v3  }
0x125: {  	v3 =	vld.idx.msk [tilespmem:v4+s22+$0x0], $0xffff;
	_ =	sdelay $0x1  }
0x126: {  	v4 =	vor.u32 $0x3, v2;
	_ =	sdelay $0x3  }
0x127: {  	[tilespmem:s0+$0xFFFFFFA0] =	vst v3  }
0x128: {  	v3 =	vld.idx.msk [tilespmem:v4+s22+$0x0], $0xffff;
	_ =	sdelay $0x1  }
0x129: {  	v4 =	vor.u32 $0x4, v2;
	_ =	sdelay $0x3  }
0x12a: {  	[tilespmem:s0+$0xFFFFFFB0] =	vst v3  }
0x12b: {  	v3 =	vld.idx.msk [tilespmem:v4+s22+$0x0], $0xffff;
	_ =	sdelay $0x1  }
0x12c: {  	v4 =	vor.u32 $0x5, v2;
	_ =	sdelay $0x3  }
0x12d: {  	[tilespmem:s0+$0xFFFFFFC0] =	vst v3  }
0x12e: {  	v3 =	vld.idx.msk [tilespmem:v4+s22+$0x0], $0xffff;
	_ =	sdelay $0x1  }
0x12f: {  	v4 =	vor.u32 $0x6, v2;
	_ =	sdelay $0x3  }
0x130: {  	[tilespmem:s0+$0xFFFFFFD0] =	vst v3  }
0x131: {  	v3 =	vld.idx.msk [tilespmem:v4+s22+$0x0], $0xffff;
	_ =	sdelay $0x1  }
0x132: {  	v4 =	vor.u32 $0x7, v2;
	_ =	sdelay $0x3  }
0x133: {  	[tilespmem:s0+$0xFFFFFFE0] =	vst v3  }
0x134: {  	v3 =	vld.idx.msk [tilespmem:v4+s22+$0x0], $0xffff;
	_ =	sdelay $0x1  }
0x135: {  	v4 =	vor.u32 $0x8, v2;
	_ =	sdelay $0x3  }
0x136: {  	[tilespmem:s0+$0xFFFFFFF0] =	vst v3  }
0x137: {  	v3 =	vld.idx.msk [tilespmem:v4+s22+$0x0], $0xffff;
	_ =	sdelay $0x1  }
0x138: {  	v4 =	vor.u32 $0x9, v2;
	_ =	sdelay $0x3  }
0x139: {  	[tilespmem:s0+$0x0] =	vst v3  }
0x13a: {  	v3 =	vld.idx.msk [tilespmem:v4+s22+$0x0], $0xffff;
	_ =	sdelay $0x1  }
0x13b: {  	v4 =	vor.u32 $0xA, v2;
	_ =	sdelay $0x3  }
0x13c: {  	[tilespmem:s0+$0x10] =	vst v3  }
0x13d: {  	v3 =	vld.idx.msk [tilespmem:v4+s22+$0x0], $0xffff;
	_ =	sdelay $0x1  }
0x13e: {  	v4 =	vor.u32 $0xB, v2;
	_ =	sdelay $0x3  }
0x13f: {  	[tilespmem:s0+$0x20] =	vst v3  }
0x140: {  	v3 =	vld.idx.msk [tilespmem:v4+s22+$0x0], $0xffff;
	_ =	sdelay $0x1  }
0x141: {  	v4 =	vor.u32 $0xC, v2;
	_ =	sdelay $0x3  }
0x142: {  	[tilespmem:s0+$0x30] =	vst v3  }
0x143: {  	v3 =	vld.idx.msk [tilespmem:v4+s22+$0x0], $0xffff;
	_ =	sdelay $0x1  }
0x144: {  	v4 =	vor.u32 $0xD, v2;
	_ =	sdelay $0x3  }
0x145: {  	[tilespmem:s0+$0x40] =	vst v3  }
0x146: {  	v3 =	vld.idx.msk [tilespmem:v4+s22+$0x0], $0xffff;
	_ =	sdelay $0x1  }
0x147: {  	v4 =	vor.u32 $0xE, v2;
	_ =	sdelay $0x3  }
0x148: {  	[tilespmem:s0+$0x50] =	vst v3  }
0x149: {  	v3 =	vld.idx.msk [tilespmem:v4+s22+$0x0], $0xffff;
	_ =	sdelay $0x1  }
0x14a: {  	v4 =	vor.u32 $0xF, v2  }
.Ltmp3:
0x14b: {  	(pc) =	sbr.rel @p1 .LBB2_4-.Ltmp3, $3  }
0x14c: {  	_ =	sdelay $0x1  }
0x14d: {  	[tilespmem:s0+$0x60] =	vst v3  }
0x14e: {  	v2 =	vmov s1;
	s1 =	sadd.s32 $0x10, s1;
	v3 =	vld.idx.msk [tilespmem:v4+s22+$0x0], $0xffff  }
0x14f: {  	v2 =	vshll.u32 v2, $0x7  }
0x150: {  	v2 =	vor.u32 v0, v2;
	_ =	sdelay $0x3  }
0x151: {  	[tilespmem:s0+$0x70] =	vst v3  }
0x152: {  	v3 =	vld.idx.msk [tilespmem:v2+s22+$0x0], $0xffff  }
0x153: {  	v4 =	vor.u32 $0x1, v2;
	_ =	sdelay $0x2  }
0x154: {  	s20 =	sadd.s32 $0x100, s0  }
0x155: {  	[tilespmem:s20+$0xFFFFFF80] =	vst v3  }
0x156: {  	v3 =	vld.idx.msk [tilespmem:v4+s22+$0x0], $0xffff  }
0x157: {  	v4 =	vor.u32 $0x2, v2;
	_ =	sdelay $0x3  }
0x158: {  	[tilespmem:s20+$0xFFFFFF90] =	vst v3  }
0x159: {  	v3 =	vld.idx.msk [tilespmem:v4+s22+$0x0], $0xffff  }
0x15a: {  	v4 =	vor.u32 $0x3, v2;
	_ =	sdelay $0x3  }
0x15b: {  	[tilespmem:s20+$0xFFFFFFA0] =	vst v3  }
0x15c: {  	v3 =	vld.idx.msk [tilespmem:v4+s22+$0x0], $0xffff  }
0x15d: {  	v4 =	vor.u32 $0x4, v2;
	_ =	sdelay $0x3  }
0x15e: {  	[tilespmem:s20+$0xFFFFFFB0] =	vst v3  }
0x15f: {  	v3 =	vld.idx.msk [tilespmem:v4+s22+$0x0], $0xffff  }
0x160: {  	v4 =	vor.u32 $0x5, v2;
	_ =	sdelay $0x3  }
0x161: {  	[tilespmem:s20+$0xFFFFFFC0] =	vst v3  }
0x162: {  	v3 =	vld.idx.msk [tilespmem:v4+s22+$0x0], $0xffff  }
0x163: {  	v4 =	vor.u32 $0x6, v2;
	_ =	sdelay $0x3  }
0x164: {  	[tilespmem:s20+$0xFFFFFFD0] =	vst v3  }
0x165: {  	v3 =	vld.idx.msk [tilespmem:v4+s22+$0x0], $0xffff  }
0x166: {  	v4 =	vor.u32 $0x7, v2;
	_ =	sdelay $0x3  }
0x167: {  	[tilespmem:s20+$0xFFFFFFE0] =	vst v3  }
0x168: {  	v3 =	vld.idx.msk [tilespmem:v4+s22+$0x0], $0xffff  }
0x169: {  	v4 =	vor.u32 $0x8, v2;
	_ =	sdelay $0x3  }
0x16a: {  	[tilespmem:s20+$0xFFFFFFF0] =	vst v3  }
0x16b: {  	v3 =	vld.idx.msk [tilespmem:v4+s22+$0x0], $0xffff  }
0x16c: {  	v4 =	vor.u32 $0x9, v2;
	_ =	sdelay $0x3  }
0x16d: {  	[tilespmem:s20+$0x0] =	vst v3  }
0x16e: {  	v3 =	vld.idx.msk [tilespmem:v4+s22+$0x0], $0xffff  }
0x16f: {  	v4 =	vor.u32 $0xA, v2;
	_ =	sdelay $0x3  }
0x170: {  	[tilespmem:s20+$0x10] =	vst v3  }
0x171: {  	v3 =	vld.idx.msk [tilespmem:v4+s22+$0x0], $0xffff  }
0x172: {  	v4 =	vor.u32 $0xB, v2;
	_ =	sdelay $0x3  }
0x173: {  	[tilespmem:s20+$0x20] =	vst v3  }
0x174: {  	v3 =	vld.idx.msk [tilespmem:v4+s22+$0x0], $0xffff  }
0x175: {  	v4 =	vor.u32 $0xC, v2;
	_ =	sdelay $0x3  }
0x176: {  	[tilespmem:s20+$0x30] =	vst v3  }
0x177: {  	v3 =	vld.idx.msk [tilespmem:v4+s22+$0x0], $0xffff  }
0x178: {  	v4 =	vor.u32 $0xD, v2;
	_ =	sdelay $0x3  }
0x179: {  	[tilespmem:s20+$0x40] =	vst v3  }
0x17a: {  	v3 =	vld.idx.msk [tilespmem:v4+s22+$0x0], $0xffff  }
0x17b: {  	v4 =	vor.u32 $0xE, v2;
	_ =	sdelay $0x3  }
0x17c: {  	[tilespmem:s20+$0x50] =	vst v3  }
0x17d: {  	v3 =	vld.idx.msk [tilespmem:v4+s22+$0x0], $0xffff  }
0x17e: {  	v2 =	vor.u32 $0xF, v2;
	_ =	sdelay $0x3  }
0x17f: {  	[tilespmem:s20+$0x60] =	vst v3  }
0x180: {  	v2 =	vld.idx.msk [tilespmem:v2+s22+$0x0], $0xffff;
	_ =	sdelay $0x2  }
0x181: {  	s21 =	simm.s32 $0x185D0;
	s25 =	simm.s32 $0x1A1D0  }
0x182: {  	s31 =	simm.s32 $0x1BDD0;
	s19 =	simm.s32 $0x0;
	s7 =	simm.s32 $0x55D0  }
0x183: {  	s8 =	simm.s32 $0x4950;
	s11 =	simm.s32 $0x6FB0;
	s13 =	simm.s32 $0x6330;
	[tilespmem:s20+$0x70] =	vst v2  }
0x184: {  	[tilespmem:s21], [sflag:$0x2] =	stream.indirect.gather [spmem:s2], $0x1, s24, s28, $0xb8;
	[tilespmem:$0x1CBD0] =	vst v63  }
0x185: {  	s18 =	simm.s32 $0x56B0;
	s5 =	simm.s32 $0x4A30;
	s17 =	rddreg [dreg:$0x12]  }
0x186: {  	[tilespmem:s25], [sflag:$0x2] =	stream.indirect.gather [spmem:s3], $0x1, s24, s28, $0xb8;
	[tilespmem:$0x1CBD0] =	vst v63  }
0x187: {  	s30 =	rddreg [dreg:$0xf];
	v5 =	vimm.f32 $0.0e+00;
	s20 =	simm.s32 $0x6ED0;
	s21 =	simm.s32 $0x6250  }
0x188: {  	v4 =	vimm.f32 $0.0e+00;
	v3 =	vimm.f32 $-3.000000010e+38;
	v2 =	vimm.f32 $3.000000010e+38;
	[tilespmem:s31], [sflag:$0x2] =	stream.indirect.gather [spmem:s4], $0x1, s24, s28, $0xb8;
	[tilespmem:$0x1CBD0] =	vst v63  }
.LBB2_6:
0x189: {  	_ =	swait.ge [sflag:s12], $0xE00  }
0x18a: {  	[sflag:s12] =	ssyncset.done $0x0  }
0x18b: {  	[sflag:s12] =	ssyncadd.s32 $0xFFFFF200  }
0x18c: {  	_ =	swait.ge [sflag:s12], $0xE00  }
0x18d: {  	[sflag:s12] =	ssyncset.done $0x0  }
0x18e: {  	[sflag:s12] =	ssyncadd.s32 $0xFFFFF200  }
0x18f: {  	s31 =	simm.s32 $0x1B050;
	_ =	swait.ge [sflag:s12], $0xE00  }
0x190: {  	v6 =	vmov s8;
	s0 =	simm.s32 $0x19450;
	s15 =	simm.s32 $0x17850;
	[sflag:s12] =	ssyncset.done $0x0  }
0x191: {  	v7 =	vmov s7;
	v8 =	vmov s21;
	v9 =	vmov s20;
	s25 =	smov.u32 s30;
	s1 =	simm.s32 $0x0;
	[sflag:s12] =	ssyncadd.s32 $0xFFFFF200  }
.LBB2_7:
0x192: {  	v13 =	vld [tilespmem:s15+$0xFFFFFF80]  }
0x193: {  	v14 =	vld [tilespmem:s0+$0xFFFFFF80]  }
0x194: {  	s10 =	sshra.s32 s1, $0x2;
	v15 =	vld [tilespmem:s31+$0xFFFFFF80]  }
0x195: {  	v11 =	vld.idx.msk [tilespmem:v6+s10+$0x0 ss:$0x1], $0xffff  }
0x196: {  	v12 =	vld.idx.msk [tilespmem:v7+s10+$0x0 ss:$0x1], $0xffff  }
0x197: {  	v16 =	vld [tilespmem:s15+$0xFFFFFF90]  }
0x198: {  	v10 =	vld.idx.msk [tilespmem:v8+s10+$0x0 ss:$0x1], $0xffff  }
0x199: {  	v17 =	vld [tilespmem:s0+$0xFFFFFF90];
	_ =	sdelay $0x1  }
0x19a: {  	v18 =	vld [tilespmem:s31+$0xFFFFFF90];
	v13 =	vsub.f32 v13, v11;
	v14 =	vsub.f32 v14, v12;
	_ =	sdelay $0x1  }
0x19b: {  	v30 =	vld [tilespmem:s15+$0xFFFFFFA0];
	v15 =	vsub.f32 v15, v10;
	v13 =	vmul.f32 v13, v13;
	v14 =	vmul.f32 v14, v14  }
0x19c: {  	v32 =	vld [tilespmem:s0+$0xFFFFFFA0];
	v28 =	vsub.f32 v16, v11;
	v29 =	vsub.f32 v17, v12  }
0x19d: {  	v34 =	vld [tilespmem:s31+$0xFFFFFFA0];
	v27 =	vmul.f32 v15, v15;
	v13 =	vadd.f32 v14, v13  }
0x19e: {  	v24 =	vld [tilespmem:s0+$0xFFFFFFB0];
	v31 =	vsub.f32 v18, v10;
	v15 =	vmul.f32 v28, v28;
	v16 =	vmul.f32 v29, v29  }
0x19f: {  	v13 =	vadd.f32 v27, v13  }
0x1a0: {  	v33 =	vmul.f32 v31, v31;
	v15 =	vadd.f32 v16, v15  }
0x1a1: {  	v25 =	vld [tilespmem:s31+$0xFFFFFFB0];
	v35 =	vsub.f32 v32, v12;
	v19 =	vshra.s32 v13, $0x1;
	v20 =	vmul.f32 $5.000000000e-01, v13  }
0x1a2: {  	v17 =	vsub.f32 v34, v10;
	v15 =	vadd.f32 v33, v15;
	v19 =	vsub.s32 $0x5F3759DF, v19  }
0x1a3: {  	v48 =	vld [tilespmem:s15+$0xFFFFFFC0];
	v24 =	vsub.f32 v24, v12;
	v14 =	vsub.f32 v30, v11;
	v21 =	vmul.f32 v19, v20  }
0x1a4: {  	v26 =	vld [tilespmem:s15+$0xFFFFFFD0];
	v16 =	vmul.f32 v35, v35;
	v37 =	vshra.s32 v15, $0x1;
	v22 =	vmul.f32 $5.000000000e-01, v15  }
0x1a5: {  	v42 =	vld [tilespmem:s15+$0xFFFFFFB0];
	v14 =	vmul.f32 v14, v14;
	v36 =	vmul.f32 v19, v21;
	v21 =	vsub.s32 $0x5F3759DF, v37  }
0x1a6: {  	v47 =	vsub.f32 v25, v10;
	v38 =	vmul.f32 v17, v17;
	v23 =	vmul.f32 v21, v22  }
0x1a7: {  	v24 =	vmul.f32 v24, v24;
	v14 =	vadd.f32 v16, v14;
	v18 =	vsub.f32 $1.500000000e+00, v36  }
0x1a8: {  	v25 =	vsub.f32 v48, v11;
	v49 =	vmul.f32 v47, v47;
	v40 =	vmul.f32 v21, v23  }
0x1a9: {  	v30 =	vsub.f32 v26, v11;
	v14 =	vadd.f32 v38, v14;
	v39 =	vmul.f32 v19, v18  }
0x1aa: {  	v25 =	vmul.f32 v25, v25;
	v27 =	vld [tilespmem:s0+$0xFFFFFFD0];
	v19 =	vsub.f32 v42, v11;
	v18 =	vsub.f32 $1.500000000e+00, v40  }
0x1ab: {  	v53 =	vld [tilespmem:s31+$0xFFFFFFC0];
	v43 =	vshra.s32 v14, $0x1;
	v44 =	vmul.f32 $5.000000000e-01, v14;
	v41 =	vmul.f32 v39, v20  }
0x1ac: {  	v50 =	vld [tilespmem:s0+$0xFFFFFFC0];
	v20 =	vsub.s32 $0x5F3759DF, v43;
	v19 =	vmul.f32 v19, v19;
	v18 =	vmul.f32 v21, v18  }
0x1ad: {  	vm1 =	vgt.f32 v13, $9.999999960e-13;
	v45 =	vmul.f32 v20, v44;
	v16 =	vmul.f32 v41, v39  }
0x1ae: {  	v54 =	vsel vm1, $0x3F800000, v1;
	v19 =	vadd.f32 v24, v19;
	v22 =	vmul.f32 v18, v22  }
0x1af: {  	v31 =	vsub.f32 v27, v12;
	v21 =	vmul.f32 v20, v45;
	v16 =	vsub.f32 $1.500000000e+00, v16  }
0x1b0: {  	v35 =	vld [tilespmem:s31+$0xFFFFFFE0];
	v52 =	vadd.f32 v49, v19;
	v19 =	vsub.f32 v53, v10;
	v46 =	vmul.f32 v22, v18  }
0x1b1: {  	v59 =	vld [tilespmem:s31+$0xFFFFFFD0];
	v21 =	vsub.f32 $1.500000000e+00, v21;
	v22 =	vsub.f32 v50, v12;
	v16 =	vmul.f32 v16, v39  }
0x1b2: {  	v32 =	vld [tilespmem:s0+$0xFFFFFFE0];
	v55 =	vshra.s32 v52, $0x1;
	v56 =	vmul.f32 $5.000000000e-01, v52;
	v19 =	vmul.f32 v19, v19  }
0x1b3: {  	v63 =	vld [tilespmem:s15+$0xFFFFFFE0];
	v17 =	vsub.f32 $1.500000000e+00, v46;
	v20 =	vmul.f32 v20, v21;
	v22 =	vmul.f32 v22, v22  }
0x1b4: {  	v42 =	vld [tilespmem:s15+$0xFFFFFFF0];
	v23 =	vsub.s32 $0x5F3759DF, v55;
	v21 =	vmul.f32 v31, v31;
	v16 =	vmul.f32 v16, v13  }
0x1b5: {  	v40 =	vsub.f32 v35, v10;
	v57 =	vmul.f32 v23, v56;
	v17 =	vmul.f32 v17, v18  }
0x1b6: {  	v51 =	vmul.f32 v20, v44;
	v58 =	vadd.f32 v22, v25;
	v22 =	vsub.f32 v59, v10  }
0x1b7: {  	v25 =	vsub.f32 v32, v12;
	v16 =	vadd.f32 $0.0e+00, v16;
	v17 =	vmul.f32 v17, v15  }
0x1b8: {  	v13 =	vmul.f32 v51, v20;
	v62 =	vadd.f32 v19, v58;
	v38 =	vmul.f32 v22, v22  }
0x1b9: {  	v19 =	vsub.f32 v63, v11;
	v25 =	vmul.f32 v25, v25;
	v51 =	vsub.f32 v42, v11  }
0x1ba: {  	v43 =	vld [tilespmem:s0+$0xFFFFFFF0];
	v16 =	vnsel vm1, $0x0, v16;
	vm1 =	vgt.f32 v15, $9.999999960e-13;
	v15 =	vmul.f32 v23, v57  }
0x1bb: {  	v32 =	vld [tilespmem:s31+$0x0];
	v13 =	vsub.f32 $1.500000000e+00, v13;
	v17 =	vnsel vm1, $0x0, v17;
	v28 =	vsel vm1, $0x3F800000, v1  }
0x1bc: {  	vm1 =	vgt.f32 v14, $9.999999960e-13;
	v33 =	vshra.s32 v62, $0x1;
	v34 =	vmul.f32 $5.000000000e-01, v62  }
0x1bd: {  	v19 =	vmul.f32 v19, v19;
	v27 =	vmul.f32 v51, v51;
	v16 =	vadd.f32 v17, v16  }
0x1be: {  	v60 =	vadd.f32 v28, v54;
	v61 =	vsub.f32 $1.500000000e+00, v15;
	v39 =	vsel vm1, $0x3F800000, v1  }
0x1bf: {  	v13 =	vmul.f32 v13, v20;
	v19 =	vadd.f32 v25, v19;
	v25 =	vsub.f32 v43, v12  }
0x1c0: {  	v47 =	vld [tilespmem:s31+$0xFFFFFFF0];
	v20 =	vmul.f32 v30, v30;
	v17 =	vadd.f32 v39, v60;
	v39 =	vsub.f32 v32, v10  }
0x1c1: {  	v13 =	vmul.f32 v13, v14;
	v14 =	vmul.f32 v23, v61;
	v23 =	vsub.s32 $0x5F3759DF, v33  }
0x1c2: {  	v20 =	vadd.f32 v21, v20;
	v21 =	vmul.f32 v40, v40;
	v25 =	vmul.f32 v25, v25  }
0x1c3: {  	v37 =	vmul.f32 v23, v34;
	v42 =	vmul.f32 v39, v39;
	v13 =	vnsel vm1, $0x0, v13  }
0x1c4: {  	v36 =	vmul.f32 v14, v56;
	v20 =	vadd.f32 v38, v20;
	v19 =	vadd.f32 v21, v19  }
0x1c5: {  	vm1 =	vgt.f32 v52, $9.999999960e-13;
	v21 =	vsub.f32 v47, v10;
	v25 =	vadd.f32 v25, v27  }
0x1c6: {  	v59 =	vld [tilespmem:s0+$0x0];
	v13 =	vadd.f32 v13, v16;
	v24 =	vmul.f32 v23, v37;
	v56 =	vsel vm1, $0x3F800000, v1  }
0x1c7: {  	v16 =	vmul.f32 v36, v14;
	v41 =	vshra.s32 v20, $0x1;
	v29 =	vmul.f32 $5.000000000e-01, v20  }
0x1c8: {  	v49 =	vshra.s32 v19, $0x1;
	v50 =	vmul.f32 $5.000000000e-01, v19;
	v21 =	vmul.f32 v21, v21  }
0x1c9: {  	v17 =	vadd.f32 v56, v17;
	v24 =	vsub.f32 $1.500000000e+00, v24;
	v45 =	vsub.s32 $0x5F3759DF, v41  }
0x1ca: {  	v38 =	vld [tilespmem:s15+$0x10];
	v16 =	vsub.f32 $1.500000000e+00, v16;
	v46 =	vmul.f32 v45, v29;
	v21 =	vadd.f32 v21, v25  }
0x1cb: {  	v40 =	vld [tilespmem:s0+$0x10];
	v36 =	vsub.f32 v59, v12;
	v44 =	vmul.f32 v23, v24;
	v24 =	vsub.s32 $0x5F3759DF, v49  }
0x1cc: {  	v14 =	vmul.f32 v16, v14;
	v22 =	vmul.f32 v45, v46;
	v58 =	vshra.s32 v21, $0x1  }
0x1cd: {  	v25 =	vmul.f32 $5.000000000e-01, v21;
	v48 =	vmul.f32 v44, v34;
	v61 =	vsub.s32 $0x5F3759DF, v58  }
0x1ce: {  	v14 =	vmul.f32 v14, v52;
	v22 =	vsub.f32 $1.500000000e+00, v22;
	v52 =	vmul.f32 v24, v50  }
0x1cf: {  	v57 =	vld [tilespmem:s15+$0x0];
	v47 =	vsub.f32 v38, v11;
	v63 =	vmul.f32 v61, v25;
	v18 =	vmul.f32 v48, v44  }
0x1d0: {  	v48 =	vsub.f32 v40, v12;
	v22 =	vmul.f32 v45, v22;
	v53 =	vmul.f32 v24, v52  }
0x1d1: {  	v14 =	vnsel vm1, $0x0, v14;
	vm1 =	vgt.f32 v62, $9.999999960e-13;
	v52 =	vld [tilespmem:s31+$0x20];
	v18 =	vsub.f32 $1.500000000e+00, v18  }
0x1d2: {  	v35 =	vmul.f32 v61, v63;
	v55 =	vmul.f32 v22, v29;
	v23 =	vsub.f32 $1.500000000e+00, v53  }
0x1d3: {  	v49 =	vld [tilespmem:s0+$0x20];
	v13 =	vadd.f32 v14, v13;
	v33 =	vsel vm1, $0x3F800000, v1;
	v54 =	vmul.f32 v18, v44  }
0x1d4: {  	v18 =	vsub.f32 v57, v11;
	v16 =	vmul.f32 v55, v22;
	v23 =	vmul.f32 v24, v23  }
0x1d5: {  	v37 =	vsub.f32 $1.500000000e+00, v35;
	v24 =	vmul.f32 v36, v36;
	v14 =	vmul.f32 v54, v62  }
0x1d6: {  	v40 =	vld [tilespmem:s15+$0x40];
	v18 =	vmul.f32 v18, v18;
	v58 =	vsub.f32 v52, v10;
	v60 =	vsub.f32 $1.500000000e+00, v16  }
0x1d7: {  	v62 =	vmul.f32 v23, v50;
	v16 =	vmul.f32 v61, v37;
	v14 =	vnsel vm1, $0x0, v14  }
0x1d8: {  	vm1 =	vgt.f32 v20, $9.999999960e-13;
	v18 =	vadd.f32 v24, v18;
	v24 =	vsub.f32 v49, v12  }
0x1d9: {  	v13 =	vadd.f32 v14, v13;
	v15 =	vmul.f32 v60, v22;
	v14 =	vadd.f32 v33, v17  }
0x1da: {  	v43 =	vld [tilespmem:s31+$0x10];
	v34 =	vmul.f32 v62, v23;
	v41 =	vsel vm1, $0x3F800000, v1;
	v45 =	vmul.f32 v16, v25  }
0x1db: {  	v52 =	vld [tilespmem:s0+$0x50];
	v22 =	vmul.f32 v48, v48;
	v48 =	vsub.f32 v40, v11;
	v18 =	vadd.f32 v42, v18  }
0x1dc: {  	v24 =	vmul.f32 v24, v24;
	v15 =	vmul.f32 v15, v20;
	v17 =	vsub.f32 $1.500000000e+00, v34  }
0x1dd: {  	v60 =	vld [tilespmem:s15+$0x30];
	v14 =	vadd.f32 v41, v14;
	v20 =	vmul.f32 v47, v47;
	v50 =	vshra.s32 v18, $0x1  }
0x1de: {  	v46 =	vld [tilespmem:s15+$0x20];
	v51 =	vmul.f32 $5.000000000e-01, v18;
	v15 =	vnsel vm1, $0x0, v15;
	v17 =	vmul.f32 v17, v23  }
0x1df: {  	vm1 =	vgt.f32 v19, $9.999999960e-13;
	v23 =	vsub.f32 v43, v10;
	v54 =	vsub.s32 $0x5F3759DF, v50  }
0x1e0: {  	v20 =	vadd.f32 v22, v20;
	v22 =	vmul.f32 v58, v58;
	v58 =	vsub.f32 v52, v12  }
0x1e1: {  	v13 =	vadd.f32 v15, v13;
	v25 =	vmul.f32 v54, v51;
	v56 =	vsel vm1, $0x3F800000, v1  }
0x1e2: {  	v35 =	vsub.f32 v60, v11;
	v44 =	vmul.f32 v17, v19;
	v17 =	vmul.f32 v45, v16  }
0x1e3: {  	v62 =	vld [tilespmem:s0+$0x30];
	v55 =	vmul.f32 v23, v23;
	v19 =	vsub.f32 v46, v11;
	v14 =	vadd.f32 v56, v14  }
0x1e4: {  	v57 =	vmul.f32 v54, v25;
	v26 =	vmul.f32 v35, v35;
	v15 =	vnsel vm1, $0x0, v44  }
0x1e5: {  	v45 =	vld [tilespmem:s31+$0x40];
	v53 =	vsub.f32 $1.500000000e+00, v17;
	v20 =	vadd.f32 v55, v20;
	vm1 =	vgt.f32 v21, $9.999999960e-13  }
0x1e6: {  	v31 =	vld [tilespmem:s31+$0x30];
	v19 =	vmul.f32 v19, v19;
	v13 =	vadd.f32 v15, v13;
	v37 =	vsel vm1, $0x3F800000, v1  }
0x1e7: {  	v15 =	vmul.f32 v53, v16;
	v16 =	vsub.f32 $1.500000000e+00, v57;
	v59 =	vshra.s32 v20, $0x1  }
0x1e8: {  	v61 =	vmul.f32 $5.000000000e-01, v20;
	v19 =	vadd.f32 v24, v19;
	v24 =	vsub.f32 v62, v12  }
0x1e9: {  	v14 =	vadd.f32 v37, v14;
	v63 =	vsub.s32 $0x5F3759DF, v59;
	v15 =	vmul.f32 v15, v21  }
0x1ea: {  	v27 =	vsub.f32 v45, v10;
	v16 =	vmul.f32 v54, v16;
	v30 =	vmul.f32 v63, v61  }
0x1eb: {  	v19 =	vadd.f32 v22, v19;
	v22 =	vsub.f32 v31, v10;
	v24 =	vmul.f32 v24, v24  }
0x1ec: {  	v15 =	vnsel vm1, $0x0, v15;
	v32 =	vmul.f32 v16, v51;
	v21 =	vmul.f32 v63, v30  }
0x1ed: {  	v41 =	vld [tilespmem:s0+$0x40];
	v33 =	vshra.s32 v19, $0x1;
	v34 =	vmul.f32 $5.000000000e-01, v19;
	v24 =	vadd.f32 v24, v26  }
0x1ee: {  	v59 =	vld [tilespmem:s15+$0x60];
	v22 =	vmul.f32 v22, v22;
	vm1 =	vgt.f32 v18, $9.999999960e-13;
	v51 =	vmul.f32 v27, v27  }
0x1ef: {  	vm2 =	vgt.f32 v19, $9.999999960e-13;
	v23 =	vsub.s32 $0x5F3759DF, v33;
	v21 =	vsub.f32 $1.500000000e+00, v21  }
0x1f0: {  	v13 =	vadd.f32 v15, v13;
	v15 =	vmul.f32 v32, v16;
	v36 =	vmul.f32 v23, v34  }
0x1f1: {  	v49 =	vsel vm1, $0x3F800000, v1;
	v22 =	vadd.f32 v22, v24;
	v17 =	vmul.f32 v63, v21  }
0x1f2: {  	v24 =	vsub.f32 v41, v12;
	v15 =	vsub.f32 $1.500000000e+00, v15;
	v38 =	vmul.f32 v23, v36  }
0x1f3: {  	v14 =	vadd.f32 v49, v14;
	v35 =	vsub.f32 v59, v11;
	v39 =	vmul.f32 v17, v61  }
0x1f4: {  	v44 =	vmul.f32 $5.000000000e-01, v22;
	v15 =	vmul.f32 v15, v16;
	v21 =	vsub.f32 $1.500000000e+00, v38  }
0x1f5: {  	v43 =	vshra.s32 v22, $0x1;
	v24 =	vmul.f32 v24, v24;
	v61 =	vld [tilespmem:s0+$0x60];
	v16 =	vmul.f32 v39, v17  }
0x1f6: {  	v30 =	vld [tilespmem:s0+$0x70];
	v15 =	vmul.f32 v15, v18;
	v42 =	vmul.f32 v23, v21;
	v21 =	vsub.s32 $0x5F3759DF, v43  }
0x1f7: {  	v63 =	vsel vm2, $0x3F800000, v1;
	v47 =	vmul.f32 v21, v44;
	v16 =	vsub.f32 $1.500000000e+00, v16  }
0x1f8: {  	v50 =	vld [tilespmem:s15+$0x50];
	v15 =	vnsel vm1, $0x0, v15;
	v46 =	vmul.f32 v42, v34;
	vm1 =	vgt.f32 v20, $9.999999960e-13  }
0x1f9: {  	v54 =	vld [tilespmem:s31+$0x50];
	v13 =	vadd.f32 v15, v13;
	v16 =	vmul.f32 v16, v17;
	v17 =	vmul.f32 v48, v48  }
0x1fa: {  	v25 =	vmul.f32 v21, v47;
	v53 =	vsel vm1, $0x3F800000, v1;
	v36 =	vsub.f32 v61, v12  }
0x1fb: {  	v12 =	vsub.f32 v30, v12;
	v15 =	vmul.f32 v46, v42;
	v17 =	vadd.f32 v24, v17  }
0x1fc: {  	v62 =	vld [tilespmem:s15+$0x70];
	v14 =	vadd.f32 v53, v14;
	v25 =	vsub.f32 $1.500000000e+00, v25;
	v26 =	vmul.f32 v36, v36  }
0x1fd: {  	v12 =	vmul.f32 v12, v12;
	v15 =	vsub.f32 $1.500000000e+00, v15;
	v17 =	vadd.f32 v51, v17  }
0x1fe: {  	v16 =	vmul.f32 v16, v20;
	v20 =	vsub.f32 v50, v11;
	v24 =	vsub.f32 v54, v10  }
0x1ff: {  	v14 =	vadd.f32 v63, v14;
	v56 =	vshra.s32 v17, $0x1;
	v57 =	vmul.f32 $5.000000000e-01, v17  }
0x200: {  	v32 =	vld [tilespmem:s31+$0x60];
	v21 =	vmul.f32 v21, v25;
	v25 =	vmul.f32 v58, v58;
	v18 =	vsub.s32 $0x5F3759DF, v56  }
0x201: {  	v33 =	vld [tilespmem:s31+$0x70];
	v11 =	vsub.f32 v62, v11;
	v15 =	vmul.f32 v15, v42;
	v60 =	vmul.f32 v18, v57  }
0x202: {  	v16 =	vnsel vm1, $0x0, v16;
	v20 =	vmul.f32 v20, v20;
	v24 =	vmul.f32 v24, v24  }
0x203: {  	vm1 =	vgt.f32 v22, $9.999999960e-13;
	v15 =	vmul.f32 v15, v19;
	v19 =	vmul.f32 v18, v60  }
0x204: {  	v11 =	vmul.f32 v11, v11;
	v13 =	vadd.f32 v16, v13;
	v20 =	vadd.f32 v25, v20  }
0x205: {  	v55 =	vmul.f32 v21, v44;
	v25 =	vsub.f32 v32, v10;
	v19 =	vsub.f32 $1.500000000e+00, v19  }
0x206: {  	v34 =	vsel vm1, $0x3F800000, v1;
	v10 =	vsub.f32 v33, v10;
	v11 =	vadd.f32 v12, v11  }
0x207: {  	v40 =	vadd.f32 v34, v14;
	v18 =	vmul.f32 v18, v19;
	v19 =	vmul.f32 v35, v35  }
0x208: {  	v16 =	vmul.f32 v55, v21;
	v15 =	vnsel vm2, $0x0, v15;
	v20 =	vadd.f32 v24, v20  }
0x209: {  	v25 =	vmul.f32 v25, v25;
	vm2 =	vgt.f32 v17, $9.999999960e-13;
	v19 =	vadd.f32 v26, v19  }
0x20a: {  	v10 =	vmul.f32 v10, v10;
	v16 =	vsub.f32 $1.500000000e+00, v16;
	v46 =	vsel vm2, $0x3F800000, v1  }
0x20b: {  	v37 =	vshra.s32 v20, $0x1;
	v38 =	vmul.f32 $5.000000000e-01, v20;
	v19 =	vadd.f32 v25, v19  }
0x20c: {  	v10 =	vadd.f32 v10, v11;
	v12 =	vadd.f32 v46, v40;
	v39 =	vsub.s32 $0x5F3759DF, v37  }
0x20d: {  	v41 =	vmul.f32 v39, v38;
	v42 =	vshra.s32 v19, $0x1;
	v43 =	vmul.f32 $5.000000000e-01, v19  }
0x20e: {  	vm3 =	vgt.f32 v20, $9.999999960e-13;
	v16 =	vmul.f32 v16, v21;
	v14 =	vsub.s32 $0x5F3759DF, v42  }
0x20f: {  	v49 =	vsel vm3, $0x3F800000, v1;
	v11 =	vmul.f32 v39, v41;
	v47 =	vmul.f32 v14, v43  }
0x210: {  	v44 =	vshra.s32 v10, $0x1;
	v45 =	vmul.f32 $5.000000000e-01, v10;
	v16 =	vmul.f32 v16, v22  }
0x211: {  	v11 =	vsub.f32 $1.500000000e+00, v11;
	v25 =	vsub.s32 $0x5F3759DF, v44;
	v29 =	vmul.f32 v14, v47  }
0x212: {  	v12 =	vadd.f32 v49, v12;
	v23 =	vmul.f32 v18, v57;
	v48 =	vmul.f32 v25, v45  }
0x213: {  	v16 =	vnsel vm1, $0x0, v16;
	v11 =	vmul.f32 v39, v11;
	v50 =	vsub.f32 $1.500000000e+00, v29  }
0x214: {  	vm1 =	vgt.f32 v10, $9.999999960e-13;
	v23 =	vmul.f32 v23, v18;
	v28 =	vmul.f32 v25, v48  }
0x215: {  	vm4 =	vgt.f32 v19, $9.999999960e-13;
	v21 =	vmul.f32 v11, v38;
	v14 =	vmul.f32 v14, v50  }
0x216: {  	v23 =	vsub.f32 $1.500000000e+00, v23;
	v51 =	vsel vm4, $0x3F800000, v1;
	v28 =	vsub.f32 $1.500000000e+00, v28  }
0x217: {  	v12 =	vadd.f32 v51, v12;
	v21 =	vmul.f32 v21, v11;
	v24 =	vmul.f32 v14, v43  }
0x218: {  	v53 =	vsel vm1, $0x3F800000, v1;
	v18 =	vmul.f32 v23, v18;
	v52 =	vmul.f32 v25, v28  }
0x219: {  	v21 =	vsub.f32 $1.500000000e+00, v21;
	v12 =	vadd.f32 v53, v12;
	v54 =	vmul.f32 v24, v14  }
0x21a: {  	v13 =	vadd.f32 v15, v13;
	v56 =	vmul.f32 v18, v17;
	v55 =	vmul.f32 v52, v45  }
0x21b: {  	v11 =	vmul.f32 v21, v11;
	v59 =	vmax.f32 v12, $1.000000000e+00;
	v57 =	vsub.f32 $1.500000000e+00, v54  }
0x21c: {  	v13 =	vadd.f32 v16, v13;
	(erf) = vrcp.f32 v59;
	v58 =	vmul.f32 v55, v52  }
0x21d: {  	v15 =	vnsel vm2, $0x0, v56;
	v11 =	vmul.f32 v11, v20;
	v14 =	vmul.f32 v57, v14  }
0x21e: {  	v13 =	vadd.f32 v15, v13;
	v60 =	vsub.f32 $1.500000000e+00, v58  }
0x21f: {  	v11 =	vnsel vm3, $0x0, v11;
	v14 =	vmul.f32 v14, v19  }
0x220: {  	v11 =	vadd.f32 v11, v13;
	v61 =	vmul.f32 v60, v52  }
0x221: {  	v62 =	vnsel vm4, $0x0, v14  }
0x222: {  	v10 =	vmul.f32 v61, v10;
	v11 =	vadd.f32 v62, v11;
	_ =	sdelay $0x1  }
0x223: {  	v10 =	vnsel vm1, $0x0, v10  }
0x224: {  	p1 =	sge.u32 s25, s6;
	vm1 =	vmmov vm0;
	v10 =	vadd.f32 v10, v11  }
0x225: {  	vm1 =	vmneg @p1 vm1;
	p1 =	sne.s32 s1, $0x340;
	v11 =	vpop (erf)  }
.Ltmp4:
0x226: {  	vm2 =	vgt.f32 v12, $0.0e+00;
	v10 =	vmul.f32 v10, v11;
	(pc) =	sbr.rel @p1 .LBB2_7-.Ltmp4, $4  }
0x227: {  	vm1 =	vmand vm1, vm2  }
0x228: {  	v11 =	vnsel vm1, $0x0, v10;
	v63 =	vnsel vm1, $0x7F61B1E6, v10  }
0x229: {  	s25 =	sadd.s32 $0x10, s25;
	s15 =	sadd.s32 $0x100, s15;
	[tilespmem:v9+s10+$0x0 ss:$0x1] =	vst.idx.msk $0xffff, v10;
	v10 =	vnsel vm1, $0xFF61B1E6, v10;
	v5 =	vadd.f32 v11, v5;
	v11 =	vsel vm1, $0x3F800000, v1  }
0x22a: {  	s31 =	sadd.s32 $0x100, s31;
	s0 =	sadd.s32 $0x100, s0;
	s1 =	sadd.s32 $0x40, s1;
	v2 =	vmin.f32 v2, v63;
	v3 =	vmax.f32 v3, v10;
	v4 =	vadd.f32 v11, v4  }
0x22b: {  	p1 =	seq.s32 s19, $0x6  }
.Ltmp5:
0x22c: {  	_ = 	snop;
	(pc) =	sbr.rel @p1 .LBB2_12-.Ltmp5, $1  }
0x22d: {  	_ =	sdelay $0x3  }
0x22e: {  	s0 =	smul.u32 $0x1C0, s19  }
0x22f: {  	s1 =	simm.s32 $0x0;
	s10 =	rddreg [dreg:$0xd]  }
0x230: {  	v6 =	vmov s1;
	s0 =	sadd.s32 s0, s10  }
0x231: {  	v6 =	vshll.u32 v6, $0x7;
	s0 =	sshll.u32 s0, $0x4  }
0x232: {  	v6 =	vor.u32 v0, v6;
	s0 =	sadd.s32 s9, s0  }
0x233: {  	[tilespmem:s26], [sflag:$0x3] =	stream.linear.gather [hbm4b:s0+s1], $0x7000, $0x38;
	[tilespmem:$0x1CBD0] =	vst v63  }
0x234: {  	_ =	swait.ge [sflag:s23], $0x7000  }
0x235: {  	[sflag:s23] =	ssyncset.done $0x0  }
0x236: {  	[sflag:s23] =	ssyncadd.s32 $0xFFFF9000  }
0x237: {  	v7 =	vld.idx.msk [tilespmem:v6+s26+$0x0], $0xffff  }
0x238: {  	v8 =	vor.u32 $0x1, v6;
	_ =	sdelay $0x2  }
0x239: {  	s0 =	simm.s32 $0x15C50  }
0x23a: {  	[tilespmem:s0+$0xFFFFFF80] =	vst v7  }
0x23b: {  	v7 =	vld.idx.msk [tilespmem:v8+s26+$0x0], $0xffff  }
0x23c: {  	v8 =	vor.u32 $0x2, v6;
	_ =	sdelay $0x3  }
0x23d: {  	[tilespmem:s0+$0xFFFFFF90] =	vst v7  }
0x23e: {  	v7 =	vld.idx.msk [tilespmem:v8+s26+$0x0], $0xffff  }
0x23f: {  	v8 =	vor.u32 $0x3, v6;
	_ =	sdelay $0x3  }
0x240: {  	[tilespmem:s0+$0xFFFFFFA0] =	vst v7  }
0x241: {  	v7 =	vld.idx.msk [tilespmem:v8+s26+$0x0], $0xffff  }
0x242: {  	v8 =	vor.u32 $0x4, v6;
	_ =	sdelay $0x3  }
0x243: {  	[tilespmem:s0+$0xFFFFFFB0] =	vst v7  }
0x244: {  	v7 =	vld.idx.msk [tilespmem:v8+s26+$0x0], $0xffff  }
0x245: {  	v8 =	vor.u32 $0x5, v6;
	_ =	sdelay $0x3  }
0x246: {  	[tilespmem:s0+$0xFFFFFFC0] =	vst v7  }
0x247: {  	v7 =	vld.idx.msk [tilespmem:v8+s26+$0x0], $0xffff  }
0x248: {  	v8 =	vor.u32 $0x6, v6;
	_ =	sdelay $0x3  }
0x249: {  	[tilespmem:s0+$0xFFFFFFD0] =	vst v7  }
0x24a: {  	v7 =	vld.idx.msk [tilespmem:v8+s26+$0x0], $0xffff  }
0x24b: {  	v8 =	vor.u32 $0x7, v6;
	_ =	sdelay $0x3  }
0x24c: {  	[tilespmem:s0+$0xFFFFFFE0] =	vst v7  }
0x24d: {  	v7 =	vld.idx.msk [tilespmem:v8+s26+$0x0], $0xffff  }
0x24e: {  	v8 =	vor.u32 $0x8, v6;
	_ =	sdelay $0x3  }
0x24f: {  	[tilespmem:s0+$0xFFFFFFF0] =	vst v7  }
0x250: {  	v7 =	vld.idx.msk [tilespmem:v8+s26+$0x0], $0xffff  }
0x251: {  	v8 =	vor.u32 $0x9, v6;
	_ =	sdelay $0x3  }
0x252: {  	[tilespmem:s0+$0x0] =	vst v7  }
0x253: {  	v7 =	vld.idx.msk [tilespmem:v8+s26+$0x0], $0xffff  }
0x254: {  	v8 =	vor.u32 $0xA, v6;
	_ =	sdelay $0x3  }
0x255: {  	[tilespmem:s0+$0x10] =	vst v7  }
0x256: {  	v7 =	vld.idx.msk [tilespmem:v8+s26+$0x0], $0xffff  }
0x257: {  	v8 =	vor.u32 $0xB, v6;
	_ =	sdelay $0x3  }
0x258: {  	[tilespmem:s0+$0x20] =	vst v7  }
0x259: {  	v7 =	vld.idx.msk [tilespmem:v8+s26+$0x0], $0xffff  }
0x25a: {  	v8 =	vor.u32 $0xC, v6;
	_ =	sdelay $0x3  }
0x25b: {  	[tilespmem:s0+$0x30] =	vst v7  }
0x25c: {  	v7 =	vld.idx.msk [tilespmem:v8+s26+$0x0], $0xffff  }
0x25d: {  	v8 =	vor.u32 $0xD, v6;
	_ =	sdelay $0x3  }
0x25e: {  	[tilespmem:s0+$0x40] =	vst v7  }
0x25f: {  	v7 =	vld.idx.msk [tilespmem:v8+s26+$0x0], $0xffff  }
0x260: {  	v8 =	vor.u32 $0xE, v6;
	_ =	sdelay $0x3  }
0x261: {  	[tilespmem:s0+$0x50] =	vst v7  }
0x262: {  	v7 =	vld.idx.msk [tilespmem:v8+s26+$0x0], $0xffff  }
0x263: {  	v8 =	vor.u32 $0xF, v6;
	_ =	sdelay $0x3  }
0x264: {  	s31 =	simm.s32 $0x10;
	[tilespmem:s0+$0x60] =	vst v7  }
0x265: {  	s1 =	simm.s32 $0x20;
	v6 =	vmov s31;
	v7 =	vld.idx.msk [tilespmem:v8+s26+$0x0], $0xffff  }
.LBB2_10:
0x266: {  	p2 =	sne.s32 s1, $0xD0;
	v6 =	vshll.u32 v6, $0x7  }
0x267: {  	v6 =	vor.u32 v0, v6;
	_ =	sdelay $0x3  }
0x268: {  	[tilespmem:s0+$0x70] =	vst v7  }
0x269: {  	v7 =	vld.idx.msk [tilespmem:v6+s26+$0x0], $0xffff;
	_ =	sdelay $0x1  }
0x26a: {  	v8 =	vor.u32 $0x1, v6;
	_ =	sdelay $0x2  }
0x26b: {  	s0 =	sadd.s32 $0x100, s0  }
0x26c: {  	[tilespmem:s0+$0xFFFFFF80] =	vst v7  }
0x26d: {  	v7 =	vld.idx.msk [tilespmem:v8+s26+$0x0], $0xffff;
	_ =	sdelay $0x1  }
0x26e: {  	v8 =	vor.u32 $0x2, v6;
	_ =	sdelay $0x3  }
0x26f: {  	[tilespmem:s0+$0xFFFFFF90] =	vst v7  }
0x270: {  	v7 =	vld.idx.msk [tilespmem:v8+s26+$0x0], $0xffff;
	_ =	sdelay $0x1  }
0x271: {  	v8 =	vor.u32 $0x3, v6;
	_ =	sdelay $0x3  }
0x272: {  	[tilespmem:s0+$0xFFFFFFA0] =	vst v7  }
0x273: {  	v7 =	vld.idx.msk [tilespmem:v8+s26+$0x0], $0xffff;
	_ =	sdelay $0x1  }
0x274: {  	v8 =	vor.u32 $0x4, v6;
	_ =	sdelay $0x3  }
0x275: {  	[tilespmem:s0+$0xFFFFFFB0] =	vst v7  }
0x276: {  	v7 =	vld.idx.msk [tilespmem:v8+s26+$0x0], $0xffff;
	_ =	sdelay $0x1  }
0x277: {  	v8 =	vor.u32 $0x5, v6;
	_ =	sdelay $0x3  }
0x278: {  	[tilespmem:s0+$0xFFFFFFC0] =	vst v7  }
0x279: {  	v7 =	vld.idx.msk [tilespmem:v8+s26+$0x0], $0xffff;
	_ =	sdelay $0x1  }
0x27a: {  	v8 =	vor.u32 $0x6, v6;
	_ =	sdelay $0x3  }
0x27b: {  	[tilespmem:s0+$0xFFFFFFD0] =	vst v7  }
0x27c: {  	v7 =	vld.idx.msk [tilespmem:v8+s26+$0x0], $0xffff;
	_ =	sdelay $0x1  }
0x27d: {  	v8 =	vor.u32 $0x7, v6;
	_ =	sdelay $0x3  }
0x27e: {  	[tilespmem:s0+$0xFFFFFFE0] =	vst v7  }
0x27f: {  	v7 =	vld.idx.msk [tilespmem:v8+s26+$0x0], $0xffff;
	_ =	sdelay $0x1  }
0x280: {  	v8 =	vor.u32 $0x8, v6;
	_ =	sdelay $0x3  }
0x281: {  	[tilespmem:s0+$0xFFFFFFF0] =	vst v7  }
0x282: {  	v7 =	vld.idx.msk [tilespmem:v8+s26+$0x0], $0xffff;
	_ =	sdelay $0x1  }
0x283: {  	v8 =	vor.u32 $0x9, v6;
	_ =	sdelay $0x3  }
0x284: {  	[tilespmem:s0+$0x0] =	vst v7  }
0x285: {  	v7 =	vld.idx.msk [tilespmem:v8+s26+$0x0], $0xffff;
	_ =	sdelay $0x1  }
0x286: {  	v8 =	vor.u32 $0xA, v6;
	_ =	sdelay $0x3  }
0x287: {  	[tilespmem:s0+$0x10] =	vst v7  }
0x288: {  	v7 =	vld.idx.msk [tilespmem:v8+s26+$0x0], $0xffff;
	_ =	sdelay $0x1  }
0x289: {  	v8 =	vor.u32 $0xB, v6;
	_ =	sdelay $0x3  }
0x28a: {  	[tilespmem:s0+$0x20] =	vst v7  }
0x28b: {  	v7 =	vld.idx.msk [tilespmem:v8+s26+$0x0], $0xffff;
	_ =	sdelay $0x1  }
0x28c: {  	v8 =	vor.u32 $0xC, v6;
	_ =	sdelay $0x3  }
0x28d: {  	[tilespmem:s0+$0x30] =	vst v7  }
0x28e: {  	v7 =	vld.idx.msk [tilespmem:v8+s26+$0x0], $0xffff;
	_ =	sdelay $0x1  }
0x28f: {  	v8 =	vor.u32 $0xD, v6;
	_ =	sdelay $0x3  }
0x290: {  	[tilespmem:s0+$0x40] =	vst v7  }
0x291: {  	v7 =	vld.idx.msk [tilespmem:v8+s26+$0x0], $0xffff;
	_ =	sdelay $0x1  }
0x292: {  	v8 =	vor.u32 $0xE, v6;
	_ =	sdelay $0x3  }
0x293: {  	[tilespmem:s0+$0x50] =	vst v7  }
0x294: {  	v7 =	vld.idx.msk [tilespmem:v8+s26+$0x0], $0xffff;
	_ =	sdelay $0x1  }
0x295: {  	v8 =	vor.u32 $0xF, v6  }
.Ltmp6:
0x296: {  	(pc) =	sbr.rel @p2 .LBB2_10-.Ltmp6, $3  }
0x297: {  	_ =	sdelay $0x1  }
0x298: {  	[tilespmem:s0+$0x60] =	vst v7  }
0x299: {  	v6 =	vmov s1;
	s1 =	sadd.s32 $0x10, s1;
	v7 =	vld.idx.msk [tilespmem:v8+s26+$0x0], $0xffff  }
0x29a: {  	v6 =	vshll.u32 v6, $0x7  }
0x29b: {  	v6 =	vor.u32 v0, v6;
	_ =	sdelay $0x3  }
0x29c: {  	[tilespmem:s0+$0x70] =	vst v7  }
0x29d: {  	v7 =	vld.idx.msk [tilespmem:v6+s26+$0x0], $0xffff  }
0x29e: {  	v8 =	vor.u32 $0x1, v6;
	_ =	sdelay $0x2  }
0x29f: {  	s10 =	sadd.s32 $0x100, s0  }
0x2a0: {  	[tilespmem:s10+$0xFFFFFF80] =	vst v7  }
0x2a1: {  	v7 =	vld.idx.msk [tilespmem:v8+s26+$0x0], $0xffff  }
0x2a2: {  	v51 =	vor.u32 $0x2, v6;
	_ =	sdelay $0x3  }
0x2a3: {  	[tilespmem:s10+$0xFFFFFF90] =	vst v7  }
0x2a4: {  	v7 =	vld.idx.msk [tilespmem:v51+s26+$0x0], $0xffff  }
0x2a5: {  	v52 =	vor.u32 $0x3, v6;
	_ =	sdelay $0x3  }
0x2a6: {  	[tilespmem:s10+$0xFFFFFFA0] =	vst v7  }
0x2a7: {  	v7 =	vld.idx.msk [tilespmem:v52+s26+$0x0], $0xffff  }
0x2a8: {  	v53 =	vor.u32 $0x4, v6;
	_ =	sdelay $0x3  }
0x2a9: {  	[tilespmem:s10+$0xFFFFFFB0] =	vst v7  }
0x2aa: {  	v7 =	vld.idx.msk [tilespmem:v53+s26+$0x0], $0xffff  }
0x2ab: {  	v54 =	vor.u32 $0x5, v6;
	_ =	sdelay $0x3  }
0x2ac: {  	[tilespmem:s10+$0xFFFFFFC0] =	vst v7  }
0x2ad: {  	v7 =	vld.idx.msk [tilespmem:v54+s26+$0x0], $0xffff  }
0x2ae: {  	v55 =	vor.u32 $0x6, v6;
	_ =	sdelay $0x3  }
0x2af: {  	[tilespmem:s10+$0xFFFFFFD0] =	vst v7  }
0x2b0: {  	v7 =	vld.idx.msk [tilespmem:v55+s26+$0x0], $0xffff  }
0x2b1: {  	v56 =	vor.u32 $0x7, v6;
	_ =	sdelay $0x3  }
0x2b2: {  	[tilespmem:s10+$0xFFFFFFE0] =	vst v7  }
0x2b3: {  	v7 =	vld.idx.msk [tilespmem:v56+s26+$0x0], $0xffff  }
0x2b4: {  	v57 =	vor.u32 $0x8, v6;
	_ =	sdelay $0x3  }
0x2b5: {  	[tilespmem:s10+$0xFFFFFFF0] =	vst v7  }
0x2b6: {  	v7 =	vld.idx.msk [tilespmem:v57+s26+$0x0], $0xffff  }
0x2b7: {  	v58 =	vor.u32 $0x9, v6;
	_ =	sdelay $0x3  }
0x2b8: {  	[tilespmem:s10+$0x0] =	vst v7  }
0x2b9: {  	v7 =	vld.idx.msk [tilespmem:v58+s26+$0x0], $0xffff  }
0x2ba: {  	v59 =	vor.u32 $0xA, v6;
	_ =	sdelay $0x3  }
0x2bb: {  	[tilespmem:s10+$0x10] =	vst v7  }
0x2bc: {  	v7 =	vld.idx.msk [tilespmem:v59+s26+$0x0], $0xffff  }
0x2bd: {  	v60 =	vor.u32 $0xB, v6;
	_ =	sdelay $0x3  }
0x2be: {  	[tilespmem:s10+$0x20] =	vst v7  }
0x2bf: {  	v7 =	vld.idx.msk [tilespmem:v60+s26+$0x0], $0xffff  }
0x2c0: {  	v61 =	vor.u32 $0xC, v6;
	_ =	sdelay $0x3  }
0x2c1: {  	[tilespmem:s10+$0x30] =	vst v7  }
0x2c2: {  	v7 =	vld.idx.msk [tilespmem:v61+s26+$0x0], $0xffff  }
0x2c3: {  	v62 =	vor.u32 $0xD, v6;
	_ =	sdelay $0x3  }
0x2c4: {  	[tilespmem:s10+$0x40] =	vst v7  }
0x2c5: {  	v7 =	vld.idx.msk [tilespmem:v62+s26+$0x0], $0xffff  }
0x2c6: {  	v63 =	vor.u32 $0xE, v6;
	_ =	sdelay $0x3  }
0x2c7: {  	[tilespmem:s10+$0x50] =	vst v7  }
0x2c8: {  	v7 =	vld.idx.msk [tilespmem:v63+s26+$0x0], $0xffff  }
0x2c9: {  	v6 =	vor.u32 $0xF, v6;
	_ =	sdelay $0x3  }
0x2ca: {  	[tilespmem:s10+$0x60] =	vst v7  }
0x2cb: {  	v6 =	vld.idx.msk [tilespmem:v6+s26+$0x0], $0xffff;
	_ =	sdelay $0x4  }
0x2cc: {  	s15 =	simm.s32 $0x177D0;
	[tilespmem:s10+$0x70] =	vst v6  }
0x2cd: {  	[tilespmem:s15], [sflag:$0x1] =	stream.indirect.gather [spmem:s2], $0x1, s29, s28, $0xb8;
	[tilespmem:$0x1CBD0] =	vst v63  }
0x2ce: {  	s25 =	simm.s32 $0x193D0  }
0x2cf: {  	[tilespmem:s25], [sflag:$0x1] =	stream.indirect.gather [spmem:s3], $0x1, s29, s28, $0xb8;
	[tilespmem:$0x1CBD0] =	vst v63  }
0x2d0: {  	s31 =	simm.s32 $0x1AFD0  }
0x2d1: {  	[tilespmem:s31], [sflag:$0x1] =	stream.indirect.gather [spmem:s4], $0x1, s29, s28, $0xb8;
	[tilespmem:$0x1CBD0] =	vst v63  }
.LBB2_12:
0x2d2: {  	_ =	swait.ge [sflag:s14], $0xE00  }
0x2d3: {  	[sflag:s14] =	ssyncset.done $0x0  }
0x2d4: {  	[sflag:s14] =	ssyncadd.s32 $0xFFFFF200  }
0x2d5: {  	_ =	swait.ge [sflag:s14], $0xE00  }
0x2d6: {  	[sflag:s14] =	ssyncset.done $0x0  }
0x2d7: {  	[sflag:s14] =	ssyncadd.s32 $0xFFFFF200  }
0x2d8: {  	s31 =	simm.s32 $0x0;
	_ =	swait.ge [sflag:s14], $0xE00  }
0x2d9: {  	v6 =	vmov s5;
	s0 =	simm.s32 $0x1BE50;
	s15 =	simm.s32 $0x1A250;
	[sflag:s14] =	ssyncset.done $0x0  }
0x2da: {  	s25 =	simm.s32 $0x18650;
	v7 =	vmov s18;
	v8 =	vmov s13;
	v9 =	vmov s11;
	s1 =	smov.u32 s17;
	[sflag:s14] =	ssyncadd.s32 $0xFFFFF200  }
.LBB2_13:
0x2db: {  	v13 =	vld [tilespmem:s25+$0xFFFFFF80]  }
0x2dc: {  	v14 =	vld [tilespmem:s15+$0xFFFFFF80]  }
0x2dd: {  	s10 =	sshra.s32 s31, $0x2;
	v15 =	vld [tilespmem:s0+$0xFFFFFF80]  }
0x2de: {  	v11 =	vld.idx.msk [tilespmem:v6+s10+$0x0 ss:$0x1], $0xffff  }
0x2df: {  	v12 =	vld.idx.msk [tilespmem:v7+s10+$0x0 ss:$0x1], $0xffff  }
0x2e0: {  	v16 =	vld [tilespmem:s25+$0xFFFFFF90]  }
0x2e1: {  	v10 =	vld.idx.msk [tilespmem:v8+s10+$0x0 ss:$0x1], $0xffff  }
0x2e2: {  	v17 =	vld [tilespmem:s15+$0xFFFFFF90];
	_ =	sdelay $0x1  }
0x2e3: {  	v18 =	vld [tilespmem:s0+$0xFFFFFF90];
	v13 =	vsub.f32 v13, v11;
	v14 =	vsub.f32 v14, v12;
	_ =	sdelay $0x1  }
0x2e4: {  	v30 =	vld [tilespmem:s25+$0xFFFFFFA0];
	v15 =	vsub.f32 v15, v10;
	v13 =	vmul.f32 v13, v13;
	v14 =	vmul.f32 v14, v14  }
0x2e5: {  	v32 =	vld [tilespmem:s15+$0xFFFFFFA0];
	v28 =	vsub.f32 v16, v11;
	v29 =	vsub.f32 v17, v12  }
0x2e6: {  	v34 =	vld [tilespmem:s0+$0xFFFFFFA0];
	v27 =	vmul.f32 v15, v15;
	v13 =	vadd.f32 v14, v13  }
0x2e7: {  	v24 =	vld [tilespmem:s15+$0xFFFFFFB0];
	v31 =	vsub.f32 v18, v10;
	v15 =	vmul.f32 v28, v28;
	v16 =	vmul.f32 v29, v29  }
0x2e8: {  	v13 =	vadd.f32 v27, v13  }
0x2e9: {  	v33 =	vmul.f32 v31, v31;
	v15 =	vadd.f32 v16, v15  }
0x2ea: {  	v25 =	vld [tilespmem:s0+$0xFFFFFFB0];
	v35 =	vsub.f32 v32, v12;
	v19 =	vshra.s32 v13, $0x1;
	v20 =	vmul.f32 $5.000000000e-01, v13  }
0x2eb: {  	v17 =	vsub.f32 v34, v10;
	v15 =	vadd.f32 v33, v15;
	v19 =	vsub.s32 $0x5F3759DF, v19  }
0x2ec: {  	v48 =	vld [tilespmem:s25+$0xFFFFFFC0];
	v24 =	vsub.f32 v24, v12;
	v14 =	vsub.f32 v30, v11;
	v21 =	vmul.f32 v19, v20  }
0x2ed: {  	v26 =	vld [tilespmem:s25+$0xFFFFFFD0];
	v16 =	vmul.f32 v35, v35;
	v37 =	vshra.s32 v15, $0x1;
	v22 =	vmul.f32 $5.000000000e-01, v15  }
0x2ee: {  	v42 =	vld [tilespmem:s25+$0xFFFFFFB0];
	v14 =	vmul.f32 v14, v14;
	v36 =	vmul.f32 v19, v21;
	v21 =	vsub.s32 $0x5F3759DF, v37  }
0x2ef: {  	v47 =	vsub.f32 v25, v10;
	v38 =	vmul.f32 v17, v17;
	v23 =	vmul.f32 v21, v22  }
0x2f0: {  	v24 =	vmul.f32 v24, v24;
	v14 =	vadd.f32 v16, v14;
	v18 =	vsub.f32 $1.500000000e+00, v36  }
0x2f1: {  	v25 =	vsub.f32 v48, v11;
	v49 =	vmul.f32 v47, v47;
	v40 =	vmul.f32 v21, v23  }
0x2f2: {  	v30 =	vsub.f32 v26, v11;
	v14 =	vadd.f32 v38, v14;
	v39 =	vmul.f32 v19, v18  }
0x2f3: {  	v25 =	vmul.f32 v25, v25;
	v27 =	vld [tilespmem:s15+$0xFFFFFFD0];
	v19 =	vsub.f32 v42, v11;
	v18 =	vsub.f32 $1.500000000e+00, v40  }
0x2f4: {  	v53 =	vld [tilespmem:s0+$0xFFFFFFC0];
	v43 =	vshra.s32 v14, $0x1;
	v44 =	vmul.f32 $5.000000000e-01, v14;
	v41 =	vmul.f32 v39, v20  }
0x2f5: {  	v50 =	vld [tilespmem:s15+$0xFFFFFFC0];
	v20 =	vsub.s32 $0x5F3759DF, v43;
	v19 =	vmul.f32 v19, v19;
	v18 =	vmul.f32 v21, v18  }
0x2f6: {  	vm1 =	vgt.f32 v13, $9.999999960e-13;
	v45 =	vmul.f32 v20, v44;
	v16 =	vmul.f32 v41, v39  }
0x2f7: {  	v54 =	vsel vm1, $0x3F800000, v1;
	v19 =	vadd.f32 v24, v19;
	v22 =	vmul.f32 v18, v22  }
0x2f8: {  	v31 =	vsub.f32 v27, v12;
	v21 =	vmul.f32 v20, v45;
	v16 =	vsub.f32 $1.500000000e+00, v16  }
0x2f9: {  	v35 =	vld [tilespmem:s0+$0xFFFFFFE0];
	v52 =	vadd.f32 v49, v19;
	v19 =	vsub.f32 v53, v10;
	v46 =	vmul.f32 v22, v18  }
0x2fa: {  	v59 =	vld [tilespmem:s0+$0xFFFFFFD0];
	v21 =	vsub.f32 $1.500000000e+00, v21;
	v22 =	vsub.f32 v50, v12;
	v16 =	vmul.f32 v16, v39  }
0x2fb: {  	v32 =	vld [tilespmem:s15+$0xFFFFFFE0];
	v55 =	vshra.s32 v52, $0x1;
	v56 =	vmul.f32 $5.000000000e-01, v52;
	v19 =	vmul.f32 v19, v19  }
0x2fc: {  	v63 =	vld [tilespmem:s25+$0xFFFFFFE0];
	v17 =	vsub.f32 $1.500000000e+00, v46;
	v20 =	vmul.f32 v20, v21;
	v22 =	vmul.f32 v22, v22  }
0x2fd: {  	v42 =	vld [tilespmem:s25+$0xFFFFFFF0];
	v23 =	vsub.s32 $0x5F3759DF, v55;
	v21 =	vmul.f32 v31, v31;
	v16 =	vmul.f32 v16, v13  }
0x2fe: {  	v40 =	vsub.f32 v35, v10;
	v57 =	vmul.f32 v23, v56;
	v17 =	vmul.f32 v17, v18  }
0x2ff: {  	v51 =	vmul.f32 v20, v44;
	v58 =	vadd.f32 v22, v25;
	v22 =	vsub.f32 v59, v10  }
0x300: {  	v25 =	vsub.f32 v32, v12;
	v16 =	vadd.f32 $0.0e+00, v16;
	v17 =	vmul.f32 v17, v15  }
0x301: {  	v13 =	vmul.f32 v51, v20;
	v62 =	vadd.f32 v19, v58;
	v38 =	vmul.f32 v22, v22  }
0x302: {  	v19 =	vsub.f32 v63, v11;
	v25 =	vmul.f32 v25, v25;
	v51 =	vsub.f32 v42, v11  }
0x303: {  	v43 =	vld [tilespmem:s15+$0xFFFFFFF0];
	v16 =	vnsel vm1, $0x0, v16;
	vm1 =	vgt.f32 v15, $9.999999960e-13;
	v15 =	vmul.f32 v23, v57  }
0x304: {  	v32 =	vld [tilespmem:s0+$0x0];
	v13 =	vsub.f32 $1.500000000e+00, v13;
	v17 =	vnsel vm1, $0x0, v17;
	v28 =	vsel vm1, $0x3F800000, v1  }
0x305: {  	vm1 =	vgt.f32 v14, $9.999999960e-13;
	v33 =	vshra.s32 v62, $0x1;
	v34 =	vmul.f32 $5.000000000e-01, v62  }
0x306: {  	v19 =	vmul.f32 v19, v19;
	v27 =	vmul.f32 v51, v51;
	v16 =	vadd.f32 v17, v16  }
0x307: {  	v60 =	vadd.f32 v28, v54;
	v61 =	vsub.f32 $1.500000000e+00, v15;
	v39 =	vsel vm1, $0x3F800000, v1  }
0x308: {  	v13 =	vmul.f32 v13, v20;
	v19 =	vadd.f32 v25, v19;
	v25 =	vsub.f32 v43, v12  }
0x309: {  	v47 =	vld [tilespmem:s0+$0xFFFFFFF0];
	v20 =	vmul.f32 v30, v30;
	v17 =	vadd.f32 v39, v60;
	v39 =	vsub.f32 v32, v10  }
0x30a: {  	v13 =	vmul.f32 v13, v14;
	v14 =	vmul.f32 v23, v61;
	v23 =	vsub.s32 $0x5F3759DF, v33  }
0x30b: {  	v20 =	vadd.f32 v21, v20;
	v21 =	vmul.f32 v40, v40;
	v25 =	vmul.f32 v25, v25  }
0x30c: {  	v37 =	vmul.f32 v23, v34;
	v42 =	vmul.f32 v39, v39;
	v13 =	vnsel vm1, $0x0, v13  }
0x30d: {  	v36 =	vmul.f32 v14, v56;
	v20 =	vadd.f32 v38, v20;
	v19 =	vadd.f32 v21, v19  }
0x30e: {  	vm1 =	vgt.f32 v52, $9.999999960e-13;
	v21 =	vsub.f32 v47, v10;
	v25 =	vadd.f32 v25, v27  }
0x30f: {  	v59 =	vld [tilespmem:s15+$0x0];
	v13 =	vadd.f32 v13, v16;
	v24 =	vmul.f32 v23, v37;
	v56 =	vsel vm1, $0x3F800000, v1  }
0x310: {  	v16 =	vmul.f32 v36, v14;
	v41 =	vshra.s32 v20, $0x1;
	v29 =	vmul.f32 $5.000000000e-01, v20  }
0x311: {  	v49 =	vshra.s32 v19, $0x1;
	v50 =	vmul.f32 $5.000000000e-01, v19;
	v21 =	vmul.f32 v21, v21  }
0x312: {  	v17 =	vadd.f32 v56, v17;
	v24 =	vsub.f32 $1.500000000e+00, v24;
	v45 =	vsub.s32 $0x5F3759DF, v41  }
0x313: {  	v38 =	vld [tilespmem:s25+$0x10];
	v16 =	vsub.f32 $1.500000000e+00, v16;
	v46 =	vmul.f32 v45, v29;
	v21 =	vadd.f32 v21, v25  }
0x314: {  	v40 =	vld [tilespmem:s15+$0x10];
	v36 =	vsub.f32 v59, v12;
	v44 =	vmul.f32 v23, v24;
	v24 =	vsub.s32 $0x5F3759DF, v49  }
0x315: {  	v14 =	vmul.f32 v16, v14;
	v22 =	vmul.f32 v45, v46;
	v58 =	vshra.s32 v21, $0x1  }
0x316: {  	v25 =	vmul.f32 $5.000000000e-01, v21;
	v48 =	vmul.f32 v44, v34;
	v61 =	vsub.s32 $0x5F3759DF, v58  }
0x317: {  	v14 =	vmul.f32 v14, v52;
	v22 =	vsub.f32 $1.500000000e+00, v22;
	v52 =	vmul.f32 v24, v50  }
0x318: {  	v57 =	vld [tilespmem:s25+$0x0];
	v47 =	vsub.f32 v38, v11;
	v63 =	vmul.f32 v61, v25;
	v18 =	vmul.f32 v48, v44  }
0x319: {  	v48 =	vsub.f32 v40, v12;
	v22 =	vmul.f32 v45, v22;
	v53 =	vmul.f32 v24, v52  }
0x31a: {  	v14 =	vnsel vm1, $0x0, v14;
	vm1 =	vgt.f32 v62, $9.999999960e-13;
	v52 =	vld [tilespmem:s0+$0x20];
	v18 =	vsub.f32 $1.500000000e+00, v18  }
0x31b: {  	v35 =	vmul.f32 v61, v63;
	v55 =	vmul.f32 v22, v29;
	v23 =	vsub.f32 $1.500000000e+00, v53  }
0x31c: {  	v49 =	vld [tilespmem:s15+$0x20];
	v13 =	vadd.f32 v14, v13;
	v33 =	vsel vm1, $0x3F800000, v1;
	v54 =	vmul.f32 v18, v44  }
0x31d: {  	v18 =	vsub.f32 v57, v11;
	v16 =	vmul.f32 v55, v22;
	v23 =	vmul.f32 v24, v23  }
0x31e: {  	v37 =	vsub.f32 $1.500000000e+00, v35;
	v24 =	vmul.f32 v36, v36;
	v14 =	vmul.f32 v54, v62  }
0x31f: {  	v40 =	vld [tilespmem:s25+$0x40];
	v18 =	vmul.f32 v18, v18;
	v58 =	vsub.f32 v52, v10;
	v60 =	vsub.f32 $1.500000000e+00, v16  }
0x320: {  	v62 =	vmul.f32 v23, v50;
	v16 =	vmul.f32 v61, v37;
	v14 =	vnsel vm1, $0x0, v14  }
0x321: {  	vm1 =	vgt.f32 v20, $9.999999960e-13;
	v18 =	vadd.f32 v24, v18;
	v24 =	vsub.f32 v49, v12  }
0x322: {  	v13 =	vadd.f32 v14, v13;
	v15 =	vmul.f32 v60, v22;
	v14 =	vadd.f32 v33, v17  }
0x323: {  	v43 =	vld [tilespmem:s0+$0x10];
	v34 =	vmul.f32 v62, v23;
	v41 =	vsel vm1, $0x3F800000, v1;
	v45 =	vmul.f32 v16, v25  }
0x324: {  	v52 =	vld [tilespmem:s15+$0x50];
	v22 =	vmul.f32 v48, v48;
	v48 =	vsub.f32 v40, v11;
	v18 =	vadd.f32 v42, v18  }
0x325: {  	v24 =	vmul.f32 v24, v24;
	v15 =	vmul.f32 v15, v20;
	v17 =	vsub.f32 $1.500000000e+00, v34  }
0x326: {  	v60 =	vld [tilespmem:s25+$0x30];
	v14 =	vadd.f32 v41, v14;
	v20 =	vmul.f32 v47, v47;
	v50 =	vshra.s32 v18, $0x1  }
0x327: {  	v46 =	vld [tilespmem:s25+$0x20];
	v51 =	vmul.f32 $5.000000000e-01, v18;
	v15 =	vnsel vm1, $0x0, v15;
	v17 =	vmul.f32 v17, v23  }
0x328: {  	vm1 =	vgt.f32 v19, $9.999999960e-13;
	v23 =	vsub.f32 v43, v10;
	v54 =	vsub.s32 $0x5F3759DF, v50  }
0x329: {  	v20 =	vadd.f32 v22, v20;
	v22 =	vmul.f32 v58, v58;
	v58 =	vsub.f32 v52, v12  }
0x32a: {  	v13 =	vadd.f32 v15, v13;
	v25 =	vmul.f32 v54, v51;
	v56 =	vsel vm1, $0x3F800000, v1  }
0x32b: {  	v35 =	vsub.f32 v60, v11;
	v44 =	vmul.f32 v17, v19;
	v17 =	vmul.f32 v45, v16  }
0x32c: {  	v62 =	vld [tilespmem:s15+$0x30];
	v55 =	vmul.f32 v23, v23;
	v19 =	vsub.f32 v46, v11;
	v14 =	vadd.f32 v56, v14  }
0x32d: {  	v57 =	vmul.f32 v54, v25;
	v26 =	vmul.f32 v35, v35;
	v15 =	vnsel vm1, $0x0, v44  }
0x32e: {  	v45 =	vld [tilespmem:s0+$0x40];
	v53 =	vsub.f32 $1.500000000e+00, v17;
	v20 =	vadd.f32 v55, v20;
	vm1 =	vgt.f32 v21, $9.999999960e-13  }
0x32f: {  	v31 =	vld [tilespmem:s0+$0x30];
	v19 =	vmul.f32 v19, v19;
	v13 =	vadd.f32 v15, v13;
	v37 =	vsel vm1, $0x3F800000, v1  }
0x330: {  	v15 =	vmul.f32 v53, v16;
	v16 =	vsub.f32 $1.500000000e+00, v57;
	v59 =	vshra.s32 v20, $0x1  }
0x331: {  	v61 =	vmul.f32 $5.000000000e-01, v20;
	v19 =	vadd.f32 v24, v19;
	v24 =	vsub.f32 v62, v12  }
0x332: {  	v14 =	vadd.f32 v37, v14;
	v63 =	vsub.s32 $0x5F3759DF, v59;
	v15 =	vmul.f32 v15, v21  }
0x333: {  	v27 =	vsub.f32 v45, v10;
	v16 =	vmul.f32 v54, v16;
	v30 =	vmul.f32 v63, v61  }
0x334: {  	v19 =	vadd.f32 v22, v19;
	v22 =	vsub.f32 v31, v10;
	v24 =	vmul.f32 v24, v24  }
0x335: {  	v15 =	vnsel vm1, $0x0, v15;
	v32 =	vmul.f32 v16, v51;
	v21 =	vmul.f32 v63, v30  }
0x336: {  	v41 =	vld [tilespmem:s15+$0x40];
	v33 =	vshra.s32 v19, $0x1;
	v34 =	vmul.f32 $5.000000000e-01, v19;
	v24 =	vadd.f32 v24, v26  }
0x337: {  	v59 =	vld [tilespmem:s25+$0x60];
	v22 =	vmul.f32 v22, v22;
	vm1 =	vgt.f32 v18, $9.999999960e-13;
	v51 =	vmul.f32 v27, v27  }
0x338: {  	vm2 =	vgt.f32 v19, $9.999999960e-13;
	v23 =	vsub.s32 $0x5F3759DF, v33;
	v21 =	vsub.f32 $1.500000000e+00, v21  }
0x339: {  	v13 =	vadd.f32 v15, v13;
	v15 =	vmul.f32 v32, v16;
	v36 =	vmul.f32 v23, v34  }
0x33a: {  	v49 =	vsel vm1, $0x3F800000, v1;
	v22 =	vadd.f32 v22, v24;
	v17 =	vmul.f32 v63, v21  }
0x33b: {  	v24 =	vsub.f32 v41, v12;
	v15 =	vsub.f32 $1.500000000e+00, v15;
	v38 =	vmul.f32 v23, v36  }
0x33c: {  	v14 =	vadd.f32 v49, v14;
	v35 =	vsub.f32 v59, v11;
	v39 =	vmul.f32 v17, v61  }
0x33d: {  	v44 =	vmul.f32 $5.000000000e-01, v22;
	v15 =	vmul.f32 v15, v16;
	v21 =	vsub.f32 $1.500000000e+00, v38  }
0x33e: {  	v43 =	vshra.s32 v22, $0x1;
	v24 =	vmul.f32 v24, v24;
	v61 =	vld [tilespmem:s15+$0x60];
	v16 =	vmul.f32 v39, v17  }
0x33f: {  	v30 =	vld [tilespmem:s15+$0x70];
	v15 =	vmul.f32 v15, v18;
	v42 =	vmul.f32 v23, v21;
	v21 =	vsub.s32 $0x5F3759DF, v43  }
0x340: {  	v63 =	vsel vm2, $0x3F800000, v1;
	v47 =	vmul.f32 v21, v44;
	v16 =	vsub.f32 $1.500000000e+00, v16  }
0x341: {  	v50 =	vld [tilespmem:s25+$0x50];
	v15 =	vnsel vm1, $0x0, v15;
	v46 =	vmul.f32 v42, v34;
	vm1 =	vgt.f32 v20, $9.999999960e-13  }
0x342: {  	v54 =	vld [tilespmem:s0+$0x50];
	v13 =	vadd.f32 v15, v13;
	v16 =	vmul.f32 v16, v17;
	v17 =	vmul.f32 v48, v48  }
0x343: {  	v25 =	vmul.f32 v21, v47;
	v53 =	vsel vm1, $0x3F800000, v1;
	v36 =	vsub.f32 v61, v12  }
0x344: {  	v12 =	vsub.f32 v30, v12;
	v15 =	vmul.f32 v46, v42;
	v17 =	vadd.f32 v24, v17  }
0x345: {  	v62 =	vld [tilespmem:s25+$0x70];
	v14 =	vadd.f32 v53, v14;
	v25 =	vsub.f32 $1.500000000e+00, v25;
	v26 =	vmul.f32 v36, v36  }
0x346: {  	v12 =	vmul.f32 v12, v12;
	v15 =	vsub.f32 $1.500000000e+00, v15;
	v17 =	vadd.f32 v51, v17  }
0x347: {  	v16 =	vmul.f32 v16, v20;
	v20 =	vsub.f32 v50, v11;
	v24 =	vsub.f32 v54, v10  }
0x348: {  	v14 =	vadd.f32 v63, v14;
	v56 =	vshra.s32 v17, $0x1;
	v57 =	vmul.f32 $5.000000000e-01, v17  }
0x349: {  	v32 =	vld [tilespmem:s0+$0x60];
	v21 =	vmul.f32 v21, v25;
	v25 =	vmul.f32 v58, v58;
	v18 =	vsub.s32 $0x5F3759DF, v56  }
0x34a: {  	v33 =	vld [tilespmem:s0+$0x70];
	v11 =	vsub.f32 v62, v11;
	v15 =	vmul.f32 v15, v42;
	v60 =	vmul.f32 v18, v57  }
0x34b: {  	v16 =	vnsel vm1, $0x0, v16;
	v20 =	vmul.f32 v20, v20;
	v24 =	vmul.f32 v24, v24  }
0x34c: {  	vm1 =	vgt.f32 v22, $9.999999960e-13;
	v15 =	vmul.f32 v15, v19;
	v19 =	vmul.f32 v18, v60  }
0x34d: {  	v11 =	vmul.f32 v11, v11;
	v13 =	vadd.f32 v16, v13;
	v20 =	vadd.f32 v25, v20  }
0x34e: {  	v55 =	vmul.f32 v21, v44;
	v25 =	vsub.f32 v32, v10;
	v19 =	vsub.f32 $1.500000000e+00, v19  }
0x34f: {  	v34 =	vsel vm1, $0x3F800000, v1;
	v10 =	vsub.f32 v33, v10;
	v11 =	vadd.f32 v12, v11  }
0x350: {  	v40 =	vadd.f32 v34, v14;
	v18 =	vmul.f32 v18, v19;
	v19 =	vmul.f32 v35, v35  }
0x351: {  	v16 =	vmul.f32 v55, v21;
	v15 =	vnsel vm2, $0x0, v15;
	v20 =	vadd.f32 v24, v20  }
0x352: {  	v25 =	vmul.f32 v25, v25;
	vm2 =	vgt.f32 v17, $9.999999960e-13;
	v19 =	vadd.f32 v26, v19  }
0x353: {  	v10 =	vmul.f32 v10, v10;
	v16 =	vsub.f32 $1.500000000e+00, v16;
	v46 =	vsel vm2, $0x3F800000, v1  }
0x354: {  	v37 =	vshra.s32 v20, $0x1;
	v38 =	vmul.f32 $5.000000000e-01, v20;
	v19 =	vadd.f32 v25, v19  }
0x355: {  	v10 =	vadd.f32 v10, v11;
	v12 =	vadd.f32 v46, v40;
	v39 =	vsub.s32 $0x5F3759DF, v37  }
0x356: {  	v41 =	vmul.f32 v39, v38;
	v42 =	vshra.s32 v19, $0x1;
	v43 =	vmul.f32 $5.000000000e-01, v19  }
0x357: {  	vm3 =	vgt.f32 v20, $9.999999960e-13;
	v16 =	vmul.f32 v16, v21;
	v14 =	vsub.s32 $0x5F3759DF, v42  }
0x358: {  	v49 =	vsel vm3, $0x3F800000, v1;
	v11 =	vmul.f32 v39, v41;
	v47 =	vmul.f32 v14, v43  }
0x359: {  	v44 =	vshra.s32 v10, $0x1;
	v45 =	vmul.f32 $5.000000000e-01, v10;
	v16 =	vmul.f32 v16, v22  }
0x35a: {  	v11 =	vsub.f32 $1.500000000e+00, v11;
	v25 =	vsub.s32 $0x5F3759DF, v44;
	v29 =	vmul.f32 v14, v47  }
0x35b: {  	v12 =	vadd.f32 v49, v12;
	v23 =	vmul.f32 v18, v57;
	v48 =	vmul.f32 v25, v45  }
0x35c: {  	v16 =	vnsel vm1, $0x0, v16;
	v11 =	vmul.f32 v39, v11;
	v50 =	vsub.f32 $1.500000000e+00, v29  }
0x35d: {  	vm1 =	vgt.f32 v10, $9.999999960e-13;
	v23 =	vmul.f32 v23, v18;
	v28 =	vmul.f32 v25, v48  }
0x35e: {  	vm4 =	vgt.f32 v19, $9.999999960e-13;
	v21 =	vmul.f32 v11, v38;
	v14 =	vmul.f32 v14, v50  }
0x35f: {  	v23 =	vsub.f32 $1.500000000e+00, v23;
	v51 =	vsel vm4, $0x3F800000, v1;
	v28 =	vsub.f32 $1.500000000e+00, v28  }
0x360: {  	v12 =	vadd.f32 v51, v12;
	v21 =	vmul.f32 v21, v11;
	v24 =	vmul.f32 v14, v43  }
0x361: {  	v53 =	vsel vm1, $0x3F800000, v1;
	v18 =	vmul.f32 v23, v18;
	v52 =	vmul.f32 v25, v28  }
0x362: {  	v21 =	vsub.f32 $1.500000000e+00, v21;
	v12 =	vadd.f32 v53, v12;
	v54 =	vmul.f32 v24, v14  }
0x363: {  	v13 =	vadd.f32 v15, v13;
	v56 =	vmul.f32 v18, v17;
	v55 =	vmul.f32 v52, v45  }
0x364: {  	v11 =	vmul.f32 v21, v11;
	v59 =	vmax.f32 v12, $1.000000000e+00;
	v57 =	vsub.f32 $1.500000000e+00, v54  }
0x365: {  	v13 =	vadd.f32 v16, v13;
	(erf) = vrcp.f32 v59;
	v58 =	vmul.f32 v55, v52  }
0x366: {  	v15 =	vnsel vm2, $0x0, v56;
	v11 =	vmul.f32 v11, v20;
	v14 =	vmul.f32 v57, v14  }
0x367: {  	v13 =	vadd.f32 v15, v13;
	v60 =	vsub.f32 $1.500000000e+00, v58  }
0x368: {  	v11 =	vnsel vm3, $0x0, v11;
	v14 =	vmul.f32 v14, v19  }
0x369: {  	v11 =	vadd.f32 v11, v13;
	v61 =	vmul.f32 v60, v52  }
0x36a: {  	v62 =	vnsel vm4, $0x0, v14  }
0x36b: {  	v10 =	vmul.f32 v61, v10;
	v11 =	vadd.f32 v62, v11;
	_ =	sdelay $0x1  }
0x36c: {  	v10 =	vnsel vm1, $0x0, v10  }
0x36d: {  	p2 =	sge.u32 s1, s6;
	vm1 =	vmmov vm0;
	v10 =	vadd.f32 v10, v11  }
0x36e: {  	vm1 =	vmneg @p2 vm1;
	p2 =	sne.s32 s31, $0x340;
	v11 =	vpop (erf)  }
.Ltmp7:
0x36f: {  	vm2 =	vgt.f32 v12, $0.0e+00;
	v10 =	vmul.f32 v10, v11;
	(pc) =	sbr.rel @p2 .LBB2_13-.Ltmp7, $4  }
0x370: {  	vm1 =	vmand vm1, vm2  }
0x371: {  	v11 =	vnsel vm1, $0x0, v10;
	v63 =	vnsel vm1, $0x7F61B1E6, v10  }
0x372: {  	s1 =	sadd.s32 $0x10, s1;
	s25 =	sadd.s32 $0x100, s25;
	[tilespmem:v9+s10+$0x0 ss:$0x1] =	vst.idx.msk $0xffff, v10;
	v10 =	vnsel vm1, $0xFF61B1E6, v10;
	v5 =	vadd.f32 v11, v5;
	v11 =	vsel vm1, $0x3F800000, v1  }
0x373: {  	s0 =	sadd.s32 $0x100, s0;
	s15 =	sadd.s32 $0x100, s15;
	s31 =	sadd.s32 $0x40, s31;
	v2 =	vmin.f32 v2, v63;
	v3 =	vmax.f32 v3, v10;
	v4 =	vadd.f32 v11, v4  }
.Ltmp8:
0x374: {  	(pc) =	sbr.rel @p1 .LBB2_18-.Ltmp8, $1  }
0x375: {  	_ =	sdelay $0x3  }
0x376: {  	s0 =	smul.u32 $0x1C0, s19  }
0x377: {  	s1 =	simm.s32 $0x0  }
0x378: {  	v6 =	vmov s1;
	s0 =	sadd.s32 s0, s16  }
0x379: {  	v6 =	vshll.u32 v6, $0x7;
	s0 =	sshll.u32 s0, $0x4  }
0x37a: {  	v6 =	vor.u32 v0, v6;
	s0 =	sadd.s32 s9, s0  }
0x37b: {  	[tilespmem:s22], [sflag:$0x3] =	stream.linear.gather [hbm4b:s0+s1], $0x7000, $0x38;
	[tilespmem:$0x1CBD0] =	vst v63  }
0x37c: {  	_ =	swait.ge [sflag:s23], $0x7000  }
0x37d: {  	[sflag:s23] =	ssyncset.done $0x0  }
0x37e: {  	[sflag:s23] =	ssyncadd.s32 $0xFFFF9000  }
0x37f: {  	v7 =	vld.idx.msk [tilespmem:v6+s22+$0x0], $0xffff  }
0x380: {  	v8 =	vor.u32 $0x1, v6;
	_ =	sdelay $0x2  }
0x381: {  	s0 =	simm.s32 $0x16A50  }
0x382: {  	[tilespmem:s0+$0xFFFFFF80] =	vst v7  }
0x383: {  	v7 =	vld.idx.msk [tilespmem:v8+s22+$0x0], $0xffff  }
0x384: {  	v8 =	vor.u32 $0x2, v6;
	_ =	sdelay $0x3  }
0x385: {  	[tilespmem:s0+$0xFFFFFF90] =	vst v7  }
0x386: {  	v7 =	vld.idx.msk [tilespmem:v8+s22+$0x0], $0xffff  }
0x387: {  	v8 =	vor.u32 $0x3, v6;
	_ =	sdelay $0x3  }
0x388: {  	[tilespmem:s0+$0xFFFFFFA0] =	vst v7  }
0x389: {  	v7 =	vld.idx.msk [tilespmem:v8+s22+$0x0], $0xffff  }
0x38a: {  	v8 =	vor.u32 $0x4, v6;
	_ =	sdelay $0x3  }
0x38b: {  	[tilespmem:s0+$0xFFFFFFB0] =	vst v7  }
0x38c: {  	v7 =	vld.idx.msk [tilespmem:v8+s22+$0x0], $0xffff  }
0x38d: {  	v8 =	vor.u32 $0x5, v6;
	_ =	sdelay $0x3  }
0x38e: {  	[tilespmem:s0+$0xFFFFFFC0] =	vst v7  }
0x38f: {  	v7 =	vld.idx.msk [tilespmem:v8+s22+$0x0], $0xffff  }
0x390: {  	v8 =	vor.u32 $0x6, v6;
	_ =	sdelay $0x3  }
0x391: {  	[tilespmem:s0+$0xFFFFFFD0] =	vst v7  }
0x392: {  	v7 =	vld.idx.msk [tilespmem:v8+s22+$0x0], $0xffff  }
0x393: {  	v8 =	vor.u32 $0x7, v6;
	_ =	sdelay $0x3  }
0x394: {  	[tilespmem:s0+$0xFFFFFFE0] =	vst v7  }
0x395: {  	v7 =	vld.idx.msk [tilespmem:v8+s22+$0x0], $0xffff  }
0x396: {  	v8 =	vor.u32 $0x8, v6;
	_ =	sdelay $0x3  }
0x397: {  	[tilespmem:s0+$0xFFFFFFF0] =	vst v7  }
0x398: {  	v7 =	vld.idx.msk [tilespmem:v8+s22+$0x0], $0xffff  }
0x399: {  	v8 =	vor.u32 $0x9, v6;
	_ =	sdelay $0x3  }
0x39a: {  	[tilespmem:s0+$0x0] =	vst v7  }
0x39b: {  	v7 =	vld.idx.msk [tilespmem:v8+s22+$0x0], $0xffff  }
0x39c: {  	v8 =	vor.u32 $0xA, v6;
	_ =	sdelay $0x3  }
0x39d: {  	[tilespmem:s0+$0x10] =	vst v7  }
0x39e: {  	v7 =	vld.idx.msk [tilespmem:v8+s22+$0x0], $0xffff  }
0x39f: {  	v8 =	vor.u32 $0xB, v6;
	_ =	sdelay $0x3  }
0x3a0: {  	[tilespmem:s0+$0x20] =	vst v7  }
0x3a1: {  	v7 =	vld.idx.msk [tilespmem:v8+s22+$0x0], $0xffff  }
0x3a2: {  	v8 =	vor.u32 $0xC, v6;
	_ =	sdelay $0x3  }
0x3a3: {  	[tilespmem:s0+$0x30] =	vst v7  }
0x3a4: {  	v7 =	vld.idx.msk [tilespmem:v8+s22+$0x0], $0xffff  }
0x3a5: {  	v8 =	vor.u32 $0xD, v6;
	_ =	sdelay $0x3  }
0x3a6: {  	[tilespmem:s0+$0x40] =	vst v7  }
0x3a7: {  	v7 =	vld.idx.msk [tilespmem:v8+s22+$0x0], $0xffff  }
0x3a8: {  	v8 =	vor.u32 $0xE, v6;
	_ =	sdelay $0x3  }
0x3a9: {  	[tilespmem:s0+$0x50] =	vst v7  }
0x3aa: {  	v7 =	vld.idx.msk [tilespmem:v8+s22+$0x0], $0xffff  }
0x3ab: {  	v8 =	vor.u32 $0xF, v6;
	_ =	sdelay $0x3  }
0x3ac: {  	s31 =	simm.s32 $0x10;
	[tilespmem:s0+$0x60] =	vst v7  }
0x3ad: {  	s1 =	simm.s32 $0x20;
	v6 =	vmov s31;
	v7 =	vld.idx.msk [tilespmem:v8+s22+$0x0], $0xffff  }
.LBB2_16:
0x3ae: {  	p1 =	sne.s32 s1, $0xD0;
	v6 =	vshll.u32 v6, $0x7  }
0x3af: {  	v6 =	vor.u32 v0, v6;
	_ =	sdelay $0x3  }
0x3b0: {  	[tilespmem:s0+$0x70] =	vst v7  }
0x3b1: {  	v7 =	vld.idx.msk [tilespmem:v6+s22+$0x0], $0xffff;
	_ =	sdelay $0x1  }
0x3b2: {  	v8 =	vor.u32 $0x1, v6;
	_ =	sdelay $0x2  }
0x3b3: {  	s0 =	sadd.s32 $0x100, s0  }
0x3b4: {  	[tilespmem:s0+$0xFFFFFF80] =	vst v7  }
0x3b5: {  	v7 =	vld.idx.msk [tilespmem:v8+s22+$0x0], $0xffff;
	_ =	sdelay $0x1  }
0x3b6: {  	v8 =	vor.u32 $0x2, v6;
	_ =	sdelay $0x3  }
0x3b7: {  	[tilespmem:s0+$0xFFFFFF90] =	vst v7  }
0x3b8: {  	v7 =	vld.idx.msk [tilespmem:v8+s22+$0x0], $0xffff;
	_ =	sdelay $0x1  }
0x3b9: {  	v8 =	vor.u32 $0x3, v6;
	_ =	sdelay $0x3  }
0x3ba: {  	[tilespmem:s0+$0xFFFFFFA0] =	vst v7  }
0x3bb: {  	v7 =	vld.idx.msk [tilespmem:v8+s22+$0x0], $0xffff;
	_ =	sdelay $0x1  }
0x3bc: {  	v8 =	vor.u32 $0x4, v6;
	_ =	sdelay $0x3  }
0x3bd: {  	[tilespmem:s0+$0xFFFFFFB0] =	vst v7  }
0x3be: {  	v7 =	vld.idx.msk [tilespmem:v8+s22+$0x0], $0xffff;
	_ =	sdelay $0x1  }
0x3bf: {  	v8 =	vor.u32 $0x5, v6;
	_ =	sdelay $0x3  }
0x3c0: {  	[tilespmem:s0+$0xFFFFFFC0] =	vst v7  }
0x3c1: {  	v7 =	vld.idx.msk [tilespmem:v8+s22+$0x0], $0xffff;
	_ =	sdelay $0x1  }
0x3c2: {  	v8 =	vor.u32 $0x6, v6;
	_ =	sdelay $0x3  }
0x3c3: {  	[tilespmem:s0+$0xFFFFFFD0] =	vst v7  }
0x3c4: {  	v7 =	vld.idx.msk [tilespmem:v8+s22+$0x0], $0xffff;
	_ =	sdelay $0x1  }
0x3c5: {  	v8 =	vor.u32 $0x7, v6;
	_ =	sdelay $0x3  }
0x3c6: {  	[tilespmem:s0+$0xFFFFFFE0] =	vst v7  }
0x3c7: {  	v7 =	vld.idx.msk [tilespmem:v8+s22+$0x0], $0xffff;
	_ =	sdelay $0x1  }
0x3c8: {  	v8 =	vor.u32 $0x8, v6;
	_ =	sdelay $0x3  }
0x3c9: {  	[tilespmem:s0+$0xFFFFFFF0] =	vst v7  }
0x3ca: {  	v7 =	vld.idx.msk [tilespmem:v8+s22+$0x0], $0xffff;
	_ =	sdelay $0x1  }
0x3cb: {  	v8 =	vor.u32 $0x9, v6;
	_ =	sdelay $0x3  }
0x3cc: {  	[tilespmem:s0+$0x0] =	vst v7  }
0x3cd: {  	v7 =	vld.idx.msk [tilespmem:v8+s22+$0x0], $0xffff;
	_ =	sdelay $0x1  }
0x3ce: {  	v8 =	vor.u32 $0xA, v6;
	_ =	sdelay $0x3  }
0x3cf: {  	[tilespmem:s0+$0x10] =	vst v7  }
0x3d0: {  	v7 =	vld.idx.msk [tilespmem:v8+s22+$0x0], $0xffff;
	_ =	sdelay $0x1  }
0x3d1: {  	v8 =	vor.u32 $0xB, v6;
	_ =	sdelay $0x3  }
0x3d2: {  	[tilespmem:s0+$0x20] =	vst v7  }
0x3d3: {  	v7 =	vld.idx.msk [tilespmem:v8+s22+$0x0], $0xffff;
	_ =	sdelay $0x1  }
0x3d4: {  	v8 =	vor.u32 $0xC, v6;
	_ =	sdelay $0x3  }
0x3d5: {  	[tilespmem:s0+$0x30] =	vst v7  }
0x3d6: {  	v7 =	vld.idx.msk [tilespmem:v8+s22+$0x0], $0xffff;
	_ =	sdelay $0x1  }
0x3d7: {  	v8 =	vor.u32 $0xD, v6;
	_ =	sdelay $0x3  }
0x3d8: {  	[tilespmem:s0+$0x40] =	vst v7  }
0x3d9: {  	v7 =	vld.idx.msk [tilespmem:v8+s22+$0x0], $0xffff;
	_ =	sdelay $0x1  }
0x3da: {  	v8 =	vor.u32 $0xE, v6;
	_ =	sdelay $0x3  }
0x3db: {  	[tilespmem:s0+$0x50] =	vst v7  }
0x3dc: {  	v7 =	vld.idx.msk [tilespmem:v8+s22+$0x0], $0xffff;
	_ =	sdelay $0x1  }
0x3dd: {  	v8 =	vor.u32 $0xF, v6  }
.Ltmp9:
0x3de: {  	(pc) =	sbr.rel @p1 .LBB2_16-.Ltmp9, $3  }
0x3df: {  	_ =	sdelay $0x1  }
0x3e0: {  	[tilespmem:s0+$0x60] =	vst v7  }
0x3e1: {  	v6 =	vmov s1;
	s1 =	sadd.s32 $0x10, s1;
	v7 =	vld.idx.msk [tilespmem:v8+s22+$0x0], $0xffff  }
0x3e2: {  	v6 =	vshll.u32 v6, $0x7  }
0x3e3: {  	v6 =	vor.u32 v0, v6;
	_ =	sdelay $0x3  }
0x3e4: {  	[tilespmem:s0+$0x70] =	vst v7  }
0x3e5: {  	v7 =	vld.idx.msk [tilespmem:v6+s22+$0x0], $0xffff  }
0x3e6: {  	v8 =	vor.u32 $0x1, v6;
	_ =	sdelay $0x2  }
0x3e7: {  	s10 =	sadd.s32 $0x100, s0  }
0x3e8: {  	[tilespmem:s10+$0xFFFFFF80] =	vst v7  }
0x3e9: {  	v7 =	vld.idx.msk [tilespmem:v8+s22+$0x0], $0xffff  }
0x3ea: {  	v51 =	vor.u32 $0x2, v6;
	_ =	sdelay $0x3  }
0x3eb: {  	[tilespmem:s10+$0xFFFFFF90] =	vst v7  }
0x3ec: {  	v7 =	vld.idx.msk [tilespmem:v51+s22+$0x0], $0xffff  }
0x3ed: {  	v52 =	vor.u32 $0x3, v6;
	_ =	sdelay $0x3  }
0x3ee: {  	[tilespmem:s10+$0xFFFFFFA0] =	vst v7  }
0x3ef: {  	v7 =	vld.idx.msk [tilespmem:v52+s22+$0x0], $0xffff  }
0x3f0: {  	v53 =	vor.u32 $0x4, v6;
	_ =	sdelay $0x3  }
0x3f1: {  	[tilespmem:s10+$0xFFFFFFB0] =	vst v7  }
0x3f2: {  	v7 =	vld.idx.msk [tilespmem:v53+s22+$0x0], $0xffff  }
0x3f3: {  	v54 =	vor.u32 $0x5, v6;
	_ =	sdelay $0x3  }
0x3f4: {  	[tilespmem:s10+$0xFFFFFFC0] =	vst v7  }
0x3f5: {  	v7 =	vld.idx.msk [tilespmem:v54+s22+$0x0], $0xffff  }
0x3f6: {  	v55 =	vor.u32 $0x6, v6;
	_ =	sdelay $0x3  }
0x3f7: {  	[tilespmem:s10+$0xFFFFFFD0] =	vst v7  }
0x3f8: {  	v7 =	vld.idx.msk [tilespmem:v55+s22+$0x0], $0xffff  }
0x3f9: {  	v56 =	vor.u32 $0x7, v6;
	_ =	sdelay $0x3  }
0x3fa: {  	[tilespmem:s10+$0xFFFFFFE0] =	vst v7  }
0x3fb: {  	v7 =	vld.idx.msk [tilespmem:v56+s22+$0x0], $0xffff  }
0x3fc: {  	v57 =	vor.u32 $0x8, v6;
	_ =	sdelay $0x3  }
0x3fd: {  	[tilespmem:s10+$0xFFFFFFF0] =	vst v7  }
0x3fe: {  	v7 =	vld.idx.msk [tilespmem:v57+s22+$0x0], $0xffff  }
0x3ff: {  	v58 =	vor.u32 $0x9, v6;
	_ =	sdelay $0x3  }
0x400: {  	[tilespmem:s10+$0x0] =	vst v7  }
0x401: {  	v7 =	vld.idx.msk [tilespmem:v58+s22+$0x0], $0xffff  }
0x402: {  	v59 =	vor.u32 $0xA, v6;
	_ =	sdelay $0x3  }
0x403: {  	[tilespmem:s10+$0x10] =	vst v7  }
0x404: {  	v7 =	vld.idx.msk [tilespmem:v59+s22+$0x0], $0xffff  }
0x405: {  	v60 =	vor.u32 $0xB, v6;
	_ =	sdelay $0x3  }
0x406: {  	[tilespmem:s10+$0x20] =	vst v7  }
0x407: {  	v7 =	vld.idx.msk [tilespmem:v60+s22+$0x0], $0xffff  }
0x408: {  	v61 =	vor.u32 $0xC, v6;
	_ =	sdelay $0x3  }
0x409: {  	[tilespmem:s10+$0x30] =	vst v7  }
0x40a: {  	v7 =	vld.idx.msk [tilespmem:v61+s22+$0x0], $0xffff  }
0x40b: {  	v62 =	vor.u32 $0xD, v6;
	_ =	sdelay $0x3  }
0x40c: {  	[tilespmem:s10+$0x40] =	vst v7  }
0x40d: {  	v7 =	vld.idx.msk [tilespmem:v62+s22+$0x0], $0xffff  }
0x40e: {  	v63 =	vor.u32 $0xE, v6;
	_ =	sdelay $0x3  }
0x40f: {  	[tilespmem:s10+$0x50] =	vst v7  }
0x410: {  	v7 =	vld.idx.msk [tilespmem:v63+s22+$0x0], $0xffff  }
0x411: {  	v6 =	vor.u32 $0xF, v6;
	_ =	sdelay $0x3  }
0x412: {  	[tilespmem:s10+$0x60] =	vst v7  }
0x413: {  	v6 =	vld.idx.msk [tilespmem:v6+s22+$0x0], $0xffff;
	_ =	sdelay $0x3  }
0x414: {  	s15 =	simm.s32 $0x185D0;
	s25 =	simm.s32 $0x1A1D0;
	s31 =	simm.s32 $0x1BDD0  }
0x415: {  	s19 =	sadd.s32 $0x1, s19;
	s30 =	sadd.s32 $0x1C0, s30;
	s20 =	sadd.s32 $0x1C0, s20;
	[tilespmem:s10+$0x70] =	vst v6  }
0x416: {  	[tilespmem:s15], [sflag:$0x2] =	stream.indirect.gather [spmem:s2], $0x1, s24, s28, $0xb8;
	[tilespmem:$0x1CBD0] =	vst v63  }
.Ltmp10:
0x417: {  	s21 =	sadd.s32 $0x1C0, s21;
	s7 =	sadd.s32 $0x1C0, s7;
	(pc) =	sbr.rel .LBB2_6-.Ltmp10, $4  }
0x418: {  	s8 =	sadd.s32 $0x1C0, s8;
	s17 =	sadd.s32 $0x1C0, s17;
	s11 =	sadd.s32 $0x1C0, s11  }
0x419: {  	[tilespmem:s25], [sflag:$0x2] =	stream.indirect.gather [spmem:s3], $0x1, s24, s28, $0xb8;
	[tilespmem:$0x1CBD0] =	vst v63  }
0x41a: {  	s13 =	sadd.s32 $0x1C0, s13;
	s18 =	sadd.s32 $0x1C0, s18;
	s5 =	sadd.s32 $0x1C0, s5  }
0x41b: {  	[tilespmem:s31], [sflag:$0x2] =	stream.indirect.gather [spmem:s4], $0x1, s24, s28, $0xb8;
	[tilespmem:$0x1CBD0] =	vst v63  }
.LBB2_19:
0x41c: {  	_ =	sfence.sel $0x180000  }
0x41d: {  	[bflag:$0x0] =	sbarrier.arrive $0xFFFF  }
0x41e: {  	_ =	strace $0x90000047  }
0x41f: {  	[bflag:$0x2] =	sbarrier.arrive $0xFFFF  }
0x420: {  	s0 =	rddreg [dreg:$0x5]  }
0x421: {  	s0 =	sadd.s32 @!p0 $0x100000, s0  }
0x422: {  	[sflag:s0] =	ssyncadd.tile.s32 @!p0 $0x1;
	_ =	shalt  }
.Lfunc_end2:
_tile_overlayer_lowered:
.L_overlay_start_2:
0x423: {  	(tag) =	ssettag $0x2  }
0x424: {  	s0 =	rddreg [dreg:$0x0];
	s2 =	stileid.u32  }
0x425: {  	s1 =	rddreg [dreg:$0x1];
	p0 =	sne.s32 s2, $0x0  }
0x426: {  	s3 =	rddreg [dreg:$0x2];
	[bflag:$0x3] =	sbarrier.arrive $0xFFFF;
	s2 =	simm.s32 @!p0 $0x1C03  }
0x427: {  	[timem:s3], [sflag:s2] =	dma.local @!p0 [hbm:s0], s1  }
0x428: {  	s0 =	simm.s32 @!p0 $0x3  }
0x429: {  	_ =	swait.ge @!p0 [sflag:s0], s1  }
0x42a: {  	s1 =	ssub.s32 @!p0 $0x0, s1;
	[sflag:s0] =	ssyncset.done @!p0 $0x0  }
0x42b: {  	[sflag:s0] =	ssyncadd.s32 @!p0 s1  }
0x42c: {  	[bflag:$0x3] =	sbarrier.arrive $0xFFFF  }
0x42d: {  	_ =	shalt  }

// kernel: kernel.7.cloned.1.call-start
scs
__scs_entry_jumppad:
0x0: {  	(pc) =	sbr.rel $0x88, $3  }
0x1: {  	(tag) =	ssettag $0x0;
	lr =	simm.s32 $0x1  }
0x2: {  	[smem:$0x3F9F] =	sst lr;
	_ =	strace $0xD0000000  }
0x3: {  	_ = 	snop  }
0x4: {  	_ = 	snop  }
0x5: {  	_ = 	snop  }
0x6: {  	_ = 	snop  }
0x7: {  	_ = 	snop  }
__scs_overlays_trampoline_lowered:
0x8: {  	[smem:$0x3FAE] =	sst s0  }
0x9: {  	[smem:$0x3FAF] =	sst s1  }
0xa: {  	[smem:$0x3FB0] =	sst s2  }
0xb: {  	[smem:$0x3FB1] =	sst s3  }
0xc: {  	[smem:$0x3FB2] =	sst s4  }
0xd: {  	[smem:$0x3FB3] =	sst s5  }
0xe: {  	[smem:$0x3FB4] =	sst s6  }
0xf: {  	[smem:$0x3FB5] =	sst s7  }
0x10: {  	[smem:$0x3FB6] =	sst s8  }
0x11: {  	[smem:$0x3FB7] =	sst s9;
	s0 =	simm.s32 @!p0 $0x0  }
0x12: {  	s1 =	sld [smem:$0x3F9D];
	s0 =	simm.s32 @p0 $0x1  }
0x13: {  	[smem:$0x3FB8] =	sst s0;
	s0 =	simm.s32 @!p1 $0x0  }
0x14: {  	s2 =	sld [smem:$0x3F9C];
	s0 =	simm.s32 @p1 $0x1  }
0x15: {  	[smem:$0x3FB9] =	sst s0;
	s0 =	simm.s32 @!p2 $0x0  }
0x16: {  	s3 =	sld [smem:$0x3FDB];
	s0 =	simm.s32 @p2 $0x1  }
0x17: {  	s4 =	simm.s32 $0x1BF5;
	[smem:$0x3FBB] =	sst s0  }
0x18: {  	s0 =	sld [smem:$0x3F9E];
	_ =	swait.ge [sflag:s4], $0x0  }
0x19: {  	s7 =	sld [smem:$0x3F9F]  }
0x1a: {  	s8 =	sadd.s32 $0xFFFFE003, lr  }
0x1b: {  	s9 =	sadd.s32 $0xFFFFFEF7, lr;
	s5 =	simm.s32 $0xFFFFFFFF;
	p2 =	slt.u32 s8, $0xFFFFF086  }
0x1c: {  	p1 =	slt.u32 s9, $0xF7A;
	s5 =	simm.s32 @!p2 $0x0  }
0x1d: {  	s5 =	simm.s32 @p1 $0x1;
	p0 =	seq.s32 s7, s2  }
0x1e: {  	s7 =	smul.u32 @!p0 $0xF7A, s2;
	p2 =	seq.s32 @!p0 s5, $0x0  }
0x1f: {  	s9 =	smul.u32 $0xF7A, s1;
	s8 =	simm.s32 @!p0 $0x1BF5;
	p2 =	por !p2, p0  }
0x20: {  	[sflag:s8] =	ssyncset.s32 @!p0 $0xFFFFF086;
	s6 =	sadd.s32 @!p0 s3, s7;
	s7 =	simm.s32 @!p0 $0x108  }
0x21: {  	s3 =	sadd.s32 s3, s9;
	s6 =	sadd.s32 @!p0 $0x88, s6;
	s7 =	simm.s32 @p2 $0x1082  }
0x22: {  	[simem:s7], [sflag:s8] =	dma.local @!p0 [hbm:s6], $0xF7A  }
0x23: {  	s9 =	sor.u32 $0xD0000000, s2;
	s6 =	simm.s32 $0x108;
	_ =	swait.ge @!p0 [sflag:s8], $0x0  }
0x24: {  	s3 =	sadd.s32 $0x88, s3;
	s6 =	simm.s32 @!p1 $0x1082;
	[sflag:s4] =	ssyncset.s32 $0xFFFFF086  }
0x25: {  	[simem:s6], [sflag:s4] =	dma.local [hbm:s3], $0xF7A  }
0x26: {  	[smem:$0x3F9F] =	sst s1;
	(tag) =	ssettag s2;
	_ =	strace s9  }
0x27: {  	s1 =	sld [smem:$0x3FAF]  }
0x28: {  	s2 =	sld [smem:$0x3FB0]  }
0x29: {  	s4 =	sld [smem:$0x3FB2]  }
0x2a: {  	p0 =	seq.s32 s5, $0x0;
	s5 =	sld [smem:$0x3FB3]  }
0x2b: {  	s6 =	sld [smem:$0x3FB4]  }
0x2c: {  	s7 =	sld [smem:$0x3FB5]  }
0x2d: {  	s3 =	simm.s32 $0x108;
	s8 =	sld [smem:$0x3FB6]  }
0x2e: {  	s3 =	simm.s32 @!p0 $0x1082;
	s9 =	sld [smem:$0x3FB7]  }
0x2f: {  	lr =	sadd.s32 s0, s3;
	s0 =	sld [smem:$0x3FAE]  }
0x30: {  	s3 =	sld [smem:$0x3FB1]  }
0x31: {  	[smem:$0x3FBA] =	sst s10  }
0x32: {  	s10 =	sld [smem:$0x3FB8];
	_ =	sdelay $0x3  }
0x33: {  	p0 =	seq.s32 s10, $0x1;
	s10 =	sld [smem:$0x3FBA];
	_ =	sdelay $0x3  }
0x34: {  	[smem:$0x3FBA] =	sst s10  }
0x35: {  	s10 =	sld [smem:$0x3FB9];
	_ =	sdelay $0x3  }
0x36: {  	p1 =	seq.s32 s10, $0x1;
	s10 =	sld [smem:$0x3FBA];
	_ =	sdelay $0x3  }
0x37: {  	[smem:$0x3FBA] =	sst s10  }
0x38: {  	s10 =	sld [smem:$0x3FBB]  }
0x39: {  	_ = 	snop;
	(pc) =	sbr.ind lr, $3  }
0x3a: {  	_ = 	snop  }
0x3b: {  	_ = 	snop  }
0x3c: {  	p2 =	seq.s32 s10, $0x1;
	s10 =	sld [smem:$0x3FBA]  }
0x3d: {  	_ =	shalt  }
0x3e: {  	_ =	shalt  }
0x3f: {  	_ =	shalt  }
0x40: {  	_ =	shalt  }
0x41: {  	_ =	shalt  }
0x42: {  	_ =	shalt  }
0x43: {  	_ =	shalt  }
0x44: {  	_ =	shalt  }
0x45: {  	_ =	shalt  }
0x46: {  	_ =	shalt  }
0x47: {  	_ =	shalt  }
0x48: {  	_ =	shalt  }
0x49: {  	_ =	shalt  }
0x4a: {  	_ =	shalt  }
0x4b: {  	_ =	shalt  }
0x4c: {  	_ =	shalt  }
0x4d: {  	_ =	shalt  }
0x4e: {  	_ =	shalt  }
0x4f: {  	_ =	shalt  }
0x50: {  	_ =	shalt  }
0x51: {  	_ =	shalt  }
0x52: {  	_ =	shalt  }
0x53: {  	_ =	shalt  }
0x54: {  	_ =	shalt  }
0x55: {  	_ =	shalt  }
0x56: {  	_ =	shalt  }
0x57: {  	_ =	shalt  }
0x58: {  	_ =	shalt  }
0x59: {  	_ =	shalt  }
0x5a: {  	_ =	shalt  }
0x5b: {  	_ =	shalt  }
0x5c: {  	_ =	shalt  }
0x5d: {  	_ =	shalt  }
0x5e: {  	_ =	shalt  }
0x5f: {  	_ =	shalt  }
0x60: {  	_ =	shalt  }
0x61: {  	_ =	shalt  }
0x62: {  	_ =	shalt  }
0x63: {  	_ =	shalt  }
0x64: {  	_ =	shalt  }
0x65: {  	_ =	shalt  }
0x66: {  	_ =	shalt  }
0x67: {  	_ =	shalt  }
0x68: {  	_ =	shalt  }
0x69: {  	_ =	shalt  }
0x6a: {  	_ =	shalt  }
0x6b: {  	_ =	shalt  }
0x6c: {  	_ =	shalt  }
0x6d: {  	_ =	shalt  }
0x6e: {  	_ =	shalt  }
0x6f: {  	_ =	shalt  }
0x70: {  	_ =	shalt  }
0x71: {  	_ =	shalt  }
0x72: {  	_ =	shalt  }
0x73: {  	_ =	shalt  }
0x74: {  	_ =	shalt  }
0x75: {  	_ =	shalt  }
0x76: {  	_ =	shalt  }
0x77: {  	_ =	shalt  }
0x78: {  	_ =	shalt  }
0x79: {  	_ =	shalt  }
0x7a: {  	_ =	shalt  }
0x7b: {  	_ =	shalt  }
0x7c: {  	_ =	shalt  }
0x7d: {  	_ =	shalt  }
0x7e: {  	_ =	shalt  }
0x7f: {  	_ =	shalt  }
0x80: {  	_ =	shalt  }
0x81: {  	_ =	shalt  }
0x82: {  	_ =	shalt  }
0x83: {  	_ =	shalt  }
0x84: {  	_ =	shalt  }
0x85: {  	_ =	shalt  }
0x86: {  	_ =	shalt  }
0x87: {  	_ =	shalt  }
.Lfunc_end0:
.L_simem_size_0:
called_computation.1_lowered:
.L_overlay_start_0:
0x88: {  	s2 =	sld [smem:$0x3FD9]  }
0x89: {  	s3 =	sld [smem:$0x3FFE];
	_ =	sdelay $0x1  }
0x8a: {  	s1 =	srdreg.scid  }
0x8b: {  	s0 =	sand.u32 $0x1, s1  }
0x8c: {  	s17 =	sshll.u32 s0, $0xA;
	s2 =	sadd.s32 s3, s2  }
0x8d: {  	s2 =	sadd.s32 s2, s17  }
0x8e: {  	[smem:$0x3FC6] =	sst s2  }
0x8f: {  	_ = 	snop  }
0x90: {  	s2 =	sld [smem:$0x3FD0];
	(tm) =	ssettm $0x1  }
0x91: {  	s18 =	sld [smem:$0x3FFB];
	_ =	sdelay $0x3  }
0x92: {  	_ =	strace s18  }
0x93: {  	s3 =	sld [smem:$0x3FFC];
	_ =	sdelay $0x3  }
0x94: {  	_ =	strace s3  }
0x95: {  	s3 =	sld [smem:$0x3FFD];
	_ =	sdelay $0x3  }
0x96: {  	_ =	strace s3  }
0x97: {  	_ =	strace $0x8FFFFFFF  }
0x98: {  	s19 =	sld [smem:$0x3FDB];
	_ =	sdelay $0x1  }
0x99: {  	s4 =	simm.s32 $_scs_section_size  }
0x9a: {  	s5 =	simm.s32 $_size__tile_overlayer_lowered;
	s6 =	simm.s32 $_tile_overlayer_lowered  }
0x9b: {  	s22 =	simm.s32 $0x1BFF;
	s21 =	sshll.u32 s6, $0x1;
	s3 =	sadd.s32 s4, s19  }
0x9c: {  	s7 =	simm.s32 $0x0;
	s20 =	sshll.u32 s5, $0x1;
	s5 =	sadd.s32 s21, s3  }
0x9d: {  	[timem:s7], [sflag:s22] =	dma.local [hbm:s5], s20  }
0x9e: {  	_ =	swait.ge [sflag:s22], s20  }
0x9f: {  	s4 =	ssub.s32 $0x0, s20;
	[sflag:s22] =	ssyncset.done $0x0  }
0xa0: {  	[sflag:s22] =	ssyncadd.s32 s4;
	_ =	sdelay $0x1  }
0xa1: {  	s23 =	simm.s32 $0x1B8B  }
0xa2: {  	_ =	swait.ge [sflag:s23], $0x1  }
0xa3: {  	[sflag:s23] =	ssyncset.done $0x0  }
0xa4: {  	s25 =	simm.s32 $0x1B8E;
	s24 =	sld [smem:$0x3FFE];
	[sflag:s23] =	ssyncadd.s32 $0xFFFFFFFF  }
0xa5: {  	s26 =	simm.s32 $execute0_lowered;
	[smem:$0x3FD2] =	sst s25  }
0xa6: {  	s5 =	sshll.u32 s26, $0x1;
	_ =	strace $0x80000049;
	[dreg:$0x1] =	wrdreg $0xFFFFFFFF  }
0xa7: {  	s28 =	simm.s32 $_size_execute0_lowered;
	s3 =	sadd.s32 s3, s5;
	[dreg:$0x0] =	wrdreg $0x0  }
0xa8: {  	s5 =	sshll.u32 s28, $0x1;
	[dreg:$0x2] =	wrdreg s3  }
0xa9: {  	[dreg:$0x3] =	wrdreg s5  }
0xaa: {  	[dreg:$0x4] =	wrdreg $0xC0  }
0xab: {  	_ =	task [dreg:s7], $0x5FFFF  }
0xac: {  	[dreg:$0x1] =	wrdreg $0xFFFFFFFF  }
0xad: {  	[dreg:$0x0] =	wrdreg $0x60  }
0xae: {  	[dreg:$0x2] =	wrdreg s24  }
0xaf: {  	[dreg:$0x3] =	wrdreg s2  }
0xb0: {  	[dreg:$0x4] =	wrdreg $0x9  }
0xb1: {  	_ =	task.clear_ibuf [dreg:s7], $0x5FFFF;
	_ =	strace $0x90000049  }
0xb2: {  	s29 =	simm.s32 $0x9;
	_ =	strace $0x8000004B  }
0xb3: {  	_ =	swait.ge [sflag:s29], $0x1  }
0xb4: {  	[sflag:s29] =	ssyncadd.s32 $0xFFFFFFFF  }
0xb5: {  	_ =	strace $0x9000004B  }
0xb6: {  	_ =	sfence  }
0xb7: {  	s30 =	sld [smem:$0x0];
	_ =	sdelay $0x2  }
0xb8: {  	s31 =	sshll.u32 s1, $0xD;
	s1 =	sshrl.u32 s1, $0x2  }
0xb9: {  	s3 =	sand.u32 $0x4000, s31;
	s1 =	sadd.s32 s1, s30  }
0xba: {  	s0 =	sor.u32 s3, s0;
	s1 =	sshll.u32 s1, $0x11  }
0xbb: {  	s0 =	sor.u32 s1, s0  }
0xbc: {  	s0 =	sadd.s32 $0x8F2B, s0  }
0xbd: {  	[sflag:s0] =	ssyncadd.remote.s32 $0x1  }
0xbe: {  	_ =	sfence.sel $0xFFFF  }
0xbf: {  	[dreg:$0x0] =	wrdreg $0xFFFFFFFF;
	(pc) =	sbr.abs _section_cstart, $3  }
0xc0: {  	[dreg:$0x1] =	wrdreg $0xFFFFFFFF  }
0xc1: {  	_ =	task.clear_ibuf [dreg:s7], $0x2FFFF;
	_ =	strace $0x9FFFFFFF  }
0xc2: {  	(tm) =	ssettm $0x7FFFFFFF  }
0xc3: {  	_ =	shalt  }
tec
execute0_lowered:
.L_overlay_start_1:
0x0: {  	(tag) =	ssettag $0x1  }
0x1: {  	s1 =	srdreg.scid;
	s0 =	stileid.u32  }
0x2: {  	s4 =	sand.u32 $0x1, s1;
	s31 =	sshll.u32 s0, $0x1  }
0x3: {  	s5 =	rddreg [dreg:$0x0];
	s1 =	sor.u32 s4, s31  }
0x4: {  	s2 =	rddreg [dreg:$0x1];
	s3 =	simm.s32 $0x0;
	s6 =	smul.u32 $0xC40, s1  }
0x5: {  	s8 =	simm.s32 $0x1;
	s9 =	simm.s32 $0xC80;
	s10 =	simm.s32 $0x0  }
0x6: {  	[smem:$0x7FF] =	sst s3;
	s4 =	ssub.s32 $0x2, s4;
	s6 =	smin.u32 s6, $0x17A60  }
0x7: {  	s1 =	rddreg [dreg:$0x2];
	s7 =	sshrl.u32 s4, $0x1;
	s6 =	sshrl.u32 s6, $0x3  }
0x8: {  	_ =	strace $0x8000004A;
	s7 =	ssub.s32 s4, s7;
	s4 =	sadd.s32 s5, s6  }
0x9: {  	s6 =	smax.u32 s7, $0x1;
	s7 =	simm.s32 $0x1900;
	s5 =	sadd.s32 $0x190000, s4  }
.LBB2_1:
0xa: {  	[tilespmem:s7], [sflag:$0x1] =	stream.linear.gather [hbm4b:s2+s3], $0x800, $0x38;
	[tilespmem:$0x2100] =	vst v63  }
0xb: {  	_ =	swait.ge [sflag:s8], $0x800  }
0xc: {  	[sflag:s8] =	ssyncset.done $0x0  }
0xd: {  	[sflag:s8] =	ssyncadd.s32 $0xFFFFF800  }
0xe: {  	v0 =	vld [tilespmem:$0x1900]  }
0xf: {  	v1 =	vld [tilespmem:$0x1910]  }
0x10: {  	v7 =	vld [tilespmem:$0x1920]  }
0x11: {  	v31 =	vld [tilespmem:$0x1930]  }
0x12: {  	v4 =	vld [tilespmem:$0x1940]  }
0x13: {  	v5 =	vld [tilespmem:$0x1950]  }
0x14: {  	v6 =	vld [tilespmem:$0x1960]  }
0x15: {  	v19 =	vld [tilespmem:$0x1970]  }
0x16: {  	v8 =	vld [tilespmem:$0x1980]  }
0x17: {  	v9 =	vld [tilespmem:$0x1990]  }
0x18: {  	v10 =	vld [tilespmem:$0x19A0]  }
0x19: {  	v11 =	vld [tilespmem:$0x19B0]  }
0x1a: {  	v12 =	vld [tilespmem:$0x19C0]  }
0x1b: {  	v13 =	vld [tilespmem:$0x19D0]  }
0x1c: {  	v14 =	vld [tilespmem:$0x19E0]  }
0x1d: {  	v15 =	vld [tilespmem:$0x19F0]  }
0x1e: {  	v16 =	vld [tilespmem:$0x1A00]  }
0x1f: {  	v17 =	vld [tilespmem:$0x1A10]  }
0x20: {  	v18 =	vld [tilespmem:$0x1A20]  }
0x21: {  	v35 =	vld [tilespmem:$0x1A30]  }
0x22: {  	v20 =	vld [tilespmem:$0x1A40]  }
0x23: {  	v21 =	vld [tilespmem:$0x1A50]  }
0x24: {  	v22 =	vld [tilespmem:$0x1A60]  }
0x25: {  	v23 =	vld [tilespmem:$0x1A70]  }
0x26: {  	v24 =	vld [tilespmem:$0x1A80]  }
0x27: {  	v25 =	vld [tilespmem:$0x1A90]  }
0x28: {  	v26 =	vld [tilespmem:$0x1AA0]  }
0x29: {  	v27 =	vld [tilespmem:$0x1AB0]  }
0x2a: {  	v28 =	vld [tilespmem:$0x1AC0]  }
0x2b: {  	v29 =	vld [tilespmem:$0x1AD0]  }
0x2c: {  	v30 =	vld [tilespmem:$0x1AE0]  }
0x2d: {  	v43 =	vld [tilespmem:$0x1AF0]  }
0x2e: {  	v32 =	vld [tilespmem:$0x1B00]  }
0x2f: {  	v33 =	vld [tilespmem:$0x1B10]  }
0x30: {  	v34 =	vld [tilespmem:$0x1B20]  }
0x31: {  	v38 =	vld [tilespmem:$0x1B30]  }
0x32: {  	v36 =	vld [tilespmem:$0x1B40]  }
0x33: {  	v37 =	vld [tilespmem:$0x1B50]  }
0x34: {  	v47 =	vld [tilespmem:$0x1B60]  }
0x35: {  	v39 =	vld [tilespmem:$0x1B70]  }
0x36: {  	v40 =	vld [tilespmem:$0x1B80]  }
0x37: {  	v41 =	vld [tilespmem:$0x1B90]  }
0x38: {  	v42 =	vld [tilespmem:$0x1BA0]  }
0x39: {  	v55 =	vld [tilespmem:$0x1BB0]  }
0x3a: {  	v44 =	vld [tilespmem:$0x1BC0]  }
0x3b: {  	v45 =	vld [tilespmem:$0x1BD0]  }
0x3c: {  	v46 =	vld [tilespmem:$0x1BE0]  }
0x3d: {  	v50 =	vld [tilespmem:$0x1BF0]  }
0x3e: {  	v48 =	vld [tilespmem:$0x1C00]  }
0x3f: {  	v49 =	vld [tilespmem:$0x1C10]  }
0x40: {  	v59 =	vld [tilespmem:$0x1C20]  }
0x41: {  	v51 =	vld [tilespmem:$0x1C30]  }
0x42: {  	v52 =	vld [tilespmem:$0x1C40]  }
0x43: {  	v53 =	vld [tilespmem:$0x1C50]  }
0x44: {  	v54 =	vld [tilespmem:$0x1C60]  }
0x45: {  	v2 =	vld [tilespmem:$0x1C70]  }
0x46: {  	v56 =	vld [tilespmem:$0x1C80]  }
0x47: {  	v57 =	vld [tilespmem:$0x1C90]  }
0x48: {  	v58 =	vld [tilespmem:$0x1CA0]  }
0x49: {  	v62 =	vld [tilespmem:$0x1CB0]  }
0x4a: {  	v60 =	vld [tilespmem:$0x1CC0]  }
0x4b: {  	v61 =	vld [tilespmem:$0x1CD0]  }
0x4c: {  	v3 =	vld [tilespmem:$0x1D10]  }
0x4d: {  	v63 =	vld [tilespmem:$0x1D30]  }
0x4e: {  	[tilespmem:$0x1FFD0] =	vst v2;
	v2 =	vld [tilespmem:$0x1CE0];
	v0 =	vadd.f32 $0.0e+00, v0;
	v7 =	vmin.f32 v7, $3.000000010e+38  }
0x4f: {  	v1 =	vadd.f32 $0.0e+00, v1;
	v6 =	vmin.f32 v7, v6;
	v7 =	vld [tilespmem:$0x1EB0]  }
0x50: {  	v31 =	vmax.f32 v31, $-3.000000010e+38;
	v0 =	vadd.f32 v4, v0;
	v4 =	vld [tilespmem:$0x1D20]  }
0x51: {  	v19 =	vmax.f32 v31, v19;
	v1 =	vadd.f32 v5, v1;
	v5 =	vld [tilespmem:$0x1D40]  }
0x52: {  	v6 =	vmin.f32 v6, v10;
	v11 =	vmax.f32 v19, v11;
	v19 =	vld [tilespmem:$0x1EE0]  }
0x53: {  	v6 =	vmin.f32 v6, v14;
	v14 =	vld [tilespmem:$0x1EF0]  }
0x54: {  	v0 =	vadd.f32 v8, v0;
	v8 =	vld [tilespmem:$0x1D50]  }
0x55: {  	v11 =	vmax.f32 v11, v15;
	v1 =	vadd.f32 v9, v1;
	v9 =	vld [tilespmem:$0x1D60]  }
0x56: {  	v11 =	vmax.f32 v11, v35;
	v35 =	vld [tilespmem:$0x1F60]  }
0x57: {  	[tilespmem:$0x1FFE0] =	vst v2;
	v2 =	vld [tilespmem:$0x1CF0];
	v0 =	vadd.f32 v12, v0  }
0x58: {  	v12 =	vld [tilespmem:$0x1D70];
	v1 =	vadd.f32 v13, v1  }
0x59: {  	v13 =	vld [tilespmem:$0x1D80];
	v0 =	vadd.f32 v16, v0  }
0x5a: {  	v16 =	vld [tilespmem:$0x1D90];
	v1 =	vadd.f32 v17, v1  }
0x5b: {  	v17 =	vld [tilespmem:$0x1DA0];
	v0 =	vadd.f32 v20, v0  }
0x5c: {  	[tilespmem:$0x1FFF0] =	vst v2;
	v2 =	vld [tilespmem:$0x1D00];
	v1 =	vadd.f32 v21, v1  }
0x5d: {  	v20 =	vld [tilespmem:$0x1DB0];
	v0 =	vadd.f32 v24, v0  }
0x5e: {  	v21 =	vld [tilespmem:$0x1DC0];
	v1 =	vadd.f32 v25, v1  }
0x5f: {  	v24 =	vld [tilespmem:$0x1DD0];
	v0 =	vadd.f32 v28, v0  }
0x60: {  	v25 =	vld [tilespmem:$0x1DE0];
	v1 =	vadd.f32 v29, v1  }
0x61: {  	v28 =	vld [tilespmem:$0x1DF0];
	v0 =	vadd.f32 v32, v0  }
0x62: {  	v29 =	vld [tilespmem:$0x1E00];
	v1 =	vadd.f32 v33, v1  }
0x63: {  	v32 =	vld [tilespmem:$0x1E10];
	v0 =	vadd.f32 v36, v0  }
0x64: {  	v33 =	vld [tilespmem:$0x1E20];
	v1 =	vadd.f32 v37, v1  }
0x65: {  	v36 =	vld [tilespmem:$0x1E30];
	v0 =	vadd.f32 v40, v0  }
0x66: {  	v37 =	vld [tilespmem:$0x1E40];
	v1 =	vadd.f32 v41, v1  }
0x67: {  	v40 =	vld [tilespmem:$0x1E50];
	v0 =	vadd.f32 v44, v0  }
0x68: {  	v41 =	vld [tilespmem:$0x1E60];
	v1 =	vadd.f32 v45, v1  }
0x69: {  	v44 =	vld [tilespmem:$0x1E70];
	v0 =	vadd.f32 v48, v0  }
0x6a: {  	v45 =	vld [tilespmem:$0x1E80];
	v1 =	vadd.f32 v49, v1  }
0x6b: {  	v48 =	vld [tilespmem:$0x1E90];
	v0 =	vadd.f32 v52, v0  }
0x6c: {  	v49 =	vld [tilespmem:$0x1EA0];
	v1 =	vadd.f32 v53, v1  }
0x6d: {  	v52 =	vld [tilespmem:$0x1EC0];
	v0 =	vadd.f32 v56, v0  }
0x6e: {  	v53 =	vld [tilespmem:$0x1FFE0];
	v1 =	vadd.f32 v57, v1  }
0x6f: {  	v56 =	vld [tilespmem:$0x1ED0];
	v0 =	vadd.f32 v60, v0  }
0x70: {  	v57 =	vld [tilespmem:$0x2030];
	v1 =	vadd.f32 v61, v1  }
0x71: {  	v60 =	vld [tilespmem:$0x1F10];
	v0 =	vadd.f32 v2, v0  }
0x72: {  	v6 =	vmin.f32 v6, v18;
	v61 =	vld [tilespmem:$0x1F40];
	v1 =	vadd.f32 v3, v1  }
0x73: {  	v6 =	vmin.f32 v6, v22;
	v11 =	vmax.f32 v11, v23;
	v2 =	vld [tilespmem:$0x1F00];
	v0 =	vadd.f32 v5, v0  }
0x74: {  	v3 =	vld [tilespmem:$0x1F20];
	v5 =	vmin.f32 v6, v26;
	v6 =	vmax.f32 v11, v27;
	v1 =	vadd.f32 v8, v1  }
0x75: {  	v11 =	vld [tilespmem:$0x1F30];
	v5 =	vmin.f32 v5, v30;
	v6 =	vmax.f32 v6, v43;
	v0 =	vadd.f32 v13, v0  }
0x76: {  	v43 =	vld [tilespmem:$0x1FA0];
	v5 =	vmin.f32 v5, v34;
	v6 =	vmax.f32 v6, v38;
	v1 =	vadd.f32 v16, v1  }
0x77: {  	v34 =	vld [tilespmem:$0x1F50];
	v5 =	vmin.f32 v5, v47;
	v6 =	vmax.f32 v6, v39;
	v0 =	vadd.f32 v21, v0  }
0x78: {  	v38 =	vld [tilespmem:$0x1F70];
	v5 =	vmin.f32 v5, v42;
	v1 =	vadd.f32 v24, v1;
	v6 =	vmax.f32 v6, v55  }
0x79: {  	v5 =	vmin.f32 v5, v46;
	v6 =	vmax.f32 v6, v50;
	v50 =	vld [tilespmem:$0x1FFD0];
	v0 =	vadd.f32 v29, v0  }
0x7a: {  	v39 =	vld [tilespmem:$0x1F80];
	v1 =	vadd.f32 v32, v1;
	v5 =	vmin.f32 v5, v59  }
0x7b: {  	v5 =	vmin.f32 v5, v54;
	v54 =	vld [tilespmem:$0x1FFF0];
	v0 =	vadd.f32 v37, v0  }
0x7c: {  	v47 =	vld [tilespmem:$0x1FC0];
	v1 =	vadd.f32 v40, v1  }
0x7d: {  	v42 =	vld [tilespmem:$0x1F90];
	v6 =	vmax.f32 v6, v51;
	v5 =	vmin.f32 v5, v58;
	v0 =	vadd.f32 v45, v0  }
0x7e: {  	v55 =	vld [tilespmem:$0x1FF0];
	v5 =	vmin.f32 v5, v53;
	v6 =	vmax.f32 v6, v50;
	v1 =	vadd.f32 v48, v1  }
0x7f: {  	v46 =	vld [tilespmem:$0x1FB0];
	v4 =	vmin.f32 v5, v4;
	v6 =	vmax.f32 v6, v62;
	v0 =	vadd.f32 v52, v0  }
0x80: {  	v51 =	vld [tilespmem:$0x1FD0];
	v4 =	vmin.f32 v4, v9;
	v6 =	vmax.f32 v6, v54  }
0x81: {  	v59 =	vld [tilespmem:$0x2050];
	v1 =	vadd.f32 v56, v1;
	v4 =	vmin.f32 v4, v17;
	v0 =	vadd.f32 v2, v0  }
0x82: {  	v58 =	vld [tilespmem:$0x2040];
	v5 =	vmax.f32 v6, v63;
	v4 =	vmin.f32 v4, v25  }
0x83: {  	v62 =	vld [tilespmem:$0x20A0];
	v5 =	vmax.f32 v5, v12;
	v1 =	vadd.f32 v60, v1;
	v0 =	vadd.f32 v61, v0  }
0x84: {  	v2 =	vld [tilespmem:$0x2000];
	v4 =	vmin.f32 v4, v33;
	v5 =	vmax.f32 v5, v20  }
0x85: {  	v52 =	vld [tilespmem:$0x1FE0];
	v4 =	vmin.f32 v4, v41;
	v1 =	vadd.f32 v34, v1;
	v0 =	vadd.f32 v39, v0  }
0x86: {  	v6 =	vld [tilespmem:$0x2010];
	v5 =	vmax.f32 v5, v28;
	v4 =	vmin.f32 v4, v49  }
0x87: {  	v56 =	vld [tilespmem:$0x2020];
	v5 =	vmax.f32 v5, v36;
	v1 =	vadd.f32 v42, v1;
	v0 =	vadd.f32 v47, v0  }
0x88: {  	v61 =	vld [tilespmem:$0x2080];
	v4 =	vmin.f32 v4, v19;
	v5 =	vmax.f32 v5, v44  }
0x89: {  	v5 =	vmax.f32 v5, v7;
	v7 =	vld [tilespmem:$0x20C0];
	v1 =	vadd.f32 v51, v1;
	v0 =	vadd.f32 v2, v0  }
0x8a: {  	v3 =	vmin.f32 v4, v3;
	v2 =	vld [tilespmem:$0x2090]  }
0x8b: {  	v60 =	vld [tilespmem:$0x2060];
	v5 =	vmax.f32 v5, v14;
	v1 =	vadd.f32 v6, v1;
	v0 =	vadd.f32 v58, v0  }
0x8c: {  	v3 =	vmin.f32 v3, v35;
	v4 =	vmax.f32 v5, v11;
	v5 =	vld [tilespmem:$0x20D0]  }
0x8d: {  	v63 =	vld [tilespmem:$0x20E0];
	v3 =	vmin.f32 v3, v43;
	v1 =	vadd.f32 v59, v1;
	v0 =	vadd.f32 v61, v0  }
0x8e: {  	v3 =	vmin.f32 v3, v52;
	v6 =	vld [tilespmem:$0x2070]  }
0x8f: {  	v4 =	vmax.f32 v4, v38;
	v1 =	vadd.f32 v2, v1;
	v2 =	vld [tilespmem:$0x20B0];
	v0 =	vadd.f32 v7, v0  }
0x90: {  	v3 =	vmin.f32 v3, v56;
	v4 =	vmax.f32 v4, v46;
	v7 =	vld [tilespmem:$0x20F0]  }
0x91: {  	v3 =	vmin.f32 v3, v60;
	v4 =	vmax.f32 v4, v55;
	v1 =	vadd.f32 v5, v1;
	(xrf2) =	vadd.scan.msk.f32 $0xffff, v0  }
0x92: {  	v3 =	vmin.f32 v3, v62;
	v0 =	vmax.f32 v4, v57  }
0x93: {  	v3 =	vmin.f32 v3, v63;
	v0 =	vmax.f32 v0, v6;
	(xrf2) =	vadd.scan.msk.f32 $0xffff, v1  }
0x94: {  	(xrf0) =	vmin.scan.msk.f32 $0xffff, v3;
	v0 =	vmax.f32 v0, v2  }
0x95: {  	v0 =	vmax.f32 v0, v7  }
0x96: {  	(xrf0) =	vmax.scan.msk.f32 $0xffff, v0;
	_ =	sdelay $0x3  }
0x97: {  	v0, _, _ =	vpop (xrf0)  }
0x98: {  	v2, _, _ =	vpop (xrf2)  }
0x99: {  	v1, _, _ =	vpop (xrf0)  }
0x9a: {  	v3, _, _ =	vpop (xrf2);
	v1 =	vadd.f32 $9.999999970e-07, v1  }
0x9b: {  	v0 =	vadd.f32 $9.999999970e-07, v0;
	v3 =	vbroadcast v3, $0xF  }
0x9c: {  	v1 =	vbroadcast v1, $0xF  }
0x9d: {  	v0 =	vbroadcast v0, $0xF;
	vm0 =	vgt.f32 v3, $0.0e+00;
	v3 =	vmax.f32 v3, $1.000000000e+00  }
0x9e: {  	(erf) = vrcp.f32 v3;
	v1 =	vnsel vm0, $0x3F800008, v1  }
0x9f: {  	v0 =	vnsel vm0, $0x3F800008, v0;
	(erf) = vrcp.f32 v1  }
0xa0: {  	(erf) = vrcp.f32 v0;
	_ =	sdelay $0x6  }
0xa1: {  	v3 =	vpop (erf)  }
0xa2: {  	v0 =	vpop (erf)  }
0xa3: {  	v1 =	vpop (erf)  }
0xa4: {  	v1 =	vsub.f32 v1, v0;
	_ =	sdelay $0x1  }
0xa5: {  	v1 =	vadd.f32 $9.999999970e-07, v1;
	_ =	sdelay $0x1  }
0xa6: {  	(erf) = vrcp.f32 v1;
	_ =	sdelay $0x8  }
0xa7: {  	[tilespmem:s3], [sflag:$0x1] =	stream.linear.gather [hbm4b:s5+s3], $0xC40, $0x38;
	v1 =	vpop (erf);
	[tilespmem:$0x2100] =	vst v63  }
0xa8: {  	_ =	swait.ge [sflag:s8], $0xC40  }
0xa9: {  	[sflag:s8] =	ssyncset.done $0x0  }
0xaa: {  	s11 =	simm.s32 $0x0;
	[sflag:s8] =	ssyncadd.s32 $0xFFFFF3C0  }
0xab: {  	v4 =	vld [tilespmem:s11+$0x0]  }
0xac: {  	v2 =	vbroadcast v2, $0xF  }
0xad: {  	s12 =	simm.s32 $0x10  }
0xae: {  	v2 =	vmul.f32 v3, v2;
	v3 =	vld [tilespmem:s12+$0x0];
	_ =	sdelay $0x1  }
0xaf: {  	v2 =	vnsel vm0, $0x3F800000, v2;
	vm12 =	vgt.f32 v4, $0.0e+00  }
0xb0: {  	v4 =	vsel vm12, v4, v2  }
0xb1: {  	v4 =	vadd.f32 $9.999999970e-07, v4  }
0xb2: {  	vm13 =	vgt.f32 v3, $0.0e+00  }
0xb3: {  	v3 =	vsel vm13, v3, v2;
	(erf) = vrcp.f32 v4  }
0xb4: {  	v3 =	vadd.f32 $9.999999970e-07, v3  }
0xb5: {  	s13 =	simm.s32 $0x20  }
0xb6: {  	(erf) = vrcp.f32 v3;
	v3 =	vld [tilespmem:s13+$0x0];
	_ =	sdelay $0x1  }
0xb7: {  	s14 =	simm.s32 $0x30  }
0xb8: {  	v4 =	vld [tilespmem:s14+$0x0];
	_ =	sdelay $0x1  }
0xb9: {  	vm14 =	vgt.f32 v3, $0.0e+00  }
0xba: {  	v3 =	vsel vm14, v3, v2;
	v5 =	vpop (erf)  }
0xbb: {  	v3 =	vadd.f32 $9.999999970e-07, v3;
	v5 =	vsub.f32 v5, v0  }
0xbc: {  	vm15 =	vgt.f32 v4, $0.0e+00  }
0xbd: {  	v4 =	vsel vm15, v4, v2;
	(erf) = vrcp.f32 v3;
	v5 =	vmul.f32 v5, v1  }
0xbe: {  	v4 =	vadd.f32 $9.999999970e-07, v4  }
0xbf: {  	s15 =	simm.s32 $0x40;
	v5 =	vsub.f32 $1.000000000e+00, v5  }
0xc0: {  	v6 =	vpop (erf);
	v3 =	vld [tilespmem:s15+$0x0];
	(erf) = vrcp.f32 v4  }
0xc1: {  	v6 =	vsub.f32 v6, v0;
	v7 =	vmul.f32 $1.500000000e+00, v5;
	_ =	sdelay $0x1  }
0xc2: {  	s16 =	simm.s32 $0x140;
	v5 =	vmul.f32 v6, v1;
	v4 =	vadd.f32 $5.000000000e-01, v7  }
.LBB2_2:
0xc3: {  	p0 =	sne.s32 s16, $0x30C0  }
.Ltmp0:
0xc4: {  	s17 =	sshra.s32 s16, $0x2;
	s16 =	sadd.s32 $0x40, s16;
	vm0 =	vgt.f32 v3, $0.0e+00;
	v5 =	vsub.f32 $1.000000000e+00, v5;
	v4 =	vmin.f32 v4, $2.000000000e+00;
	(pc) =	sbr.rel @p0 .LBB2_2-.Ltmp0, $4  }
0xc5: {  	v6 =	vsel vm0, v3, v2;
	v3 =	vld [tilespmem:s17+$0x0];
	v7 =	vpop (erf);
	v4 =	vmax.f32 v4, $5.000000000e-01  }
0xc6: {  	v6 =	vadd.f32 $9.999999970e-07, v6;
	v7 =	vsub.f32 v7, v0;
	v8 =	vmul.f32 $1.500000000e+00, v5;
	[tilespmem:s11+$0xC80] =	vst v4;
	s11 =	smov.u32 s12;
	s12 =	smov.u32 s13;
	s13 =	smov.u32 s14  }
0xc7: {  	s14 =	smov.u32 s15;
	s15 =	smov.u32 s17  }
0xc8: {  	(erf) = vrcp.f32 v6;
	v5 =	vmul.f32 v7, v1;
	v4 =	vadd.f32 $5.000000000e-01, v8  }
0xc9: {  	_ = 	snop  }
0xca: {  	vm0 =	vgt.f32 v3, $0.0e+00  }
0xcb: {  	v2 =	vsel vm0, v3, v2  }
0xcc: {  	v2 =	vadd.f32 $9.999999970e-07, v2;
	_ =	sdelay $0x1  }
0xcd: {  	(erf) = vrcp.f32 v2;
	_ =	sdelay $0x6  }
0xce: {  	v57 =	vpop (erf)  }
0xcf: {  	v2 =	vsub.f32 v57, v0;
	v58 =	vpop (erf)  }
0xd0: {  	v3 =	vsub.f32 v58, v0;
	v6 =	vpop (erf)  }
0xd1: {  	v2 =	vmul.f32 v2, v1;
	v59 =	vsub.f32 v6, v0  }
0xd2: {  	v5 =	vsub.f32 $1.000000000e+00, v5;
	v3 =	vmul.f32 v3, v1  }
0xd3: {  	v2 =	vsub.f32 $1.000000000e+00, v2;
	v0 =	vmul.f32 v59, v1  }
0xd4: {  	v60 =	vmul.f32 $1.500000000e+00, v5;
	v3 =	vsub.f32 $1.000000000e+00, v3  }
0xd5: {  	v2 =	vmul.f32 $1.500000000e+00, v2;
	v0 =	vsub.f32 $1.000000000e+00, v0  }
0xd6: {  	v3 =	vmul.f32 $1.500000000e+00, v3;
	v1 =	vadd.f32 $5.000000000e-01, v60  }
0xd7: {  	v4 =	vmin.f32 v4, $2.000000000e+00;
	v2 =	vadd.f32 $5.000000000e-01, v2;
	v0 =	vmul.f32 $1.500000000e+00, v0  }
0xd8: {  	v4 =	vmax.f32 v4, $5.000000000e-01;
	v3 =	vadd.f32 $5.000000000e-01, v3;
	v1 =	vmin.f32 v1, $2.000000000e+00  }
0xd9: {  	[tilespmem:s11+$0xC80] =	vst v4;
	v2 =	vmin.f32 v2, $2.000000000e+00;
	v1 =	vmax.f32 v1, $5.000000000e-01;
	v0 =	vadd.f32 $5.000000000e-01, v0  }
0xda: {  	v61 =	vmax.f32 v2, $5.000000000e-01;
	v62 =	vmin.f32 v3, $2.000000000e+00;
	[tilespmem:s12+$0xC80] =	vst v1  }
0xdb: {  	s10 =	sadd.s32 $0x1, s10;
	v63 =	vmax.f32 v62, $5.000000000e-01;
	[tilespmem:s13+$0xC80] =	vst v61;
	v0 =	vmin.f32 v0, $2.000000000e+00  }
0xdc: {  	p0 =	sne.s32 s10, s6;
	[tilespmem:s14+$0xC80] =	vst v63;
	v0 =	vmax.f32 v0, $5.000000000e-01  }
.Ltmp1:
0xdd: {  	[tilespmem:s15+$0xC80] =	vst v0;
	(pc) =	sbr.rel @p0 .LBB2_1-.Ltmp1, $4  }
0xde: {  	[hbm4b:s4+s3] =	stream.linear.scatter [tilespmem:s9], [sflag:$0x1], $0xC40, $0x38;
	[tilespmem:$0x2100] =	vst v63  }
0xdf: {  	_ =	swait.ge [sflag:s8], $0xC40  }
0xe0: {  	[sflag:s8] =	ssyncset.done $0x0  }
0xe1: {  	[sflag:s8] =	ssyncadd.s32 $0xFFFFF3C0  }
0xe2: {  	_ =	sfence.sel $0x180000  }
0xe3: {  	[bflag:$0x0] =	sbarrier.arrive $0xFFFF  }
0xe4: {  	p0 =	sne.s32 s0, $0x0;
	_ =	strace $0x9000004A  }
0xe5: {  	s0 =	sadd.s32 @!p0 $0x100000, s1;
	[bflag:$0x2] =	sbarrier.arrive $0xFFFF  }
0xe6: {  	[sflag:s0] =	ssyncadd.tile.s32 @!p0 $0x1;
	_ =	shalt  }
.Lfunc_end2:
_tile_overlayer_lowered:
.L_overlay_start_2:
0xe7: {  	(tag) =	ssettag $0x2  }
0xe8: {  	s0 =	rddreg [dreg:$0x0];
	s2 =	stileid.u32  }
0xe9: {  	s1 =	rddreg [dreg:$0x1];
	p0 =	sne.s32 s2, $0x0  }
0xea: {  	s3 =	rddreg [dreg:$0x2];
	[bflag:$0x3] =	sbarrier.arrive $0xFFFF;
	s2 =	simm.s32 @!p0 $0x1C01  }
0xeb: {  	[timem:s3], [sflag:s2] =	dma.local @!p0 [hbm:s0], s1  }
0xec: {  	s0 =	simm.s32 @!p0 $0x1  }
0xed: {  	_ =	swait.ge @!p0 [sflag:s0], s1  }
0xee: {  	s1 =	ssub.s32 @!p0 $0x0, s1;
	[sflag:s0] =	ssyncset.done @!p0 $0x0  }
0xef: {  	[sflag:s0] =	ssyncadd.s32 @!p0 s1  }
0xf0: {  	[bflag:$0x3] =	sbarrier.arrive $0xFFFF  }
0xf1: {  	_ =	shalt  }

</sc_bundles>
